<compile_context>
chip_gen: v7x
topology: tpu7x:2x2x1
jax: 0.10.2.dev20260603
libtpu: 0.0.44.dev20260713+nightly
codegen_flags: <defaults>
</compile_context>

<pallas_src>
import jax
import jax.numpy as jnp
import numpy as np
from jax import lax
from jax.experimental import pallas as pl
from jax.experimental.pallas import tpu as pltpu
from jax.experimental.pallas import tpu_sc as plsc

_PERM = (
    1, 3, 5, 0, 2, 6, 7, 4,
    10, 8, 12, 13, 15, 14, 11, 9,
    21, 23, 16, 17, 20, 18, 22, 19,
    28, 29, 27, 26, 31, 30, 24, 25,
    38, 37, 33, 35, 34, 39, 36, 32,
    43, 41, 47, 42, 44, 40, 45, 46,
    49, 55, 54, 48, 53, 51, 52, 50,
    61, 56, 58, 63, 57, 59, 60, 62,
)

_B, _C, _T = 128, 64, 4000
_ROWS = _B * _C
_NC, _NS = 2, 16
_NW = _NC * _NS
_RPW = _ROWS // _NW
_REG = 8
_NCHUNK = _RPW // _REG
_L = 16
_COLS = _T // _L


def _shuffle_block(buf, lp):
    def col(jj, carry):
        sl = pl.ds(jj * _L, _L)
        vals = [buf[lp[i], sl] for i in range(_REG)]
        for i in range(_REG):
            buf[i, sl] = vals[i]
        return carry

    lax.fori_loop(0, _COLS, col, 0)


def _sc_body(x_hbm, out_hbm, b0, b1, b2, gsem, ssem):
    wid = lax.axis_index("s") * _NC + lax.axis_index("c")
    base = wid * _RPW
    bufs = (b0, b1, b2)

    def gather(ci):
        return pltpu.make_async_copy(
            x_hbm.at[pl.ds(base + ci * _REG, _REG)], bufs[ci % 3], gsem
        )

    def scatter(ci):
        return pltpu.make_async_copy(
            bufs[ci % 3], out_hbm.at[pl.ds(base + ci * _REG, _REG)], ssem
        )

    gather(0).start()
    gather(1).start()
    for ci in range(_NCHUNK):
        g = ci % _REG * _REG
        lp = tuple(_PERM[g + i] - g for i in range(_REG))
        gather(ci).wait()
        _shuffle_block(bufs[ci % 3], lp)
        scatter(ci).start()
        if ci + 2 < _NCHUNK:
            if ci >= 1:
                scatter(ci - 1).wait()
            gather(ci + 2).start()
    scatter(_NCHUNK - 2).wait()
    scatter(_NCHUNK - 1).wait()


def kernel(data_tensor, domain_labels, aux_labels):
    del domain_labels, aux_labels
    x = data_tensor.reshape(_ROWS, _T)
    mesh = plsc.VectorSubcoreMesh(core_axis_name="c", subcore_axis_name="s")
    run = pl.kernel(
        _sc_body,
        out_type=jax.ShapeDtypeStruct((_ROWS, _T), jnp.float32),
        mesh=mesh,
        scratch_types=[
            pltpu.VMEM((_REG, _T), jnp.float32),
            pltpu.VMEM((_REG, _T), jnp.float32),
            pltpu.VMEM((_REG, _T), jnp.float32),
            pltpu.SemaphoreType.DMA,
            pltpu.SemaphoreType.DMA,
        ],
    )
    out = run(x)
    return out.reshape(_B, _C, 1, _T)

# --- scband reference (transcript-rebuilt; emitter-appended) ---
"""Pipeline reference for scband-channelwise-data-augmentation-32590211842684 (READ-ONLY COPY).

The authoritative reference and input builder live on the scoring server;
editing this copy changes nothing except your own understanding.
"""

import jax, jax.numpy as jnp
import numpy as np

CHANNEL_NUM = 64
CORTICAL_REGIONS = [list(range(i * 8, (i + 1) * 8)) for i in range(8)]


def setup_inputs(seed: int = 0) -> dict:
    key = jax.random.key(seed)
    k1, k2, k3 = jax.random.split(key, 3)
    data_tensor = jax.random.normal(k1, (128, 64, 1, 4000), dtype=jnp.float32)
    domain_labels = jax.random.randint(k2, (128,), 0, 10, dtype=jnp.int64) if jax.config.jax_enable_x64 else jax.random.randint(k2, (128,), 0, 10).astype(jnp.int32)
    aux_labels = jax.random.randint(k3, (128,), 0, 10).astype(jnp.int32)
    return {"data_tensor": data_tensor, "domain_labels": domain_labels, "aux_labels": aux_labels}


def _build_channel_perm():
    # swap_probability_method == 'deterministic' -> swap_probabilities are all 1.0,
    # so every Bernoulli decision is True and every channel in each region with
    # >= 2 channels participates in the swap. The swap is a random permutation of
    # the selected channels within each cortical region (no cross-region mixing).
    perm = jnp.arange(CHANNEL_NUM)
    key = jax.random.key(42)
    for r, region in enumerate(CORTICAL_REGIONS):
        region_channels = [c for c in region if c < CHANNEL_NUM]
        if len(region_channels) < 2:
            continue
        # deterministic method: all decisions True -> swap_indices == region_channels
        idx = jnp.array(region_channels, dtype=jnp.int32)
        shuffled = jax.random.permutation(jax.random.fold_in(key, r), idx)
        perm = perm.at[idx].set(shuffled)
    return perm


def reference(data_tensor, domain_labels, aux_labels):
    # augmented_data = data_tensor.clone(); then per-region channel shuffle.
    # Equivalent to gathering along the channel axis with the composed permutation.
    perm = _build_channel_perm()
    augmented = jnp.take(data_tensor, perm, axis=1)
    return augmented

if __name__ == "__main__":
    import jax
    _d = setup_inputs()
    print(jax.jit(kernel)(*tuple(_d.values())))

</pallas_src>

<mosaic_0001>
#map = affine_map<(d0, d1) -> (0, 0)>
module attributes {stable_mosaic.version = 14 : i64} {
  func.func @_sc_body(%arg0: i32, %arg1: i32, %arg2: memref<8192x4000xf32, #tpu.memory_space<hbm>>, %arg3: memref<8192x4000xf32, #tpu.memory_space<hbm>>, %arg4: memref<8x4000xf32, #tpu.memory_space<vmem>>, %arg5: memref<8x4000xf32, #tpu.memory_space<vmem>>, %arg6: memref<8x4000xf32, #tpu.memory_space<vmem>>, %arg7: memref<!tpu.dma_semaphore, #tpu.memory_space<semaphore_mem>>, %arg8: memref<!tpu.dma_semaphore, #tpu.memory_space<semaphore_mem>>) attributes {dimension_semantics = [#tpu.dimension_semantics<core_parallel>, #tpu.dimension_semantics<subcore_parallel>], iteration_bounds = array<i64: 2, 16>, scalar_prefetch = 0 : i64, scratch_operands = 5 : i64, tpu.core_type = #tpu.core_type<sc_vector_subcore>, window_params = [{transform_indices = #map}, {transform_indices = #map}]} {
    %mul3A = arith.constant 2 : i32
    %mul3A_0 = arith.muli %arg1, %mul3A : i32
    %add3A = arith.addi %mul3A_0, %arg0 : i32
    %mul3A_1 = arith.constant 256 : i32
    %mul3A_2 = arith.muli %add3A, %mul3A_1 : i32
    %add3A_3 = arith.constant 0 : i32
    %add3A_4 = arith.addi %mul3A_2, %add3A_3 : i32
    %dma_start3A = arith.constant 0 : i32
    %dma_start3A_5 = tpu.memref_slice %arg2[%add3A_4, %dma_start3A] : memref<8192x4000xf32, #tpu.memory_space<hbm>> -> memref<8x4000xf32, #tpu.memory_space<hbm>>
    %dma_start3A_6 = arith.constant 0 : i32
    %dma_start3A_7 = tpu.memref_slice %arg2[%add3A_4, %dma_start3A_6] : memref<8192x4000xf32, #tpu.memory_space<hbm>> -> memref<8x4000xf32, #tpu.memory_space<hbm>>
    tpu.enqueue_dma source(%dma_start3A_7 : memref<8x4000xf32, #tpu.memory_space<hbm>>) target(%arg4 : memref<8x4000xf32, #tpu.memory_space<vmem>>) target_semaphore(%arg7 : memref<!tpu.dma_semaphore, #tpu.memory_space<semaphore_mem>>)
    %add3A_8 = arith.constant 8 : i32
    %add3A_9 = arith.addi %mul3A_2, %add3A_8 : i32
    %dma_start3A_10 = arith.constant 0 : i32
    %dma_start3A_11 = tpu.memref_slice %arg2[%add3A_9, %dma_start3A_10] : memref<8192x4000xf32, #tpu.memory_space<hbm>> -> memref<8x4000xf32, #tpu.memory_space<hbm>>
    %dma_start3A_12 = arith.constant 0 : i32
    %dma_start3A_13 = tpu.memref_slice %arg2[%add3A_9, %dma_start3A_12] : memref<8192x4000xf32, #tpu.memory_space<hbm>> -> memref<8x4000xf32, #tpu.memory_space<hbm>>
    tpu.enqueue_dma source(%dma_start3A_13 : memref<8x4000xf32, #tpu.memory_space<hbm>>) target(%arg5 : memref<8x4000xf32, #tpu.memory_space<vmem>>) target_semaphore(%arg7 : memref<!tpu.dma_semaphore, #tpu.memory_space<semaphore_mem>>)
    %add3A_14 = arith.constant 0 : i32
    %add3A_15 = arith.addi %mul3A_2, %add3A_14 : i32
    %dma_wait3A = arith.constant 0 : i32
    %dma_wait3A_16 = tpu.memref_slice %arg2[%add3A_15, %dma_wait3A] : memref<8192x4000xf32, #tpu.memory_space<hbm>> -> memref<8x4000xf32, #tpu.memory_space<hbm>>
    %dma_wait3A_17 = arith.constant 0 : i32
    %dma_wait3A_18 = tpu.memref_slice %arg2[%add3A_15, %dma_wait3A_17] : memref<8192x4000xf32, #tpu.memory_space<hbm>> -> memref<8x4000xf32, #tpu.memory_space<hbm>>
    tpu.wait_dma2 semaphore(%arg7 : memref<!tpu.dma_semaphore, #tpu.memory_space<semaphore_mem>>) src(%dma_wait3A_18 : memref<8x4000xf32, #tpu.memory_space<hbm>>) dst(%arg4 : memref<8x4000xf32, #tpu.memory_space<vmem>>)
    %scan3A = arith.constant 0 : i32
    %scan3A_19 = arith.constant 0 : i32
    %scan3A_20 = arith.constant 250 : i32
    %scan3A_21 = arith.addi %scan3A_19, %scan3A_20 : i32
    %scan3A_22 = arith.constant 1 : i32
    scf.for %scan3A_954 = %scan3A_19 to %scan3A_21 step %scan3A_22  : i32 {
      %mul3A_955 = arith.constant 16 : i32
      %mul3A_956 = arith.muli %scan3A_954, %mul3A_955 : i32
      %get3A = arith.constant 1 : i32
      %get3A_957 = arith.index_cast %get3A : i32 to index
      %get3A_958 = arith.index_cast %mul3A_956 : i32 to index
      %get3A_959 = tpu.vector_load %arg4[%get3A_957, %get3A_958] {strides = array<i32>} : memref<8x4000xf32, #tpu.memory_space<vmem>>, vector<1x16xf32>,
      %get3A_960 = vector.shape_cast %get3A_959 : vector<1x16xf32> to vector<16xf32>
      %get3A_961 = arith.constant 3 : i32
      %get3A_962 = arith.index_cast %get3A_961 : i32 to index
      %get3A_963 = arith.index_cast %mul3A_956 : i32 to index
      %get3A_964 = tpu.vector_load %arg4[%get3A_962, %get3A_963] {strides = array<i32>} : memref<8x4000xf32, #tpu.memory_space<vmem>>, vector<1x16xf32>,
      %get3A_965 = vector.shape_cast %get3A_964 : vector<1x16xf32> to vector<16xf32>
      %get3A_966 = arith.constant 5 : i32
      %get3A_967 = arith.index_cast %get3A_966 : i32 to index
      %get3A_968 = arith.index_cast %mul3A_956 : i32 to index
      %get3A_969 = tpu.vector_load %arg4[%get3A_967, %get3A_968] {strides = array<i32>} : memref<8x4000xf32, #tpu.memory_space<vmem>>, vector<1x16xf32>,
      %get3A_970 = vector.shape_cast %get3A_969 : vector<1x16xf32> to vector<16xf32>
      %get3A_971 = arith.constant 0 : i32
      %get3A_972 = arith.index_cast %get3A_971 : i32 to index
      %get3A_973 = arith.index_cast %mul3A_956 : i32 to index
      %get3A_974 = tpu.vector_load %arg4[%get3A_972, %get3A_973] {strides = array<i32>} : memref<8x4000xf32, #tpu.memory_space<vmem>>, vector<1x16xf32>,
      %get3A_975 = vector.shape_cast %get3A_974 : vector<1x16xf32> to vector<16xf32>
      %get3A_976 = arith.constant 2 : i32
      %get3A_977 = arith.index_cast %get3A_976 : i32 to index
      %get3A_978 = arith.index_cast %mul3A_956 : i32 to index
      %get3A_979 = tpu.vector_load %arg4[%get3A_977, %get3A_978] {strides = array<i32>} : memref<8x4000xf32, #tpu.memory_space<vmem>>, vector<1x16xf32>,
      %get3A_980 = vector.shape_cast %get3A_979 : vector<1x16xf32> to vector<16xf32>
      %get3A_981 = arith.constant 6 : i32
      %get3A_982 = arith.index_cast %get3A_981 : i32 to index
      %get3A_983 = arith.index_cast %mul3A_956 : i32 to index
      %get3A_984 = tpu.vector_load %arg4[%get3A_982, %get3A_983] {strides = array<i32>} : memref<8x4000xf32, #tpu.memory_space<vmem>>, vector<1x16xf32>,
      %get3A_985 = vector.shape_cast %get3A_984 : vector<1x16xf32> to vector<16xf32>
      %get3A_986 = arith.constant 7 : i32
      %get3A_987 = arith.index_cast %get3A_986 : i32 to index
      %get3A_988 = arith.index_cast %mul3A_956 : i32 to index
      %get3A_989 = tpu.vector_load %arg4[%get3A_987, %get3A_988] {strides = array<i32>} : memref<8x4000xf32, #tpu.memory_space<vmem>>, vector<1x16xf32>,
      %get3A_990 = vector.shape_cast %get3A_989 : vector<1x16xf32> to vector<16xf32>
      %get3A_991 = arith.constant 4 : i32
      %get3A_992 = arith.index_cast %get3A_991 : i32 to index
      %get3A_993 = arith.index_cast %mul3A_956 : i32 to index
      %get3A_994 = tpu.vector_load %arg4[%get3A_992, %get3A_993] {strides = array<i32>} : memref<8x4000xf32, #tpu.memory_space<vmem>>, vector<1x16xf32>,
      %get3A_995 = vector.shape_cast %get3A_994 : vector<1x16xf32> to vector<16xf32>
      %swap3A = arith.constant 0 : i32
      %swap3A_996 = arith.index_cast %swap3A : i32 to index
      %swap3A_997 = arith.index_cast %mul3A_956 : i32 to index
      %swap3A_998 = tpu.vector_load %arg4[%swap3A_996, %swap3A_997] {strides = array<i32>} : memref<8x4000xf32, #tpu.memory_space<vmem>>, vector<1x16xf32>,
      %swap3A_999 = vector.shape_cast %swap3A_998 : vector<1x16xf32> to vector<16xf32>
      %swap3A_1000 = vector.shape_cast %get3A_960 : vector<16xf32> to vector<1x16xf32>
      tpu.vector_store %arg4[%swap3A_996, %swap3A_997], %swap3A_1000 {strides = array<i32>} : memref<8x4000xf32, #tpu.memory_space<vmem>>, vector<1x16xf32>,
      %swap3A_1001 = arith.constant 1 : i32
      %swap3A_1002 = arith.index_cast %swap3A_1001 : i32 to index
      %swap3A_1003 = arith.index_cast %mul3A_956 : i32 to index
      %swap3A_1004 = tpu.vector_load %arg4[%swap3A_1002, %swap3A_1003] {strides = array<i32>} : memref<8x4000xf32, #tpu.memory_space<vmem>>, vector<1x16xf32>,
      %swap3A_1005 = vector.shape_cast %swap3A_1004 : vector<1x16xf32> to vector<16xf32>
      %swap3A_1006 = vector.shape_cast %get3A_965 : vector<16xf32> to vector<1x16xf32>
      tpu.vector_store %arg4[%swap3A_1002, %swap3A_1003], %swap3A_1006 {strides = array<i32>} : memref<8x4000xf32, #tpu.memory_space<vmem>>, vector<1x16xf32>,
      %swap3A_1007 = arith.constant 2 : i32
      %swap3A_1008 = arith.index_cast %swap3A_1007 : i32 to index
      %swap3A_1009 = arith.index_cast %mul3A_956 : i32 to index
      %swap3A_1010 = tpu.vector_load %arg4[%swap3A_1008, %swap3A_1009] {strides = array<i32>} : memref<8x4000xf32, #tpu.memory_space<vmem>>, vector<1x16xf32>,
      %swap3A_1011 = vector.shape_cast %swap3A_1010 : vector<1x16xf32> to vector<16xf32>
      %swap3A_1012 = vector.shape_cast %get3A_970 : vector<16xf32> to vector<1x16xf32>
      tpu.vector_store %arg4[%swap3A_1008, %swap3A_1009], %swap3A_1012 {strides = array<i32>} : memref<8x4000xf32, #tpu.memory_space<vmem>>, vector<1x16xf32>,
      %swap3A_1013 = arith.constant 3 : i32
      %swap3A_1014 = arith.index_cast %swap3A_1013 : i32 to index
      %swap3A_1015 = arith.index_cast %mul3A_956 : i32 to index
      %swap3A_1016 = tpu.vector_load %arg4[%swap3A_1014, %swap3A_1015] {strides = array<i32>} : memref<8x4000xf32, #tpu.memory_space<vmem>>, vector<1x16xf32>,
      %swap3A_1017 = vector.shape_cast %swap3A_1016 : vector<1x16xf32> to vector<16xf32>
      %swap3A_1018 = vector.shape_cast %get3A_975 : vector<16xf32> to vector<1x16xf32>
      tpu.vector_store %arg4[%swap3A_1014, %swap3A_1015], %swap3A_1018 {strides = array<i32>} : memref<8x4000xf32, #tpu.memory_space<vmem>>, vector<1x16xf32>,
      %swap3A_1019 = arith.constant 4 : i32
      %swap3A_1020 = arith.index_cast %swap3A_1019 : i32 to index
      %swap3A_1021 = arith.index_cast %mul3A_956 : i32 to index
      %swap3A_1022 = tpu.vector_load %arg4[%swap3A_1020, %swap3A_1021] {strides = array<i32>} : memref<8x4000xf32, #tpu.memory_space<vmem>>, vector<1x16xf32>,
      %swap3A_1023 = vector.shape_cast %swap3A_1022 : vector<1x16xf32> to vector<16xf32>
      %swap3A_1024 = vector.shape_cast %get3A_980 : vector<16xf32> to vector<1x16xf32>
      tpu.vector_store %arg4[%swap3A_1020, %swap3A_1021], %swap3A_1024 {strides = array<i32>} : memref<8x4000xf32, #tpu.memory_space<vmem>>, vector<1x16xf32>,
      %swap3A_1025 = arith.constant 5 : i32
      %swap3A_1026 = arith.index_cast %swap3A_1025 : i32 to index
      %swap3A_1027 = arith.index_cast %mul3A_956 : i32 to index
      %swap3A_1028 = tpu.vector_load %arg4[%swap3A_1026, %swap3A_1027] {strides = array<i32>} : memref<8x4000xf32, #tpu.memory_space<vmem>>, vector<1x16xf32>,
      %swap3A_1029 = vector.shape_cast %swap3A_1028 : vector<1x16xf32> to vector<16xf32>
      %swap3A_1030 = vector.shape_cast %get3A_985 : vector<16xf32> to vector<1x16xf32>
      tpu.vector_store %arg4[%swap3A_1026, %swap3A_1027], %swap3A_1030 {strides = array<i32>} : memref<8x4000xf32, #tpu.memory_space<vmem>>, vector<1x16xf32>,
      %swap3A_1031 = arith.constant 6 : i32
      %swap3A_1032 = arith.index_cast %swap3A_1031 : i32 to index
      %swap3A_1033 = arith.index_cast %mul3A_956 : i32 to index
      %swap3A_1034 = tpu.vector_load %arg4[%swap3A_1032, %swap3A_1033] {strides = array<i32>} : memref<8x4000xf32, #tpu.memory_space<vmem>>, vector<1x16xf32>,
      %swap3A_1035 = vector.shape_cast %swap3A_1034 : vector<1x16xf32> to vector<16xf32>
      %swap3A_1036 = vector.shape_cast %get3A_990 : vector<16xf32> to vector<1x16xf32>
      tpu.vector_store %arg4[%swap3A_1032, %swap3A_1033], %swap3A_1036 {strides = array<i32>} : memref<8x4000xf32, #tpu.memory_space<vmem>>, vector<1x16xf32>,
      %swap3A_1037 = arith.constant 7 : i32
      %swap3A_1038 = arith.index_cast %swap3A_1037 : i32 to index
      %swap3A_1039 = arith.index_cast %mul3A_956 : i32 to index
      %swap3A_1040 = tpu.vector_load %arg4[%swap3A_1038, %swap3A_1039] {strides = array<i32>} : memref<8x4000xf32, #tpu.memory_space<vmem>>, vector<1x16xf32>,
      %swap3A_1041 = vector.shape_cast %swap3A_1040 : vector<1x16xf32> to vector<16xf32>
      %swap3A_1042 = vector.shape_cast %get3A_995 : vector<16xf32> to vector<1x16xf32>
      tpu.vector_store %arg4[%swap3A_1038, %swap3A_1039], %swap3A_1042 {strides = array<i32>} : memref<8x4000xf32, #tpu.memory_space<vmem>>, vector<1x16xf32>,
    }
    %scan3A_23 = arith.constant 250 : i32
    %add3A_24 = arith.constant 0 : i32
    %add3A_25 = arith.addi %mul3A_2, %add3A_24 : i32
    %dma_start3A_26 = arith.constant 0 : i32
    %dma_start3A_27 = tpu.memref_slice %arg3[%add3A_25, %dma_start3A_26] : memref<8192x4000xf32, #tpu.memory_space<hbm>> -> memref<8x4000xf32, #tpu.memory_space<hbm>>
    %dma_start3A_28 = arith.constant 0 : i32
    %dma_start3A_29 = tpu.memref_slice %arg3[%add3A_25, %dma_start3A_28] : memref<8192x4000xf32, #tpu.memory_space<hbm>> -> memref<8x4000xf32, #tpu.memory_space<hbm>>
    tpu.enqueue_dma source(%arg4 : memref<8x4000xf32, #tpu.memory_space<vmem>>) target(%dma_start3A_29 : memref<8x4000xf32, #tpu.memory_space<hbm>>) target_semaphore(%arg8 : memref<!tpu.dma_semaphore, #tpu.memory_space<semaphore_mem>>)
    %add3A_30 = arith.constant 16 : i32
    %add3A_31 = arith.addi %mul3A_2, %add3A_30 : i32
    %dma_start3A_32 = arith.constant 0 : i32
    %dma_start3A_33 = tpu.memref_slice %arg2[%add3A_31, %dma_start3A_32] : memref<8192x4000xf32, #tpu.memory_space<hbm>> -> memref<8x4000xf32, #tpu.memory_space<hbm>>
    %dma_start3A_34 = arith.constant 0 : i32
    %dma_start3A_35 = tpu.memref_slice %arg2[%add3A_31, %dma_start3A_34] : memref<8192x4000xf32, #tpu.memory_space<hbm>> -> memref<8x4000xf32, #tpu.memory_space<hbm>>
    tpu.enqueue_dma source(%dma_start3A_35 : memref<8x4000xf32, #tpu.memory_space<hbm>>) target(%arg6 : memref<8x4000xf32, #tpu.memory_space<vmem>>) target_semaphore(%arg7 : memref<!tpu.dma_semaphore, #tpu.memory_space<semaphore_mem>>)
    %add3A_36 = arith.constant 8 : i32
    %add3A_37 = arith.addi %mul3A_2, %add3A_36 : i32
    %dma_wait3A_38 = arith.constant 0 : i32
    %dma_wait3A_39 = tpu.memref_slice %arg2[%add3A_37, %dma_wait3A_38] : memref<8192x4000xf32, #tpu.memory_space<hbm>> -> memref<8x4000xf32, #tpu.memory_space<hbm>>
    %dma_wait3A_40 = arith.constant 0 : i32
    %dma_wait3A_41 = tpu.memref_slice %arg2[%add3A_37, %dma_wait3A_40] : memref<8192x4000xf32, #tpu.memory_space<hbm>> -> memref<8x4000xf32, #tpu.memory_space<hbm>>
    tpu.wait_dma2 semaphore(%arg7 : memref<!tpu.dma_semaphore, #tpu.memory_space<semaphore_mem>>) src(%dma_wait3A_41 : memref<8x4000xf32, #tpu.memory_space<hbm>>) dst(%arg5 : memref<8x4000xf32, #tpu.memory_space<vmem>>)
    %scan3A_42 = arith.constant 0 : i32
    %scan3A_43 = arith.constant 0 : i32
    %scan3A_44 = arith.constant 250 : i32
    %scan3A_45 = arith.addi %scan3A_43, %scan3A_44 : i32
    %scan3A_46 = arith.constant 1 : i32
    scf.for %scan3A_954 = %scan3A_43 to %scan3A_45 step %scan3A_46  : i32 {
      %mul3A_955 = arith.constant 16 : i32
      %mul3A_956 = arith.muli %scan3A_954, %mul3A_955 : i32
      %get3A = arith.constant 2 : i32
      %get3A_957 = arith.index_cast %get3A : i32 to index
      %get3A_958 = arith.index_cast %mul3A_956 : i32 to index
      %get3A_959 = tpu.vector_load %arg5[%get3A_957, %get3A_958] {strides = array<i32>} : memref<8x4000xf32, #tpu.memory_space<vmem>>, vector<1x16xf32>,
      %get3A_960 = vector.shape_cast %get3A_959 : vector<1x16xf32> to vector<16xf32>
      %get3A_961 = arith.constant 0 : i32
      %get3A_962 = arith.index_cast %get3A_961 : i32 to index
      %get3A_963 = arith.index_cast %mul3A_956 : i32 to index
      %get3A_964 = tpu.vector_load %arg5[%get3A_962, %get3A_963] {strides = array<i32>} : memref<8x4000xf32, #tpu.memory_space<vmem>>, vector<1x16xf32>,
      %get3A_965 = vector.shape_cast %get3A_964 : vector<1x16xf32> to vector<16xf32>
      %get3A_966 = arith.constant 4 : i32
      %get3A_967 = arith.index_cast %get3A_966 : i32 to index
      %get3A_968 = arith.index_cast %mul3A_956 : i32 to index
      %get3A_969 = tpu.vector_load %arg5[%get3A_967, %get3A_968] {strides = array<i32>} : memref<8x4000xf32, #tpu.memory_space<vmem>>, vector<1x16xf32>,
      %get3A_970 = vector.shape_cast %get3A_969 : vector<1x16xf32> to vector<16xf32>
      %get3A_971 = arith.constant 5 : i32
      %get3A_972 = arith.index_cast %get3A_971 : i32 to index
      %get3A_973 = arith.index_cast %mul3A_956 : i32 to index
      %get3A_974 = tpu.vector_load %arg5[%get3A_972, %get3A_973] {strides = array<i32>} : memref<8x4000xf32, #tpu.memory_space<vmem>>, vector<1x16xf32>,
      %get3A_975 = vector.shape_cast %get3A_974 : vector<1x16xf32> to vector<16xf32>
      %get3A_976 = arith.constant 7 : i32
      %get3A_977 = arith.index_cast %get3A_976 : i32 to index
      %get3A_978 = arith.index_cast %mul3A_956 : i32 to index
      %get3A_979 = tpu.vector_load %arg5[%get3A_977, %get3A_978] {strides = array<i32>} : memref<8x4000xf32, #tpu.memory_space<vmem>>, vector<1x16xf32>,
      %get3A_980 = vector.shape_cast %get3A_979 : vector<1x16xf32> to vector<16xf32>
      %get3A_981 = arith.constant 6 : i32
      %get3A_982 = arith.index_cast %get3A_981 : i32 to index
      %get3A_983 = arith.index_cast %mul3A_956 : i32 to index
      %get3A_984 = tpu.vector_load %arg5[%get3A_982, %get3A_983] {strides = array<i32>} : memref<8x4000xf32, #tpu.memory_space<vmem>>, vector<1x16xf32>,
      %get3A_985 = vector.shape_cast %get3A_984 : vector<1x16xf32> to vector<16xf32>
      %get3A_986 = arith.constant 3 : i32
      %get3A_987 = arith.index_cast %get3A_986 : i32 to index
      %get3A_988 = arith.index_cast %mul3A_956 : i32 to index
      %get3A_989 = tpu.vector_load %arg5[%get3A_987, %get3A_988] {strides = array<i32>} : memref<8x4000xf32, #tpu.memory_space<vmem>>, vector<1x16xf32>,
      %get3A_990 = vector.shape_cast %get3A_989 : vector<1x16xf32> to vector<16xf32>
      %get3A_991 = arith.constant 1 : i32
      %get3A_992 = arith.index_cast %get3A_991 : i32 to index
      %get3A_993 = arith.index_cast %mul3A_956 : i32 to index
      %get3A_994 = tpu.vector_load %arg5[%get3A_992, %get3A_993] {strides = array<i32>} : memref<8x4000xf32, #tpu.memory_space<vmem>>, vector<1x16xf32>,
      %get3A_995 = vector.shape_cast %get3A_994 : vector<1x16xf32> to vector<16xf32>
      %swap3A = arith.constant 0 : i32
      %swap3A_996 = arith.index_cast %swap3A : i32 to index
      %swap3A_997 = arith.index_cast %mul3A_956 : i32 to index
      %swap3A_998 = tpu.vector_load %arg5[%swap3A_996, %swap3A_997] {strides = array<i32>} : memref<8x4000xf32, #tpu.memory_space<vmem>>, vector<1x16xf32>,
      %swap3A_999 = vector.shape_cast %swap3A_998 : vector<1x16xf32> to vector<16xf32>
      %swap3A_1000 = vector.shape_cast %get3A_960 : vector<16xf32> to vector<1x16xf32>
      tpu.vector_store %arg5[%swap3A_996, %swap3A_997], %swap3A_1000 {strides = array<i32>} : memref<8x4000xf32, #tpu.memory_space<vmem>>, vector<1x16xf32>,
      %swap3A_1001 = arith.constant 1 : i32
      %swap3A_1002 = arith.index_cast %swap3A_1001 : i32 to index
      %swap3A_1003 = arith.index_cast %mul3A_956 : i32 to index
      %swap3A_1004 = tpu.vector_load %arg5[%swap3A_1002, %swap3A_1003] {strides = array<i32>} : memref<8x4000xf32, #tpu.memory_space<vmem>>, vector<1x16xf32>,
      %swap3A_1005 = vector.shape_cast %swap3A_1004 : vector<1x16xf32> to vector<16xf32>
      %swap3A_1006 = vector.shape_cast %get3A_965 : vector<16xf32> to vector<1x16xf32>
      tpu.vector_store %arg5[%swap3A_1002, %swap3A_1003], %swap3A_1006 {strides = array<i32>} : memref<8x4000xf32, #tpu.memory_space<vmem>>, vector<1x16xf32>,
      %swap3A_1007 = arith.constant 2 : i32
      %swap3A_1008 = arith.index_cast %swap3A_1007 : i32 to index
      %swap3A_1009 = arith.index_cast %mul3A_956 : i32 to index
      %swap3A_1010 = tpu.vector_load %arg5[%swap3A_1008, %swap3A_1009] {strides = array<i32>} : memref<8x4000xf32, #tpu.memory_space<vmem>>, vector<1x16xf32>,
      %swap3A_1011 = vector.shape_cast %swap3A_1010 : vector<1x16xf32> to vector<16xf32>
      %swap3A_1012 = vector.shape_cast %get3A_970 : vector<16xf32> to vector<1x16xf32>
      tpu.vector_store %arg5[%swap3A_1008, %swap3A_1009], %swap3A_1012 {strides = array<i32>} : memref<8x4000xf32, #tpu.memory_space<vmem>>, vector<1x16xf32>,
      %swap3A_1013 = arith.constant 3 : i32
      %swap3A_1014 = arith.index_cast %swap3A_1013 : i32 to index
      %swap3A_1015 = arith.index_cast %mul3A_956 : i32 to index
      %swap3A_1016 = tpu.vector_load %arg5[%swap3A_1014, %swap3A_1015] {strides = array<i32>} : memref<8x4000xf32, #tpu.memory_space<vmem>>, vector<1x16xf32>,
      %swap3A_1017 = vector.shape_cast %swap3A_1016 : vector<1x16xf32> to vector<16xf32>
      %swap3A_1018 = vector.shape_cast %get3A_975 : vector<16xf32> to vector<1x16xf32>
      tpu.vector_store %arg5[%swap3A_1014, %swap3A_1015], %swap3A_1018 {strides = array<i32>} : memref<8x4000xf32, #tpu.memory_space<vmem>>, vector<1x16xf32>,
      %swap3A_1019 = arith.constant 4 : i32
      %swap3A_1020 = arith.index_cast %swap3A_1019 : i32 to index
      %swap3A_1021 = arith.index_cast %mul3A_956 : i32 to index
      %swap3A_1022 = tpu.vector_load %arg5[%swap3A_1020, %swap3A_1021] {strides = array<i32>} : memref<8x4000xf32, #tpu.memory_space<vmem>>, vector<1x16xf32>,
      %swap3A_1023 = vector.shape_cast %swap3A_1022 : vector<1x16xf32> to vector<16xf32>
      %swap3A_1024 = vector.shape_cast %get3A_980 : vector<16xf32> to vector<1x16xf32>
      tpu.vector_store %arg5[%swap3A_1020, %swap3A_1021], %swap3A_1024 {strides = array<i32>} : memref<8x4000xf32, #tpu.memory_space<vmem>>, vector<1x16xf32>,
      %swap3A_1025 = arith.constant 5 : i32
      %swap3A_1026 = arith.index_cast %swap3A_1025 : i32 to index
      %swap3A_1027 = arith.index_cast %mul3A_956 : i32 to index
      %swap3A_1028 = tpu.vector_load %arg5[%swap3A_1026, %swap3A_1027] {strides = array<i32>} : memref<8x4000xf32, #tpu.memory_space<vmem>>, vector<1x16xf32>,
      %swap3A_1029 = vector.shape_cast %swap3A_1028 : vector<1x16xf32> to vector<16xf32>
      %swap3A_1030 = vector.shape_cast %get3A_985 : vector<16xf32> to vector<1x16xf32>
      tpu.vector_store %arg5[%swap3A_1026, %swap3A_1027], %swap3A_1030 {strides = array<i32>} : memref<8x4000xf32, #tpu.memory_space<vmem>>, vector<1x16xf32>,
      %swap3A_1031 = arith.constant 6 : i32
      %swap3A_1032 = arith.index_cast %swap3A_1031 : i32 to index
      %swap3A_1033 = arith.index_cast %mul3A_956 : i32 to index
      %swap3A_1034 = tpu.vector_load %arg5[%swap3A_1032, %swap3A_1033] {strides = array<i32>} : memref<8x4000xf32, #tpu.memory_space<vmem>>, vector<1x16xf32>,
      %swap3A_1035 = vector.shape_cast %swap3A_1034 : vector<1x16xf32> to vector<16xf32>
      %swap3A_1036 = vector.shape_cast %get3A_990 : vector<16xf32> to vector<1x16xf32>
      tpu.vector_store %arg5[%swap3A_1032, %swap3A_1033], %swap3A_1036 {strides = array<i32>} : memref<8x4000xf32, #tpu.memory_space<vmem>>, vector<1x16xf32>,
      %swap3A_1037 = arith.constant 7 : i32
      %swap3A_1038 = arith.index_cast %swap3A_1037 : i32 to index
      %swap3A_1039 = arith.index_cast %mul3A_956 : i32 to index
      %swap3A_1040 = tpu.vector_load %arg5[%swap3A_1038, %swap3A_1039] {strides = array<i32>} : memref<8x4000xf32, #tpu.memory_space<vmem>>, vector<1x16xf32>,
      %swap3A_1041 = vector.shape_cast %swap3A_1040 : vector<1x16xf32> to vector<16xf32>
      %swap3A_1042 = vector.shape_cast %get3A_995 : vector<16xf32> to vector<1x16xf32>
      tpu.vector_store %arg5[%swap3A_1038, %swap3A_1039], %swap3A_1042 {strides = array<i32>} : memref<8x4000xf32, #tpu.memory_space<vmem>>, vector<1x16xf32>,
    }
    %scan3A_47 = arith.constant 250 : i32
    %add3A_48 = arith.constant 8 : i32
    %add3A_49 = arith.addi %mul3A_2, %add3A_48 : i32
    %dma_start3A_50 = arith.constant 0 : i32
    %dma_start3A_51 = tpu.memref_slice %arg3[%add3A_49, %dma_start3A_50] : memref<8192x4000xf32, #tpu.memory_space<hbm>> -> memref<8x4000xf32, #tpu.memory_space<hbm>>
    %dma_start3A_52 = arith.constant 0 : i32
    %dma_start3A_53 = tpu.memref_slice %arg3[%add3A_49, %dma_start3A_52] : memref<8192x4000xf32, #tpu.memory_space<hbm>> -> memref<8x4000xf32, #tpu.memory_space<hbm>>
    tpu.enqueue_dma source(%arg5 : memref<8x4000xf32, #tpu.memory_space<vmem>>) target(%dma_start3A_53 : memref<8x4000xf32, #tpu.memory_space<hbm>>) target_semaphore(%arg8 : memref<!tpu.dma_semaphore, #tpu.memory_space<semaphore_mem>>)
    %add3A_54 = arith.constant 0 : i32
    %add3A_55 = arith.addi %mul3A_2, %add3A_54 : i32
    %dma_wait3A_56 = arith.constant 0 : i32
    %dma_wait3A_57 = tpu.memref_slice %arg3[%add3A_55, %dma_wait3A_56] : memref<8192x4000xf32, #tpu.memory_space<hbm>> -> memref<8x4000xf32, #tpu.memory_space<hbm>>
    %dma_wait3A_58 = arith.constant 0 : i32
    %dma_wait3A_59 = tpu.memref_slice %arg3[%add3A_55, %dma_wait3A_58] : memref<8192x4000xf32, #tpu.memory_space<hbm>> -> memref<8x4000xf32, #tpu.memory_space<hbm>>
    tpu.wait_dma2 semaphore(%arg8 : memref<!tpu.dma_semaphore, #tpu.memory_space<semaphore_mem>>) src(%arg4 : memref<8x4000xf32, #tpu.memory_space<vmem>>) dst(%dma_wait3A_59 : memref<8x4000xf32, #tpu.memory_space<hbm>>)
    %add3A_60 = arith.constant 24 : i32
    %add3A_61 = arith.addi %mul3A_2, %add3A_60 : i32
    %dma_start3A_62 = arith.constant 0 : i32
    %dma_start3A_63 = tpu.memref_slice %arg2[%add3A_61, %dma_start3A_62] : memref<8192x4000xf32, #tpu.memory_space<hbm>> -> memref<8x4000xf32, #tpu.memory_space<hbm>>
    %dma_start3A_64 = arith.constant 0 : i32
    %dma_start3A_65 = tpu.memref_slice %arg2[%add3A_61, %dma_start3A_64] : memref<8192x4000xf32, #tpu.memory_space<hbm>> -> memref<8x4000xf32, #tpu.memory_space<hbm>>
    tpu.enqueue_dma source(%dma_start3A_65 : memref<8x4000xf32, #tpu.memory_space<hbm>>) target(%arg4 : memref<8x4000xf32, #tpu.memory_space<vmem>>) target_semaphore(%arg7 : memref<!tpu.dma_semaphore, #tpu.memory_space<semaphore_mem>>)
    %add3A_66 = arith.constant 16 : i32
    %add3A_67 = arith.addi %mul3A_2, %add3A_66 : i32
    %dma_wait3A_68 = arith.constant 0 : i32
    %dma_wait3A_69 = tpu.memref_slice %arg2[%add3A_67, %dma_wait3A_68] : memref<8192x4000xf32, #tpu.memory_space<hbm>> -> memref<8x4000xf32, #tpu.memory_space<hbm>>
    %dma_wait3A_70 = arith.constant 0 : i32
    %dma_wait3A_71 = tpu.memref_slice %arg2[%add3A_67, %dma_wait3A_70] : memref<8192x4000xf32, #tpu.memory_space<hbm>> -> memref<8x4000xf32, #tpu.memory_space<hbm>>
    tpu.wait_dma2 semaphore(%arg7 : memref<!tpu.dma_semaphore, #tpu.memory_space<semaphore_mem>>) src(%dma_wait3A_71 : memref<8x4000xf32, #tpu.memory_space<hbm>>) dst(%arg6 : memref<8x4000xf32, #tpu.memory_space<vmem>>)
    %scan3A_72 = arith.constant 0 : i32
    %scan3A_73 = arith.constant 0 : i32
    %scan3A_74 = arith.constant 250 : i32
    %scan3A_75 = arith.addi %scan3A_73, %scan3A_74 : i32
    %scan3A_76 = arith.constant 1 : i32
    scf.for %scan3A_954 = %scan3A_73 to %scan3A_75 step %scan3A_76  : i32 {
      %mul3A_955 = arith.constant 16 : i32
      %mul3A_956 = arith.muli %scan3A_954, %mul3A_955 : i32
      %get3A = arith.constant 5 : i32
      %get3A_957 = arith.index_cast %get3A : i32 to index
      %get3A_958 = arith.index_cast %mul3A_956 : i32 to index
      %get3A_959 = tpu.vector_load %arg6[%get3A_957, %get3A_958] {strides = array<i32>} : memref<8x4000xf32, #tpu.memory_space<vmem>>, vector<1x16xf32>,
      %get3A_960 = vector.shape_cast %get3A_959 : vector<1x16xf32> to vector<16xf32>
      %get3A_961 = arith.constant 7 : i32
      %get3A_962 = arith.index_cast %get3A_961 : i32 to index
      %get3A_963 = arith.index_cast %mul3A_956 : i32 to index
      %get3A_964 = tpu.vector_load %arg6[%get3A_962, %get3A_963] {strides = array<i32>} : memref<8x4000xf32, #tpu.memory_space<vmem>>, vector<1x16xf32>,
      %get3A_965 = vector.shape_cast %get3A_964 : vector<1x16xf32> to vector<16xf32>
      %get3A_966 = arith.constant 0 : i32
      %get3A_967 = arith.index_cast %get3A_966 : i32 to index
      %get3A_968 = arith.index_cast %mul3A_956 : i32 to index
      %get3A_969 = tpu.vector_load %arg6[%get3A_967, %get3A_968] {strides = array<i32>} : memref<8x4000xf32, #tpu.memory_space<vmem>>, vector<1x16xf32>,
      %get3A_970 = vector.shape_cast %get3A_969 : vector<1x16xf32> to vector<16xf32>
      %get3A_971 = arith.constant 1 : i32
      %get3A_972 = arith.index_cast %get3A_971 : i32 to index
      %get3A_973 = arith.index_cast %mul3A_956 : i32 to index
      %get3A_974 = tpu.vector_load %arg6[%get3A_972, %get3A_973] {strides = array<i32>} : memref<8x4000xf32, #tpu.memory_space<vmem>>, vector<1x16xf32>,
      %get3A_975 = vector.shape_cast %get3A_974 : vector<1x16xf32> to vector<16xf32>
      %get3A_976 = arith.constant 4 : i32
      %get3A_977 = arith.index_cast %get3A_976 : i32 to index
      %get3A_978 = arith.index_cast %mul3A_956 : i32 to index
      %get3A_979 = tpu.vector_load %arg6[%get3A_977, %get3A_978] {strides = array<i32>} : memref<8x4000xf32, #tpu.memory_space<vmem>>, vector<1x16xf32>,
      %get3A_980 = vector.shape_cast %get3A_979 : vector<1x16xf32> to vector<16xf32>
      %get3A_981 = arith.constant 2 : i32
      %get3A_982 = arith.index_cast %get3A_981 : i32 to index
      %get3A_983 = arith.index_cast %mul3A_956 : i32 to index
      %get3A_984 = tpu.vector_load %arg6[%get3A_982, %get3A_983] {strides = array<i32>} : memref<8x4000xf32, #tpu.memory_space<vmem>>, vector<1x16xf32>,
      %get3A_985 = vector.shape_cast %get3A_984 : vector<1x16xf32> to vector<16xf32>
      %get3A_986 = arith.constant 6 : i32
      %get3A_987 = arith.index_cast %get3A_986 : i32 to index
      %get3A_988 = arith.index_cast %mul3A_956 : i32 to index
      %get3A_989 = tpu.vector_load %arg6[%get3A_987, %get3A_988] {strides = array<i32>} : memref<8x4000xf32, #tpu.memory_space<vmem>>, vector<1x16xf32>,
      %get3A_990 = vector.shape_cast %get3A_989 : vector<1x16xf32> to vector<16xf32>
      %get3A_991 = arith.constant 3 : i32
      %get3A_992 = arith.index_cast %get3A_991 : i32 to index
      %get3A_993 = arith.index_cast %mul3A_956 : i32 to index
      %get3A_994 = tpu.vector_load %arg6[%get3A_992, %get3A_993] {strides = array<i32>} : memref<8x4000xf32, #tpu.memory_space<vmem>>, vector<1x16xf32>,
      %get3A_995 = vector.shape_cast %get3A_994 : vector<1x16xf32> to vector<16xf32>
      %swap3A = arith.constant 0 : i32
      %swap3A_996 = arith.index_cast %swap3A : i32 to index
      %swap3A_997 = arith.index_cast %mul3A_956 : i32 to index
      %swap3A_998 = tpu.vector_load %arg6[%swap3A_996, %swap3A_997] {strides = array<i32>} : memref<8x4000xf32, #tpu.memory_space<vmem>>, vector<1x16xf32>,
      %swap3A_999 = vector.shape_cast %swap3A_998 : vector<1x16xf32> to vector<16xf32>
      %swap3A_1000 = vector.shape_cast %get3A_960 : vector<16xf32> to vector<1x16xf32>
      tpu.vector_store %arg6[%swap3A_996, %swap3A_997], %swap3A_1000 {strides = array<i32>} : memref<8x4000xf32, #tpu.memory_space<vmem>>, vector<1x16xf32>,
      %swap3A_1001 = arith.constant 1 : i32
      %swap3A_1002 = arith.index_cast %swap3A_1001 : i32 to index
      %swap3A_1003 = arith.index_cast %mul3A_956 : i32 to index
      %swap3A_1004 = tpu.vector_load %arg6[%swap3A_1002, %swap3A_1003] {strides = array<i32>} : memref<8x4000xf32, #tpu.memory_space<vmem>>, vector<1x16xf32>,
      %swap3A_1005 = vector.shape_cast %swap3A_1004 : vector<1x16xf32> to vector<16xf32>
      %swap3A_1006 = vector.shape_cast %get3A_965 : vector<16xf32> to vector<1x16xf32>
      tpu.vector_store %arg6[%swap3A_1002, %swap3A_1003], %swap3A_1006 {strides = array<i32>} : memref<8x4000xf32, #tpu.memory_space<vmem>>, vector<1x16xf32>,
      %swap3A_1007 = arith.constant 2 : i32
      %swap3A_1008 = arith.index_cast %swap3A_1007 : i32 to index
      %swap3A_1009 = arith.index_cast %mul3A_956 : i32 to index
      %swap3A_1010 = tpu.vector_load %arg6[%swap3A_1008, %swap3A_1009] {strides = array<i32>} : memref<8x4000xf32, #tpu.memory_space<vmem>>, vector<1x16xf32>,
      %swap3A_1011 = vector.shape_cast %swap3A_1010 : vector<1x16xf32> to vector<16xf32>
      %swap3A_1012 = vector.shape_cast %get3A_970 : vector<16xf32> to vector<1x16xf32>
      tpu.vector_store %arg6[%swap3A_1008, %swap3A_1009], %swap3A_1012 {strides = array<i32>} : memref<8x4000xf32, #tpu.memory_space<vmem>>, vector<1x16xf32>,
      %swap3A_1013 = arith.constant 3 : i32
      %swap3A_1014 = arith.index_cast %swap3A_1013 : i32 to index
      %swap3A_1015 = arith.index_cast %mul3A_956 : i32 to index
      %swap3A_1016 = tpu.vector_load %arg6[%swap3A_1014, %swap3A_1015] {strides = array<i32>} : memref<8x4000xf32, #tpu.memory_space<vmem>>, vector<1x16xf32>,
      %swap3A_1017 = vector.shape_cast %swap3A_1016 : vector<1x16xf32> to vector<16xf32>
      %swap3A_1018 = vector.shape_cast %get3A_975 : vector<16xf32> to vector<1x16xf32>
      tpu.vector_store %arg6[%swap3A_1014, %swap3A_1015], %swap3A_1018 {strides = array<i32>} : memref<8x4000xf32, #tpu.memory_space<vmem>>, vector<1x16xf32>,
      %swap3A_1019 = arith.constant 4 : i32
      %swap3A_1020 = arith.index_cast %swap3A_1019 : i32 to index
      %swap3A_1021 = arith.index_cast %mul3A_956 : i32 to index
      %swap3A_1022 = tpu.vector_load %arg6[%swap3A_1020, %swap3A_1021] {strides = array<i32>} : memref<8x4000xf32, #tpu.memory_space<vmem>>, vector<1x16xf32>,
      %swap3A_1023 = vector.shape_cast %swap3A_1022 : vector<1x16xf32> to vector<16xf32>
      %swap3A_1024 = vector.shape_cast %get3A_980 : vector<16xf32> to vector<1x16xf32>
      tpu.vector_store %arg6[%swap3A_1020, %swap3A_1021], %swap3A_1024 {strides = array<i32>} : memref<8x4000xf32, #tpu.memory_space<vmem>>, vector<1x16xf32>,
      %swap3A_1025 = arith.constant 5 : i32
      %swap3A_1026 = arith.index_cast %swap3A_1025 : i32 to index
      %swap3A_1027 = arith.index_cast %mul3A_956 : i32 to index
      %swap3A_1028 = tpu.vector_load %arg6[%swap3A_1026, %swap3A_1027] {strides = array<i32>} : memref<8x4000xf32, #tpu.memory_space<vmem>>, vector<1x16xf32>,
      %swap3A_1029 = vector.shape_cast %swap3A_1028 : vector<1x16xf32> to vector<16xf32>
      %swap3A_1030 = vector.shape_cast %get3A_985 : vector<16xf32> to vector<1x16xf32>
      tpu.vector_store %arg6[%swap3A_1026, %swap3A_1027], %swap3A_1030 {strides = array<i32>} : memref<8x4000xf32, #tpu.memory_space<vmem>>, vector<1x16xf32>,
      %swap3A_1031 = arith.constant 6 : i32
      %swap3A_1032 = arith.index_cast %swap3A_1031 : i32 to index
      %swap3A_1033 = arith.index_cast %mul3A_956 : i32 to index
      %swap3A_1034 = tpu.vector_load %arg6[%swap3A_1032, %swap3A_1033] {strides = array<i32>} : memref<8x4000xf32, #tpu.memory_space<vmem>>, vector<1x16xf32>,
      %swap3A_1035 = vector.shape_cast %swap3A_1034 : vector<1x16xf32> to vector<16xf32>
      %swap3A_1036 = vector.shape_cast %get3A_990 : vector<16xf32> to vector<1x16xf32>
      tpu.vector_store %arg6[%swap3A_1032, %swap3A_1033], %swap3A_1036 {strides = array<i32>} : memref<8x4000xf32, #tpu.memory_space<vmem>>, vector<1x16xf32>,
      %swap3A_1037 = arith.constant 7 : i32
      %swap3A_1038 = arith.index_cast %swap3A_1037 : i32 to index
      %swap3A_1039 = arith.index_cast %mul3A_956 : i32 to index
      %swap3A_1040 = tpu.vector_load %arg6[%swap3A_1038, %swap3A_1039] {strides = array<i32>} : memref<8x4000xf32, #tpu.memory_space<vmem>>, vector<1x16xf32>,
      %swap3A_1041 = vector.shape_cast %swap3A_1040 : vector<1x16xf32> to vector<16xf32>
      %swap3A_1042 = vector.shape_cast %get3A_995 : vector<16xf32> to vector<1x16xf32>
      tpu.vector_store %arg6[%swap3A_1038, %swap3A_1039], %swap3A_1042 {strides = array<i32>} : memref<8x4000xf32, #tpu.memory_space<vmem>>, vector<1x16xf32>,
    }
    %scan3A_77 = arith.constant 250 : i32
    %add3A_78 = arith.constant 16 : i32
    %add3A_79 = arith.addi %mul3A_2, %add3A_78 : i32
    %dma_start3A_80 = arith.constant 0 : i32
    %dma_start3A_81 = tpu.memref_slice %arg3[%add3A_79, %dma_start3A_80] : memref<8192x4000xf32, #tpu.memory_space<hbm>> -> memref<8x4000xf32, #tpu.memory_space<hbm>>
    %dma_start3A_82 = arith.constant 0 : i32
    %dma_start3A_83 = tpu.memref_slice %arg3[%add3A_79, %dma_start3A_82] : memref<8192x4000xf32, #tpu.memory_space<hbm>> -> memref<8x4000xf32, #tpu.memory_space<hbm>>
    tpu.enqueue_dma source(%arg6 : memref<8x4000xf32, #tpu.memory_space<vmem>>) target(%dma_start3A_83 : memref<8x4000xf32, #tpu.memory_space<hbm>>) target_semaphore(%arg8 : memref<!tpu.dma_semaphore, #tpu.memory_space<semaphore_mem>>)
    %add3A_84 = arith.constant 8 : i32
    %add3A_85 = arith.addi %mul3A_2, %add3A_84 : i32
    %dma_wait3A_86 = arith.constant 0 : i32
    %dma_wait3A_87 = tpu.memref_slice %arg3[%add3A_85, %dma_wait3A_86] : memref<8192x4000xf32, #tpu.memory_space<hbm>> -> memref<8x4000xf32, #tpu.memory_space<hbm>>
    %dma_wait3A_88 = arith.constant 0 : i32
    %dma_wait3A_89 = tpu.memref_slice %arg3[%add3A_85, %dma_wait3A_88] : memref<8192x4000xf32, #tpu.memory_space<hbm>> -> memref<8x4000xf32, #tpu.memory_space<hbm>>
    tpu.wait_dma2 semaphore(%arg8 : memref<!tpu.dma_semaphore, #tpu.memory_space<semaphore_mem>>) src(%arg5 : memref<8x4000xf32, #tpu.memory_space<vmem>>) dst(%dma_wait3A_89 : memref<8x4000xf32, #tpu.memory_space<hbm>>)
    %add3A_90 = arith.constant 32 : i32
    %add3A_91 = arith.addi %mul3A_2, %add3A_90 : i32
    %dma_start3A_92 = arith.constant 0 : i32
    %dma_start3A_93 = tpu.memref_slice %arg2[%add3A_91, %dma_start3A_92] : memref<8192x4000xf32, #tpu.memory_space<hbm>> -> memref<8x4000xf32, #tpu.memory_space<hbm>>
    %dma_start3A_94 = arith.constant 0 : i32
    %dma_start3A_95 = tpu.memref_slice %arg2[%add3A_91, %dma_start3A_94] : memref<8192x4000xf32, #tpu.memory_space<hbm>> -> memref<8x4000xf32, #tpu.memory_space<hbm>>
    tpu.enqueue_dma source(%dma_start3A_95 : memref<8x4000xf32, #tpu.memory_space<hbm>>) target(%arg5 : memref<8x4000xf32, #tpu.memory_space<vmem>>) target_semaphore(%arg7 : memref<!tpu.dma_semaphore, #tpu.memory_space<semaphore_mem>>)
    %add3A_96 = arith.constant 24 : i32
    %add3A_97 = arith.addi %mul3A_2, %add3A_96 : i32
    %dma_wait3A_98 = arith.constant 0 : i32
    %dma_wait3A_99 = tpu.memref_slice %arg2[%add3A_97, %dma_wait3A_98] : memref<8192x4000xf32, #tpu.memory_space<hbm>> -> memref<8x4000xf32, #tpu.memory_space<hbm>>
    %dma_wait3A_100 = arith.constant 0 : i32
    %dma_wait3A_101 = tpu.memref_slice %arg2[%add3A_97, %dma_wait3A_100] : memref<8192x4000xf32, #tpu.memory_space<hbm>> -> memref<8x4000xf32, #tpu.memory_space<hbm>>
    tpu.wait_dma2 semaphore(%arg7 : memref<!tpu.dma_semaphore, #tpu.memory_space<semaphore_mem>>) src(%dma_wait3A_101 : memref<8x4000xf32, #tpu.memory_space<hbm>>) dst(%arg4 : memref<8x4000xf32, #tpu.memory_space<vmem>>)
    %scan3A_102 = arith.constant 0 : i32
    %scan3A_103 = arith.constant 0 : i32
    %scan3A_104 = arith.constant 250 : i32
    %scan3A_105 = arith.addi %scan3A_103, %scan3A_104 : i32
    %scan3A_106 = arith.constant 1 : i32
    scf.for %scan3A_954 = %scan3A_103 to %scan3A_105 step %scan3A_106  : i32 {
      %mul3A_955 = arith.constant 16 : i32
      %mul3A_956 = arith.muli %scan3A_954, %mul3A_955 : i32
      %get3A = arith.constant 4 : i32
      %get3A_957 = arith.index_cast %get3A : i32 to index
      %get3A_958 = arith.index_cast %mul3A_956 : i32 to index
      %get3A_959 = tpu.vector_load %arg4[%get3A_957, %get3A_958] {strides = array<i32>} : memref<8x4000xf32, #tpu.memory_space<vmem>>, vector<1x16xf32>,
      %get3A_960 = vector.shape_cast %get3A_959 : vector<1x16xf32> to vector<16xf32>
      %get3A_961 = arith.constant 5 : i32
      %get3A_962 = arith.index_cast %get3A_961 : i32 to index
      %get3A_963 = arith.index_cast %mul3A_956 : i32 to index
      %get3A_964 = tpu.vector_load %arg4[%get3A_962, %get3A_963] {strides = array<i32>} : memref<8x4000xf32, #tpu.memory_space<vmem>>, vector<1x16xf32>,
      %get3A_965 = vector.shape_cast %get3A_964 : vector<1x16xf32> to vector<16xf32>
      %get3A_966 = arith.constant 3 : i32
      %get3A_967 = arith.index_cast %get3A_966 : i32 to index
      %get3A_968 = arith.index_cast %mul3A_956 : i32 to index
      %get3A_969 = tpu.vector_load %arg4[%get3A_967, %get3A_968] {strides = array<i32>} : memref<8x4000xf32, #tpu.memory_space<vmem>>, vector<1x16xf32>,
      %get3A_970 = vector.shape_cast %get3A_969 : vector<1x16xf32> to vector<16xf32>
      %get3A_971 = arith.constant 2 : i32
      %get3A_972 = arith.index_cast %get3A_971 : i32 to index
      %get3A_973 = arith.index_cast %mul3A_956 : i32 to index
      %get3A_974 = tpu.vector_load %arg4[%get3A_972, %get3A_973] {strides = array<i32>} : memref<8x4000xf32, #tpu.memory_space<vmem>>, vector<1x16xf32>,
      %get3A_975 = vector.shape_cast %get3A_974 : vector<1x16xf32> to vector<16xf32>
      %get3A_976 = arith.constant 7 : i32
      %get3A_977 = arith.index_cast %get3A_976 : i32 to index
      %get3A_978 = arith.index_cast %mul3A_956 : i32 to index
      %get3A_979 = tpu.vector_load %arg4[%get3A_977, %get3A_978] {strides = array<i32>} : memref<8x4000xf32, #tpu.memory_space<vmem>>, vector<1x16xf32>,
      %get3A_980 = vector.shape_cast %get3A_979 : vector<1x16xf32> to vector<16xf32>
      %get3A_981 = arith.constant 6 : i32
      %get3A_982 = arith.index_cast %get3A_981 : i32 to index
      %get3A_983 = arith.index_cast %mul3A_956 : i32 to index
      %get3A_984 = tpu.vector_load %arg4[%get3A_982, %get3A_983] {strides = array<i32>} : memref<8x4000xf32, #tpu.memory_space<vmem>>, vector<1x16xf32>,
      %get3A_985 = vector.shape_cast %get3A_984 : vector<1x16xf32> to vector<16xf32>
      %get3A_986 = arith.constant 0 : i32
      %get3A_987 = arith.index_cast %get3A_986 : i32 to index
      %get3A_988 = arith.index_cast %mul3A_956 : i32 to index
      %get3A_989 = tpu.vector_load %arg4[%get3A_987, %get3A_988] {strides = array<i32>} : memref<8x4000xf32, #tpu.memory_space<vmem>>, vector<1x16xf32>,
      %get3A_990 = vector.shape_cast %get3A_989 : vector<1x16xf32> to vector<16xf32>
      %get3A_991 = arith.constant 1 : i32
      %get3A_992 = arith.index_cast %get3A_991 : i32 to index
      %get3A_993 = arith.index_cast %mul3A_956 : i32 to index
      %get3A_994 = tpu.vector_load %arg4[%get3A_992, %get3A_993] {strides = array<i32>} : memref<8x4000xf32, #tpu.memory_space<vmem>>, vector<1x16xf32>,
      %get3A_995 = vector.shape_cast %get3A_994 : vector<1x16xf32> to vector<16xf32>
      %swap3A = arith.constant 0 : i32
      %swap3A_996 = arith.index_cast %swap3A : i32 to index
      %swap3A_997 = arith.index_cast %mul3A_956 : i32 to index
      %swap3A_998 = tpu.vector_load %arg4[%swap3A_996, %swap3A_997] {strides = array<i32>} : memref<8x4000xf32, #tpu.memory_space<vmem>>, vector<1x16xf32>,
      %swap3A_999 = vector.shape_cast %swap3A_998 : vector<1x16xf32> to vector<16xf32>
      %swap3A_1000 = vector.shape_cast %get3A_960 : vector<16xf32> to vector<1x16xf32>
      tpu.vector_store %arg4[%swap3A_996, %swap3A_997], %swap3A_1000 {strides = array<i32>} : memref<8x4000xf32, #tpu.memory_space<vmem>>, vector<1x16xf32>,
      %swap3A_1001 = arith.constant 1 : i32
      %swap3A_1002 = arith.index_cast %swap3A_1001 : i32 to index
      %swap3A_1003 = arith.index_cast %mul3A_956 : i32 to index
      %swap3A_1004 = tpu.vector_load %arg4[%swap3A_1002, %swap3A_1003] {strides = array<i32>} : memref<8x4000xf32, #tpu.memory_space<vmem>>, vector<1x16xf32>,
      %swap3A_1005 = vector.shape_cast %swap3A_1004 : vector<1x16xf32> to vector<16xf32>
      %swap3A_1006 = vector.shape_cast %get3A_965 : vector<16xf32> to vector<1x16xf32>
      tpu.vector_store %arg4[%swap3A_1002, %swap3A_1003], %swap3A_1006 {strides = array<i32>} : memref<8x4000xf32, #tpu.memory_space<vmem>>, vector<1x16xf32>,
      %swap3A_1007 = arith.constant 2 : i32
      %swap3A_1008 = arith.index_cast %swap3A_1007 : i32 to index
      %swap3A_1009 = arith.index_cast %mul3A_956 : i32 to index
      %swap3A_1010 = tpu.vector_load %arg4[%swap3A_1008, %swap3A_1009] {strides = array<i32>} : memref<8x4000xf32, #tpu.memory_space<vmem>>, vector<1x16xf32>,
      %swap3A_1011 = vector.shape_cast %swap3A_1010 : vector<1x16xf32> to vector<16xf32>
      %swap3A_1012 = vector.shape_cast %get3A_970 : vector<16xf32> to vector<1x16xf32>
      tpu.vector_store %arg4[%swap3A_1008, %swap3A_1009], %swap3A_1012 {strides = array<i32>} : memref<8x4000xf32, #tpu.memory_space<vmem>>, vector<1x16xf32>,
      %swap3A_1013 = arith.constant 3 : i32
      %swap3A_1014 = arith.index_cast %swap3A_1013 : i32 to index
      %swap3A_1015 = arith.index_cast %mul3A_956 : i32 to index
      %swap3A_1016 = tpu.vector_load %arg4[%swap3A_1014, %swap3A_1015] {strides = array<i32>} : memref<8x4000xf32, #tpu.memory_space<vmem>>, vector<1x16xf32>,
      %swap3A_1017 = vector.shape_cast %swap3A_1016 : vector<1x16xf32> to vector<16xf32>
      %swap3A_1018 = vector.shape_cast %get3A_975 : vector<16xf32> to vector<1x16xf32>
      tpu.vector_store %arg4[%swap3A_1014, %swap3A_1015], %swap3A_1018 {strides = array<i32>} : memref<8x4000xf32, #tpu.memory_space<vmem>>, vector<1x16xf32>,
      %swap3A_1019 = arith.constant 4 : i32
      %swap3A_1020 = arith.index_cast %swap3A_1019 : i32 to index
      %swap3A_1021 = arith.index_cast %mul3A_956 : i32 to index
      %swap3A_1022 = tpu.vector_load %arg4[%swap3A_1020, %swap3A_1021] {strides = array<i32>} : memref<8x4000xf32, #tpu.memory_space<vmem>>, vector<1x16xf32>,
      %swap3A_1023 = vector.shape_cast %swap3A_1022 : vector<1x16xf32> to vector<16xf32>
      %swap3A_1024 = vector.shape_cast %get3A_980 : vector<16xf32> to vector<1x16xf32>
      tpu.vector_store %arg4[%swap3A_1020, %swap3A_1021], %swap3A_1024 {strides = array<i32>} : memref<8x4000xf32, #tpu.memory_space<vmem>>, vector<1x16xf32>,
      %swap3A_1025 = arith.constant 5 : i32
      %swap3A_1026 = arith.index_cast %swap3A_1025 : i32 to index
      %swap3A_1027 = arith.index_cast %mul3A_956 : i32 to index
      %swap3A_1028 = tpu.vector_load %arg4[%swap3A_1026, %swap3A_1027] {strides = array<i32>} : memref<8x4000xf32, #tpu.memory_space<vmem>>, vector<1x16xf32>,
      %swap3A_1029 = vector.shape_cast %swap3A_1028 : vector<1x16xf32> to vector<16xf32>
      %swap3A_1030 = vector.shape_cast %get3A_985 : vector<16xf32> to vector<1x16xf32>
      tpu.vector_store %arg4[%swap3A_1026, %swap3A_1027], %swap3A_1030 {strides = array<i32>} : memref<8x4000xf32, #tpu.memory_space<vmem>>, vector<1x16xf32>,
      %swap3A_1031 = arith.constant 6 : i32
      %swap3A_1032 = arith.index_cast %swap3A_1031 : i32 to index
      %swap3A_1033 = arith.index_cast %mul3A_956 : i32 to index
      %swap3A_1034 = tpu.vector_load %arg4[%swap3A_1032, %swap3A_1033] {strides = array<i32>} : memref<8x4000xf32, #tpu.memory_space<vmem>>, vector<1x16xf32>,
      %swap3A_1035 = vector.shape_cast %swap3A_1034 : vector<1x16xf32> to vector<16xf32>
      %swap3A_1036 = vector.shape_cast %get3A_990 : vector<16xf32> to vector<1x16xf32>
      tpu.vector_store %arg4[%swap3A_1032, %swap3A_1033], %swap3A_1036 {strides = array<i32>} : memref<8x4000xf32, #tpu.memory_space<vmem>>, vector<1x16xf32>,
      %swap3A_1037 = arith.constant 7 : i32
      %swap3A_1038 = arith.index_cast %swap3A_1037 : i32 to index
      %swap3A_1039 = arith.index_cast %mul3A_956 : i32 to index
      %swap3A_1040 = tpu.vector_load %arg4[%swap3A_1038, %swap3A_1039] {strides = array<i32>} : memref<8x4000xf32, #tpu.memory_space<vmem>>, vector<1x16xf32>,
      %swap3A_1041 = vector.shape_cast %swap3A_1040 : vector<1x16xf32> to vector<16xf32>
      %swap3A_1042 = vector.shape_cast %get3A_995 : vector<16xf32> to vector<1x16xf32>
      tpu.vector_store %arg4[%swap3A_1038, %swap3A_1039], %swap3A_1042 {strides = array<i32>} : memref<8x4000xf32, #tpu.memory_space<vmem>>, vector<1x16xf32>,
    }
    %scan3A_107 = arith.constant 250 : i32
    %add3A_108 = arith.constant 24 : i32
    %add3A_109 = arith.addi %mul3A_2, %add3A_108 : i32
    %dma_start3A_110 = arith.constant 0 : i32
    %dma_start3A_111 = tpu.memref_slice %arg3[%add3A_109, %dma_start3A_110] : memref<8192x4000xf32, #tpu.memory_space<hbm>> -> memref<8x4000xf32, #tpu.memory_space<hbm>>
    %dma_start3A_112 = arith.constant 0 : i32
    %dma_start3A_113 = tpu.memref_slice %arg3[%add3A_109, %dma_start3A_112] : memref<8192x4000xf32, #tpu.memory_space<hbm>> -> memref<8x4000xf32, #tpu.memory_space<hbm>>
    tpu.enqueue_dma source(%arg4 : memref<8x4000xf32, #tpu.memory_space<vmem>>) target(%dma_start3A_113 : memref<8x4000xf32, #tpu.memory_space<hbm>>) target_semaphore(%arg8 : memref<!tpu.dma_semaphore, #tpu.memory_space<semaphore_mem>>)
    %add3A_114 = arith.constant 16 : i32
    %add3A_115 = arith.addi %mul3A_2, %add3A_114 : i32
    %dma_wait3A_116 = arith.constant 0 : i32
    %dma_wait3A_117 = tpu.memref_slice %arg3[%add3A_115, %dma_wait3A_116] : memref<8192x4000xf32, #tpu.memory_space<hbm>> -> memref<8x4000xf32, #tpu.memory_space<hbm>>
    %dma_wait3A_118 = arith.constant 0 : i32
    %dma_wait3A_119 = tpu.memref_slice %arg3[%add3A_115, %dma_wait3A_118] : memref<8192x4000xf32, #tpu.memory_space<hbm>> -> memref<8x4000xf32, #tpu.memory_space<hbm>>
    tpu.wait_dma2 semaphore(%arg8 : memref<!tpu.dma_semaphore, #tpu.memory_space<semaphore_mem>>) src(%arg6 : memref<8x4000xf32, #tpu.memory_space<vmem>>) dst(%dma_wait3A_119 : memref<8x4000xf32, #tpu.memory_space<hbm>>)
    %add3A_120 = arith.constant 40 : i32
    %add3A_121 = arith.addi %mul3A_2, %add3A_120 : i32
    %dma_start3A_122 = arith.constant 0 : i32
    %dma_start3A_123 = tpu.memref_slice %arg2[%add3A_121, %dma_start3A_122] : memref<8192x4000xf32, #tpu.memory_space<hbm>> -> memref<8x4000xf32, #tpu.memory_space<hbm>>
    %dma_start3A_124 = arith.constant 0 : i32
    %dma_start3A_125 = tpu.memref_slice %arg2[%add3A_121, %dma_start3A_124] : memref<8192x4000xf32, #tpu.memory_space<hbm>> -> memref<8x4000xf32, #tpu.memory_space<hbm>>
    tpu.enqueue_dma source(%dma_start3A_125 : memref<8x4000xf32, #tpu.memory_space<hbm>>) target(%arg6 : memref<8x4000xf32, #tpu.memory_space<vmem>>) target_semaphore(%arg7 : memref<!tpu.dma_semaphore, #tpu.memory_space<semaphore_mem>>)
    %add3A_126 = arith.constant 32 : i32
    %add3A_127 = arith.addi %mul3A_2, %add3A_126 : i32
    %dma_wait3A_128 = arith.constant 0 : i32
    %dma_wait3A_129 = tpu.memref_slice %arg2[%add3A_127, %dma_wait3A_128] : memref<8192x4000xf32, #tpu.memory_space<hbm>> -> memref<8x4000xf32, #tpu.memory_space<hbm>>
    %dma_wait3A_130 = arith.constant 0 : i32
    %dma_wait3A_131 = tpu.memref_slice %arg2[%add3A_127, %dma_wait3A_130] : memref<8192x4000xf32, #tpu.memory_space<hbm>> -> memref<8x4000xf32, #tpu.memory_space<hbm>>
    tpu.wait_dma2 semaphore(%arg7 : memref<!tpu.dma_semaphore, #tpu.memory_space<semaphore_mem>>) src(%dma_wait3A_131 : memref<8x4000xf32, #tpu.memory_space<hbm>>) dst(%arg5 : memref<8x4000xf32, #tpu.memory_space<vmem>>)
    %scan3A_132 = arith.constant 0 : i32
    %scan3A_133 = arith.constant 0 : i32
    %scan3A_134 = arith.constant 250 : i32
    %scan3A_135 = arith.addi %scan3A_133, %scan3A_134 : i32
    %scan3A_136 = arith.constant 1 : i32
    scf.for %scan3A_954 = %scan3A_133 to %scan3A_135 step %scan3A_136  : i32 {
      %mul3A_955 = arith.constant 16 : i32
      %mul3A_956 = arith.muli %scan3A_954, %mul3A_955 : i32
      %get3A = arith.constant 6 : i32
      %get3A_957 = arith.index_cast %get3A : i32 to index
      %get3A_958 = arith.index_cast %mul3A_956 : i32 to index
      %get3A_959 = tpu.vector_load %arg5[%get3A_957, %get3A_958] {strides = array<i32>} : memref<8x4000xf32, #tpu.memory_space<vmem>>, vector<1x16xf32>,
      %get3A_960 = vector.shape_cast %get3A_959 : vector<1x16xf32> to vector<16xf32>
      %get3A_961 = arith.constant 5 : i32
      %get3A_962 = arith.index_cast %get3A_961 : i32 to index
      %get3A_963 = arith.index_cast %mul3A_956 : i32 to index
      %get3A_964 = tpu.vector_load %arg5[%get3A_962, %get3A_963] {strides = array<i32>} : memref<8x4000xf32, #tpu.memory_space<vmem>>, vector<1x16xf32>,
      %get3A_965 = vector.shape_cast %get3A_964 : vector<1x16xf32> to vector<16xf32>
      %get3A_966 = arith.constant 1 : i32
      %get3A_967 = arith.index_cast %get3A_966 : i32 to index
      %get3A_968 = arith.index_cast %mul3A_956 : i32 to index
      %get3A_969 = tpu.vector_load %arg5[%get3A_967, %get3A_968] {strides = array<i32>} : memref<8x4000xf32, #tpu.memory_space<vmem>>, vector<1x16xf32>,
      %get3A_970 = vector.shape_cast %get3A_969 : vector<1x16xf32> to vector<16xf32>
      %get3A_971 = arith.constant 3 : i32
      %get3A_972 = arith.index_cast %get3A_971 : i32 to index
      %get3A_973 = arith.index_cast %mul3A_956 : i32 to index
      %get3A_974 = tpu.vector_load %arg5[%get3A_972, %get3A_973] {strides = array<i32>} : memref<8x4000xf32, #tpu.memory_space<vmem>>, vector<1x16xf32>,
      %get3A_975 = vector.shape_cast %get3A_974 : vector<1x16xf32> to vector<16xf32>
      %get3A_976 = arith.constant 2 : i32
      %get3A_977 = arith.index_cast %get3A_976 : i32 to index
      %get3A_978 = arith.index_cast %mul3A_956 : i32 to index
      %get3A_979 = tpu.vector_load %arg5[%get3A_977, %get3A_978] {strides = array<i32>} : memref<8x4000xf32, #tpu.memory_space<vmem>>, vector<1x16xf32>,
      %get3A_980 = vector.shape_cast %get3A_979 : vector<1x16xf32> to vector<16xf32>
      %get3A_981 = arith.constant 7 : i32
      %get3A_982 = arith.index_cast %get3A_981 : i32 to index
      %get3A_983 = arith.index_cast %mul3A_956 : i32 to index
      %get3A_984 = tpu.vector_load %arg5[%get3A_982, %get3A_983] {strides = array<i32>} : memref<8x4000xf32, #tpu.memory_space<vmem>>, vector<1x16xf32>,
      %get3A_985 = vector.shape_cast %get3A_984 : vector<1x16xf32> to vector<16xf32>
      %get3A_986 = arith.constant 4 : i32
      %get3A_987 = arith.index_cast %get3A_986 : i32 to index
      %get3A_988 = arith.index_cast %mul3A_956 : i32 to index
      %get3A_989 = tpu.vector_load %arg5[%get3A_987, %get3A_988] {strides = array<i32>} : memref<8x4000xf32, #tpu.memory_space<vmem>>, vector<1x16xf32>,
      %get3A_990 = vector.shape_cast %get3A_989 : vector<1x16xf32> to vector<16xf32>
      %get3A_991 = arith.constant 0 : i32
      %get3A_992 = arith.index_cast %get3A_991 : i32 to index
      %get3A_993 = arith.index_cast %mul3A_956 : i32 to index
      %get3A_994 = tpu.vector_load %arg5[%get3A_992, %get3A_993] {strides = array<i32>} : memref<8x4000xf32, #tpu.memory_space<vmem>>, vector<1x16xf32>,
      %get3A_995 = vector.shape_cast %get3A_994 : vector<1x16xf32> to vector<16xf32>
      %swap3A = arith.constant 0 : i32
      %swap3A_996 = arith.index_cast %swap3A : i32 to index
      %swap3A_997 = arith.index_cast %mul3A_956 : i32 to index
      %swap3A_998 = tpu.vector_load %arg5[%swap3A_996, %swap3A_997] {strides = array<i32>} : memref<8x4000xf32, #tpu.memory_space<vmem>>, vector<1x16xf32>,
      %swap3A_999 = vector.shape_cast %swap3A_998 : vector<1x16xf32> to vector<16xf32>
      %swap3A_1000 = vector.shape_cast %get3A_960 : vector<16xf32> to vector<1x16xf32>
      tpu.vector_store %arg5[%swap3A_996, %swap3A_997], %swap3A_1000 {strides = array<i32>} : memref<8x4000xf32, #tpu.memory_space<vmem>>, vector<1x16xf32>,
      %swap3A_1001 = arith.constant 1 : i32
      %swap3A_1002 = arith.index_cast %swap3A_1001 : i32 to index
      %swap3A_1003 = arith.index_cast %mul3A_956 : i32 to index
      %swap3A_1004 = tpu.vector_load %arg5[%swap3A_1002, %swap3A_1003] {strides = array<i32>} : memref<8x4000xf32, #tpu.memory_space<vmem>>, vector<1x16xf32>,
      %swap3A_1005 = vector.shape_cast %swap3A_1004 : vector<1x16xf32> to vector<16xf32>
      %swap3A_1006 = vector.shape_cast %get3A_965 : vector<16xf32> to vector<1x16xf32>
      tpu.vector_store %arg5[%swap3A_1002, %swap3A_1003], %swap3A_1006 {strides = array<i32>} : memref<8x4000xf32, #tpu.memory_space<vmem>>, vector<1x16xf32>,
      %swap3A_1007 = arith.constant 2 : i32
      %swap3A_1008 = arith.index_cast %swap3A_1007 : i32 to index
      %swap3A_1009 = arith.index_cast %mul3A_956 : i32 to index
      %swap3A_1010 = tpu.vector_load %arg5[%swap3A_1008, %swap3A_1009] {strides = array<i32>} : memref<8x4000xf32, #tpu.memory_space<vmem>>, vector<1x16xf32>,
      %swap3A_1011 = vector.shape_cast %swap3A_1010 : vector<1x16xf32> to vector<16xf32>
      %swap3A_1012 = vector.shape_cast %get3A_970 : vector<16xf32> to vector<1x16xf32>
      tpu.vector_store %arg5[%swap3A_1008, %swap3A_1009], %swap3A_1012 {strides = array<i32>} : memref<8x4000xf32, #tpu.memory_space<vmem>>, vector<1x16xf32>,
      %swap3A_1013 = arith.constant 3 : i32
      %swap3A_1014 = arith.index_cast %swap3A_1013 : i32 to index
      %swap3A_1015 = arith.index_cast %mul3A_956 : i32 to index
      %swap3A_1016 = tpu.vector_load %arg5[%swap3A_1014, %swap3A_1015] {strides = array<i32>} : memref<8x4000xf32, #tpu.memory_space<vmem>>, vector<1x16xf32>,
      %swap3A_1017 = vector.shape_cast %swap3A_1016 : vector<1x16xf32> to vector<16xf32>
      %swap3A_1018 = vector.shape_cast %get3A_975 : vector<16xf32> to vector<1x16xf32>
      tpu.vector_store %arg5[%swap3A_1014, %swap3A_1015], %swap3A_1018 {strides = array<i32>} : memref<8x4000xf32, #tpu.memory_space<vmem>>, vector<1x16xf32>,
      %swap3A_1019 = arith.constant 4 : i32
      %swap3A_1020 = arith.index_cast %swap3A_1019 : i32 to index
      %swap3A_1021 = arith.index_cast %mul3A_956 : i32 to index
      %swap3A_1022 = tpu.vector_load %arg5[%swap3A_1020, %swap3A_1021] {strides = array<i32>} : memref<8x4000xf32, #tpu.memory_space<vmem>>, vector<1x16xf32>,
      %swap3A_1023 = vector.shape_cast %swap3A_1022 : vector<1x16xf32> to vector<16xf32>
      %swap3A_1024 = vector.shape_cast %get3A_980 : vector<16xf32> to vector<1x16xf32>
      tpu.vector_store %arg5[%swap3A_1020, %swap3A_1021], %swap3A_1024 {strides = array<i32>} : memref<8x4000xf32, #tpu.memory_space<vmem>>, vector<1x16xf32>,
      %swap3A_1025 = arith.constant 5 : i32
      %swap3A_1026 = arith.index_cast %swap3A_1025 : i32 to index
      %swap3A_1027 = arith.index_cast %mul3A_956 : i32 to index
      %swap3A_1028 = tpu.vector_load %arg5[%swap3A_1026, %swap3A_1027] {strides = array<i32>} : memref<8x4000xf32, #tpu.memory_space<vmem>>, vector<1x16xf32>,
      %swap3A_1029 = vector.shape_cast %swap3A_1028 : vector<1x16xf32> to vector<16xf32>
      %swap3A_1030 = vector.shape_cast %get3A_985 : vector<16xf32> to vector<1x16xf32>
      tpu.vector_store %arg5[%swap3A_1026, %swap3A_1027], %swap3A_1030 {strides = array<i32>} : memref<8x4000xf32, #tpu.memory_space<vmem>>, vector<1x16xf32>,
      %swap3A_1031 = arith.constant 6 : i32
      %swap3A_1032 = arith.index_cast %swap3A_1031 : i32 to index
      %swap3A_1033 = arith.index_cast %mul3A_956 : i32 to index
      %swap3A_1034 = tpu.vector_load %arg5[%swap3A_1032, %swap3A_1033] {strides = array<i32>} : memref<8x4000xf32, #tpu.memory_space<vmem>>, vector<1x16xf32>,
      %swap3A_1035 = vector.shape_cast %swap3A_1034 : vector<1x16xf32> to vector<16xf32>
      %swap3A_1036 = vector.shape_cast %get3A_990 : vector<16xf32> to vector<1x16xf32>
      tpu.vector_store %arg5[%swap3A_1032, %swap3A_1033], %swap3A_1036 {strides = array<i32>} : memref<8x4000xf32, #tpu.memory_space<vmem>>, vector<1x16xf32>,
      %swap3A_1037 = arith.constant 7 : i32
      %swap3A_1038 = arith.index_cast %swap3A_1037 : i32 to index
      %swap3A_1039 = arith.index_cast %mul3A_956 : i32 to index
      %swap3A_1040 = tpu.vector_load %arg5[%swap3A_1038, %swap3A_1039] {strides = array<i32>} : memref<8x4000xf32, #tpu.memory_space<vmem>>, vector<1x16xf32>,
      %swap3A_1041 = vector.shape_cast %swap3A_1040 : vector<1x16xf32> to vector<16xf32>
      %swap3A_1042 = vector.shape_cast %get3A_995 : vector<16xf32> to vector<1x16xf32>
      tpu.vector_store %arg5[%swap3A_1038, %swap3A_1039], %swap3A_1042 {strides = array<i32>} : memref<8x4000xf32, #tpu.memory_space<vmem>>, vector<1x16xf32>,
    }
    %scan3A_137 = arith.constant 250 : i32
    %add3A_138 = arith.constant 32 : i32
    %add3A_139 = arith.addi %mul3A_2, %add3A_138 : i32
    %dma_start3A_140 = arith.constant 0 : i32
    %dma_start3A_141 = tpu.memref_slice %arg3[%add3A_139, %dma_start3A_140] : memref<8192x4000xf32, #tpu.memory_space<hbm>> -> memref<8x4000xf32, #tpu.memory_space<hbm>>
    %dma_start3A_142 = arith.constant 0 : i32
    %dma_start3A_143 = tpu.memref_slice %arg3[%add3A_139, %dma_start3A_142] : memref<8192x4000xf32, #tpu.memory_space<hbm>> -> memref<8x4000xf32, #tpu.memory_space<hbm>>
    tpu.enqueue_dma source(%arg5 : memref<8x4000xf32, #tpu.memory_space<vmem>>) target(%dma_start3A_143 : memref<8x4000xf32, #tpu.memory_space<hbm>>) target_semaphore(%arg8 : memref<!tpu.dma_semaphore, #tpu.memory_space<semaphore_mem>>)
    %add3A_144 = arith.constant 24 : i32
    %add3A_145 = arith.addi %mul3A_2, %add3A_144 : i32
    %dma_wait3A_146 = arith.constant 0 : i32
    %dma_wait3A_147 = tpu.memref_slice %arg3[%add3A_145, %dma_wait3A_146] : memref<8192x4000xf32, #tpu.memory_space<hbm>> -> memref<8x4000xf32, #tpu.memory_space<hbm>>
    %dma_wait3A_148 = arith.constant 0 : i32
    %dma_wait3A_149 = tpu.memref_slice %arg3[%add3A_145, %dma_wait3A_148] : memref<8192x4000xf32, #tpu.memory_space<hbm>> -> memref<8x4000xf32, #tpu.memory_space<hbm>>
    tpu.wait_dma2 semaphore(%arg8 : memref<!tpu.dma_semaphore, #tpu.memory_space<semaphore_mem>>) src(%arg4 : memref<8x4000xf32, #tpu.memory_space<vmem>>) dst(%dma_wait3A_149 : memref<8x4000xf32, #tpu.memory_space<hbm>>)
    %add3A_150 = arith.constant 48 : i32
    %add3A_151 = arith.addi %mul3A_2, %add3A_150 : i32
    %dma_start3A_152 = arith.constant 0 : i32
    %dma_start3A_153 = tpu.memref_slice %arg2[%add3A_151, %dma_start3A_152] : memref<8192x4000xf32, #tpu.memory_space<hbm>> -> memref<8x4000xf32, #tpu.memory_space<hbm>>
    %dma_start3A_154 = arith.constant 0 : i32
    %dma_start3A_155 = tpu.memref_slice %arg2[%add3A_151, %dma_start3A_154] : memref<8192x4000xf32, #tpu.memory_space<hbm>> -> memref<8x4000xf32, #tpu.memory_space<hbm>>
    tpu.enqueue_dma source(%dma_start3A_155 : memref<8x4000xf32, #tpu.memory_space<hbm>>) target(%arg4 : memref<8x4000xf32, #tpu.memory_space<vmem>>) target_semaphore(%arg7 : memref<!tpu.dma_semaphore, #tpu.memory_space<semaphore_mem>>)
    %add3A_156 = arith.constant 40 : i32
    %add3A_157 = arith.addi %mul3A_2, %add3A_156 : i32
    %dma_wait3A_158 = arith.constant 0 : i32
    %dma_wait3A_159 = tpu.memref_slice %arg2[%add3A_157, %dma_wait3A_158] : memref<8192x4000xf32, #tpu.memory_space<hbm>> -> memref<8x4000xf32, #tpu.memory_space<hbm>>
    %dma_wait3A_160 = arith.constant 0 : i32
    %dma_wait3A_161 = tpu.memref_slice %arg2[%add3A_157, %dma_wait3A_160] : memref<8192x4000xf32, #tpu.memory_space<hbm>> -> memref<8x4000xf32, #tpu.memory_space<hbm>>
    tpu.wait_dma2 semaphore(%arg7 : memref<!tpu.dma_semaphore, #tpu.memory_space<semaphore_mem>>) src(%dma_wait3A_161 : memref<8x4000xf32, #tpu.memory_space<hbm>>) dst(%arg6 : memref<8x4000xf32, #tpu.memory_space<vmem>>)
    %scan3A_162 = arith.constant 0 : i32
    %scan3A_163 = arith.constant 0 : i32
    %scan3A_164 = arith.constant 250 : i32
    %scan3A_165 = arith.addi %scan3A_163, %scan3A_164 : i32
    %scan3A_166 = arith.constant 1 : i32
    scf.for %scan3A_954 = %scan3A_163 to %scan3A_165 step %scan3A_166  : i32 {
      %mul3A_955 = arith.constant 16 : i32
      %mul3A_956 = arith.muli %scan3A_954, %mul3A_955 : i32
      %get3A = arith.constant 3 : i32
      %get3A_957 = arith.index_cast %get3A : i32 to index
      %get3A_958 = arith.index_cast %mul3A_956 : i32 to index
      %get3A_959 = tpu.vector_load %arg6[%get3A_957, %get3A_958] {strides = array<i32>} : memref<8x4000xf32, #tpu.memory_space<vmem>>, vector<1x16xf32>,
      %get3A_960 = vector.shape_cast %get3A_959 : vector<1x16xf32> to vector<16xf32>
      %get3A_961 = arith.constant 1 : i32
      %get3A_962 = arith.index_cast %get3A_961 : i32 to index
      %get3A_963 = arith.index_cast %mul3A_956 : i32 to index
      %get3A_964 = tpu.vector_load %arg6[%get3A_962, %get3A_963] {strides = array<i32>} : memref<8x4000xf32, #tpu.memory_space<vmem>>, vector<1x16xf32>,
      %get3A_965 = vector.shape_cast %get3A_964 : vector<1x16xf32> to vector<16xf32>
      %get3A_966 = arith.constant 7 : i32
      %get3A_967 = arith.index_cast %get3A_966 : i32 to index
      %get3A_968 = arith.index_cast %mul3A_956 : i32 to index
      %get3A_969 = tpu.vector_load %arg6[%get3A_967, %get3A_968] {strides = array<i32>} : memref<8x4000xf32, #tpu.memory_space<vmem>>, vector<1x16xf32>,
      %get3A_970 = vector.shape_cast %get3A_969 : vector<1x16xf32> to vector<16xf32>
      %get3A_971 = arith.constant 2 : i32
      %get3A_972 = arith.index_cast %get3A_971 : i32 to index
      %get3A_973 = arith.index_cast %mul3A_956 : i32 to index
      %get3A_974 = tpu.vector_load %arg6[%get3A_972, %get3A_973] {strides = array<i32>} : memref<8x4000xf32, #tpu.memory_space<vmem>>, vector<1x16xf32>,
      %get3A_975 = vector.shape_cast %get3A_974 : vector<1x16xf32> to vector<16xf32>
      %get3A_976 = arith.constant 4 : i32
      %get3A_977 = arith.index_cast %get3A_976 : i32 to index
      %get3A_978 = arith.index_cast %mul3A_956 : i32 to index
      %get3A_979 = tpu.vector_load %arg6[%get3A_977, %get3A_978] {strides = array<i32>} : memref<8x4000xf32, #tpu.memory_space<vmem>>, vector<1x16xf32>,
      %get3A_980 = vector.shape_cast %get3A_979 : vector<1x16xf32> to vector<16xf32>
      %get3A_981 = arith.constant 0 : i32
      %get3A_982 = arith.index_cast %get3A_981 : i32 to index
      %get3A_983 = arith.index_cast %mul3A_956 : i32 to index
      %get3A_984 = tpu.vector_load %arg6[%get3A_982, %get3A_983] {strides = array<i32>} : memref<8x4000xf32, #tpu.memory_space<vmem>>, vector<1x16xf32>,
      %get3A_985 = vector.shape_cast %get3A_984 : vector<1x16xf32> to vector<16xf32>
      %get3A_986 = arith.constant 5 : i32
      %get3A_987 = arith.index_cast %get3A_986 : i32 to index
      %get3A_988 = arith.index_cast %mul3A_956 : i32 to index
      %get3A_989 = tpu.vector_load %arg6[%get3A_987, %get3A_988] {strides = array<i32>} : memref<8x4000xf32, #tpu.memory_space<vmem>>, vector<1x16xf32>,
      %get3A_990 = vector.shape_cast %get3A_989 : vector<1x16xf32> to vector<16xf32>
      %get3A_991 = arith.constant 6 : i32
      %get3A_992 = arith.index_cast %get3A_991 : i32 to index
      %get3A_993 = arith.index_cast %mul3A_956 : i32 to index
      %get3A_994 = tpu.vector_load %arg6[%get3A_992, %get3A_993] {strides = array<i32>} : memref<8x4000xf32, #tpu.memory_space<vmem>>, vector<1x16xf32>,
      %get3A_995 = vector.shape_cast %get3A_994 : vector<1x16xf32> to vector<16xf32>
      %swap3A = arith.constant 0 : i32
      %swap3A_996 = arith.index_cast %swap3A : i32 to index
      %swap3A_997 = arith.index_cast %mul3A_956 : i32 to index
      %swap3A_998 = tpu.vector_load %arg6[%swap3A_996, %swap3A_997] {strides = array<i32>} : memref<8x4000xf32, #tpu.memory_space<vmem>>, vector<1x16xf32>,
      %swap3A_999 = vector.shape_cast %swap3A_998 : vector<1x16xf32> to vector<16xf32>
      %swap3A_1000 = vector.shape_cast %get3A_960 : vector<16xf32> to vector<1x16xf32>
      tpu.vector_store %arg6[%swap3A_996, %swap3A_997], %swap3A_1000 {strides = array<i32>} : memref<8x4000xf32, #tpu.memory_space<vmem>>, vector<1x16xf32>,
      %swap3A_1001 = arith.constant 1 : i32
      %swap3A_1002 = arith.index_cast %swap3A_1001 : i32 to index
      %swap3A_1003 = arith.index_cast %mul3A_956 : i32 to index
      %swap3A_1004 = tpu.vector_load %arg6[%swap3A_1002, %swap3A_1003] {strides = array<i32>} : memref<8x4000xf32, #tpu.memory_space<vmem>>, vector<1x16xf32>,
      %swap3A_1005 = vector.shape_cast %swap3A_1004 : vector<1x16xf32> to vector<16xf32>
      %swap3A_1006 = vector.shape_cast %get3A_965 : vector<16xf32> to vector<1x16xf32>
      tpu.vector_store %arg6[%swap3A_1002, %swap3A_1003], %swap3A_1006 {strides = array<i32>} : memref<8x4000xf32, #tpu.memory_space<vmem>>, vector<1x16xf32>,
      %swap3A_1007 = arith.constant 2 : i32
      %swap3A_1008 = arith.index_cast %swap3A_1007 : i32 to index
      %swap3A_1009 = arith.index_cast %mul3A_956 : i32 to index
      %swap3A_1010 = tpu.vector_load %arg6[%swap3A_1008, %swap3A_1009] {strides = array<i32>} : memref<8x4000xf32, #tpu.memory_space<vmem>>, vector<1x16xf32>,
      %swap3A_1011 = vector.shape_cast %swap3A_1010 : vector<1x16xf32> to vector<16xf32>
      %swap3A_1012 = vector.shape_cast %get3A_970 : vector<16xf32> to vector<1x16xf32>
      tpu.vector_store %arg6[%swap3A_1008, %swap3A_1009], %swap3A_1012 {strides = array<i32>} : memref<8x4000xf32, #tpu.memory_space<vmem>>, vector<1x16xf32>,
      %swap3A_1013 = arith.constant 3 : i32
      %swap3A_1014 = arith.index_cast %swap3A_1013 : i32 to index
      %swap3A_1015 = arith.index_cast %mul3A_956 : i32 to index
      %swap3A_1016 = tpu.vector_load %arg6[%swap3A_1014, %swap3A_1015] {strides = array<i32>} : memref<8x4000xf32, #tpu.memory_space<vmem>>, vector<1x16xf32>,
      %swap3A_1017 = vector.shape_cast %swap3A_1016 : vector<1x16xf32> to vector<16xf32>
      %swap3A_1018 = vector.shape_cast %get3A_975 : vector<16xf32> to vector<1x16xf32>
      tpu.vector_store %arg6[%swap3A_1014, %swap3A_1015], %swap3A_1018 {strides = array<i32>} : memref<8x4000xf32, #tpu.memory_space<vmem>>, vector<1x16xf32>,
      %swap3A_1019 = arith.constant 4 : i32
      %swap3A_1020 = arith.index_cast %swap3A_1019 : i32 to index
      %swap3A_1021 = arith.index_cast %mul3A_956 : i32 to index
      %swap3A_1022 = tpu.vector_load %arg6[%swap3A_1020, %swap3A_1021] {strides = array<i32>} : memref<8x4000xf32, #tpu.memory_space<vmem>>, vector<1x16xf32>,
      %swap3A_1023 = vector.shape_cast %swap3A_1022 : vector<1x16xf32> to vector<16xf32>
      %swap3A_1024 = vector.shape_cast %get3A_980 : vector<16xf32> to vector<1x16xf32>
      tpu.vector_store %arg6[%swap3A_1020, %swap3A_1021], %swap3A_1024 {strides = array<i32>} : memref<8x4000xf32, #tpu.memory_space<vmem>>, vector<1x16xf32>,
      %swap3A_1025 = arith.constant 5 : i32
      %swap3A_1026 = arith.index_cast %swap3A_1025 : i32 to index
      %swap3A_1027 = arith.index_cast %mul3A_956 : i32 to index
      %swap3A_1028 = tpu.vector_load %arg6[%swap3A_1026, %swap3A_1027] {strides = array<i32>} : memref<8x4000xf32, #tpu.memory_space<vmem>>, vector<1x16xf32>,
      %swap3A_1029 = vector.shape_cast %swap3A_1028 : vector<1x16xf32> to vector<16xf32>
      %swap3A_1030 = vector.shape_cast %get3A_985 : vector<16xf32> to vector<1x16xf32>
      tpu.vector_store %arg6[%swap3A_1026, %swap3A_1027], %swap3A_1030 {strides = array<i32>} : memref<8x4000xf32, #tpu.memory_space<vmem>>, vector<1x16xf32>,
      %swap3A_1031 = arith.constant 6 : i32
      %swap3A_1032 = arith.index_cast %swap3A_1031 : i32 to index
      %swap3A_1033 = arith.index_cast %mul3A_956 : i32 to index
      %swap3A_1034 = tpu.vector_load %arg6[%swap3A_1032, %swap3A_1033] {strides = array<i32>} : memref<8x4000xf32, #tpu.memory_space<vmem>>, vector<1x16xf32>,
      %swap3A_1035 = vector.shape_cast %swap3A_1034 : vector<1x16xf32> to vector<16xf32>
      %swap3A_1036 = vector.shape_cast %get3A_990 : vector<16xf32> to vector<1x16xf32>
      tpu.vector_store %arg6[%swap3A_1032, %swap3A_1033], %swap3A_1036 {strides = array<i32>} : memref<8x4000xf32, #tpu.memory_space<vmem>>, vector<1x16xf32>,
      %swap3A_1037 = arith.constant 7 : i32
      %swap3A_1038 = arith.index_cast %swap3A_1037 : i32 to index
      %swap3A_1039 = arith.index_cast %mul3A_956 : i32 to index
      %swap3A_1040 = tpu.vector_load %arg6[%swap3A_1038, %swap3A_1039] {strides = array<i32>} : memref<8x4000xf32, #tpu.memory_space<vmem>>, vector<1x16xf32>,
      %swap3A_1041 = vector.shape_cast %swap3A_1040 : vector<1x16xf32> to vector<16xf32>
      %swap3A_1042 = vector.shape_cast %get3A_995 : vector<16xf32> to vector<1x16xf32>
      tpu.vector_store %arg6[%swap3A_1038, %swap3A_1039], %swap3A_1042 {strides = array<i32>} : memref<8x4000xf32, #tpu.memory_space<vmem>>, vector<1x16xf32>,
    }
    %scan3A_167 = arith.constant 250 : i32
    %add3A_168 = arith.constant 40 : i32
    %add3A_169 = arith.addi %mul3A_2, %add3A_168 : i32
    %dma_start3A_170 = arith.constant 0 : i32
    %dma_start3A_171 = tpu.memref_slice %arg3[%add3A_169, %dma_start3A_170] : memref<8192x4000xf32, #tpu.memory_space<hbm>> -> memref<8x4000xf32, #tpu.memory_space<hbm>>
    %dma_start3A_172 = arith.constant 0 : i32
    %dma_start3A_173 = tpu.memref_slice %arg3[%add3A_169, %dma_start3A_172] : memref<8192x4000xf32, #tpu.memory_space<hbm>> -> memref<8x4000xf32, #tpu.memory_space<hbm>>
    tpu.enqueue_dma source(%arg6 : memref<8x4000xf32, #tpu.memory_space<vmem>>) target(%dma_start3A_173 : memref<8x4000xf32, #tpu.memory_space<hbm>>) target_semaphore(%arg8 : memref<!tpu.dma_semaphore, #tpu.memory_space<semaphore_mem>>)
    %add3A_174 = arith.constant 32 : i32
    %add3A_175 = arith.addi %mul3A_2, %add3A_174 : i32
    %dma_wait3A_176 = arith.constant 0 : i32
    %dma_wait3A_177 = tpu.memref_slice %arg3[%add3A_175, %dma_wait3A_176] : memref<8192x4000xf32, #tpu.memory_space<hbm>> -> memref<8x4000xf32, #tpu.memory_space<hbm>>
    %dma_wait3A_178 = arith.constant 0 : i32
    %dma_wait3A_179 = tpu.memref_slice %arg3[%add3A_175, %dma_wait3A_178] : memref<8192x4000xf32, #tpu.memory_space<hbm>> -> memref<8x4000xf32, #tpu.memory_space<hbm>>
    tpu.wait_dma2 semaphore(%arg8 : memref<!tpu.dma_semaphore, #tpu.memory_space<semaphore_mem>>) src(%arg5 : memref<8x4000xf32, #tpu.memory_space<vmem>>) dst(%dma_wait3A_179 : memref<8x4000xf32, #tpu.memory_space<hbm>>)
    %add3A_180 = arith.constant 56 : i32
    %add3A_181 = arith.addi %mul3A_2, %add3A_180 : i32
    %dma_start3A_182 = arith.constant 0 : i32
    %dma_start3A_183 = tpu.memref_slice %arg2[%add3A_181, %dma_start3A_182] : memref<8192x4000xf32, #tpu.memory_space<hbm>> -> memref<8x4000xf32, #tpu.memory_space<hbm>>
    %dma_start3A_184 = arith.constant 0 : i32
    %dma_start3A_185 = tpu.memref_slice %arg2[%add3A_181, %dma_start3A_184] : memref<8192x4000xf32, #tpu.memory_space<hbm>> -> memref<8x4000xf32, #tpu.memory_space<hbm>>
    tpu.enqueue_dma source(%dma_start3A_185 : memref<8x4000xf32, #tpu.memory_space<hbm>>) target(%arg5 : memref<8x4000xf32, #tpu.memory_space<vmem>>) target_semaphore(%arg7 : memref<!tpu.dma_semaphore, #tpu.memory_space<semaphore_mem>>)
    %add3A_186 = arith.constant 48 : i32
    %add3A_187 = arith.addi %mul3A_2, %add3A_186 : i32
    %dma_wait3A_188 = arith.constant 0 : i32
    %dma_wait3A_189 = tpu.memref_slice %arg2[%add3A_187, %dma_wait3A_188] : memref<8192x4000xf32, #tpu.memory_space<hbm>> -> memref<8x4000xf32, #tpu.memory_space<hbm>>
    %dma_wait3A_190 = arith.constant 0 : i32
    %dma_wait3A_191 = tpu.memref_slice %arg2[%add3A_187, %dma_wait3A_190] : memref<8192x4000xf32, #tpu.memory_space<hbm>> -> memref<8x4000xf32, #tpu.memory_space<hbm>>
    tpu.wait_dma2 semaphore(%arg7 : memref<!tpu.dma_semaphore, #tpu.memory_space<semaphore_mem>>) src(%dma_wait3A_191 : memref<8x4000xf32, #tpu.memory_space<hbm>>) dst(%arg4 : memref<8x4000xf32, #tpu.memory_space<vmem>>)
    %scan3A_192 = arith.constant 0 : i32
    %scan3A_193 = arith.constant 0 : i32
    %scan3A_194 = arith.constant 250 : i32
    %scan3A_195 = arith.addi %scan3A_193, %scan3A_194 : i32
    %scan3A_196 = arith.constant 1 : i32
    scf.for %scan3A_954 = %scan3A_193 to %scan3A_195 step %scan3A_196  : i32 {
      %mul3A_955 = arith.constant 16 : i32
      %mul3A_956 = arith.muli %scan3A_954, %mul3A_955 : i32
      %get3A = arith.constant 1 : i32
      %get3A_957 = arith.index_cast %get3A : i32 to index
      %get3A_958 = arith.index_cast %mul3A_956 : i32 to index
      %get3A_959 = tpu.vector_load %arg4[%get3A_957, %get3A_958] {strides = array<i32>} : memref<8x4000xf32, #tpu.memory_space<vmem>>, vector<1x16xf32>,
      %get3A_960 = vector.shape_cast %get3A_959 : vector<1x16xf32> to vector<16xf32>
      %get3A_961 = arith.constant 7 : i32
      %get3A_962 = arith.index_cast %get3A_961 : i32 to index
      %get3A_963 = arith.index_cast %mul3A_956 : i32 to index
      %get3A_964 = tpu.vector_load %arg4[%get3A_962, %get3A_963] {strides = array<i32>} : memref<8x4000xf32, #tpu.memory_space<vmem>>, vector<1x16xf32>,
      %get3A_965 = vector.shape_cast %get3A_964 : vector<1x16xf32> to vector<16xf32>
      %get3A_966 = arith.constant 6 : i32
      %get3A_967 = arith.index_cast %get3A_966 : i32 to index
      %get3A_968 = arith.index_cast %mul3A_956 : i32 to index
      %get3A_969 = tpu.vector_load %arg4[%get3A_967, %get3A_968] {strides = array<i32>} : memref<8x4000xf32, #tpu.memory_space<vmem>>, vector<1x16xf32>,
      %get3A_970 = vector.shape_cast %get3A_969 : vector<1x16xf32> to vector<16xf32>
      %get3A_971 = arith.constant 0 : i32
      %get3A_972 = arith.index_cast %get3A_971 : i32 to index
      %get3A_973 = arith.index_cast %mul3A_956 : i32 to index
      %get3A_974 = tpu.vector_load %arg4[%get3A_972, %get3A_973] {strides = array<i32>} : memref<8x4000xf32, #tpu.memory_space<vmem>>, vector<1x16xf32>,
      %get3A_975 = vector.shape_cast %get3A_974 : vector<1x16xf32> to vector<16xf32>
      %get3A_976 = arith.constant 5 : i32
      %get3A_977 = arith.index_cast %get3A_976 : i32 to index
      %get3A_978 = arith.index_cast %mul3A_956 : i32 to index
      %get3A_979 = tpu.vector_load %arg4[%get3A_977, %get3A_978] {strides = array<i32>} : memref<8x4000xf32, #tpu.memory_space<vmem>>, vector<1x16xf32>,
      %get3A_980 = vector.shape_cast %get3A_979 : vector<1x16xf32> to vector<16xf32>
      %get3A_981 = arith.constant 3 : i32
      %get3A_982 = arith.index_cast %get3A_981 : i32 to index
      %get3A_983 = arith.index_cast %mul3A_956 : i32 to index
      %get3A_984 = tpu.vector_load %arg4[%get3A_982, %get3A_983] {strides = array<i32>} : memref<8x4000xf32, #tpu.memory_space<vmem>>, vector<1x16xf32>,
      %get3A_985 = vector.shape_cast %get3A_984 : vector<1x16xf32> to vector<16xf32>
      %get3A_986 = arith.constant 4 : i32
      %get3A_987 = arith.index_cast %get3A_986 : i32 to index
      %get3A_988 = arith.index_cast %mul3A_956 : i32 to index
      %get3A_989 = tpu.vector_load %arg4[%get3A_987, %get3A_988] {strides = array<i32>} : memref<8x4000xf32, #tpu.memory_space<vmem>>, vector<1x16xf32>,
      %get3A_990 = vector.shape_cast %get3A_989 : vector<1x16xf32> to vector<16xf32>
      %get3A_991 = arith.constant 2 : i32
      %get3A_992 = arith.index_cast %get3A_991 : i32 to index
      %get3A_993 = arith.index_cast %mul3A_956 : i32 to index
      %get3A_994 = tpu.vector_load %arg4[%get3A_992, %get3A_993] {strides = array<i32>} : memref<8x4000xf32, #tpu.memory_space<vmem>>, vector<1x16xf32>,
      %get3A_995 = vector.shape_cast %get3A_994 : vector<1x16xf32> to vector<16xf32>
      %swap3A = arith.constant 0 : i32
      %swap3A_996 = arith.index_cast %swap3A : i32 to index
      %swap3A_997 = arith.index_cast %mul3A_956 : i32 to index
      %swap3A_998 = tpu.vector_load %arg4[%swap3A_996, %swap3A_997] {strides = array<i32>} : memref<8x4000xf32, #tpu.memory_space<vmem>>, vector<1x16xf32>,
      %swap3A_999 = vector.shape_cast %swap3A_998 : vector<1x16xf32> to vector<16xf32>
      %swap3A_1000 = vector.shape_cast %get3A_960 : vector<16xf32> to vector<1x16xf32>
      tpu.vector_store %arg4[%swap3A_996, %swap3A_997], %swap3A_1000 {strides = array<i32>} : memref<8x4000xf32, #tpu.memory_space<vmem>>, vector<1x16xf32>,
      %swap3A_1001 = arith.constant 1 : i32
      %swap3A_1002 = arith.index_cast %swap3A_1001 : i32 to index
      %swap3A_1003 = arith.index_cast %mul3A_956 : i32 to index
      %swap3A_1004 = tpu.vector_load %arg4[%swap3A_1002, %swap3A_1003] {strides = array<i32>} : memref<8x4000xf32, #tpu.memory_space<vmem>>, vector<1x16xf32>,
      %swap3A_1005 = vector.shape_cast %swap3A_1004 : vector<1x16xf32> to vector<16xf32>
      %swap3A_1006 = vector.shape_cast %get3A_965 : vector<16xf32> to vector<1x16xf32>
      tpu.vector_store %arg4[%swap3A_1002, %swap3A_1003], %swap3A_1006 {strides = array<i32>} : memref<8x4000xf32, #tpu.memory_space<vmem>>, vector<1x16xf32>,
      %swap3A_1007 = arith.constant 2 : i32
      %swap3A_1008 = arith.index_cast %swap3A_1007 : i32 to index
      %swap3A_1009 = arith.index_cast %mul3A_956 : i32 to index
      %swap3A_1010 = tpu.vector_load %arg4[%swap3A_1008, %swap3A_1009] {strides = array<i32>} : memref<8x4000xf32, #tpu.memory_space<vmem>>, vector<1x16xf32>,
      %swap3A_1011 = vector.shape_cast %swap3A_1010 : vector<1x16xf32> to vector<16xf32>
      %swap3A_1012 = vector.shape_cast %get3A_970 : vector<16xf32> to vector<1x16xf32>
      tpu.vector_store %arg4[%swap3A_1008, %swap3A_1009], %swap3A_1012 {strides = array<i32>} : memref<8x4000xf32, #tpu.memory_space<vmem>>, vector<1x16xf32>,
      %swap3A_1013 = arith.constant 3 : i32
      %swap3A_1014 = arith.index_cast %swap3A_1013 : i32 to index
      %swap3A_1015 = arith.index_cast %mul3A_956 : i32 to index
      %swap3A_1016 = tpu.vector_load %arg4[%swap3A_1014, %swap3A_1015] {strides = array<i32>} : memref<8x4000xf32, #tpu.memory_space<vmem>>, vector<1x16xf32>,
      %swap3A_1017 = vector.shape_cast %swap3A_1016 : vector<1x16xf32> to vector<16xf32>
      %swap3A_1018 = vector.shape_cast %get3A_975 : vector<16xf32> to vector<1x16xf32>
      tpu.vector_store %arg4[%swap3A_1014, %swap3A_1015], %swap3A_1018 {strides = array<i32>} : memref<8x4000xf32, #tpu.memory_space<vmem>>, vector<1x16xf32>,
      %swap3A_1019 = arith.constant 4 : i32
      %swap3A_1020 = arith.index_cast %swap3A_1019 : i32 to index
      %swap3A_1021 = arith.index_cast %mul3A_956 : i32 to index
      %swap3A_1022 = tpu.vector_load %arg4[%swap3A_1020, %swap3A_1021] {strides = array<i32>} : memref<8x4000xf32, #tpu.memory_space<vmem>>, vector<1x16xf32>,
      %swap3A_1023 = vector.shape_cast %swap3A_1022 : vector<1x16xf32> to vector<16xf32>
      %swap3A_1024 = vector.shape_cast %get3A_980 : vector<16xf32> to vector<1x16xf32>
      tpu.vector_store %arg4[%swap3A_1020, %swap3A_1021], %swap3A_1024 {strides = array<i32>} : memref<8x4000xf32, #tpu.memory_space<vmem>>, vector<1x16xf32>,
      %swap3A_1025 = arith.constant 5 : i32
      %swap3A_1026 = arith.index_cast %swap3A_1025 : i32 to index
      %swap3A_1027 = arith.index_cast %mul3A_956 : i32 to index
      %swap3A_1028 = tpu.vector_load %arg4[%swap3A_1026, %swap3A_1027] {strides = array<i32>} : memref<8x4000xf32, #tpu.memory_space<vmem>>, vector<1x16xf32>,
      %swap3A_1029 = vector.shape_cast %swap3A_1028 : vector<1x16xf32> to vector<16xf32>
      %swap3A_1030 = vector.shape_cast %get3A_985 : vector<16xf32> to vector<1x16xf32>
      tpu.vector_store %arg4[%swap3A_1026, %swap3A_1027], %swap3A_1030 {strides = array<i32>} : memref<8x4000xf32, #tpu.memory_space<vmem>>, vector<1x16xf32>,
      %swap3A_1031 = arith.constant 6 : i32
      %swap3A_1032 = arith.index_cast %swap3A_1031 : i32 to index
      %swap3A_1033 = arith.index_cast %mul3A_956 : i32 to index
      %swap3A_1034 = tpu.vector_load %arg4[%swap3A_1032, %swap3A_1033] {strides = array<i32>} : memref<8x4000xf32, #tpu.memory_space<vmem>>, vector<1x16xf32>,
      %swap3A_1035 = vector.shape_cast %swap3A_1034 : vector<1x16xf32> to vector<16xf32>
      %swap3A_1036 = vector.shape_cast %get3A_990 : vector<16xf32> to vector<1x16xf32>
      tpu.vector_store %arg4[%swap3A_1032, %swap3A_1033], %swap3A_1036 {strides = array<i32>} : memref<8x4000xf32, #tpu.memory_space<vmem>>, vector<1x16xf32>,
      %swap3A_1037 = arith.constant 7 : i32
      %swap3A_1038 = arith.index_cast %swap3A_1037 : i32 to index
      %swap3A_1039 = arith.index_cast %mul3A_956 : i32 to index
      %swap3A_1040 = tpu.vector_load %arg4[%swap3A_1038, %swap3A_1039] {strides = array<i32>} : memref<8x4000xf32, #tpu.memory_space<vmem>>, vector<1x16xf32>,
      %swap3A_1041 = vector.shape_cast %swap3A_1040 : vector<1x16xf32> to vector<16xf32>
      %swap3A_1042 = vector.shape_cast %get3A_995 : vector<16xf32> to vector<1x16xf32>
      tpu.vector_store %arg4[%swap3A_1038, %swap3A_1039], %swap3A_1042 {strides = array<i32>} : memref<8x4000xf32, #tpu.memory_space<vmem>>, vector<1x16xf32>,
    }
    %scan3A_197 = arith.constant 250 : i32
    %add3A_198 = arith.constant 48 : i32
    %add3A_199 = arith.addi %mul3A_2, %add3A_198 : i32
    %dma_start3A_200 = arith.constant 0 : i32
    %dma_start3A_201 = tpu.memref_slice %arg3[%add3A_199, %dma_start3A_200] : memref<8192x4000xf32, #tpu.memory_space<hbm>> -> memref<8x4000xf32, #tpu.memory_space<hbm>>
    %dma_start3A_202 = arith.constant 0 : i32
    %dma_start3A_203 = tpu.memref_slice %arg3[%add3A_199, %dma_start3A_202] : memref<8192x4000xf32, #tpu.memory_space<hbm>> -> memref<8x4000xf32, #tpu.memory_space<hbm>>
    tpu.enqueue_dma source(%arg4 : memref<8x4000xf32, #tpu.memory_space<vmem>>) target(%dma_start3A_203 : memref<8x4000xf32, #tpu.memory_space<hbm>>) target_semaphore(%arg8 : memref<!tpu.dma_semaphore, #tpu.memory_space<semaphore_mem>>)
    %add3A_204 = arith.constant 40 : i32
    %add3A_205 = arith.addi %mul3A_2, %add3A_204 : i32
    %dma_wait3A_206 = arith.constant 0 : i32
    %dma_wait3A_207 = tpu.memref_slice %arg3[%add3A_205, %dma_wait3A_206] : memref<8192x4000xf32, #tpu.memory_space<hbm>> -> memref<8x4000xf32, #tpu.memory_space<hbm>>
    %dma_wait3A_208 = arith.constant 0 : i32
    %dma_wait3A_209 = tpu.memref_slice %arg3[%add3A_205, %dma_wait3A_208] : memref<8192x4000xf32, #tpu.memory_space<hbm>> -> memref<8x4000xf32, #tpu.memory_space<hbm>>
    tpu.wait_dma2 semaphore(%arg8 : memref<!tpu.dma_semaphore, #tpu.memory_space<semaphore_mem>>) src(%arg6 : memref<8x4000xf32, #tpu.memory_space<vmem>>) dst(%dma_wait3A_209 : memref<8x4000xf32, #tpu.memory_space<hbm>>)
    %add3A_210 = arith.constant 64 : i32
    %add3A_211 = arith.addi %mul3A_2, %add3A_210 : i32
    %dma_start3A_212 = arith.constant 0 : i32
    %dma_start3A_213 = tpu.memref_slice %arg2[%add3A_211, %dma_start3A_212] : memref<8192x4000xf32, #tpu.memory_space<hbm>> -> memref<8x4000xf32, #tpu.memory_space<hbm>>
    %dma_start3A_214 = arith.constant 0 : i32
    %dma_start3A_215 = tpu.memref_slice %arg2[%add3A_211, %dma_start3A_214] : memref<8192x4000xf32, #tpu.memory_space<hbm>> -> memref<8x4000xf32, #tpu.memory_space<hbm>>
    tpu.enqueue_dma source(%dma_start3A_215 : memref<8x4000xf32, #tpu.memory_space<hbm>>) target(%arg6 : memref<8x4000xf32, #tpu.memory_space<vmem>>) target_semaphore(%arg7 : memref<!tpu.dma_semaphore, #tpu.memory_space<semaphore_mem>>)
    %add3A_216 = arith.constant 56 : i32
    %add3A_217 = arith.addi %mul3A_2, %add3A_216 : i32
    %dma_wait3A_218 = arith.constant 0 : i32
    %dma_wait3A_219 = tpu.memref_slice %arg2[%add3A_217, %dma_wait3A_218] : memref<8192x4000xf32, #tpu.memory_space<hbm>> -> memref<8x4000xf32, #tpu.memory_space<hbm>>
    %dma_wait3A_220 = arith.constant 0 : i32
    %dma_wait3A_221 = tpu.memref_slice %arg2[%add3A_217, %dma_wait3A_220] : memref<8192x4000xf32, #tpu.memory_space<hbm>> -> memref<8x4000xf32, #tpu.memory_space<hbm>>
    tpu.wait_dma2 semaphore(%arg7 : memref<!tpu.dma_semaphore, #tpu.memory_space<semaphore_mem>>) src(%dma_wait3A_221 : memref<8x4000xf32, #tpu.memory_space<hbm>>) dst(%arg5 : memref<8x4000xf32, #tpu.memory_space<vmem>>)
    %scan3A_222 = arith.constant 0 : i32
    %scan3A_223 = arith.constant 0 : i32
    %scan3A_224 = arith.constant 250 : i32
    %scan3A_225 = arith.addi %scan3A_223, %scan3A_224 : i32
    %scan3A_226 = arith.constant 1 : i32
    scf.for %scan3A_954 = %scan3A_223 to %scan3A_225 step %scan3A_226  : i32 {
      %mul3A_955 = arith.constant 16 : i32
      %mul3A_956 = arith.muli %scan3A_954, %mul3A_955 : i32
      %get3A = arith.constant 5 : i32
      %get3A_957 = arith.index_cast %get3A : i32 to index
      %get3A_958 = arith.index_cast %mul3A_956 : i32 to index
      %get3A_959 = tpu.vector_load %arg5[%get3A_957, %get3A_958] {strides = array<i32>} : memref<8x4000xf32, #tpu.memory_space<vmem>>, vector<1x16xf32>,
      %get3A_960 = vector.shape_cast %get3A_959 : vector<1x16xf32> to vector<16xf32>
      %get3A_961 = arith.constant 0 : i32
      %get3A_962 = arith.index_cast %get3A_961 : i32 to index
      %get3A_963 = arith.index_cast %mul3A_956 : i32 to index
      %get3A_964 = tpu.vector_load %arg5[%get3A_962, %get3A_963] {strides = array<i32>} : memref<8x4000xf32, #tpu.memory_space<vmem>>, vector<1x16xf32>,
      %get3A_965 = vector.shape_cast %get3A_964 : vector<1x16xf32> to vector<16xf32>
      %get3A_966 = arith.constant 2 : i32
      %get3A_967 = arith.index_cast %get3A_966 : i32 to index
      %get3A_968 = arith.index_cast %mul3A_956 : i32 to index
      %get3A_969 = tpu.vector_load %arg5[%get3A_967, %get3A_968] {strides = array<i32>} : memref<8x4000xf32, #tpu.memory_space<vmem>>, vector<1x16xf32>,
      %get3A_970 = vector.shape_cast %get3A_969 : vector<1x16xf32> to vector<16xf32>
      %get3A_971 = arith.constant 7 : i32
      %get3A_972 = arith.index_cast %get3A_971 : i32 to index
      %get3A_973 = arith.index_cast %mul3A_956 : i32 to index
      %get3A_974 = tpu.vector_load %arg5[%get3A_972, %get3A_973] {strides = array<i32>} : memref<8x4000xf32, #tpu.memory_space<vmem>>, vector<1x16xf32>,
      %get3A_975 = vector.shape_cast %get3A_974 : vector<1x16xf32> to vector<16xf32>
      %get3A_976 = arith.constant 1 : i32
      %get3A_977 = arith.index_cast %get3A_976 : i32 to index
      %get3A_978 = arith.index_cast %mul3A_956 : i32 to index
      %get3A_979 = tpu.vector_load %arg5[%get3A_977, %get3A_978] {strides = array<i32>} : memref<8x4000xf32, #tpu.memory_space<vmem>>, vector<1x16xf32>,
      %get3A_980 = vector.shape_cast %get3A_979 : vector<1x16xf32> to vector<16xf32>
      %get3A_981 = arith.constant 3 : i32
      %get3A_982 = arith.index_cast %get3A_981 : i32 to index
      %get3A_983 = arith.index_cast %mul3A_956 : i32 to index
      %get3A_984 = tpu.vector_load %arg5[%get3A_982, %get3A_983] {strides = array<i32>} : memref<8x4000xf32, #tpu.memory_space<vmem>>, vector<1x16xf32>,
      %get3A_985 = vector.shape_cast %get3A_984 : vector<1x16xf32> to vector<16xf32>
      %get3A_986 = arith.constant 4 : i32
      %get3A_987 = arith.index_cast %get3A_986 : i32 to index
      %get3A_988 = arith.index_cast %mul3A_956 : i32 to index
      %get3A_989 = tpu.vector_load %arg5[%get3A_987, %get3A_988] {strides = array<i32>} : memref<8x4000xf32, #tpu.memory_space<vmem>>, vector<1x16xf32>,
      %get3A_990 = vector.shape_cast %get3A_989 : vector<1x16xf32> to vector<16xf32>
      %get3A_991 = arith.constant 6 : i32
      %get3A_992 = arith.index_cast %get3A_991 : i32 to index
      %get3A_993 = arith.index_cast %mul3A_956 : i32 to index
      %get3A_994 = tpu.vector_load %arg5[%get3A_992, %get3A_993] {strides = array<i32>} : memref<8x4000xf32, #tpu.memory_space<vmem>>, vector<1x16xf32>,
      %get3A_995 = vector.shape_cast %get3A_994 : vector<1x16xf32> to vector<16xf32>
      %swap3A = arith.constant 0 : i32
      %swap3A_996 = arith.index_cast %swap3A : i32 to index
      %swap3A_997 = arith.index_cast %mul3A_956 : i32 to index
      %swap3A_998 = tpu.vector_load %arg5[%swap3A_996, %swap3A_997] {strides = array<i32>} : memref<8x4000xf32, #tpu.memory_space<vmem>>, vector<1x16xf32>,
      %swap3A_999 = vector.shape_cast %swap3A_998 : vector<1x16xf32> to vector<16xf32>
      %swap3A_1000 = vector.shape_cast %get3A_960 : vector<16xf32> to vector<1x16xf32>
      tpu.vector_store %arg5[%swap3A_996, %swap3A_997], %swap3A_1000 {strides = array<i32>} : memref<8x4000xf32, #tpu.memory_space<vmem>>, vector<1x16xf32>,
      %swap3A_1001 = arith.constant 1 : i32
      %swap3A_1002 = arith.index_cast %swap3A_1001 : i32 to index
      %swap3A_1003 = arith.index_cast %mul3A_956 : i32 to index
      %swap3A_1004 = tpu.vector_load %arg5[%swap3A_1002, %swap3A_1003] {strides = array<i32>} : memref<8x4000xf32, #tpu.memory_space<vmem>>, vector<1x16xf32>,
      %swap3A_1005 = vector.shape_cast %swap3A_1004 : vector<1x16xf32> to vector<16xf32>
      %swap3A_1006 = vector.shape_cast %get3A_965 : vector<16xf32> to vector<1x16xf32>
      tpu.vector_store %arg5[%swap3A_1002, %swap3A_1003], %swap3A_1006 {strides = array<i32>} : memref<8x4000xf32, #tpu.memory_space<vmem>>, vector<1x16xf32>,
      %swap3A_1007 = arith.constant 2 : i32
      %swap3A_1008 = arith.index_cast %swap3A_1007 : i32 to index
      %swap3A_1009 = arith.index_cast %mul3A_956 : i32 to index
      %swap3A_1010 = tpu.vector_load %arg5[%swap3A_1008, %swap3A_1009] {strides = array<i32>} : memref<8x4000xf32, #tpu.memory_space<vmem>>, vector<1x16xf32>,
      %swap3A_1011 = vector.shape_cast %swap3A_1010 : vector<1x16xf32> to vector<16xf32>
      %swap3A_1012 = vector.shape_cast %get3A_970 : vector<16xf32> to vector<1x16xf32>
      tpu.vector_store %arg5[%swap3A_1008, %swap3A_1009], %swap3A_1012 {strides = array<i32>} : memref<8x4000xf32, #tpu.memory_space<vmem>>, vector<1x16xf32>,
      %swap3A_1013 = arith.constant 3 : i32
      %swap3A_1014 = arith.index_cast %swap3A_1013 : i32 to index
      %swap3A_1015 = arith.index_cast %mul3A_956 : i32 to index
      %swap3A_1016 = tpu.vector_load %arg5[%swap3A_1014, %swap3A_1015] {strides = array<i32>} : memref<8x4000xf32, #tpu.memory_space<vmem>>, vector<1x16xf32>,
      %swap3A_1017 = vector.shape_cast %swap3A_1016 : vector<1x16xf32> to vector<16xf32>
      %swap3A_1018 = vector.shape_cast %get3A_975 : vector<16xf32> to vector<1x16xf32>
      tpu.vector_store %arg5[%swap3A_1014, %swap3A_1015], %swap3A_1018 {strides = array<i32>} : memref<8x4000xf32, #tpu.memory_space<vmem>>, vector<1x16xf32>,
      %swap3A_1019 = arith.constant 4 : i32
      %swap3A_1020 = arith.index_cast %swap3A_1019 : i32 to index
      %swap3A_1021 = arith.index_cast %mul3A_956 : i32 to index
      %swap3A_1022 = tpu.vector_load %arg5[%swap3A_1020, %swap3A_1021] {strides = array<i32>} : memref<8x4000xf32, #tpu.memory_space<vmem>>, vector<1x16xf32>,
      %swap3A_1023 = vector.shape_cast %swap3A_1022 : vector<1x16xf32> to vector<16xf32>
      %swap3A_1024 = vector.shape_cast %get3A_980 : vector<16xf32> to vector<1x16xf32>
      tpu.vector_store %arg5[%swap3A_1020, %swap3A_1021], %swap3A_1024 {strides = array<i32>} : memref<8x4000xf32, #tpu.memory_space<vmem>>, vector<1x16xf32>,
      %swap3A_1025 = arith.constant 5 : i32
      %swap3A_1026 = arith.index_cast %swap3A_1025 : i32 to index
      %swap3A_1027 = arith.index_cast %mul3A_956 : i32 to index
      %swap3A_1028 = tpu.vector_load %arg5[%swap3A_1026, %swap3A_1027] {strides = array<i32>} : memref<8x4000xf32, #tpu.memory_space<vmem>>, vector<1x16xf32>,
      %swap3A_1029 = vector.shape_cast %swap3A_1028 : vector<1x16xf32> to vector<16xf32>
      %swap3A_1030 = vector.shape_cast %get3A_985 : vector<16xf32> to vector<1x16xf32>
      tpu.vector_store %arg5[%swap3A_1026, %swap3A_1027], %swap3A_1030 {strides = array<i32>} : memref<8x4000xf32, #tpu.memory_space<vmem>>, vector<1x16xf32>,
      %swap3A_1031 = arith.constant 6 : i32
      %swap3A_1032 = arith.index_cast %swap3A_1031 : i32 to index
      %swap3A_1033 = arith.index_cast %mul3A_956 : i32 to index
      %swap3A_1034 = tpu.vector_load %arg5[%swap3A_1032, %swap3A_1033] {strides = array<i32>} : memref<8x4000xf32, #tpu.memory_space<vmem>>, vector<1x16xf32>,
      %swap3A_1035 = vector.shape_cast %swap3A_1034 : vector<1x16xf32> to vector<16xf32>
      %swap3A_1036 = vector.shape_cast %get3A_990 : vector<16xf32> to vector<1x16xf32>
      tpu.vector_store %arg5[%swap3A_1032, %swap3A_1033], %swap3A_1036 {strides = array<i32>} : memref<8x4000xf32, #tpu.memory_space<vmem>>, vector<1x16xf32>,
      %swap3A_1037 = arith.constant 7 : i32
      %swap3A_1038 = arith.index_cast %swap3A_1037 : i32 to index
      %swap3A_1039 = arith.index_cast %mul3A_956 : i32 to index
      %swap3A_1040 = tpu.vector_load %arg5[%swap3A_1038, %swap3A_1039] {strides = array<i32>} : memref<8x4000xf32, #tpu.memory_space<vmem>>, vector<1x16xf32>,
      %swap3A_1041 = vector.shape_cast %swap3A_1040 : vector<1x16xf32> to vector<16xf32>
      %swap3A_1042 = vector.shape_cast %get3A_995 : vector<16xf32> to vector<1x16xf32>
      tpu.vector_store %arg5[%swap3A_1038, %swap3A_1039], %swap3A_1042 {strides = array<i32>} : memref<8x4000xf32, #tpu.memory_space<vmem>>, vector<1x16xf32>,
    }
    %scan3A_227 = arith.constant 250 : i32
    %add3A_228 = arith.constant 56 : i32
    %add3A_229 = arith.addi %mul3A_2, %add3A_228 : i32
    %dma_start3A_230 = arith.constant 0 : i32
    %dma_start3A_231 = tpu.memref_slice %arg3[%add3A_229, %dma_start3A_230] : memref<8192x4000xf32, #tpu.memory_space<hbm>> -> memref<8x4000xf32, #tpu.memory_space<hbm>>
    %dma_start3A_232 = arith.constant 0 : i32
    %dma_start3A_233 = tpu.memref_slice %arg3[%add3A_229, %dma_start3A_232] : memref<8192x4000xf32, #tpu.memory_space<hbm>> -> memref<8x4000xf32, #tpu.memory_space<hbm>>
    tpu.enqueue_dma source(%arg5 : memref<8x4000xf32, #tpu.memory_space<vmem>>) target(%dma_start3A_233 : memref<8x4000xf32, #tpu.memory_space<hbm>>) target_semaphore(%arg8 : memref<!tpu.dma_semaphore, #tpu.memory_space<semaphore_mem>>)
    %add3A_234 = arith.constant 48 : i32
    %add3A_235 = arith.addi %mul3A_2, %add3A_234 : i32
    %dma_wait3A_236 = arith.constant 0 : i32
    %dma_wait3A_237 = tpu.memref_slice %arg3[%add3A_235, %dma_wait3A_236] : memref<8192x4000xf32, #tpu.memory_space<hbm>> -> memref<8x4000xf32, #tpu.memory_space<hbm>>
    %dma_wait3A_238 = arith.constant 0 : i32
    %dma_wait3A_239 = tpu.memref_slice %arg3[%add3A_235, %dma_wait3A_238] : memref<8192x4000xf32, #tpu.memory_space<hbm>> -> memref<8x4000xf32, #tpu.memory_space<hbm>>
    tpu.wait_dma2 semaphore(%arg8 : memref<!tpu.dma_semaphore, #tpu.memory_space<semaphore_mem>>) src(%arg4 : memref<8x4000xf32, #tpu.memory_space<vmem>>) dst(%dma_wait3A_239 : memref<8x4000xf32, #tpu.memory_space<hbm>>)
    %add3A_240 = arith.constant 72 : i32
    %add3A_241 = arith.addi %mul3A_2, %add3A_240 : i32
    %dma_start3A_242 = arith.constant 0 : i32
    %dma_start3A_243 = tpu.memref_slice %arg2[%add3A_241, %dma_start3A_242] : memref<8192x4000xf32, #tpu.memory_space<hbm>> -> memref<8x4000xf32, #tpu.memory_space<hbm>>
    %dma_start3A_244 = arith.constant 0 : i32
    %dma_start3A_245 = tpu.memref_slice %arg2[%add3A_241, %dma_start3A_244] : memref<8192x4000xf32, #tpu.memory_space<hbm>> -> memref<8x4000xf32, #tpu.memory_space<hbm>>
    tpu.enqueue_dma source(%dma_start3A_245 : memref<8x4000xf32, #tpu.memory_space<hbm>>) target(%arg4 : memref<8x4000xf32, #tpu.memory_space<vmem>>) target_semaphore(%arg7 : memref<!tpu.dma_semaphore, #tpu.memory_space<semaphore_mem>>)
    %add3A_246 = arith.constant 64 : i32
    %add3A_247 = arith.addi %mul3A_2, %add3A_246 : i32
    %dma_wait3A_248 = arith.constant 0 : i32
    %dma_wait3A_249 = tpu.memref_slice %arg2[%add3A_247, %dma_wait3A_248] : memref<8192x4000xf32, #tpu.memory_space<hbm>> -> memref<8x4000xf32, #tpu.memory_space<hbm>>
    %dma_wait3A_250 = arith.constant 0 : i32
    %dma_wait3A_251 = tpu.memref_slice %arg2[%add3A_247, %dma_wait3A_250] : memref<8192x4000xf32, #tpu.memory_space<hbm>> -> memref<8x4000xf32, #tpu.memory_space<hbm>>
    tpu.wait_dma2 semaphore(%arg7 : memref<!tpu.dma_semaphore, #tpu.memory_space<semaphore_mem>>) src(%dma_wait3A_251 : memref<8x4000xf32, #tpu.memory_space<hbm>>) dst(%arg6 : memref<8x4000xf32, #tpu.memory_space<vmem>>)
    %scan3A_252 = arith.constant 0 : i32
    %scan3A_253 = arith.constant 0 : i32
    %scan3A_254 = arith.constant 250 : i32
    %scan3A_255 = arith.addi %scan3A_253, %scan3A_254 : i32
    %scan3A_256 = arith.constant 1 : i32
    scf.for %scan3A_954 = %scan3A_253 to %scan3A_255 step %scan3A_256  : i32 {
      %mul3A_955 = arith.constant 16 : i32
      %mul3A_956 = arith.muli %scan3A_954, %mul3A_955 : i32
      %get3A = arith.constant 1 : i32
      %get3A_957 = arith.index_cast %get3A : i32 to index
      %get3A_958 = arith.index_cast %mul3A_956 : i32 to index
      %get3A_959 = tpu.vector_load %arg6[%get3A_957, %get3A_958] {strides = array<i32>} : memref<8x4000xf32, #tpu.memory_space<vmem>>, vector<1x16xf32>,
      %get3A_960 = vector.shape_cast %get3A_959 : vector<1x16xf32> to vector<16xf32>
      %get3A_961 = arith.constant 3 : i32
      %get3A_962 = arith.index_cast %get3A_961 : i32 to index
      %get3A_963 = arith.index_cast %mul3A_956 : i32 to index
      %get3A_964 = tpu.vector_load %arg6[%get3A_962, %get3A_963] {strides = array<i32>} : memref<8x4000xf32, #tpu.memory_space<vmem>>, vector<1x16xf32>,
      %get3A_965 = vector.shape_cast %get3A_964 : vector<1x16xf32> to vector<16xf32>
      %get3A_966 = arith.constant 5 : i32
      %get3A_967 = arith.index_cast %get3A_966 : i32 to index
      %get3A_968 = arith.index_cast %mul3A_956 : i32 to index
      %get3A_969 = tpu.vector_load %arg6[%get3A_967, %get3A_968] {strides = array<i32>} : memref<8x4000xf32, #tpu.memory_space<vmem>>, vector<1x16xf32>,
      %get3A_970 = vector.shape_cast %get3A_969 : vector<1x16xf32> to vector<16xf32>
      %get3A_971 = arith.constant 0 : i32
      %get3A_972 = arith.index_cast %get3A_971 : i32 to index
      %get3A_973 = arith.index_cast %mul3A_956 : i32 to index
      %get3A_974 = tpu.vector_load %arg6[%get3A_972, %get3A_973] {strides = array<i32>} : memref<8x4000xf32, #tpu.memory_space<vmem>>, vector<1x16xf32>,
      %get3A_975 = vector.shape_cast %get3A_974 : vector<1x16xf32> to vector<16xf32>
      %get3A_976 = arith.constant 2 : i32
      %get3A_977 = arith.index_cast %get3A_976 : i32 to index
      %get3A_978 = arith.index_cast %mul3A_956 : i32 to index
      %get3A_979 = tpu.vector_load %arg6[%get3A_977, %get3A_978] {strides = array<i32>} : memref<8x4000xf32, #tpu.memory_space<vmem>>, vector<1x16xf32>,
      %get3A_980 = vector.shape_cast %get3A_979 : vector<1x16xf32> to vector<16xf32>
      %get3A_981 = arith.constant 6 : i32
      %get3A_982 = arith.index_cast %get3A_981 : i32 to index
      %get3A_983 = arith.index_cast %mul3A_956 : i32 to index
      %get3A_984 = tpu.vector_load %arg6[%get3A_982, %get3A_983] {strides = array<i32>} : memref<8x4000xf32, #tpu.memory_space<vmem>>, vector<1x16xf32>,
      %get3A_985 = vector.shape_cast %get3A_984 : vector<1x16xf32> to vector<16xf32>
      %get3A_986 = arith.constant 7 : i32
      %get3A_987 = arith.index_cast %get3A_986 : i32 to index
      %get3A_988 = arith.index_cast %mul3A_956 : i32 to index
      %get3A_989 = tpu.vector_load %arg6[%get3A_987, %get3A_988] {strides = array<i32>} : memref<8x4000xf32, #tpu.memory_space<vmem>>, vector<1x16xf32>,
      %get3A_990 = vector.shape_cast %get3A_989 : vector<1x16xf32> to vector<16xf32>
      %get3A_991 = arith.constant 4 : i32
      %get3A_992 = arith.index_cast %get3A_991 : i32 to index
      %get3A_993 = arith.index_cast %mul3A_956 : i32 to index
      %get3A_994 = tpu.vector_load %arg6[%get3A_992, %get3A_993] {strides = array<i32>} : memref<8x4000xf32, #tpu.memory_space<vmem>>, vector<1x16xf32>,
      %get3A_995 = vector.shape_cast %get3A_994 : vector<1x16xf32> to vector<16xf32>
      %swap3A = arith.constant 0 : i32
      %swap3A_996 = arith.index_cast %swap3A : i32 to index
      %swap3A_997 = arith.index_cast %mul3A_956 : i32 to index
      %swap3A_998 = tpu.vector_load %arg6[%swap3A_996, %swap3A_997] {strides = array<i32>} : memref<8x4000xf32, #tpu.memory_space<vmem>>, vector<1x16xf32>,
      %swap3A_999 = vector.shape_cast %swap3A_998 : vector<1x16xf32> to vector<16xf32>
      %swap3A_1000 = vector.shape_cast %get3A_960 : vector<16xf32> to vector<1x16xf32>
      tpu.vector_store %arg6[%swap3A_996, %swap3A_997], %swap3A_1000 {strides = array<i32>} : memref<8x4000xf32, #tpu.memory_space<vmem>>, vector<1x16xf32>,
      %swap3A_1001 = arith.constant 1 : i32
      %swap3A_1002 = arith.index_cast %swap3A_1001 : i32 to index
      %swap3A_1003 = arith.index_cast %mul3A_956 : i32 to index
      %swap3A_1004 = tpu.vector_load %arg6[%swap3A_1002, %swap3A_1003] {strides = array<i32>} : memref<8x4000xf32, #tpu.memory_space<vmem>>, vector<1x16xf32>,
      %swap3A_1005 = vector.shape_cast %swap3A_1004 : vector<1x16xf32> to vector<16xf32>
      %swap3A_1006 = vector.shape_cast %get3A_965 : vector<16xf32> to vector<1x16xf32>
      tpu.vector_store %arg6[%swap3A_1002, %swap3A_1003], %swap3A_1006 {strides = array<i32>} : memref<8x4000xf32, #tpu.memory_space<vmem>>, vector<1x16xf32>,
      %swap3A_1007 = arith.constant 2 : i32
      %swap3A_1008 = arith.index_cast %swap3A_1007 : i32 to index
      %swap3A_1009 = arith.index_cast %mul3A_956 : i32 to index
      %swap3A_1010 = tpu.vector_load %arg6[%swap3A_1008, %swap3A_1009] {strides = array<i32>} : memref<8x4000xf32, #tpu.memory_space<vmem>>, vector<1x16xf32>,
      %swap3A_1011 = vector.shape_cast %swap3A_1010 : vector<1x16xf32> to vector<16xf32>
      %swap3A_1012 = vector.shape_cast %get3A_970 : vector<16xf32> to vector<1x16xf32>
      tpu.vector_store %arg6[%swap3A_1008, %swap3A_1009], %swap3A_1012 {strides = array<i32>} : memref<8x4000xf32, #tpu.memory_space<vmem>>, vector<1x16xf32>,
      %swap3A_1013 = arith.constant 3 : i32
      %swap3A_1014 = arith.index_cast %swap3A_1013 : i32 to index
      %swap3A_1015 = arith.index_cast %mul3A_956 : i32 to index
      %swap3A_1016 = tpu.vector_load %arg6[%swap3A_1014, %swap3A_1015] {strides = array<i32>} : memref<8x4000xf32, #tpu.memory_space<vmem>>, vector<1x16xf32>,
      %swap3A_1017 = vector.shape_cast %swap3A_1016 : vector<1x16xf32> to vector<16xf32>
      %swap3A_1018 = vector.shape_cast %get3A_975 : vector<16xf32> to vector<1x16xf32>
      tpu.vector_store %arg6[%swap3A_1014, %swap3A_1015], %swap3A_1018 {strides = array<i32>} : memref<8x4000xf32, #tpu.memory_space<vmem>>, vector<1x16xf32>,
      %swap3A_1019 = arith.constant 4 : i32
      %swap3A_1020 = arith.index_cast %swap3A_1019 : i32 to index
      %swap3A_1021 = arith.index_cast %mul3A_956 : i32 to index
      %swap3A_1022 = tpu.vector_load %arg6[%swap3A_1020, %swap3A_1021] {strides = array<i32>} : memref<8x4000xf32, #tpu.memory_space<vmem>>, vector<1x16xf32>,
      %swap3A_1023 = vector.shape_cast %swap3A_1022 : vector<1x16xf32> to vector<16xf32>
      %swap3A_1024 = vector.shape_cast %get3A_980 : vector<16xf32> to vector<1x16xf32>
      tpu.vector_store %arg6[%swap3A_1020, %swap3A_1021], %swap3A_1024 {strides = array<i32>} : memref<8x4000xf32, #tpu.memory_space<vmem>>, vector<1x16xf32>,
      %swap3A_1025 = arith.constant 5 : i32
      %swap3A_1026 = arith.index_cast %swap3A_1025 : i32 to index
      %swap3A_1027 = arith.index_cast %mul3A_956 : i32 to index
      %swap3A_1028 = tpu.vector_load %arg6[%swap3A_1026, %swap3A_1027] {strides = array<i32>} : memref<8x4000xf32, #tpu.memory_space<vmem>>, vector<1x16xf32>,
      %swap3A_1029 = vector.shape_cast %swap3A_1028 : vector<1x16xf32> to vector<16xf32>
      %swap3A_1030 = vector.shape_cast %get3A_985 : vector<16xf32> to vector<1x16xf32>
      tpu.vector_store %arg6[%swap3A_1026, %swap3A_1027], %swap3A_1030 {strides = array<i32>} : memref<8x4000xf32, #tpu.memory_space<vmem>>, vector<1x16xf32>,
      %swap3A_1031 = arith.constant 6 : i32
      %swap3A_1032 = arith.index_cast %swap3A_1031 : i32 to index
      %swap3A_1033 = arith.index_cast %mul3A_956 : i32 to index
      %swap3A_1034 = tpu.vector_load %arg6[%swap3A_1032, %swap3A_1033] {strides = array<i32>} : memref<8x4000xf32, #tpu.memory_space<vmem>>, vector<1x16xf32>,
      %swap3A_1035 = vector.shape_cast %swap3A_1034 : vector<1x16xf32> to vector<16xf32>
      %swap3A_1036 = vector.shape_cast %get3A_990 : vector<16xf32> to vector<1x16xf32>
      tpu.vector_store %arg6[%swap3A_1032, %swap3A_1033], %swap3A_1036 {strides = array<i32>} : memref<8x4000xf32, #tpu.memory_space<vmem>>, vector<1x16xf32>,
      %swap3A_1037 = arith.constant 7 : i32
      %swap3A_1038 = arith.index_cast %swap3A_1037 : i32 to index
      %swap3A_1039 = arith.index_cast %mul3A_956 : i32 to index
      %swap3A_1040 = tpu.vector_load %arg6[%swap3A_1038, %swap3A_1039] {strides = array<i32>} : memref<8x4000xf32, #tpu.memory_space<vmem>>, vector<1x16xf32>,
      %swap3A_1041 = vector.shape_cast %swap3A_1040 : vector<1x16xf32> to vector<16xf32>
      %swap3A_1042 = vector.shape_cast %get3A_995 : vector<16xf32> to vector<1x16xf32>
      tpu.vector_store %arg6[%swap3A_1038, %swap3A_1039], %swap3A_1042 {strides = array<i32>} : memref<8x4000xf32, #tpu.memory_space<vmem>>, vector<1x16xf32>,
    }
    %scan3A_257 = arith.constant 250 : i32
    %add3A_258 = arith.constant 64 : i32
    %add3A_259 = arith.addi %mul3A_2, %add3A_258 : i32
    %dma_start3A_260 = arith.constant 0 : i32
    %dma_start3A_261 = tpu.memref_slice %arg3[%add3A_259, %dma_start3A_260] : memref<8192x4000xf32, #tpu.memory_space<hbm>> -> memref<8x4000xf32, #tpu.memory_space<hbm>>
    %dma_start3A_262 = arith.constant 0 : i32
    %dma_start3A_263 = tpu.memref_slice %arg3[%add3A_259, %dma_start3A_262] : memref<8192x4000xf32, #tpu.memory_space<hbm>> -> memref<8x4000xf32, #tpu.memory_space<hbm>>
    tpu.enqueue_dma source(%arg6 : memref<8x4000xf32, #tpu.memory_space<vmem>>) target(%dma_start3A_263 : memref<8x4000xf32, #tpu.memory_space<hbm>>) target_semaphore(%arg8 : memref<!tpu.dma_semaphore, #tpu.memory_space<semaphore_mem>>)
    %add3A_264 = arith.constant 56 : i32
    %add3A_265 = arith.addi %mul3A_2, %add3A_264 : i32
    %dma_wait3A_266 = arith.constant 0 : i32
    %dma_wait3A_267 = tpu.memref_slice %arg3[%add3A_265, %dma_wait3A_266] : memref<8192x4000xf32, #tpu.memory_space<hbm>> -> memref<8x4000xf32, #tpu.memory_space<hbm>>
    %dma_wait3A_268 = arith.constant 0 : i32
    %dma_wait3A_269 = tpu.memref_slice %arg3[%add3A_265, %dma_wait3A_268] : memref<8192x4000xf32, #tpu.memory_space<hbm>> -> memref<8x4000xf32, #tpu.memory_space<hbm>>
    tpu.wait_dma2 semaphore(%arg8 : memref<!tpu.dma_semaphore, #tpu.memory_space<semaphore_mem>>) src(%arg5 : memref<8x4000xf32, #tpu.memory_space<vmem>>) dst(%dma_wait3A_269 : memref<8x4000xf32, #tpu.memory_space<hbm>>)
    %add3A_270 = arith.constant 80 : i32
    %add3A_271 = arith.addi %mul3A_2, %add3A_270 : i32
    %dma_start3A_272 = arith.constant 0 : i32
    %dma_start3A_273 = tpu.memref_slice %arg2[%add3A_271, %dma_start3A_272] : memref<8192x4000xf32, #tpu.memory_space<hbm>> -> memref<8x4000xf32, #tpu.memory_space<hbm>>
    %dma_start3A_274 = arith.constant 0 : i32
    %dma_start3A_275 = tpu.memref_slice %arg2[%add3A_271, %dma_start3A_274] : memref<8192x4000xf32, #tpu.memory_space<hbm>> -> memref<8x4000xf32, #tpu.memory_space<hbm>>
    tpu.enqueue_dma source(%dma_start3A_275 : memref<8x4000xf32, #tpu.memory_space<hbm>>) target(%arg5 : memref<8x4000xf32, #tpu.memory_space<vmem>>) target_semaphore(%arg7 : memref<!tpu.dma_semaphore, #tpu.memory_space<semaphore_mem>>)
    %add3A_276 = arith.constant 72 : i32
    %add3A_277 = arith.addi %mul3A_2, %add3A_276 : i32
    %dma_wait3A_278 = arith.constant 0 : i32
    %dma_wait3A_279 = tpu.memref_slice %arg2[%add3A_277, %dma_wait3A_278] : memref<8192x4000xf32, #tpu.memory_space<hbm>> -> memref<8x4000xf32, #tpu.memory_space<hbm>>
    %dma_wait3A_280 = arith.constant 0 : i32
    %dma_wait3A_281 = tpu.memref_slice %arg2[%add3A_277, %dma_wait3A_280] : memref<8192x4000xf32, #tpu.memory_space<hbm>> -> memref<8x4000xf32, #tpu.memory_space<hbm>>
    tpu.wait_dma2 semaphore(%arg7 : memref<!tpu.dma_semaphore, #tpu.memory_space<semaphore_mem>>) src(%dma_wait3A_281 : memref<8x4000xf32, #tpu.memory_space<hbm>>) dst(%arg4 : memref<8x4000xf32, #tpu.memory_space<vmem>>)
    %scan3A_282 = arith.constant 0 : i32
    %scan3A_283 = arith.constant 0 : i32
    %scan3A_284 = arith.constant 250 : i32
    %scan3A_285 = arith.addi %scan3A_283, %scan3A_284 : i32
    %scan3A_286 = arith.constant 1 : i32
    scf.for %scan3A_954 = %scan3A_283 to %scan3A_285 step %scan3A_286  : i32 {
      %mul3A_955 = arith.constant 16 : i32
      %mul3A_956 = arith.muli %scan3A_954, %mul3A_955 : i32
      %get3A = arith.constant 2 : i32
      %get3A_957 = arith.index_cast %get3A : i32 to index
      %get3A_958 = arith.index_cast %mul3A_956 : i32 to index
      %get3A_959 = tpu.vector_load %arg4[%get3A_957, %get3A_958] {strides = array<i32>} : memref<8x4000xf32, #tpu.memory_space<vmem>>, vector<1x16xf32>,
      %get3A_960 = vector.shape_cast %get3A_959 : vector<1x16xf32> to vector<16xf32>
      %get3A_961 = arith.constant 0 : i32
      %get3A_962 = arith.index_cast %get3A_961 : i32 to index
      %get3A_963 = arith.index_cast %mul3A_956 : i32 to index
      %get3A_964 = tpu.vector_load %arg4[%get3A_962, %get3A_963] {strides = array<i32>} : memref<8x4000xf32, #tpu.memory_space<vmem>>, vector<1x16xf32>,
      %get3A_965 = vector.shape_cast %get3A_964 : vector<1x16xf32> to vector<16xf32>
      %get3A_966 = arith.constant 4 : i32
      %get3A_967 = arith.index_cast %get3A_966 : i32 to index
      %get3A_968 = arith.index_cast %mul3A_956 : i32 to index
      %get3A_969 = tpu.vector_load %arg4[%get3A_967, %get3A_968] {strides = array<i32>} : memref<8x4000xf32, #tpu.memory_space<vmem>>, vector<1x16xf32>,
      %get3A_970 = vector.shape_cast %get3A_969 : vector<1x16xf32> to vector<16xf32>
      %get3A_971 = arith.constant 5 : i32
      %get3A_972 = arith.index_cast %get3A_971 : i32 to index
      %get3A_973 = arith.index_cast %mul3A_956 : i32 to index
      %get3A_974 = tpu.vector_load %arg4[%get3A_972, %get3A_973] {strides = array<i32>} : memref<8x4000xf32, #tpu.memory_space<vmem>>, vector<1x16xf32>,
      %get3A_975 = vector.shape_cast %get3A_974 : vector<1x16xf32> to vector<16xf32>
      %get3A_976 = arith.constant 7 : i32
      %get3A_977 = arith.index_cast %get3A_976 : i32 to index
      %get3A_978 = arith.index_cast %mul3A_956 : i32 to index
      %get3A_979 = tpu.vector_load %arg4[%get3A_977, %get3A_978] {strides = array<i32>} : memref<8x4000xf32, #tpu.memory_space<vmem>>, vector<1x16xf32>,
      %get3A_980 = vector.shape_cast %get3A_979 : vector<1x16xf32> to vector<16xf32>
      %get3A_981 = arith.constant 6 : i32
      %get3A_982 = arith.index_cast %get3A_981 : i32 to index
      %get3A_983 = arith.index_cast %mul3A_956 : i32 to index
      %get3A_984 = tpu.vector_load %arg4[%get3A_982, %get3A_983] {strides = array<i32>} : memref<8x4000xf32, #tpu.memory_space<vmem>>, vector<1x16xf32>,
      %get3A_985 = vector.shape_cast %get3A_984 : vector<1x16xf32> to vector<16xf32>
      %get3A_986 = arith.constant 3 : i32
      %get3A_987 = arith.index_cast %get3A_986 : i32 to index
      %get3A_988 = arith.index_cast %mul3A_956 : i32 to index
      %get3A_989 = tpu.vector_load %arg4[%get3A_987, %get3A_988] {strides = array<i32>} : memref<8x4000xf32, #tpu.memory_space<vmem>>, vector<1x16xf32>,
      %get3A_990 = vector.shape_cast %get3A_989 : vector<1x16xf32> to vector<16xf32>
      %get3A_991 = arith.constant 1 : i32
      %get3A_992 = arith.index_cast %get3A_991 : i32 to index
      %get3A_993 = arith.index_cast %mul3A_956 : i32 to index
      %get3A_994 = tpu.vector_load %arg4[%get3A_992, %get3A_993] {strides = array<i32>} : memref<8x4000xf32, #tpu.memory_space<vmem>>, vector<1x16xf32>,
      %get3A_995 = vector.shape_cast %get3A_994 : vector<1x16xf32> to vector<16xf32>
      %swap3A = arith.constant 0 : i32
      %swap3A_996 = arith.index_cast %swap3A : i32 to index
      %swap3A_997 = arith.index_cast %mul3A_956 : i32 to index
      %swap3A_998 = tpu.vector_load %arg4[%swap3A_996, %swap3A_997] {strides = array<i32>} : memref<8x4000xf32, #tpu.memory_space<vmem>>, vector<1x16xf32>,
      %swap3A_999 = vector.shape_cast %swap3A_998 : vector<1x16xf32> to vector<16xf32>
      %swap3A_1000 = vector.shape_cast %get3A_960 : vector<16xf32> to vector<1x16xf32>
      tpu.vector_store %arg4[%swap3A_996, %swap3A_997], %swap3A_1000 {strides = array<i32>} : memref<8x4000xf32, #tpu.memory_space<vmem>>, vector<1x16xf32>,
      %swap3A_1001 = arith.constant 1 : i32
      %swap3A_1002 = arith.index_cast %swap3A_1001 : i32 to index
      %swap3A_1003 = arith.index_cast %mul3A_956 : i32 to index
      %swap3A_1004 = tpu.vector_load %arg4[%swap3A_1002, %swap3A_1003] {strides = array<i32>} : memref<8x4000xf32, #tpu.memory_space<vmem>>, vector<1x16xf32>,
      %swap3A_1005 = vector.shape_cast %swap3A_1004 : vector<1x16xf32> to vector<16xf32>
      %swap3A_1006 = vector.shape_cast %get3A_965 : vector<16xf32> to vector<1x16xf32>
      tpu.vector_store %arg4[%swap3A_1002, %swap3A_1003], %swap3A_1006 {strides = array<i32>} : memref<8x4000xf32, #tpu.memory_space<vmem>>, vector<1x16xf32>,
      %swap3A_1007 = arith.constant 2 : i32
      %swap3A_1008 = arith.index_cast %swap3A_1007 : i32 to index
      %swap3A_1009 = arith.index_cast %mul3A_956 : i32 to index
      %swap3A_1010 = tpu.vector_load %arg4[%swap3A_1008, %swap3A_1009] {strides = array<i32>} : memref<8x4000xf32, #tpu.memory_space<vmem>>, vector<1x16xf32>,
      %swap3A_1011 = vector.shape_cast %swap3A_1010 : vector<1x16xf32> to vector<16xf32>
      %swap3A_1012 = vector.shape_cast %get3A_970 : vector<16xf32> to vector<1x16xf32>
      tpu.vector_store %arg4[%swap3A_1008, %swap3A_1009], %swap3A_1012 {strides = array<i32>} : memref<8x4000xf32, #tpu.memory_space<vmem>>, vector<1x16xf32>,
      %swap3A_1013 = arith.constant 3 : i32
      %swap3A_1014 = arith.index_cast %swap3A_1013 : i32 to index
      %swap3A_1015 = arith.index_cast %mul3A_956 : i32 to index
      %swap3A_1016 = tpu.vector_load %arg4[%swap3A_1014, %swap3A_1015] {strides = array<i32>} : memref<8x4000xf32, #tpu.memory_space<vmem>>, vector<1x16xf32>,
      %swap3A_1017 = vector.shape_cast %swap3A_1016 : vector<1x16xf32> to vector<16xf32>
      %swap3A_1018 = vector.shape_cast %get3A_975 : vector<16xf32> to vector<1x16xf32>
      tpu.vector_store %arg4[%swap3A_1014, %swap3A_1015], %swap3A_1018 {strides = array<i32>} : memref<8x4000xf32, #tpu.memory_space<vmem>>, vector<1x16xf32>,
      %swap3A_1019 = arith.constant 4 : i32
      %swap3A_1020 = arith.index_cast %swap3A_1019 : i32 to index
      %swap3A_1021 = arith.index_cast %mul3A_956 : i32 to index
      %swap3A_1022 = tpu.vector_load %arg4[%swap3A_1020, %swap3A_1021] {strides = array<i32>} : memref<8x4000xf32, #tpu.memory_space<vmem>>, vector<1x16xf32>,
      %swap3A_1023 = vector.shape_cast %swap3A_1022 : vector<1x16xf32> to vector<16xf32>
      %swap3A_1024 = vector.shape_cast %get3A_980 : vector<16xf32> to vector<1x16xf32>
      tpu.vector_store %arg4[%swap3A_1020, %swap3A_1021], %swap3A_1024 {strides = array<i32>} : memref<8x4000xf32, #tpu.memory_space<vmem>>, vector<1x16xf32>,
      %swap3A_1025 = arith.constant 5 : i32
      %swap3A_1026 = arith.index_cast %swap3A_1025 : i32 to index
      %swap3A_1027 = arith.index_cast %mul3A_956 : i32 to index
      %swap3A_1028 = tpu.vector_load %arg4[%swap3A_1026, %swap3A_1027] {strides = array<i32>} : memref<8x4000xf32, #tpu.memory_space<vmem>>, vector<1x16xf32>,
      %swap3A_1029 = vector.shape_cast %swap3A_1028 : vector<1x16xf32> to vector<16xf32>
      %swap3A_1030 = vector.shape_cast %get3A_985 : vector<16xf32> to vector<1x16xf32>
      tpu.vector_store %arg4[%swap3A_1026, %swap3A_1027], %swap3A_1030 {strides = array<i32>} : memref<8x4000xf32, #tpu.memory_space<vmem>>, vector<1x16xf32>,
      %swap3A_1031 = arith.constant 6 : i32
      %swap3A_1032 = arith.index_cast %swap3A_1031 : i32 to index
      %swap3A_1033 = arith.index_cast %mul3A_956 : i32 to index
      %swap3A_1034 = tpu.vector_load %arg4[%swap3A_1032, %swap3A_1033] {strides = array<i32>} : memref<8x4000xf32, #tpu.memory_space<vmem>>, vector<1x16xf32>,
      %swap3A_1035 = vector.shape_cast %swap3A_1034 : vector<1x16xf32> to vector<16xf32>
      %swap3A_1036 = vector.shape_cast %get3A_990 : vector<16xf32> to vector<1x16xf32>
      tpu.vector_store %arg4[%swap3A_1032, %swap3A_1033], %swap3A_1036 {strides = array<i32>} : memref<8x4000xf32, #tpu.memory_space<vmem>>, vector<1x16xf32>,
      %swap3A_1037 = arith.constant 7 : i32
      %swap3A_1038 = arith.index_cast %swap3A_1037 : i32 to index
      %swap3A_1039 = arith.index_cast %mul3A_956 : i32 to index
      %swap3A_1040 = tpu.vector_load %arg4[%swap3A_1038, %swap3A_1039] {strides = array<i32>} : memref<8x4000xf32, #tpu.memory_space<vmem>>, vector<1x16xf32>,
      %swap3A_1041 = vector.shape_cast %swap3A_1040 : vector<1x16xf32> to vector<16xf32>
      %swap3A_1042 = vector.shape_cast %get3A_995 : vector<16xf32> to vector<1x16xf32>
      tpu.vector_store %arg4[%swap3A_1038, %swap3A_1039], %swap3A_1042 {strides = array<i32>} : memref<8x4000xf32, #tpu.memory_space<vmem>>, vector<1x16xf32>,
    }
    %scan3A_287 = arith.constant 250 : i32
    %add3A_288 = arith.constant 72 : i32
    %add3A_289 = arith.addi %mul3A_2, %add3A_288 : i32
    %dma_start3A_290 = arith.constant 0 : i32
    %dma_start3A_291 = tpu.memref_slice %arg3[%add3A_289, %dma_start3A_290] : memref<8192x4000xf32, #tpu.memory_space<hbm>> -> memref<8x4000xf32, #tpu.memory_space<hbm>>
    %dma_start3A_292 = arith.constant 0 : i32
    %dma_start3A_293 = tpu.memref_slice %arg3[%add3A_289, %dma_start3A_292] : memref<8192x4000xf32, #tpu.memory_space<hbm>> -> memref<8x4000xf32, #tpu.memory_space<hbm>>
    tpu.enqueue_dma source(%arg4 : memref<8x4000xf32, #tpu.memory_space<vmem>>) target(%dma_start3A_293 : memref<8x4000xf32, #tpu.memory_space<hbm>>) target_semaphore(%arg8 : memref<!tpu.dma_semaphore, #tpu.memory_space<semaphore_mem>>)
    %add3A_294 = arith.constant 64 : i32
    %add3A_295 = arith.addi %mul3A_2, %add3A_294 : i32
    %dma_wait3A_296 = arith.constant 0 : i32
    %dma_wait3A_297 = tpu.memref_slice %arg3[%add3A_295, %dma_wait3A_296] : memref<8192x4000xf32, #tpu.memory_space<hbm>> -> memref<8x4000xf32, #tpu.memory_space<hbm>>
    %dma_wait3A_298 = arith.constant 0 : i32
    %dma_wait3A_299 = tpu.memref_slice %arg3[%add3A_295, %dma_wait3A_298] : memref<8192x4000xf32, #tpu.memory_space<hbm>> -> memref<8x4000xf32, #tpu.memory_space<hbm>>
    tpu.wait_dma2 semaphore(%arg8 : memref<!tpu.dma_semaphore, #tpu.memory_space<semaphore_mem>>) src(%arg6 : memref<8x4000xf32, #tpu.memory_space<vmem>>) dst(%dma_wait3A_299 : memref<8x4000xf32, #tpu.memory_space<hbm>>)
    %add3A_300 = arith.constant 88 : i32
    %add3A_301 = arith.addi %mul3A_2, %add3A_300 : i32
    %dma_start3A_302 = arith.constant 0 : i32
    %dma_start3A_303 = tpu.memref_slice %arg2[%add3A_301, %dma_start3A_302] : memref<8192x4000xf32, #tpu.memory_space<hbm>> -> memref<8x4000xf32, #tpu.memory_space<hbm>>
    %dma_start3A_304 = arith.constant 0 : i32
    %dma_start3A_305 = tpu.memref_slice %arg2[%add3A_301, %dma_start3A_304] : memref<8192x4000xf32, #tpu.memory_space<hbm>> -> memref<8x4000xf32, #tpu.memory_space<hbm>>
    tpu.enqueue_dma source(%dma_start3A_305 : memref<8x4000xf32, #tpu.memory_space<hbm>>) target(%arg6 : memref<8x4000xf32, #tpu.memory_space<vmem>>) target_semaphore(%arg7 : memref<!tpu.dma_semaphore, #tpu.memory_space<semaphore_mem>>)
    %add3A_306 = arith.constant 80 : i32
    %add3A_307 = arith.addi %mul3A_2, %add3A_306 : i32
    %dma_wait3A_308 = arith.constant 0 : i32
    %dma_wait3A_309 = tpu.memref_slice %arg2[%add3A_307, %dma_wait3A_308] : memref<8192x4000xf32, #tpu.memory_space<hbm>> -> memref<8x4000xf32, #tpu.memory_space<hbm>>
    %dma_wait3A_310 = arith.constant 0 : i32
    %dma_wait3A_311 = tpu.memref_slice %arg2[%add3A_307, %dma_wait3A_310] : memref<8192x4000xf32, #tpu.memory_space<hbm>> -> memref<8x4000xf32, #tpu.memory_space<hbm>>
    tpu.wait_dma2 semaphore(%arg7 : memref<!tpu.dma_semaphore, #tpu.memory_space<semaphore_mem>>) src(%dma_wait3A_311 : memref<8x4000xf32, #tpu.memory_space<hbm>>) dst(%arg5 : memref<8x4000xf32, #tpu.memory_space<vmem>>)
    %scan3A_312 = arith.constant 0 : i32
    %scan3A_313 = arith.constant 0 : i32
    %scan3A_314 = arith.constant 250 : i32
    %scan3A_315 = arith.addi %scan3A_313, %scan3A_314 : i32
    %scan3A_316 = arith.constant 1 : i32
    scf.for %scan3A_954 = %scan3A_313 to %scan3A_315 step %scan3A_316  : i32 {
      %mul3A_955 = arith.constant 16 : i32
      %mul3A_956 = arith.muli %scan3A_954, %mul3A_955 : i32
      %get3A = arith.constant 5 : i32
      %get3A_957 = arith.index_cast %get3A : i32 to index
      %get3A_958 = arith.index_cast %mul3A_956 : i32 to index
      %get3A_959 = tpu.vector_load %arg5[%get3A_957, %get3A_958] {strides = array<i32>} : memref<8x4000xf32, #tpu.memory_space<vmem>>, vector<1x16xf32>,
      %get3A_960 = vector.shape_cast %get3A_959 : vector<1x16xf32> to vector<16xf32>
      %get3A_961 = arith.constant 7 : i32
      %get3A_962 = arith.index_cast %get3A_961 : i32 to index
      %get3A_963 = arith.index_cast %mul3A_956 : i32 to index
      %get3A_964 = tpu.vector_load %arg5[%get3A_962, %get3A_963] {strides = array<i32>} : memref<8x4000xf32, #tpu.memory_space<vmem>>, vector<1x16xf32>,
      %get3A_965 = vector.shape_cast %get3A_964 : vector<1x16xf32> to vector<16xf32>
      %get3A_966 = arith.constant 0 : i32
      %get3A_967 = arith.index_cast %get3A_966 : i32 to index
      %get3A_968 = arith.index_cast %mul3A_956 : i32 to index
      %get3A_969 = tpu.vector_load %arg5[%get3A_967, %get3A_968] {strides = array<i32>} : memref<8x4000xf32, #tpu.memory_space<vmem>>, vector<1x16xf32>,
      %get3A_970 = vector.shape_cast %get3A_969 : vector<1x16xf32> to vector<16xf32>
      %get3A_971 = arith.constant 1 : i32
      %get3A_972 = arith.index_cast %get3A_971 : i32 to index
      %get3A_973 = arith.index_cast %mul3A_956 : i32 to index
      %get3A_974 = tpu.vector_load %arg5[%get3A_972, %get3A_973] {strides = array<i32>} : memref<8x4000xf32, #tpu.memory_space<vmem>>, vector<1x16xf32>,
      %get3A_975 = vector.shape_cast %get3A_974 : vector<1x16xf32> to vector<16xf32>
      %get3A_976 = arith.constant 4 : i32
      %get3A_977 = arith.index_cast %get3A_976 : i32 to index
      %get3A_978 = arith.index_cast %mul3A_956 : i32 to index
      %get3A_979 = tpu.vector_load %arg5[%get3A_977, %get3A_978] {strides = array<i32>} : memref<8x4000xf32, #tpu.memory_space<vmem>>, vector<1x16xf32>,
      %get3A_980 = vector.shape_cast %get3A_979 : vector<1x16xf32> to vector<16xf32>
      %get3A_981 = arith.constant 2 : i32
      %get3A_982 = arith.index_cast %get3A_981 : i32 to index
      %get3A_983 = arith.index_cast %mul3A_956 : i32 to index
      %get3A_984 = tpu.vector_load %arg5[%get3A_982, %get3A_983] {strides = array<i32>} : memref<8x4000xf32, #tpu.memory_space<vmem>>, vector<1x16xf32>,
      %get3A_985 = vector.shape_cast %get3A_984 : vector<1x16xf32> to vector<16xf32>
      %get3A_986 = arith.constant 6 : i32
      %get3A_987 = arith.index_cast %get3A_986 : i32 to index
      %get3A_988 = arith.index_cast %mul3A_956 : i32 to index
      %get3A_989 = tpu.vector_load %arg5[%get3A_987, %get3A_988] {strides = array<i32>} : memref<8x4000xf32, #tpu.memory_space<vmem>>, vector<1x16xf32>,
      %get3A_990 = vector.shape_cast %get3A_989 : vector<1x16xf32> to vector<16xf32>
      %get3A_991 = arith.constant 3 : i32
      %get3A_992 = arith.index_cast %get3A_991 : i32 to index
      %get3A_993 = arith.index_cast %mul3A_956 : i32 to index
      %get3A_994 = tpu.vector_load %arg5[%get3A_992, %get3A_993] {strides = array<i32>} : memref<8x4000xf32, #tpu.memory_space<vmem>>, vector<1x16xf32>,
      %get3A_995 = vector.shape_cast %get3A_994 : vector<1x16xf32> to vector<16xf32>
      %swap3A = arith.constant 0 : i32
      %swap3A_996 = arith.index_cast %swap3A : i32 to index
      %swap3A_997 = arith.index_cast %mul3A_956 : i32 to index
      %swap3A_998 = tpu.vector_load %arg5[%swap3A_996, %swap3A_997] {strides = array<i32>} : memref<8x4000xf32, #tpu.memory_space<vmem>>, vector<1x16xf32>,
      %swap3A_999 = vector.shape_cast %swap3A_998 : vector<1x16xf32> to vector<16xf32>
      %swap3A_1000 = vector.shape_cast %get3A_960 : vector<16xf32> to vector<1x16xf32>
      tpu.vector_store %arg5[%swap3A_996, %swap3A_997], %swap3A_1000 {strides = array<i32>} : memref<8x4000xf32, #tpu.memory_space<vmem>>, vector<1x16xf32>,
      %swap3A_1001 = arith.constant 1 : i32
      %swap3A_1002 = arith.index_cast %swap3A_1001 : i32 to index
      %swap3A_1003 = arith.index_cast %mul3A_956 : i32 to index
      %swap3A_1004 = tpu.vector_load %arg5[%swap3A_1002, %swap3A_1003] {strides = array<i32>} : memref<8x4000xf32, #tpu.memory_space<vmem>>, vector<1x16xf32>,
      %swap3A_1005 = vector.shape_cast %swap3A_1004 : vector<1x16xf32> to vector<16xf32>
      %swap3A_1006 = vector.shape_cast %get3A_965 : vector<16xf32> to vector<1x16xf32>
      tpu.vector_store %arg5[%swap3A_1002, %swap3A_1003], %swap3A_1006 {strides = array<i32>} : memref<8x4000xf32, #tpu.memory_space<vmem>>, vector<1x16xf32>,
      %swap3A_1007 = arith.constant 2 : i32
      %swap3A_1008 = arith.index_cast %swap3A_1007 : i32 to index
      %swap3A_1009 = arith.index_cast %mul3A_956 : i32 to index
      %swap3A_1010 = tpu.vector_load %arg5[%swap3A_1008, %swap3A_1009] {strides = array<i32>} : memref<8x4000xf32, #tpu.memory_space<vmem>>, vector<1x16xf32>,
      %swap3A_1011 = vector.shape_cast %swap3A_1010 : vector<1x16xf32> to vector<16xf32>
      %swap3A_1012 = vector.shape_cast %get3A_970 : vector<16xf32> to vector<1x16xf32>
      tpu.vector_store %arg5[%swap3A_1008, %swap3A_1009], %swap3A_1012 {strides = array<i32>} : memref<8x4000xf32, #tpu.memory_space<vmem>>, vector<1x16xf32>,
      %swap3A_1013 = arith.constant 3 : i32
      %swap3A_1014 = arith.index_cast %swap3A_1013 : i32 to index
      %swap3A_1015 = arith.index_cast %mul3A_956 : i32 to index
      %swap3A_1016 = tpu.vector_load %arg5[%swap3A_1014, %swap3A_1015] {strides = array<i32>} : memref<8x4000xf32, #tpu.memory_space<vmem>>, vector<1x16xf32>,
      %swap3A_1017 = vector.shape_cast %swap3A_1016 : vector<1x16xf32> to vector<16xf32>
      %swap3A_1018 = vector.shape_cast %get3A_975 : vector<16xf32> to vector<1x16xf32>
      tpu.vector_store %arg5[%swap3A_1014, %swap3A_1015], %swap3A_1018 {strides = array<i32>} : memref<8x4000xf32, #tpu.memory_space<vmem>>, vector<1x16xf32>,
      %swap3A_1019 = arith.constant 4 : i32
      %swap3A_1020 = arith.index_cast %swap3A_1019 : i32 to index
      %swap3A_1021 = arith.index_cast %mul3A_956 : i32 to index
      %swap3A_1022 = tpu.vector_load %arg5[%swap3A_1020, %swap3A_1021] {strides = array<i32>} : memref<8x4000xf32, #tpu.memory_space<vmem>>, vector<1x16xf32>,
      %swap3A_1023 = vector.shape_cast %swap3A_1022 : vector<1x16xf32> to vector<16xf32>
      %swap3A_1024 = vector.shape_cast %get3A_980 : vector<16xf32> to vector<1x16xf32>
      tpu.vector_store %arg5[%swap3A_1020, %swap3A_1021], %swap3A_1024 {strides = array<i32>} : memref<8x4000xf32, #tpu.memory_space<vmem>>, vector<1x16xf32>,
      %swap3A_1025 = arith.constant 5 : i32
      %swap3A_1026 = arith.index_cast %swap3A_1025 : i32 to index
      %swap3A_1027 = arith.index_cast %mul3A_956 : i32 to index
      %swap3A_1028 = tpu.vector_load %arg5[%swap3A_1026, %swap3A_1027] {strides = array<i32>} : memref<8x4000xf32, #tpu.memory_space<vmem>>, vector<1x16xf32>,
      %swap3A_1029 = vector.shape_cast %swap3A_1028 : vector<1x16xf32> to vector<16xf32>
      %swap3A_1030 = vector.shape_cast %get3A_985 : vector<16xf32> to vector<1x16xf32>
      tpu.vector_store %arg5[%swap3A_1026, %swap3A_1027], %swap3A_1030 {strides = array<i32>} : memref<8x4000xf32, #tpu.memory_space<vmem>>, vector<1x16xf32>,
      %swap3A_1031 = arith.constant 6 : i32
      %swap3A_1032 = arith.index_cast %swap3A_1031 : i32 to index
      %swap3A_1033 = arith.index_cast %mul3A_956 : i32 to index
      %swap3A_1034 = tpu.vector_load %arg5[%swap3A_1032, %swap3A_1033] {strides = array<i32>} : memref<8x4000xf32, #tpu.memory_space<vmem>>, vector<1x16xf32>,
      %swap3A_1035 = vector.shape_cast %swap3A_1034 : vector<1x16xf32> to vector<16xf32>
      %swap3A_1036 = vector.shape_cast %get3A_990 : vector<16xf32> to vector<1x16xf32>
      tpu.vector_store %arg5[%swap3A_1032, %swap3A_1033], %swap3A_1036 {strides = array<i32>} : memref<8x4000xf32, #tpu.memory_space<vmem>>, vector<1x16xf32>,
      %swap3A_1037 = arith.constant 7 : i32
      %swap3A_1038 = arith.index_cast %swap3A_1037 : i32 to index
      %swap3A_1039 = arith.index_cast %mul3A_956 : i32 to index
      %swap3A_1040 = tpu.vector_load %arg5[%swap3A_1038, %swap3A_1039] {strides = array<i32>} : memref<8x4000xf32, #tpu.memory_space<vmem>>, vector<1x16xf32>,
      %swap3A_1041 = vector.shape_cast %swap3A_1040 : vector<1x16xf32> to vector<16xf32>
      %swap3A_1042 = vector.shape_cast %get3A_995 : vector<16xf32> to vector<1x16xf32>
      tpu.vector_store %arg5[%swap3A_1038, %swap3A_1039], %swap3A_1042 {strides = array<i32>} : memref<8x4000xf32, #tpu.memory_space<vmem>>, vector<1x16xf32>,
    }
    %scan3A_317 = arith.constant 250 : i32
    %add3A_318 = arith.constant 80 : i32
    %add3A_319 = arith.addi %mul3A_2, %add3A_318 : i32
    %dma_start3A_320 = arith.constant 0 : i32
    %dma_start3A_321 = tpu.memref_slice %arg3[%add3A_319, %dma_start3A_320] : memref<8192x4000xf32, #tpu.memory_space<hbm>> -> memref<8x4000xf32, #tpu.memory_space<hbm>>
    %dma_start3A_322 = arith.constant 0 : i32
    %dma_start3A_323 = tpu.memref_slice %arg3[%add3A_319, %dma_start3A_322] : memref<8192x4000xf32, #tpu.memory_space<hbm>> -> memref<8x4000xf32, #tpu.memory_space<hbm>>
    tpu.enqueue_dma source(%arg5 : memref<8x4000xf32, #tpu.memory_space<vmem>>) target(%dma_start3A_323 : memref<8x4000xf32, #tpu.memory_space<hbm>>) target_semaphore(%arg8 : memref<!tpu.dma_semaphore, #tpu.memory_space<semaphore_mem>>)
    %add3A_324 = arith.constant 72 : i32
    %add3A_325 = arith.addi %mul3A_2, %add3A_324 : i32
    %dma_wait3A_326 = arith.constant 0 : i32
    %dma_wait3A_327 = tpu.memref_slice %arg3[%add3A_325, %dma_wait3A_326] : memref<8192x4000xf32, #tpu.memory_space<hbm>> -> memref<8x4000xf32, #tpu.memory_space<hbm>>
    %dma_wait3A_328 = arith.constant 0 : i32
    %dma_wait3A_329 = tpu.memref_slice %arg3[%add3A_325, %dma_wait3A_328] : memref<8192x4000xf32, #tpu.memory_space<hbm>> -> memref<8x4000xf32, #tpu.memory_space<hbm>>
    tpu.wait_dma2 semaphore(%arg8 : memref<!tpu.dma_semaphore, #tpu.memory_space<semaphore_mem>>) src(%arg4 : memref<8x4000xf32, #tpu.memory_space<vmem>>) dst(%dma_wait3A_329 : memref<8x4000xf32, #tpu.memory_space<hbm>>)
    %add3A_330 = arith.constant 96 : i32
    %add3A_331 = arith.addi %mul3A_2, %add3A_330 : i32
    %dma_start3A_332 = arith.constant 0 : i32
    %dma_start3A_333 = tpu.memref_slice %arg2[%add3A_331, %dma_start3A_332] : memref<8192x4000xf32, #tpu.memory_space<hbm>> -> memref<8x4000xf32, #tpu.memory_space<hbm>>
    %dma_start3A_334 = arith.constant 0 : i32
    %dma_start3A_335 = tpu.memref_slice %arg2[%add3A_331, %dma_start3A_334] : memref<8192x4000xf32, #tpu.memory_space<hbm>> -> memref<8x4000xf32, #tpu.memory_space<hbm>>
    tpu.enqueue_dma source(%dma_start3A_335 : memref<8x4000xf32, #tpu.memory_space<hbm>>) target(%arg4 : memref<8x4000xf32, #tpu.memory_space<vmem>>) target_semaphore(%arg7 : memref<!tpu.dma_semaphore, #tpu.memory_space<semaphore_mem>>)
    %add3A_336 = arith.constant 88 : i32
    %add3A_337 = arith.addi %mul3A_2, %add3A_336 : i32
    %dma_wait3A_338 = arith.constant 0 : i32
    %dma_wait3A_339 = tpu.memref_slice %arg2[%add3A_337, %dma_wait3A_338] : memref<8192x4000xf32, #tpu.memory_space<hbm>> -> memref<8x4000xf32, #tpu.memory_space<hbm>>
    %dma_wait3A_340 = arith.constant 0 : i32
    %dma_wait3A_341 = tpu.memref_slice %arg2[%add3A_337, %dma_wait3A_340] : memref<8192x4000xf32, #tpu.memory_space<hbm>> -> memref<8x4000xf32, #tpu.memory_space<hbm>>
    tpu.wait_dma2 semaphore(%arg7 : memref<!tpu.dma_semaphore, #tpu.memory_space<semaphore_mem>>) src(%dma_wait3A_341 : memref<8x4000xf32, #tpu.memory_space<hbm>>) dst(%arg6 : memref<8x4000xf32, #tpu.memory_space<vmem>>)
    %scan3A_342 = arith.constant 0 : i32
    %scan3A_343 = arith.constant 0 : i32
    %scan3A_344 = arith.constant 250 : i32
    %scan3A_345 = arith.addi %scan3A_343, %scan3A_344 : i32
    %scan3A_346 = arith.constant 1 : i32
    scf.for %scan3A_954 = %scan3A_343 to %scan3A_345 step %scan3A_346  : i32 {
      %mul3A_955 = arith.constant 16 : i32
      %mul3A_956 = arith.muli %scan3A_954, %mul3A_955 : i32
      %get3A = arith.constant 4 : i32
      %get3A_957 = arith.index_cast %get3A : i32 to index
      %get3A_958 = arith.index_cast %mul3A_956 : i32 to index
      %get3A_959 = tpu.vector_load %arg6[%get3A_957, %get3A_958] {strides = array<i32>} : memref<8x4000xf32, #tpu.memory_space<vmem>>, vector<1x16xf32>,
      %get3A_960 = vector.shape_cast %get3A_959 : vector<1x16xf32> to vector<16xf32>
      %get3A_961 = arith.constant 5 : i32
      %get3A_962 = arith.index_cast %get3A_961 : i32 to index
      %get3A_963 = arith.index_cast %mul3A_956 : i32 to index
      %get3A_964 = tpu.vector_load %arg6[%get3A_962, %get3A_963] {strides = array<i32>} : memref<8x4000xf32, #tpu.memory_space<vmem>>, vector<1x16xf32>,
      %get3A_965 = vector.shape_cast %get3A_964 : vector<1x16xf32> to vector<16xf32>
      %get3A_966 = arith.constant 3 : i32
      %get3A_967 = arith.index_cast %get3A_966 : i32 to index
      %get3A_968 = arith.index_cast %mul3A_956 : i32 to index
      %get3A_969 = tpu.vector_load %arg6[%get3A_967, %get3A_968] {strides = array<i32>} : memref<8x4000xf32, #tpu.memory_space<vmem>>, vector<1x16xf32>,
      %get3A_970 = vector.shape_cast %get3A_969 : vector<1x16xf32> to vector<16xf32>
      %get3A_971 = arith.constant 2 : i32
      %get3A_972 = arith.index_cast %get3A_971 : i32 to index
      %get3A_973 = arith.index_cast %mul3A_956 : i32 to index
      %get3A_974 = tpu.vector_load %arg6[%get3A_972, %get3A_973] {strides = array<i32>} : memref<8x4000xf32, #tpu.memory_space<vmem>>, vector<1x16xf32>,
      %get3A_975 = vector.shape_cast %get3A_974 : vector<1x16xf32> to vector<16xf32>
      %get3A_976 = arith.constant 7 : i32
      %get3A_977 = arith.index_cast %get3A_976 : i32 to index
      %get3A_978 = arith.index_cast %mul3A_956 : i32 to index
      %get3A_979 = tpu.vector_load %arg6[%get3A_977, %get3A_978] {strides = array<i32>} : memref<8x4000xf32, #tpu.memory_space<vmem>>, vector<1x16xf32>,
      %get3A_980 = vector.shape_cast %get3A_979 : vector<1x16xf32> to vector<16xf32>
      %get3A_981 = arith.constant 6 : i32
      %get3A_982 = arith.index_cast %get3A_981 : i32 to index
      %get3A_983 = arith.index_cast %mul3A_956 : i32 to index
      %get3A_984 = tpu.vector_load %arg6[%get3A_982, %get3A_983] {strides = array<i32>} : memref<8x4000xf32, #tpu.memory_space<vmem>>, vector<1x16xf32>,
      %get3A_985 = vector.shape_cast %get3A_984 : vector<1x16xf32> to vector<16xf32>
      %get3A_986 = arith.constant 0 : i32
      %get3A_987 = arith.index_cast %get3A_986 : i32 to index
      %get3A_988 = arith.index_cast %mul3A_956 : i32 to index
      %get3A_989 = tpu.vector_load %arg6[%get3A_987, %get3A_988] {strides = array<i32>} : memref<8x4000xf32, #tpu.memory_space<vmem>>, vector<1x16xf32>,
      %get3A_990 = vector.shape_cast %get3A_989 : vector<1x16xf32> to vector<16xf32>
      %get3A_991 = arith.constant 1 : i32
      %get3A_992 = arith.index_cast %get3A_991 : i32 to index
      %get3A_993 = arith.index_cast %mul3A_956 : i32 to index
      %get3A_994 = tpu.vector_load %arg6[%get3A_992, %get3A_993] {strides = array<i32>} : memref<8x4000xf32, #tpu.memory_space<vmem>>, vector<1x16xf32>,
      %get3A_995 = vector.shape_cast %get3A_994 : vector<1x16xf32> to vector<16xf32>
      %swap3A = arith.constant 0 : i32
      %swap3A_996 = arith.index_cast %swap3A : i32 to index
      %swap3A_997 = arith.index_cast %mul3A_956 : i32 to index
      %swap3A_998 = tpu.vector_load %arg6[%swap3A_996, %swap3A_997] {strides = array<i32>} : memref<8x4000xf32, #tpu.memory_space<vmem>>, vector<1x16xf32>,
      %swap3A_999 = vector.shape_cast %swap3A_998 : vector<1x16xf32> to vector<16xf32>
      %swap3A_1000 = vector.shape_cast %get3A_960 : vector<16xf32> to vector<1x16xf32>
      tpu.vector_store %arg6[%swap3A_996, %swap3A_997], %swap3A_1000 {strides = array<i32>} : memref<8x4000xf32, #tpu.memory_space<vmem>>, vector<1x16xf32>,
      %swap3A_1001 = arith.constant 1 : i32
      %swap3A_1002 = arith.index_cast %swap3A_1001 : i32 to index
      %swap3A_1003 = arith.index_cast %mul3A_956 : i32 to index
      %swap3A_1004 = tpu.vector_load %arg6[%swap3A_1002, %swap3A_1003] {strides = array<i32>} : memref<8x4000xf32, #tpu.memory_space<vmem>>, vector<1x16xf32>,
      %swap3A_1005 = vector.shape_cast %swap3A_1004 : vector<1x16xf32> to vector<16xf32>
      %swap3A_1006 = vector.shape_cast %get3A_965 : vector<16xf32> to vector<1x16xf32>
      tpu.vector_store %arg6[%swap3A_1002, %swap3A_1003], %swap3A_1006 {strides = array<i32>} : memref<8x4000xf32, #tpu.memory_space<vmem>>, vector<1x16xf32>,
      %swap3A_1007 = arith.constant 2 : i32
      %swap3A_1008 = arith.index_cast %swap3A_1007 : i32 to index
      %swap3A_1009 = arith.index_cast %mul3A_956 : i32 to index
      %swap3A_1010 = tpu.vector_load %arg6[%swap3A_1008, %swap3A_1009] {strides = array<i32>} : memref<8x4000xf32, #tpu.memory_space<vmem>>, vector<1x16xf32>,
      %swap3A_1011 = vector.shape_cast %swap3A_1010 : vector<1x16xf32> to vector<16xf32>
      %swap3A_1012 = vector.shape_cast %get3A_970 : vector<16xf32> to vector<1x16xf32>
      tpu.vector_store %arg6[%swap3A_1008, %swap3A_1009], %swap3A_1012 {strides = array<i32>} : memref<8x4000xf32, #tpu.memory_space<vmem>>, vector<1x16xf32>,
      %swap3A_1013 = arith.constant 3 : i32
      %swap3A_1014 = arith.index_cast %swap3A_1013 : i32 to index
      %swap3A_1015 = arith.index_cast %mul3A_956 : i32 to index
      %swap3A_1016 = tpu.vector_load %arg6[%swap3A_1014, %swap3A_1015] {strides = array<i32>} : memref<8x4000xf32, #tpu.memory_space<vmem>>, vector<1x16xf32>,
      %swap3A_1017 = vector.shape_cast %swap3A_1016 : vector<1x16xf32> to vector<16xf32>
      %swap3A_1018 = vector.shape_cast %get3A_975 : vector<16xf32> to vector<1x16xf32>
      tpu.vector_store %arg6[%swap3A_1014, %swap3A_1015], %swap3A_1018 {strides = array<i32>} : memref<8x4000xf32, #tpu.memory_space<vmem>>, vector<1x16xf32>,
      %swap3A_1019 = arith.constant 4 : i32
      %swap3A_1020 = arith.index_cast %swap3A_1019 : i32 to index
      %swap3A_1021 = arith.index_cast %mul3A_956 : i32 to index
      %swap3A_1022 = tpu.vector_load %arg6[%swap3A_1020, %swap3A_1021] {strides = array<i32>} : memref<8x4000xf32, #tpu.memory_space<vmem>>, vector<1x16xf32>,
      %swap3A_1023 = vector.shape_cast %swap3A_1022 : vector<1x16xf32> to vector<16xf32>
      %swap3A_1024 = vector.shape_cast %get3A_980 : vector<16xf32> to vector<1x16xf32>
      tpu.vector_store %arg6[%swap3A_1020, %swap3A_1021], %swap3A_1024 {strides = array<i32>} : memref<8x4000xf32, #tpu.memory_space<vmem>>, vector<1x16xf32>,
      %swap3A_1025 = arith.constant 5 : i32
      %swap3A_1026 = arith.index_cast %swap3A_1025 : i32 to index
      %swap3A_1027 = arith.index_cast %mul3A_956 : i32 to index
      %swap3A_1028 = tpu.vector_load %arg6[%swap3A_1026, %swap3A_1027] {strides = array<i32>} : memref<8x4000xf32, #tpu.memory_space<vmem>>, vector<1x16xf32>,
      %swap3A_1029 = vector.shape_cast %swap3A_1028 : vector<1x16xf32> to vector<16xf32>
      %swap3A_1030 = vector.shape_cast %get3A_985 : vector<16xf32> to vector<1x16xf32>
      tpu.vector_store %arg6[%swap3A_1026, %swap3A_1027], %swap3A_1030 {strides = array<i32>} : memref<8x4000xf32, #tpu.memory_space<vmem>>, vector<1x16xf32>,
      %swap3A_1031 = arith.constant 6 : i32
      %swap3A_1032 = arith.index_cast %swap3A_1031 : i32 to index
      %swap3A_1033 = arith.index_cast %mul3A_956 : i32 to index
      %swap3A_1034 = tpu.vector_load %arg6[%swap3A_1032, %swap3A_1033] {strides = array<i32>} : memref<8x4000xf32, #tpu.memory_space<vmem>>, vector<1x16xf32>,
      %swap3A_1035 = vector.shape_cast %swap3A_1034 : vector<1x16xf32> to vector<16xf32>
      %swap3A_1036 = vector.shape_cast %get3A_990 : vector<16xf32> to vector<1x16xf32>
      tpu.vector_store %arg6[%swap3A_1032, %swap3A_1033], %swap3A_1036 {strides = array<i32>} : memref<8x4000xf32, #tpu.memory_space<vmem>>, vector<1x16xf32>,
      %swap3A_1037 = arith.constant 7 : i32
      %swap3A_1038 = arith.index_cast %swap3A_1037 : i32 to index
      %swap3A_1039 = arith.index_cast %mul3A_956 : i32 to index
      %swap3A_1040 = tpu.vector_load %arg6[%swap3A_1038, %swap3A_1039] {strides = array<i32>} : memref<8x4000xf32, #tpu.memory_space<vmem>>, vector<1x16xf32>,
      %swap3A_1041 = vector.shape_cast %swap3A_1040 : vector<1x16xf32> to vector<16xf32>
      %swap3A_1042 = vector.shape_cast %get3A_995 : vector<16xf32> to vector<1x16xf32>
      tpu.vector_store %arg6[%swap3A_1038, %swap3A_1039], %swap3A_1042 {strides = array<i32>} : memref<8x4000xf32, #tpu.memory_space<vmem>>, vector<1x16xf32>,
    }
    %scan3A_347 = arith.constant 250 : i32
    %add3A_348 = arith.constant 88 : i32
    %add3A_349 = arith.addi %mul3A_2, %add3A_348 : i32
    %dma_start3A_350 = arith.constant 0 : i32
    %dma_start3A_351 = tpu.memref_slice %arg3[%add3A_349, %dma_start3A_350] : memref<8192x4000xf32, #tpu.memory_space<hbm>> -> memref<8x4000xf32, #tpu.memory_space<hbm>>
    %dma_start3A_352 = arith.constant 0 : i32
    %dma_start3A_353 = tpu.memref_slice %arg3[%add3A_349, %dma_start3A_352] : memref<8192x4000xf32, #tpu.memory_space<hbm>> -> memref<8x4000xf32, #tpu.memory_space<hbm>>
    tpu.enqueue_dma source(%arg6 : memref<8x4000xf32, #tpu.memory_space<vmem>>) target(%dma_start3A_353 : memref<8x4000xf32, #tpu.memory_space<hbm>>) target_semaphore(%arg8 : memref<!tpu.dma_semaphore, #tpu.memory_space<semaphore_mem>>)
    %add3A_354 = arith.constant 80 : i32
    %add3A_355 = arith.addi %mul3A_2, %add3A_354 : i32
    %dma_wait3A_356 = arith.constant 0 : i32
    %dma_wait3A_357 = tpu.memref_slice %arg3[%add3A_355, %dma_wait3A_356] : memref<8192x4000xf32, #tpu.memory_space<hbm>> -> memref<8x4000xf32, #tpu.memory_space<hbm>>
    %dma_wait3A_358 = arith.constant 0 : i32
    %dma_wait3A_359 = tpu.memref_slice %arg3[%add3A_355, %dma_wait3A_358] : memref<8192x4000xf32, #tpu.memory_space<hbm>> -> memref<8x4000xf32, #tpu.memory_space<hbm>>
    tpu.wait_dma2 semaphore(%arg8 : memref<!tpu.dma_semaphore, #tpu.memory_space<semaphore_mem>>) src(%arg5 : memref<8x4000xf32, #tpu.memory_space<vmem>>) dst(%dma_wait3A_359 : memref<8x4000xf32, #tpu.memory_space<hbm>>)
    %add3A_360 = arith.constant 104 : i32
    %add3A_361 = arith.addi %mul3A_2, %add3A_360 : i32
    %dma_start3A_362 = arith.constant 0 : i32
    %dma_start3A_363 = tpu.memref_slice %arg2[%add3A_361, %dma_start3A_362] : memref<8192x4000xf32, #tpu.memory_space<hbm>> -> memref<8x4000xf32, #tpu.memory_space<hbm>>
    %dma_start3A_364 = arith.constant 0 : i32
    %dma_start3A_365 = tpu.memref_slice %arg2[%add3A_361, %dma_start3A_364] : memref<8192x4000xf32, #tpu.memory_space<hbm>> -> memref<8x4000xf32, #tpu.memory_space<hbm>>
    tpu.enqueue_dma source(%dma_start3A_365 : memref<8x4000xf32, #tpu.memory_space<hbm>>) target(%arg5 : memref<8x4000xf32, #tpu.memory_space<vmem>>) target_semaphore(%arg7 : memref<!tpu.dma_semaphore, #tpu.memory_space<semaphore_mem>>)
    %add3A_366 = arith.constant 96 : i32
    %add3A_367 = arith.addi %mul3A_2, %add3A_366 : i32
    %dma_wait3A_368 = arith.constant 0 : i32
    %dma_wait3A_369 = tpu.memref_slice %arg2[%add3A_367, %dma_wait3A_368] : memref<8192x4000xf32, #tpu.memory_space<hbm>> -> memref<8x4000xf32, #tpu.memory_space<hbm>>
    %dma_wait3A_370 = arith.constant 0 : i32
    %dma_wait3A_371 = tpu.memref_slice %arg2[%add3A_367, %dma_wait3A_370] : memref<8192x4000xf32, #tpu.memory_space<hbm>> -> memref<8x4000xf32, #tpu.memory_space<hbm>>
    tpu.wait_dma2 semaphore(%arg7 : memref<!tpu.dma_semaphore, #tpu.memory_space<semaphore_mem>>) src(%dma_wait3A_371 : memref<8x4000xf32, #tpu.memory_space<hbm>>) dst(%arg4 : memref<8x4000xf32, #tpu.memory_space<vmem>>)
    %scan3A_372 = arith.constant 0 : i32
    %scan3A_373 = arith.constant 0 : i32
    %scan3A_374 = arith.constant 250 : i32
    %scan3A_375 = arith.addi %scan3A_373, %scan3A_374 : i32
    %scan3A_376 = arith.constant 1 : i32
    scf.for %scan3A_954 = %scan3A_373 to %scan3A_375 step %scan3A_376  : i32 {
      %mul3A_955 = arith.constant 16 : i32
      %mul3A_956 = arith.muli %scan3A_954, %mul3A_955 : i32
      %get3A = arith.constant 6 : i32
      %get3A_957 = arith.index_cast %get3A : i32 to index
      %get3A_958 = arith.index_cast %mul3A_956 : i32 to index
      %get3A_959 = tpu.vector_load %arg4[%get3A_957, %get3A_958] {strides = array<i32>} : memref<8x4000xf32, #tpu.memory_space<vmem>>, vector<1x16xf32>,
      %get3A_960 = vector.shape_cast %get3A_959 : vector<1x16xf32> to vector<16xf32>
      %get3A_961 = arith.constant 5 : i32
      %get3A_962 = arith.index_cast %get3A_961 : i32 to index
      %get3A_963 = arith.index_cast %mul3A_956 : i32 to index
      %get3A_964 = tpu.vector_load %arg4[%get3A_962, %get3A_963] {strides = array<i32>} : memref<8x4000xf32, #tpu.memory_space<vmem>>, vector<1x16xf32>,
      %get3A_965 = vector.shape_cast %get3A_964 : vector<1x16xf32> to vector<16xf32>
      %get3A_966 = arith.constant 1 : i32
      %get3A_967 = arith.index_cast %get3A_966 : i32 to index
      %get3A_968 = arith.index_cast %mul3A_956 : i32 to index
      %get3A_969 = tpu.vector_load %arg4[%get3A_967, %get3A_968] {strides = array<i32>} : memref<8x4000xf32, #tpu.memory_space<vmem>>, vector<1x16xf32>,
      %get3A_970 = vector.shape_cast %get3A_969 : vector<1x16xf32> to vector<16xf32>
      %get3A_971 = arith.constant 3 : i32
      %get3A_972 = arith.index_cast %get3A_971 : i32 to index
      %get3A_973 = arith.index_cast %mul3A_956 : i32 to index
      %get3A_974 = tpu.vector_load %arg4[%get3A_972, %get3A_973] {strides = array<i32>} : memref<8x4000xf32, #tpu.memory_space<vmem>>, vector<1x16xf32>,
      %get3A_975 = vector.shape_cast %get3A_974 : vector<1x16xf32> to vector<16xf32>
      %get3A_976 = arith.constant 2 : i32
      %get3A_977 = arith.index_cast %get3A_976 : i32 to index
      %get3A_978 = arith.index_cast %mul3A_956 : i32 to index
      %get3A_979 = tpu.vector_load %arg4[%get3A_977, %get3A_978] {strides = array<i32>} : memref<8x4000xf32, #tpu.memory_space<vmem>>, vector<1x16xf32>,
      %get3A_980 = vector.shape_cast %get3A_979 : vector<1x16xf32> to vector<16xf32>
      %get3A_981 = arith.constant 7 : i32
      %get3A_982 = arith.index_cast %get3A_981 : i32 to index
      %get3A_983 = arith.index_cast %mul3A_956 : i32 to index
      %get3A_984 = tpu.vector_load %arg4[%get3A_982, %get3A_983] {strides = array<i32>} : memref<8x4000xf32, #tpu.memory_space<vmem>>, vector<1x16xf32>,
      %get3A_985 = vector.shape_cast %get3A_984 : vector<1x16xf32> to vector<16xf32>
      %get3A_986 = arith.constant 4 : i32
      %get3A_987 = arith.index_cast %get3A_986 : i32 to index
      %get3A_988 = arith.index_cast %mul3A_956 : i32 to index
      %get3A_989 = tpu.vector_load %arg4[%get3A_987, %get3A_988] {strides = array<i32>} : memref<8x4000xf32, #tpu.memory_space<vmem>>, vector<1x16xf32>,
      %get3A_990 = vector.shape_cast %get3A_989 : vector<1x16xf32> to vector<16xf32>
      %get3A_991 = arith.constant 0 : i32
      %get3A_992 = arith.index_cast %get3A_991 : i32 to index
      %get3A_993 = arith.index_cast %mul3A_956 : i32 to index
      %get3A_994 = tpu.vector_load %arg4[%get3A_992, %get3A_993] {strides = array<i32>} : memref<8x4000xf32, #tpu.memory_space<vmem>>, vector<1x16xf32>,
      %get3A_995 = vector.shape_cast %get3A_994 : vector<1x16xf32> to vector<16xf32>
      %swap3A = arith.constant 0 : i32
      %swap3A_996 = arith.index_cast %swap3A : i32 to index
      %swap3A_997 = arith.index_cast %mul3A_956 : i32 to index
      %swap3A_998 = tpu.vector_load %arg4[%swap3A_996, %swap3A_997] {strides = array<i32>} : memref<8x4000xf32, #tpu.memory_space<vmem>>, vector<1x16xf32>,
      %swap3A_999 = vector.shape_cast %swap3A_998 : vector<1x16xf32> to vector<16xf32>
      %swap3A_1000 = vector.shape_cast %get3A_960 : vector<16xf32> to vector<1x16xf32>
      tpu.vector_store %arg4[%swap3A_996, %swap3A_997], %swap3A_1000 {strides = array<i32>} : memref<8x4000xf32, #tpu.memory_space<vmem>>, vector<1x16xf32>,
      %swap3A_1001 = arith.constant 1 : i32
      %swap3A_1002 = arith.index_cast %swap3A_1001 : i32 to index
      %swap3A_1003 = arith.index_cast %mul3A_956 : i32 to index
      %swap3A_1004 = tpu.vector_load %arg4[%swap3A_1002, %swap3A_1003] {strides = array<i32>} : memref<8x4000xf32, #tpu.memory_space<vmem>>, vector<1x16xf32>,
      %swap3A_1005 = vector.shape_cast %swap3A_1004 : vector<1x16xf32> to vector<16xf32>
      %swap3A_1006 = vector.shape_cast %get3A_965 : vector<16xf32> to vector<1x16xf32>
      tpu.vector_store %arg4[%swap3A_1002, %swap3A_1003], %swap3A_1006 {strides = array<i32>} : memref<8x4000xf32, #tpu.memory_space<vmem>>, vector<1x16xf32>,
      %swap3A_1007 = arith.constant 2 : i32
      %swap3A_1008 = arith.index_cast %swap3A_1007 : i32 to index
      %swap3A_1009 = arith.index_cast %mul3A_956 : i32 to index
      %swap3A_1010 = tpu.vector_load %arg4[%swap3A_1008, %swap3A_1009] {strides = array<i32>} : memref<8x4000xf32, #tpu.memory_space<vmem>>, vector<1x16xf32>,
      %swap3A_1011 = vector.shape_cast %swap3A_1010 : vector<1x16xf32> to vector<16xf32>
      %swap3A_1012 = vector.shape_cast %get3A_970 : vector<16xf32> to vector<1x16xf32>
      tpu.vector_store %arg4[%swap3A_1008, %swap3A_1009], %swap3A_1012 {strides = array<i32>} : memref<8x4000xf32, #tpu.memory_space<vmem>>, vector<1x16xf32>,
      %swap3A_1013 = arith.constant 3 : i32
      %swap3A_1014 = arith.index_cast %swap3A_1013 : i32 to index
      %swap3A_1015 = arith.index_cast %mul3A_956 : i32 to index
      %swap3A_1016 = tpu.vector_load %arg4[%swap3A_1014, %swap3A_1015] {strides = array<i32>} : memref<8x4000xf32, #tpu.memory_space<vmem>>, vector<1x16xf32>,
      %swap3A_1017 = vector.shape_cast %swap3A_1016 : vector<1x16xf32> to vector<16xf32>
      %swap3A_1018 = vector.shape_cast %get3A_975 : vector<16xf32> to vector<1x16xf32>
      tpu.vector_store %arg4[%swap3A_1014, %swap3A_1015], %swap3A_1018 {strides = array<i32>} : memref<8x4000xf32, #tpu.memory_space<vmem>>, vector<1x16xf32>,
      %swap3A_1019 = arith.constant 4 : i32
      %swap3A_1020 = arith.index_cast %swap3A_1019 : i32 to index
      %swap3A_1021 = arith.index_cast %mul3A_956 : i32 to index
      %swap3A_1022 = tpu.vector_load %arg4[%swap3A_1020, %swap3A_1021] {strides = array<i32>} : memref<8x4000xf32, #tpu.memory_space<vmem>>, vector<1x16xf32>,
      %swap3A_1023 = vector.shape_cast %swap3A_1022 : vector<1x16xf32> to vector<16xf32>
      %swap3A_1024 = vector.shape_cast %get3A_980 : vector<16xf32> to vector<1x16xf32>
      tpu.vector_store %arg4[%swap3A_1020, %swap3A_1021], %swap3A_1024 {strides = array<i32>} : memref<8x4000xf32, #tpu.memory_space<vmem>>, vector<1x16xf32>,
      %swap3A_1025 = arith.constant 5 : i32
      %swap3A_1026 = arith.index_cast %swap3A_1025 : i32 to index
      %swap3A_1027 = arith.index_cast %mul3A_956 : i32 to index
      %swap3A_1028 = tpu.vector_load %arg4[%swap3A_1026, %swap3A_1027] {strides = array<i32>} : memref<8x4000xf32, #tpu.memory_space<vmem>>, vector<1x16xf32>,
      %swap3A_1029 = vector.shape_cast %swap3A_1028 : vector<1x16xf32> to vector<16xf32>
      %swap3A_1030 = vector.shape_cast %get3A_985 : vector<16xf32> to vector<1x16xf32>
      tpu.vector_store %arg4[%swap3A_1026, %swap3A_1027], %swap3A_1030 {strides = array<i32>} : memref<8x4000xf32, #tpu.memory_space<vmem>>, vector<1x16xf32>,
      %swap3A_1031 = arith.constant 6 : i32
      %swap3A_1032 = arith.index_cast %swap3A_1031 : i32 to index
      %swap3A_1033 = arith.index_cast %mul3A_956 : i32 to index
      %swap3A_1034 = tpu.vector_load %arg4[%swap3A_1032, %swap3A_1033] {strides = array<i32>} : memref<8x4000xf32, #tpu.memory_space<vmem>>, vector<1x16xf32>,
      %swap3A_1035 = vector.shape_cast %swap3A_1034 : vector<1x16xf32> to vector<16xf32>
      %swap3A_1036 = vector.shape_cast %get3A_990 : vector<16xf32> to vector<1x16xf32>
      tpu.vector_store %arg4[%swap3A_1032, %swap3A_1033], %swap3A_1036 {strides = array<i32>} : memref<8x4000xf32, #tpu.memory_space<vmem>>, vector<1x16xf32>,
      %swap3A_1037 = arith.constant 7 : i32
      %swap3A_1038 = arith.index_cast %swap3A_1037 : i32 to index
      %swap3A_1039 = arith.index_cast %mul3A_956 : i32 to index
      %swap3A_1040 = tpu.vector_load %arg4[%swap3A_1038, %swap3A_1039] {strides = array<i32>} : memref<8x4000xf32, #tpu.memory_space<vmem>>, vector<1x16xf32>,
      %swap3A_1041 = vector.shape_cast %swap3A_1040 : vector<1x16xf32> to vector<16xf32>
      %swap3A_1042 = vector.shape_cast %get3A_995 : vector<16xf32> to vector<1x16xf32>
      tpu.vector_store %arg4[%swap3A_1038, %swap3A_1039], %swap3A_1042 {strides = array<i32>} : memref<8x4000xf32, #tpu.memory_space<vmem>>, vector<1x16xf32>,
    }
    %scan3A_377 = arith.constant 250 : i32
    %add3A_378 = arith.constant 96 : i32
    %add3A_379 = arith.addi %mul3A_2, %add3A_378 : i32
    %dma_start3A_380 = arith.constant 0 : i32
    %dma_start3A_381 = tpu.memref_slice %arg3[%add3A_379, %dma_start3A_380] : memref<8192x4000xf32, #tpu.memory_space<hbm>> -> memref<8x4000xf32, #tpu.memory_space<hbm>>
    %dma_start3A_382 = arith.constant 0 : i32
    %dma_start3A_383 = tpu.memref_slice %arg3[%add3A_379, %dma_start3A_382] : memref<8192x4000xf32, #tpu.memory_space<hbm>> -> memref<8x4000xf32, #tpu.memory_space<hbm>>
    tpu.enqueue_dma source(%arg4 : memref<8x4000xf32, #tpu.memory_space<vmem>>) target(%dma_start3A_383 : memref<8x4000xf32, #tpu.memory_space<hbm>>) target_semaphore(%arg8 : memref<!tpu.dma_semaphore, #tpu.memory_space<semaphore_mem>>)
    %add3A_384 = arith.constant 88 : i32
    %add3A_385 = arith.addi %mul3A_2, %add3A_384 : i32
    %dma_wait3A_386 = arith.constant 0 : i32
    %dma_wait3A_387 = tpu.memref_slice %arg3[%add3A_385, %dma_wait3A_386] : memref<8192x4000xf32, #tpu.memory_space<hbm>> -> memref<8x4000xf32, #tpu.memory_space<hbm>>
    %dma_wait3A_388 = arith.constant 0 : i32
    %dma_wait3A_389 = tpu.memref_slice %arg3[%add3A_385, %dma_wait3A_388] : memref<8192x4000xf32, #tpu.memory_space<hbm>> -> memref<8x4000xf32, #tpu.memory_space<hbm>>
    tpu.wait_dma2 semaphore(%arg8 : memref<!tpu.dma_semaphore, #tpu.memory_space<semaphore_mem>>) src(%arg6 : memref<8x4000xf32, #tpu.memory_space<vmem>>) dst(%dma_wait3A_389 : memref<8x4000xf32, #tpu.memory_space<hbm>>)
    %add3A_390 = arith.constant 112 : i32
    %add3A_391 = arith.addi %mul3A_2, %add3A_390 : i32
    %dma_start3A_392 = arith.constant 0 : i32
    %dma_start3A_393 = tpu.memref_slice %arg2[%add3A_391, %dma_start3A_392] : memref<8192x4000xf32, #tpu.memory_space<hbm>> -> memref<8x4000xf32, #tpu.memory_space<hbm>>
    %dma_start3A_394 = arith.constant 0 : i32
    %dma_start3A_395 = tpu.memref_slice %arg2[%add3A_391, %dma_start3A_394] : memref<8192x4000xf32, #tpu.memory_space<hbm>> -> memref<8x4000xf32, #tpu.memory_space<hbm>>
    tpu.enqueue_dma source(%dma_start3A_395 : memref<8x4000xf32, #tpu.memory_space<hbm>>) target(%arg6 : memref<8x4000xf32, #tpu.memory_space<vmem>>) target_semaphore(%arg7 : memref<!tpu.dma_semaphore, #tpu.memory_space<semaphore_mem>>)
    %add3A_396 = arith.constant 104 : i32
    %add3A_397 = arith.addi %mul3A_2, %add3A_396 : i32
    %dma_wait3A_398 = arith.constant 0 : i32
    %dma_wait3A_399 = tpu.memref_slice %arg2[%add3A_397, %dma_wait3A_398] : memref<8192x4000xf32, #tpu.memory_space<hbm>> -> memref<8x4000xf32, #tpu.memory_space<hbm>>
    %dma_wait3A_400 = arith.constant 0 : i32
    %dma_wait3A_401 = tpu.memref_slice %arg2[%add3A_397, %dma_wait3A_400] : memref<8192x4000xf32, #tpu.memory_space<hbm>> -> memref<8x4000xf32, #tpu.memory_space<hbm>>
    tpu.wait_dma2 semaphore(%arg7 : memref<!tpu.dma_semaphore, #tpu.memory_space<semaphore_mem>>) src(%dma_wait3A_401 : memref<8x4000xf32, #tpu.memory_space<hbm>>) dst(%arg5 : memref<8x4000xf32, #tpu.memory_space<vmem>>)
    %scan3A_402 = arith.constant 0 : i32
    %scan3A_403 = arith.constant 0 : i32
    %scan3A_404 = arith.constant 250 : i32
    %scan3A_405 = arith.addi %scan3A_403, %scan3A_404 : i32
    %scan3A_406 = arith.constant 1 : i32
    scf.for %scan3A_954 = %scan3A_403 to %scan3A_405 step %scan3A_406  : i32 {
      %mul3A_955 = arith.constant 16 : i32
      %mul3A_956 = arith.muli %scan3A_954, %mul3A_955 : i32
      %get3A = arith.constant 3 : i32
      %get3A_957 = arith.index_cast %get3A : i32 to index
      %get3A_958 = arith.index_cast %mul3A_956 : i32 to index
      %get3A_959 = tpu.vector_load %arg5[%get3A_957, %get3A_958] {strides = array<i32>} : memref<8x4000xf32, #tpu.memory_space<vmem>>, vector<1x16xf32>,
      %get3A_960 = vector.shape_cast %get3A_959 : vector<1x16xf32> to vector<16xf32>
      %get3A_961 = arith.constant 1 : i32
      %get3A_962 = arith.index_cast %get3A_961 : i32 to index
      %get3A_963 = arith.index_cast %mul3A_956 : i32 to index
      %get3A_964 = tpu.vector_load %arg5[%get3A_962, %get3A_963] {strides = array<i32>} : memref<8x4000xf32, #tpu.memory_space<vmem>>, vector<1x16xf32>,
      %get3A_965 = vector.shape_cast %get3A_964 : vector<1x16xf32> to vector<16xf32>
      %get3A_966 = arith.constant 7 : i32
      %get3A_967 = arith.index_cast %get3A_966 : i32 to index
      %get3A_968 = arith.index_cast %mul3A_956 : i32 to index
      %get3A_969 = tpu.vector_load %arg5[%get3A_967, %get3A_968] {strides = array<i32>} : memref<8x4000xf32, #tpu.memory_space<vmem>>, vector<1x16xf32>,
      %get3A_970 = vector.shape_cast %get3A_969 : vector<1x16xf32> to vector<16xf32>
      %get3A_971 = arith.constant 2 : i32
      %get3A_972 = arith.index_cast %get3A_971 : i32 to index
      %get3A_973 = arith.index_cast %mul3A_956 : i32 to index
      %get3A_974 = tpu.vector_load %arg5[%get3A_972, %get3A_973] {strides = array<i32>} : memref<8x4000xf32, #tpu.memory_space<vmem>>, vector<1x16xf32>,
      %get3A_975 = vector.shape_cast %get3A_974 : vector<1x16xf32> to vector<16xf32>
      %get3A_976 = arith.constant 4 : i32
      %get3A_977 = arith.index_cast %get3A_976 : i32 to index
      %get3A_978 = arith.index_cast %mul3A_956 : i32 to index
      %get3A_979 = tpu.vector_load %arg5[%get3A_977, %get3A_978] {strides = array<i32>} : memref<8x4000xf32, #tpu.memory_space<vmem>>, vector<1x16xf32>,
      %get3A_980 = vector.shape_cast %get3A_979 : vector<1x16xf32> to vector<16xf32>
      %get3A_981 = arith.constant 0 : i32
      %get3A_982 = arith.index_cast %get3A_981 : i32 to index
      %get3A_983 = arith.index_cast %mul3A_956 : i32 to index
      %get3A_984 = tpu.vector_load %arg5[%get3A_982, %get3A_983] {strides = array<i32>} : memref<8x4000xf32, #tpu.memory_space<vmem>>, vector<1x16xf32>,
      %get3A_985 = vector.shape_cast %get3A_984 : vector<1x16xf32> to vector<16xf32>
      %get3A_986 = arith.constant 5 : i32
      %get3A_987 = arith.index_cast %get3A_986 : i32 to index
      %get3A_988 = arith.index_cast %mul3A_956 : i32 to index
      %get3A_989 = tpu.vector_load %arg5[%get3A_987, %get3A_988] {strides = array<i32>} : memref<8x4000xf32, #tpu.memory_space<vmem>>, vector<1x16xf32>,
      %get3A_990 = vector.shape_cast %get3A_989 : vector<1x16xf32> to vector<16xf32>
      %get3A_991 = arith.constant 6 : i32
      %get3A_992 = arith.index_cast %get3A_991 : i32 to index
      %get3A_993 = arith.index_cast %mul3A_956 : i32 to index
      %get3A_994 = tpu.vector_load %arg5[%get3A_992, %get3A_993] {strides = array<i32>} : memref<8x4000xf32, #tpu.memory_space<vmem>>, vector<1x16xf32>,
      %get3A_995 = vector.shape_cast %get3A_994 : vector<1x16xf32> to vector<16xf32>
      %swap3A = arith.constant 0 : i32
      %swap3A_996 = arith.index_cast %swap3A : i32 to index
      %swap3A_997 = arith.index_cast %mul3A_956 : i32 to index
      %swap3A_998 = tpu.vector_load %arg5[%swap3A_996, %swap3A_997] {strides = array<i32>} : memref<8x4000xf32, #tpu.memory_space<vmem>>, vector<1x16xf32>,
      %swap3A_999 = vector.shape_cast %swap3A_998 : vector<1x16xf32> to vector<16xf32>
      %swap3A_1000 = vector.shape_cast %get3A_960 : vector<16xf32> to vector<1x16xf32>
      tpu.vector_store %arg5[%swap3A_996, %swap3A_997], %swap3A_1000 {strides = array<i32>} : memref<8x4000xf32, #tpu.memory_space<vmem>>, vector<1x16xf32>,
      %swap3A_1001 = arith.constant 1 : i32
      %swap3A_1002 = arith.index_cast %swap3A_1001 : i32 to index
      %swap3A_1003 = arith.index_cast %mul3A_956 : i32 to index
      %swap3A_1004 = tpu.vector_load %arg5[%swap3A_1002, %swap3A_1003] {strides = array<i32>} : memref<8x4000xf32, #tpu.memory_space<vmem>>, vector<1x16xf32>,
      %swap3A_1005 = vector.shape_cast %swap3A_1004 : vector<1x16xf32> to vector<16xf32>
      %swap3A_1006 = vector.shape_cast %get3A_965 : vector<16xf32> to vector<1x16xf32>
      tpu.vector_store %arg5[%swap3A_1002, %swap3A_1003], %swap3A_1006 {strides = array<i32>} : memref<8x4000xf32, #tpu.memory_space<vmem>>, vector<1x16xf32>,
      %swap3A_1007 = arith.constant 2 : i32
      %swap3A_1008 = arith.index_cast %swap3A_1007 : i32 to index
      %swap3A_1009 = arith.index_cast %mul3A_956 : i32 to index
      %swap3A_1010 = tpu.vector_load %arg5[%swap3A_1008, %swap3A_1009] {strides = array<i32>} : memref<8x4000xf32, #tpu.memory_space<vmem>>, vector<1x16xf32>,
      %swap3A_1011 = vector.shape_cast %swap3A_1010 : vector<1x16xf32> to vector<16xf32>
      %swap3A_1012 = vector.shape_cast %get3A_970 : vector<16xf32> to vector<1x16xf32>
      tpu.vector_store %arg5[%swap3A_1008, %swap3A_1009], %swap3A_1012 {strides = array<i32>} : memref<8x4000xf32, #tpu.memory_space<vmem>>, vector<1x16xf32>,
      %swap3A_1013 = arith.constant 3 : i32
      %swap3A_1014 = arith.index_cast %swap3A_1013 : i32 to index
      %swap3A_1015 = arith.index_cast %mul3A_956 : i32 to index
      %swap3A_1016 = tpu.vector_load %arg5[%swap3A_1014, %swap3A_1015] {strides = array<i32>} : memref<8x4000xf32, #tpu.memory_space<vmem>>, vector<1x16xf32>,
      %swap3A_1017 = vector.shape_cast %swap3A_1016 : vector<1x16xf32> to vector<16xf32>
      %swap3A_1018 = vector.shape_cast %get3A_975 : vector<16xf32> to vector<1x16xf32>
      tpu.vector_store %arg5[%swap3A_1014, %swap3A_1015], %swap3A_1018 {strides = array<i32>} : memref<8x4000xf32, #tpu.memory_space<vmem>>, vector<1x16xf32>,
      %swap3A_1019 = arith.constant 4 : i32
      %swap3A_1020 = arith.index_cast %swap3A_1019 : i32 to index
      %swap3A_1021 = arith.index_cast %mul3A_956 : i32 to index
      %swap3A_1022 = tpu.vector_load %arg5[%swap3A_1020, %swap3A_1021] {strides = array<i32>} : memref<8x4000xf32, #tpu.memory_space<vmem>>, vector<1x16xf32>,
      %swap3A_1023 = vector.shape_cast %swap3A_1022 : vector<1x16xf32> to vector<16xf32>
      %swap3A_1024 = vector.shape_cast %get3A_980 : vector<16xf32> to vector<1x16xf32>
      tpu.vector_store %arg5[%swap3A_1020, %swap3A_1021], %swap3A_1024 {strides = array<i32>} : memref<8x4000xf32, #tpu.memory_space<vmem>>, vector<1x16xf32>,
      %swap3A_1025 = arith.constant 5 : i32
      %swap3A_1026 = arith.index_cast %swap3A_1025 : i32 to index
      %swap3A_1027 = arith.index_cast %mul3A_956 : i32 to index
      %swap3A_1028 = tpu.vector_load %arg5[%swap3A_1026, %swap3A_1027] {strides = array<i32>} : memref<8x4000xf32, #tpu.memory_space<vmem>>, vector<1x16xf32>,
      %swap3A_1029 = vector.shape_cast %swap3A_1028 : vector<1x16xf32> to vector<16xf32>
      %swap3A_1030 = vector.shape_cast %get3A_985 : vector<16xf32> to vector<1x16xf32>
      tpu.vector_store %arg5[%swap3A_1026, %swap3A_1027], %swap3A_1030 {strides = array<i32>} : memref<8x4000xf32, #tpu.memory_space<vmem>>, vector<1x16xf32>,
      %swap3A_1031 = arith.constant 6 : i32
      %swap3A_1032 = arith.index_cast %swap3A_1031 : i32 to index
      %swap3A_1033 = arith.index_cast %mul3A_956 : i32 to index
      %swap3A_1034 = tpu.vector_load %arg5[%swap3A_1032, %swap3A_1033] {strides = array<i32>} : memref<8x4000xf32, #tpu.memory_space<vmem>>, vector<1x16xf32>,
      %swap3A_1035 = vector.shape_cast %swap3A_1034 : vector<1x16xf32> to vector<16xf32>
      %swap3A_1036 = vector.shape_cast %get3A_990 : vector<16xf32> to vector<1x16xf32>
      tpu.vector_store %arg5[%swap3A_1032, %swap3A_1033], %swap3A_1036 {strides = array<i32>} : memref<8x4000xf32, #tpu.memory_space<vmem>>, vector<1x16xf32>,
      %swap3A_1037 = arith.constant 7 : i32
      %swap3A_1038 = arith.index_cast %swap3A_1037 : i32 to index
      %swap3A_1039 = arith.index_cast %mul3A_956 : i32 to index
      %swap3A_1040 = tpu.vector_load %arg5[%swap3A_1038, %swap3A_1039] {strides = array<i32>} : memref<8x4000xf32, #tpu.memory_space<vmem>>, vector<1x16xf32>,
      %swap3A_1041 = vector.shape_cast %swap3A_1040 : vector<1x16xf32> to vector<16xf32>
      %swap3A_1042 = vector.shape_cast %get3A_995 : vector<16xf32> to vector<1x16xf32>
      tpu.vector_store %arg5[%swap3A_1038, %swap3A_1039], %swap3A_1042 {strides = array<i32>} : memref<8x4000xf32, #tpu.memory_space<vmem>>, vector<1x16xf32>,
    }
    %scan3A_407 = arith.constant 250 : i32
    %add3A_408 = arith.constant 104 : i32
    %add3A_409 = arith.addi %mul3A_2, %add3A_408 : i32
    %dma_start3A_410 = arith.constant 0 : i32
    %dma_start3A_411 = tpu.memref_slice %arg3[%add3A_409, %dma_start3A_410] : memref<8192x4000xf32, #tpu.memory_space<hbm>> -> memref<8x4000xf32, #tpu.memory_space<hbm>>
    %dma_start3A_412 = arith.constant 0 : i32
    %dma_start3A_413 = tpu.memref_slice %arg3[%add3A_409, %dma_start3A_412] : memref<8192x4000xf32, #tpu.memory_space<hbm>> -> memref<8x4000xf32, #tpu.memory_space<hbm>>
    tpu.enqueue_dma source(%arg5 : memref<8x4000xf32, #tpu.memory_space<vmem>>) target(%dma_start3A_413 : memref<8x4000xf32, #tpu.memory_space<hbm>>) target_semaphore(%arg8 : memref<!tpu.dma_semaphore, #tpu.memory_space<semaphore_mem>>)
    %add3A_414 = arith.constant 96 : i32
    %add3A_415 = arith.addi %mul3A_2, %add3A_414 : i32
    %dma_wait3A_416 = arith.constant 0 : i32
    %dma_wait3A_417 = tpu.memref_slice %arg3[%add3A_415, %dma_wait3A_416] : memref<8192x4000xf32, #tpu.memory_space<hbm>> -> memref<8x4000xf32, #tpu.memory_space<hbm>>
    %dma_wait3A_418 = arith.constant 0 : i32
    %dma_wait3A_419 = tpu.memref_slice %arg3[%add3A_415, %dma_wait3A_418] : memref<8192x4000xf32, #tpu.memory_space<hbm>> -> memref<8x4000xf32, #tpu.memory_space<hbm>>
    tpu.wait_dma2 semaphore(%arg8 : memref<!tpu.dma_semaphore, #tpu.memory_space<semaphore_mem>>) src(%arg4 : memref<8x4000xf32, #tpu.memory_space<vmem>>) dst(%dma_wait3A_419 : memref<8x4000xf32, #tpu.memory_space<hbm>>)
    %add3A_420 = arith.constant 120 : i32
    %add3A_421 = arith.addi %mul3A_2, %add3A_420 : i32
    %dma_start3A_422 = arith.constant 0 : i32
    %dma_start3A_423 = tpu.memref_slice %arg2[%add3A_421, %dma_start3A_422] : memref<8192x4000xf32, #tpu.memory_space<hbm>> -> memref<8x4000xf32, #tpu.memory_space<hbm>>
    %dma_start3A_424 = arith.constant 0 : i32
    %dma_start3A_425 = tpu.memref_slice %arg2[%add3A_421, %dma_start3A_424] : memref<8192x4000xf32, #tpu.memory_space<hbm>> -> memref<8x4000xf32, #tpu.memory_space<hbm>>
    tpu.enqueue_dma source(%dma_start3A_425 : memref<8x4000xf32, #tpu.memory_space<hbm>>) target(%arg4 : memref<8x4000xf32, #tpu.memory_space<vmem>>) target_semaphore(%arg7 : memref<!tpu.dma_semaphore, #tpu.memory_space<semaphore_mem>>)
    %add3A_426 = arith.constant 112 : i32
    %add3A_427 = arith.addi %mul3A_2, %add3A_426 : i32
    %dma_wait3A_428 = arith.constant 0 : i32
    %dma_wait3A_429 = tpu.memref_slice %arg2[%add3A_427, %dma_wait3A_428] : memref<8192x4000xf32, #tpu.memory_space<hbm>> -> memref<8x4000xf32, #tpu.memory_space<hbm>>
    %dma_wait3A_430 = arith.constant 0 : i32
    %dma_wait3A_431 = tpu.memref_slice %arg2[%add3A_427, %dma_wait3A_430] : memref<8192x4000xf32, #tpu.memory_space<hbm>> -> memref<8x4000xf32, #tpu.memory_space<hbm>>
    tpu.wait_dma2 semaphore(%arg7 : memref<!tpu.dma_semaphore, #tpu.memory_space<semaphore_mem>>) src(%dma_wait3A_431 : memref<8x4000xf32, #tpu.memory_space<hbm>>) dst(%arg6 : memref<8x4000xf32, #tpu.memory_space<vmem>>)
    %scan3A_432 = arith.constant 0 : i32
    %scan3A_433 = arith.constant 0 : i32
    %scan3A_434 = arith.constant 250 : i32
    %scan3A_435 = arith.addi %scan3A_433, %scan3A_434 : i32
    %scan3A_436 = arith.constant 1 : i32
    scf.for %scan3A_954 = %scan3A_433 to %scan3A_435 step %scan3A_436  : i32 {
      %mul3A_955 = arith.constant 16 : i32
      %mul3A_956 = arith.muli %scan3A_954, %mul3A_955 : i32
      %get3A = arith.constant 1 : i32
      %get3A_957 = arith.index_cast %get3A : i32 to index
      %get3A_958 = arith.index_cast %mul3A_956 : i32 to index
      %get3A_959 = tpu.vector_load %arg6[%get3A_957, %get3A_958] {strides = array<i32>} : memref<8x4000xf32, #tpu.memory_space<vmem>>, vector<1x16xf32>,
      %get3A_960 = vector.shape_cast %get3A_959 : vector<1x16xf32> to vector<16xf32>
      %get3A_961 = arith.constant 7 : i32
      %get3A_962 = arith.index_cast %get3A_961 : i32 to index
      %get3A_963 = arith.index_cast %mul3A_956 : i32 to index
      %get3A_964 = tpu.vector_load %arg6[%get3A_962, %get3A_963] {strides = array<i32>} : memref<8x4000xf32, #tpu.memory_space<vmem>>, vector<1x16xf32>,
      %get3A_965 = vector.shape_cast %get3A_964 : vector<1x16xf32> to vector<16xf32>
      %get3A_966 = arith.constant 6 : i32
      %get3A_967 = arith.index_cast %get3A_966 : i32 to index
      %get3A_968 = arith.index_cast %mul3A_956 : i32 to index
      %get3A_969 = tpu.vector_load %arg6[%get3A_967, %get3A_968] {strides = array<i32>} : memref<8x4000xf32, #tpu.memory_space<vmem>>, vector<1x16xf32>,
      %get3A_970 = vector.shape_cast %get3A_969 : vector<1x16xf32> to vector<16xf32>
      %get3A_971 = arith.constant 0 : i32
      %get3A_972 = arith.index_cast %get3A_971 : i32 to index
      %get3A_973 = arith.index_cast %mul3A_956 : i32 to index
      %get3A_974 = tpu.vector_load %arg6[%get3A_972, %get3A_973] {strides = array<i32>} : memref<8x4000xf32, #tpu.memory_space<vmem>>, vector<1x16xf32>,
      %get3A_975 = vector.shape_cast %get3A_974 : vector<1x16xf32> to vector<16xf32>
      %get3A_976 = arith.constant 5 : i32
      %get3A_977 = arith.index_cast %get3A_976 : i32 to index
      %get3A_978 = arith.index_cast %mul3A_956 : i32 to index
      %get3A_979 = tpu.vector_load %arg6[%get3A_977, %get3A_978] {strides = array<i32>} : memref<8x4000xf32, #tpu.memory_space<vmem>>, vector<1x16xf32>,
      %get3A_980 = vector.shape_cast %get3A_979 : vector<1x16xf32> to vector<16xf32>
      %get3A_981 = arith.constant 3 : i32
      %get3A_982 = arith.index_cast %get3A_981 : i32 to index
      %get3A_983 = arith.index_cast %mul3A_956 : i32 to index
      %get3A_984 = tpu.vector_load %arg6[%get3A_982, %get3A_983] {strides = array<i32>} : memref<8x4000xf32, #tpu.memory_space<vmem>>, vector<1x16xf32>,
      %get3A_985 = vector.shape_cast %get3A_984 : vector<1x16xf32> to vector<16xf32>
      %get3A_986 = arith.constant 4 : i32
      %get3A_987 = arith.index_cast %get3A_986 : i32 to index
      %get3A_988 = arith.index_cast %mul3A_956 : i32 to index
      %get3A_989 = tpu.vector_load %arg6[%get3A_987, %get3A_988] {strides = array<i32>} : memref<8x4000xf32, #tpu.memory_space<vmem>>, vector<1x16xf32>,
      %get3A_990 = vector.shape_cast %get3A_989 : vector<1x16xf32> to vector<16xf32>
      %get3A_991 = arith.constant 2 : i32
      %get3A_992 = arith.index_cast %get3A_991 : i32 to index
      %get3A_993 = arith.index_cast %mul3A_956 : i32 to index
      %get3A_994 = tpu.vector_load %arg6[%get3A_992, %get3A_993] {strides = array<i32>} : memref<8x4000xf32, #tpu.memory_space<vmem>>, vector<1x16xf32>,
      %get3A_995 = vector.shape_cast %get3A_994 : vector<1x16xf32> to vector<16xf32>
      %swap3A = arith.constant 0 : i32
      %swap3A_996 = arith.index_cast %swap3A : i32 to index
      %swap3A_997 = arith.index_cast %mul3A_956 : i32 to index
      %swap3A_998 = tpu.vector_load %arg6[%swap3A_996, %swap3A_997] {strides = array<i32>} : memref<8x4000xf32, #tpu.memory_space<vmem>>, vector<1x16xf32>,
      %swap3A_999 = vector.shape_cast %swap3A_998 : vector<1x16xf32> to vector<16xf32>
      %swap3A_1000 = vector.shape_cast %get3A_960 : vector<16xf32> to vector<1x16xf32>
      tpu.vector_store %arg6[%swap3A_996, %swap3A_997], %swap3A_1000 {strides = array<i32>} : memref<8x4000xf32, #tpu.memory_space<vmem>>, vector<1x16xf32>,
      %swap3A_1001 = arith.constant 1 : i32
      %swap3A_1002 = arith.index_cast %swap3A_1001 : i32 to index
      %swap3A_1003 = arith.index_cast %mul3A_956 : i32 to index
      %swap3A_1004 = tpu.vector_load %arg6[%swap3A_1002, %swap3A_1003] {strides = array<i32>} : memref<8x4000xf32, #tpu.memory_space<vmem>>, vector<1x16xf32>,
      %swap3A_1005 = vector.shape_cast %swap3A_1004 : vector<1x16xf32> to vector<16xf32>
      %swap3A_1006 = vector.shape_cast %get3A_965 : vector<16xf32> to vector<1x16xf32>
      tpu.vector_store %arg6[%swap3A_1002, %swap3A_1003], %swap3A_1006 {strides = array<i32>} : memref<8x4000xf32, #tpu.memory_space<vmem>>, vector<1x16xf32>,
      %swap3A_1007 = arith.constant 2 : i32
      %swap3A_1008 = arith.index_cast %swap3A_1007 : i32 to index
      %swap3A_1009 = arith.index_cast %mul3A_956 : i32 to index
      %swap3A_1010 = tpu.vector_load %arg6[%swap3A_1008, %swap3A_1009] {strides = array<i32>} : memref<8x4000xf32, #tpu.memory_space<vmem>>, vector<1x16xf32>,
      %swap3A_1011 = vector.shape_cast %swap3A_1010 : vector<1x16xf32> to vector<16xf32>
      %swap3A_1012 = vector.shape_cast %get3A_970 : vector<16xf32> to vector<1x16xf32>
      tpu.vector_store %arg6[%swap3A_1008, %swap3A_1009], %swap3A_1012 {strides = array<i32>} : memref<8x4000xf32, #tpu.memory_space<vmem>>, vector<1x16xf32>,
      %swap3A_1013 = arith.constant 3 : i32
      %swap3A_1014 = arith.index_cast %swap3A_1013 : i32 to index
      %swap3A_1015 = arith.index_cast %mul3A_956 : i32 to index
      %swap3A_1016 = tpu.vector_load %arg6[%swap3A_1014, %swap3A_1015] {strides = array<i32>} : memref<8x4000xf32, #tpu.memory_space<vmem>>, vector<1x16xf32>,
      %swap3A_1017 = vector.shape_cast %swap3A_1016 : vector<1x16xf32> to vector<16xf32>
      %swap3A_1018 = vector.shape_cast %get3A_975 : vector<16xf32> to vector<1x16xf32>
      tpu.vector_store %arg6[%swap3A_1014, %swap3A_1015], %swap3A_1018 {strides = array<i32>} : memref<8x4000xf32, #tpu.memory_space<vmem>>, vector<1x16xf32>,
      %swap3A_1019 = arith.constant 4 : i32
      %swap3A_1020 = arith.index_cast %swap3A_1019 : i32 to index
      %swap3A_1021 = arith.index_cast %mul3A_956 : i32 to index
      %swap3A_1022 = tpu.vector_load %arg6[%swap3A_1020, %swap3A_1021] {strides = array<i32>} : memref<8x4000xf32, #tpu.memory_space<vmem>>, vector<1x16xf32>,
      %swap3A_1023 = vector.shape_cast %swap3A_1022 : vector<1x16xf32> to vector<16xf32>
      %swap3A_1024 = vector.shape_cast %get3A_980 : vector<16xf32> to vector<1x16xf32>
      tpu.vector_store %arg6[%swap3A_1020, %swap3A_1021], %swap3A_1024 {strides = array<i32>} : memref<8x4000xf32, #tpu.memory_space<vmem>>, vector<1x16xf32>,
      %swap3A_1025 = arith.constant 5 : i32
      %swap3A_1026 = arith.index_cast %swap3A_1025 : i32 to index
      %swap3A_1027 = arith.index_cast %mul3A_956 : i32 to index
      %swap3A_1028 = tpu.vector_load %arg6[%swap3A_1026, %swap3A_1027] {strides = array<i32>} : memref<8x4000xf32, #tpu.memory_space<vmem>>, vector<1x16xf32>,
      %swap3A_1029 = vector.shape_cast %swap3A_1028 : vector<1x16xf32> to vector<16xf32>
      %swap3A_1030 = vector.shape_cast %get3A_985 : vector<16xf32> to vector<1x16xf32>
      tpu.vector_store %arg6[%swap3A_1026, %swap3A_1027], %swap3A_1030 {strides = array<i32>} : memref<8x4000xf32, #tpu.memory_space<vmem>>, vector<1x16xf32>,
      %swap3A_1031 = arith.constant 6 : i32
      %swap3A_1032 = arith.index_cast %swap3A_1031 : i32 to index
      %swap3A_1033 = arith.index_cast %mul3A_956 : i32 to index
      %swap3A_1034 = tpu.vector_load %arg6[%swap3A_1032, %swap3A_1033] {strides = array<i32>} : memref<8x4000xf32, #tpu.memory_space<vmem>>, vector<1x16xf32>,
      %swap3A_1035 = vector.shape_cast %swap3A_1034 : vector<1x16xf32> to vector<16xf32>
      %swap3A_1036 = vector.shape_cast %get3A_990 : vector<16xf32> to vector<1x16xf32>
      tpu.vector_store %arg6[%swap3A_1032, %swap3A_1033], %swap3A_1036 {strides = array<i32>} : memref<8x4000xf32, #tpu.memory_space<vmem>>, vector<1x16xf32>,
      %swap3A_1037 = arith.constant 7 : i32
      %swap3A_1038 = arith.index_cast %swap3A_1037 : i32 to index
      %swap3A_1039 = arith.index_cast %mul3A_956 : i32 to index
      %swap3A_1040 = tpu.vector_load %arg6[%swap3A_1038, %swap3A_1039] {strides = array<i32>} : memref<8x4000xf32, #tpu.memory_space<vmem>>, vector<1x16xf32>,
      %swap3A_1041 = vector.shape_cast %swap3A_1040 : vector<1x16xf32> to vector<16xf32>
      %swap3A_1042 = vector.shape_cast %get3A_995 : vector<16xf32> to vector<1x16xf32>
      tpu.vector_store %arg6[%swap3A_1038, %swap3A_1039], %swap3A_1042 {strides = array<i32>} : memref<8x4000xf32, #tpu.memory_space<vmem>>, vector<1x16xf32>,
    }
    %scan3A_437 = arith.constant 250 : i32
    %add3A_438 = arith.constant 112 : i32
    %add3A_439 = arith.addi %mul3A_2, %add3A_438 : i32
    %dma_start3A_440 = arith.constant 0 : i32
    %dma_start3A_441 = tpu.memref_slice %arg3[%add3A_439, %dma_start3A_440] : memref<8192x4000xf32, #tpu.memory_space<hbm>> -> memref<8x4000xf32, #tpu.memory_space<hbm>>
    %dma_start3A_442 = arith.constant 0 : i32
    %dma_start3A_443 = tpu.memref_slice %arg3[%add3A_439, %dma_start3A_442] : memref<8192x4000xf32, #tpu.memory_space<hbm>> -> memref<8x4000xf32, #tpu.memory_space<hbm>>
    tpu.enqueue_dma source(%arg6 : memref<8x4000xf32, #tpu.memory_space<vmem>>) target(%dma_start3A_443 : memref<8x4000xf32, #tpu.memory_space<hbm>>) target_semaphore(%arg8 : memref<!tpu.dma_semaphore, #tpu.memory_space<semaphore_mem>>)
    %add3A_444 = arith.constant 104 : i32
    %add3A_445 = arith.addi %mul3A_2, %add3A_444 : i32
    %dma_wait3A_446 = arith.constant 0 : i32
    %dma_wait3A_447 = tpu.memref_slice %arg3[%add3A_445, %dma_wait3A_446] : memref<8192x4000xf32, #tpu.memory_space<hbm>> -> memref<8x4000xf32, #tpu.memory_space<hbm>>
    %dma_wait3A_448 = arith.constant 0 : i32
    %dma_wait3A_449 = tpu.memref_slice %arg3[%add3A_445, %dma_wait3A_448] : memref<8192x4000xf32, #tpu.memory_space<hbm>> -> memref<8x4000xf32, #tpu.memory_space<hbm>>
    tpu.wait_dma2 semaphore(%arg8 : memref<!tpu.dma_semaphore, #tpu.memory_space<semaphore_mem>>) src(%arg5 : memref<8x4000xf32, #tpu.memory_space<vmem>>) dst(%dma_wait3A_449 : memref<8x4000xf32, #tpu.memory_space<hbm>>)
    %add3A_450 = arith.constant 128 : i32
    %add3A_451 = arith.addi %mul3A_2, %add3A_450 : i32
    %dma_start3A_452 = arith.constant 0 : i32
    %dma_start3A_453 = tpu.memref_slice %arg2[%add3A_451, %dma_start3A_452] : memref<8192x4000xf32, #tpu.memory_space<hbm>> -> memref<8x4000xf32, #tpu.memory_space<hbm>>
    %dma_start3A_454 = arith.constant 0 : i32
    %dma_start3A_455 = tpu.memref_slice %arg2[%add3A_451, %dma_start3A_454] : memref<8192x4000xf32, #tpu.memory_space<hbm>> -> memref<8x4000xf32, #tpu.memory_space<hbm>>
    tpu.enqueue_dma source(%dma_start3A_455 : memref<8x4000xf32, #tpu.memory_space<hbm>>) target(%arg5 : memref<8x4000xf32, #tpu.memory_space<vmem>>) target_semaphore(%arg7 : memref<!tpu.dma_semaphore, #tpu.memory_space<semaphore_mem>>)
    %add3A_456 = arith.constant 120 : i32
    %add3A_457 = arith.addi %mul3A_2, %add3A_456 : i32
    %dma_wait3A_458 = arith.constant 0 : i32
    %dma_wait3A_459 = tpu.memref_slice %arg2[%add3A_457, %dma_wait3A_458] : memref<8192x4000xf32, #tpu.memory_space<hbm>> -> memref<8x4000xf32, #tpu.memory_space<hbm>>
    %dma_wait3A_460 = arith.constant 0 : i32
    %dma_wait3A_461 = tpu.memref_slice %arg2[%add3A_457, %dma_wait3A_460] : memref<8192x4000xf32, #tpu.memory_space<hbm>> -> memref<8x4000xf32, #tpu.memory_space<hbm>>
    tpu.wait_dma2 semaphore(%arg7 : memref<!tpu.dma_semaphore, #tpu.memory_space<semaphore_mem>>) src(%dma_wait3A_461 : memref<8x4000xf32, #tpu.memory_space<hbm>>) dst(%arg4 : memref<8x4000xf32, #tpu.memory_space<vmem>>)
    %scan3A_462 = arith.constant 0 : i32
    %scan3A_463 = arith.constant 0 : i32
    %scan3A_464 = arith.constant 250 : i32
    %scan3A_465 = arith.addi %scan3A_463, %scan3A_464 : i32
    %scan3A_466 = arith.constant 1 : i32
    scf.for %scan3A_954 = %scan3A_463 to %scan3A_465 step %scan3A_466  : i32 {
      %mul3A_955 = arith.constant 16 : i32
      %mul3A_956 = arith.muli %scan3A_954, %mul3A_955 : i32
      %get3A = arith.constant 5 : i32
      %get3A_957 = arith.index_cast %get3A : i32 to index
      %get3A_958 = arith.index_cast %mul3A_956 : i32 to index
      %get3A_959 = tpu.vector_load %arg4[%get3A_957, %get3A_958] {strides = array<i32>} : memref<8x4000xf32, #tpu.memory_space<vmem>>, vector<1x16xf32>,
      %get3A_960 = vector.shape_cast %get3A_959 : vector<1x16xf32> to vector<16xf32>
      %get3A_961 = arith.constant 0 : i32
      %get3A_962 = arith.index_cast %get3A_961 : i32 to index
      %get3A_963 = arith.index_cast %mul3A_956 : i32 to index
      %get3A_964 = tpu.vector_load %arg4[%get3A_962, %get3A_963] {strides = array<i32>} : memref<8x4000xf32, #tpu.memory_space<vmem>>, vector<1x16xf32>,
      %get3A_965 = vector.shape_cast %get3A_964 : vector<1x16xf32> to vector<16xf32>
      %get3A_966 = arith.constant 2 : i32
      %get3A_967 = arith.index_cast %get3A_966 : i32 to index
      %get3A_968 = arith.index_cast %mul3A_956 : i32 to index
      %get3A_969 = tpu.vector_load %arg4[%get3A_967, %get3A_968] {strides = array<i32>} : memref<8x4000xf32, #tpu.memory_space<vmem>>, vector<1x16xf32>,
      %get3A_970 = vector.shape_cast %get3A_969 : vector<1x16xf32> to vector<16xf32>
      %get3A_971 = arith.constant 7 : i32
      %get3A_972 = arith.index_cast %get3A_971 : i32 to index
      %get3A_973 = arith.index_cast %mul3A_956 : i32 to index
      %get3A_974 = tpu.vector_load %arg4[%get3A_972, %get3A_973] {strides = array<i32>} : memref<8x4000xf32, #tpu.memory_space<vmem>>, vector<1x16xf32>,
      %get3A_975 = vector.shape_cast %get3A_974 : vector<1x16xf32> to vector<16xf32>
      %get3A_976 = arith.constant 1 : i32
      %get3A_977 = arith.index_cast %get3A_976 : i32 to index
      %get3A_978 = arith.index_cast %mul3A_956 : i32 to index
      %get3A_979 = tpu.vector_load %arg4[%get3A_977, %get3A_978] {strides = array<i32>} : memref<8x4000xf32, #tpu.memory_space<vmem>>, vector<1x16xf32>,
      %get3A_980 = vector.shape_cast %get3A_979 : vector<1x16xf32> to vector<16xf32>
      %get3A_981 = arith.constant 3 : i32
      %get3A_982 = arith.index_cast %get3A_981 : i32 to index
      %get3A_983 = arith.index_cast %mul3A_956 : i32 to index
      %get3A_984 = tpu.vector_load %arg4[%get3A_982, %get3A_983] {strides = array<i32>} : memref<8x4000xf32, #tpu.memory_space<vmem>>, vector<1x16xf32>,
      %get3A_985 = vector.shape_cast %get3A_984 : vector<1x16xf32> to vector<16xf32>
      %get3A_986 = arith.constant 4 : i32
      %get3A_987 = arith.index_cast %get3A_986 : i32 to index
      %get3A_988 = arith.index_cast %mul3A_956 : i32 to index
      %get3A_989 = tpu.vector_load %arg4[%get3A_987, %get3A_988] {strides = array<i32>} : memref<8x4000xf32, #tpu.memory_space<vmem>>, vector<1x16xf32>,
      %get3A_990 = vector.shape_cast %get3A_989 : vector<1x16xf32> to vector<16xf32>
      %get3A_991 = arith.constant 6 : i32
      %get3A_992 = arith.index_cast %get3A_991 : i32 to index
      %get3A_993 = arith.index_cast %mul3A_956 : i32 to index
      %get3A_994 = tpu.vector_load %arg4[%get3A_992, %get3A_993] {strides = array<i32>} : memref<8x4000xf32, #tpu.memory_space<vmem>>, vector<1x16xf32>,
      %get3A_995 = vector.shape_cast %get3A_994 : vector<1x16xf32> to vector<16xf32>
      %swap3A = arith.constant 0 : i32
      %swap3A_996 = arith.index_cast %swap3A : i32 to index
      %swap3A_997 = arith.index_cast %mul3A_956 : i32 to index
      %swap3A_998 = tpu.vector_load %arg4[%swap3A_996, %swap3A_997] {strides = array<i32>} : memref<8x4000xf32, #tpu.memory_space<vmem>>, vector<1x16xf32>,
      %swap3A_999 = vector.shape_cast %swap3A_998 : vector<1x16xf32> to vector<16xf32>
      %swap3A_1000 = vector.shape_cast %get3A_960 : vector<16xf32> to vector<1x16xf32>
      tpu.vector_store %arg4[%swap3A_996, %swap3A_997], %swap3A_1000 {strides = array<i32>} : memref<8x4000xf32, #tpu.memory_space<vmem>>, vector<1x16xf32>,
      %swap3A_1001 = arith.constant 1 : i32
      %swap3A_1002 = arith.index_cast %swap3A_1001 : i32 to index
      %swap3A_1003 = arith.index_cast %mul3A_956 : i32 to index
      %swap3A_1004 = tpu.vector_load %arg4[%swap3A_1002, %swap3A_1003] {strides = array<i32>} : memref<8x4000xf32, #tpu.memory_space<vmem>>, vector<1x16xf32>,
      %swap3A_1005 = vector.shape_cast %swap3A_1004 : vector<1x16xf32> to vector<16xf32>
      %swap3A_1006 = vector.shape_cast %get3A_965 : vector<16xf32> to vector<1x16xf32>
      tpu.vector_store %arg4[%swap3A_1002, %swap3A_1003], %swap3A_1006 {strides = array<i32>} : memref<8x4000xf32, #tpu.memory_space<vmem>>, vector<1x16xf32>,
      %swap3A_1007 = arith.constant 2 : i32
      %swap3A_1008 = arith.index_cast %swap3A_1007 : i32 to index
      %swap3A_1009 = arith.index_cast %mul3A_956 : i32 to index
      %swap3A_1010 = tpu.vector_load %arg4[%swap3A_1008, %swap3A_1009] {strides = array<i32>} : memref<8x4000xf32, #tpu.memory_space<vmem>>, vector<1x16xf32>,
      %swap3A_1011 = vector.shape_cast %swap3A_1010 : vector<1x16xf32> to vector<16xf32>
      %swap3A_1012 = vector.shape_cast %get3A_970 : vector<16xf32> to vector<1x16xf32>
      tpu.vector_store %arg4[%swap3A_1008, %swap3A_1009], %swap3A_1012 {strides = array<i32>} : memref<8x4000xf32, #tpu.memory_space<vmem>>, vector<1x16xf32>,
      %swap3A_1013 = arith.constant 3 : i32
      %swap3A_1014 = arith.index_cast %swap3A_1013 : i32 to index
      %swap3A_1015 = arith.index_cast %mul3A_956 : i32 to index
      %swap3A_1016 = tpu.vector_load %arg4[%swap3A_1014, %swap3A_1015] {strides = array<i32>} : memref<8x4000xf32, #tpu.memory_space<vmem>>, vector<1x16xf32>,
      %swap3A_1017 = vector.shape_cast %swap3A_1016 : vector<1x16xf32> to vector<16xf32>
      %swap3A_1018 = vector.shape_cast %get3A_975 : vector<16xf32> to vector<1x16xf32>
      tpu.vector_store %arg4[%swap3A_1014, %swap3A_1015], %swap3A_1018 {strides = array<i32>} : memref<8x4000xf32, #tpu.memory_space<vmem>>, vector<1x16xf32>,
      %swap3A_1019 = arith.constant 4 : i32
      %swap3A_1020 = arith.index_cast %swap3A_1019 : i32 to index
      %swap3A_1021 = arith.index_cast %mul3A_956 : i32 to index
      %swap3A_1022 = tpu.vector_load %arg4[%swap3A_1020, %swap3A_1021] {strides = array<i32>} : memref<8x4000xf32, #tpu.memory_space<vmem>>, vector<1x16xf32>,
      %swap3A_1023 = vector.shape_cast %swap3A_1022 : vector<1x16xf32> to vector<16xf32>
      %swap3A_1024 = vector.shape_cast %get3A_980 : vector<16xf32> to vector<1x16xf32>
      tpu.vector_store %arg4[%swap3A_1020, %swap3A_1021], %swap3A_1024 {strides = array<i32>} : memref<8x4000xf32, #tpu.memory_space<vmem>>, vector<1x16xf32>,
      %swap3A_1025 = arith.constant 5 : i32
      %swap3A_1026 = arith.index_cast %swap3A_1025 : i32 to index
      %swap3A_1027 = arith.index_cast %mul3A_956 : i32 to index
      %swap3A_1028 = tpu.vector_load %arg4[%swap3A_1026, %swap3A_1027] {strides = array<i32>} : memref<8x4000xf32, #tpu.memory_space<vmem>>, vector<1x16xf32>,
      %swap3A_1029 = vector.shape_cast %swap3A_1028 : vector<1x16xf32> to vector<16xf32>
      %swap3A_1030 = vector.shape_cast %get3A_985 : vector<16xf32> to vector<1x16xf32>
      tpu.vector_store %arg4[%swap3A_1026, %swap3A_1027], %swap3A_1030 {strides = array<i32>} : memref<8x4000xf32, #tpu.memory_space<vmem>>, vector<1x16xf32>,
      %swap3A_1031 = arith.constant 6 : i32
      %swap3A_1032 = arith.index_cast %swap3A_1031 : i32 to index
      %swap3A_1033 = arith.index_cast %mul3A_956 : i32 to index
      %swap3A_1034 = tpu.vector_load %arg4[%swap3A_1032, %swap3A_1033] {strides = array<i32>} : memref<8x4000xf32, #tpu.memory_space<vmem>>, vector<1x16xf32>,
      %swap3A_1035 = vector.shape_cast %swap3A_1034 : vector<1x16xf32> to vector<16xf32>
      %swap3A_1036 = vector.shape_cast %get3A_990 : vector<16xf32> to vector<1x16xf32>
      tpu.vector_store %arg4[%swap3A_1032, %swap3A_1033], %swap3A_1036 {strides = array<i32>} : memref<8x4000xf32, #tpu.memory_space<vmem>>, vector<1x16xf32>,
      %swap3A_1037 = arith.constant 7 : i32
      %swap3A_1038 = arith.index_cast %swap3A_1037 : i32 to index
      %swap3A_1039 = arith.index_cast %mul3A_956 : i32 to index
      %swap3A_1040 = tpu.vector_load %arg4[%swap3A_1038, %swap3A_1039] {strides = array<i32>} : memref<8x4000xf32, #tpu.memory_space<vmem>>, vector<1x16xf32>,
      %swap3A_1041 = vector.shape_cast %swap3A_1040 : vector<1x16xf32> to vector<16xf32>
      %swap3A_1042 = vector.shape_cast %get3A_995 : vector<16xf32> to vector<1x16xf32>
      tpu.vector_store %arg4[%swap3A_1038, %swap3A_1039], %swap3A_1042 {strides = array<i32>} : memref<8x4000xf32, #tpu.memory_space<vmem>>, vector<1x16xf32>,
    }
    %scan3A_467 = arith.constant 250 : i32
    %add3A_468 = arith.constant 120 : i32
    %add3A_469 = arith.addi %mul3A_2, %add3A_468 : i32
    %dma_start3A_470 = arith.constant 0 : i32
    %dma_start3A_471 = tpu.memref_slice %arg3[%add3A_469, %dma_start3A_470] : memref<8192x4000xf32, #tpu.memory_space<hbm>> -> memref<8x4000xf32, #tpu.memory_space<hbm>>
    %dma_start3A_472 = arith.constant 0 : i32
    %dma_start3A_473 = tpu.memref_slice %arg3[%add3A_469, %dma_start3A_472] : memref<8192x4000xf32, #tpu.memory_space<hbm>> -> memref<8x4000xf32, #tpu.memory_space<hbm>>
    tpu.enqueue_dma source(%arg4 : memref<8x4000xf32, #tpu.memory_space<vmem>>) target(%dma_start3A_473 : memref<8x4000xf32, #tpu.memory_space<hbm>>) target_semaphore(%arg8 : memref<!tpu.dma_semaphore, #tpu.memory_space<semaphore_mem>>)
    %add3A_474 = arith.constant 112 : i32
    %add3A_475 = arith.addi %mul3A_2, %add3A_474 : i32
    %dma_wait3A_476 = arith.constant 0 : i32
    %dma_wait3A_477 = tpu.memref_slice %arg3[%add3A_475, %dma_wait3A_476] : memref<8192x4000xf32, #tpu.memory_space<hbm>> -> memref<8x4000xf32, #tpu.memory_space<hbm>>
    %dma_wait3A_478 = arith.constant 0 : i32
    %dma_wait3A_479 = tpu.memref_slice %arg3[%add3A_475, %dma_wait3A_478] : memref<8192x4000xf32, #tpu.memory_space<hbm>> -> memref<8x4000xf32, #tpu.memory_space<hbm>>
    tpu.wait_dma2 semaphore(%arg8 : memref<!tpu.dma_semaphore, #tpu.memory_space<semaphore_mem>>) src(%arg6 : memref<8x4000xf32, #tpu.memory_space<vmem>>) dst(%dma_wait3A_479 : memref<8x4000xf32, #tpu.memory_space<hbm>>)
    %add3A_480 = arith.constant 136 : i32
    %add3A_481 = arith.addi %mul3A_2, %add3A_480 : i32
    %dma_start3A_482 = arith.constant 0 : i32
    %dma_start3A_483 = tpu.memref_slice %arg2[%add3A_481, %dma_start3A_482] : memref<8192x4000xf32, #tpu.memory_space<hbm>> -> memref<8x4000xf32, #tpu.memory_space<hbm>>
    %dma_start3A_484 = arith.constant 0 : i32
    %dma_start3A_485 = tpu.memref_slice %arg2[%add3A_481, %dma_start3A_484] : memref<8192x4000xf32, #tpu.memory_space<hbm>> -> memref<8x4000xf32, #tpu.memory_space<hbm>>
    tpu.enqueue_dma source(%dma_start3A_485 : memref<8x4000xf32, #tpu.memory_space<hbm>>) target(%arg6 : memref<8x4000xf32, #tpu.memory_space<vmem>>) target_semaphore(%arg7 : memref<!tpu.dma_semaphore, #tpu.memory_space<semaphore_mem>>)
    %add3A_486 = arith.constant 128 : i32
    %add3A_487 = arith.addi %mul3A_2, %add3A_486 : i32
    %dma_wait3A_488 = arith.constant 0 : i32
    %dma_wait3A_489 = tpu.memref_slice %arg2[%add3A_487, %dma_wait3A_488] : memref<8192x4000xf32, #tpu.memory_space<hbm>> -> memref<8x4000xf32, #tpu.memory_space<hbm>>
    %dma_wait3A_490 = arith.constant 0 : i32
    %dma_wait3A_491 = tpu.memref_slice %arg2[%add3A_487, %dma_wait3A_490] : memref<8192x4000xf32, #tpu.memory_space<hbm>> -> memref<8x4000xf32, #tpu.memory_space<hbm>>
    tpu.wait_dma2 semaphore(%arg7 : memref<!tpu.dma_semaphore, #tpu.memory_space<semaphore_mem>>) src(%dma_wait3A_491 : memref<8x4000xf32, #tpu.memory_space<hbm>>) dst(%arg5 : memref<8x4000xf32, #tpu.memory_space<vmem>>)
    %scan3A_492 = arith.constant 0 : i32
    %scan3A_493 = arith.constant 0 : i32
    %scan3A_494 = arith.constant 250 : i32
    %scan3A_495 = arith.addi %scan3A_493, %scan3A_494 : i32
    %scan3A_496 = arith.constant 1 : i32
    scf.for %scan3A_954 = %scan3A_493 to %scan3A_495 step %scan3A_496  : i32 {
      %mul3A_955 = arith.constant 16 : i32
      %mul3A_956 = arith.muli %scan3A_954, %mul3A_955 : i32
      %get3A = arith.constant 1 : i32
      %get3A_957 = arith.index_cast %get3A : i32 to index
      %get3A_958 = arith.index_cast %mul3A_956 : i32 to index
      %get3A_959 = tpu.vector_load %arg5[%get3A_957, %get3A_958] {strides = array<i32>} : memref<8x4000xf32, #tpu.memory_space<vmem>>, vector<1x16xf32>,
      %get3A_960 = vector.shape_cast %get3A_959 : vector<1x16xf32> to vector<16xf32>
      %get3A_961 = arith.constant 3 : i32
      %get3A_962 = arith.index_cast %get3A_961 : i32 to index
      %get3A_963 = arith.index_cast %mul3A_956 : i32 to index
      %get3A_964 = tpu.vector_load %arg5[%get3A_962, %get3A_963] {strides = array<i32>} : memref<8x4000xf32, #tpu.memory_space<vmem>>, vector<1x16xf32>,
      %get3A_965 = vector.shape_cast %get3A_964 : vector<1x16xf32> to vector<16xf32>
      %get3A_966 = arith.constant 5 : i32
      %get3A_967 = arith.index_cast %get3A_966 : i32 to index
      %get3A_968 = arith.index_cast %mul3A_956 : i32 to index
      %get3A_969 = tpu.vector_load %arg5[%get3A_967, %get3A_968] {strides = array<i32>} : memref<8x4000xf32, #tpu.memory_space<vmem>>, vector<1x16xf32>,
      %get3A_970 = vector.shape_cast %get3A_969 : vector<1x16xf32> to vector<16xf32>
      %get3A_971 = arith.constant 0 : i32
      %get3A_972 = arith.index_cast %get3A_971 : i32 to index
      %get3A_973 = arith.index_cast %mul3A_956 : i32 to index
      %get3A_974 = tpu.vector_load %arg5[%get3A_972, %get3A_973] {strides = array<i32>} : memref<8x4000xf32, #tpu.memory_space<vmem>>, vector<1x16xf32>,
      %get3A_975 = vector.shape_cast %get3A_974 : vector<1x16xf32> to vector<16xf32>
      %get3A_976 = arith.constant 2 : i32
      %get3A_977 = arith.index_cast %get3A_976 : i32 to index
      %get3A_978 = arith.index_cast %mul3A_956 : i32 to index
      %get3A_979 = tpu.vector_load %arg5[%get3A_977, %get3A_978] {strides = array<i32>} : memref<8x4000xf32, #tpu.memory_space<vmem>>, vector<1x16xf32>,
      %get3A_980 = vector.shape_cast %get3A_979 : vector<1x16xf32> to vector<16xf32>
      %get3A_981 = arith.constant 6 : i32
      %get3A_982 = arith.index_cast %get3A_981 : i32 to index
      %get3A_983 = arith.index_cast %mul3A_956 : i32 to index
      %get3A_984 = tpu.vector_load %arg5[%get3A_982, %get3A_983] {strides = array<i32>} : memref<8x4000xf32, #tpu.memory_space<vmem>>, vector<1x16xf32>,
      %get3A_985 = vector.shape_cast %get3A_984 : vector<1x16xf32> to vector<16xf32>
      %get3A_986 = arith.constant 7 : i32
      %get3A_987 = arith.index_cast %get3A_986 : i32 to index
      %get3A_988 = arith.index_cast %mul3A_956 : i32 to index
      %get3A_989 = tpu.vector_load %arg5[%get3A_987, %get3A_988] {strides = array<i32>} : memref<8x4000xf32, #tpu.memory_space<vmem>>, vector<1x16xf32>,
      %get3A_990 = vector.shape_cast %get3A_989 : vector<1x16xf32> to vector<16xf32>
      %get3A_991 = arith.constant 4 : i32
      %get3A_992 = arith.index_cast %get3A_991 : i32 to index
      %get3A_993 = arith.index_cast %mul3A_956 : i32 to index
      %get3A_994 = tpu.vector_load %arg5[%get3A_992, %get3A_993] {strides = array<i32>} : memref<8x4000xf32, #tpu.memory_space<vmem>>, vector<1x16xf32>,
      %get3A_995 = vector.shape_cast %get3A_994 : vector<1x16xf32> to vector<16xf32>
      %swap3A = arith.constant 0 : i32
      %swap3A_996 = arith.index_cast %swap3A : i32 to index
      %swap3A_997 = arith.index_cast %mul3A_956 : i32 to index
      %swap3A_998 = tpu.vector_load %arg5[%swap3A_996, %swap3A_997] {strides = array<i32>} : memref<8x4000xf32, #tpu.memory_space<vmem>>, vector<1x16xf32>,
      %swap3A_999 = vector.shape_cast %swap3A_998 : vector<1x16xf32> to vector<16xf32>
      %swap3A_1000 = vector.shape_cast %get3A_960 : vector<16xf32> to vector<1x16xf32>
      tpu.vector_store %arg5[%swap3A_996, %swap3A_997], %swap3A_1000 {strides = array<i32>} : memref<8x4000xf32, #tpu.memory_space<vmem>>, vector<1x16xf32>,
      %swap3A_1001 = arith.constant 1 : i32
      %swap3A_1002 = arith.index_cast %swap3A_1001 : i32 to index
      %swap3A_1003 = arith.index_cast %mul3A_956 : i32 to index
      %swap3A_1004 = tpu.vector_load %arg5[%swap3A_1002, %swap3A_1003] {strides = array<i32>} : memref<8x4000xf32, #tpu.memory_space<vmem>>, vector<1x16xf32>,
      %swap3A_1005 = vector.shape_cast %swap3A_1004 : vector<1x16xf32> to vector<16xf32>
      %swap3A_1006 = vector.shape_cast %get3A_965 : vector<16xf32> to vector<1x16xf32>
      tpu.vector_store %arg5[%swap3A_1002, %swap3A_1003], %swap3A_1006 {strides = array<i32>} : memref<8x4000xf32, #tpu.memory_space<vmem>>, vector<1x16xf32>,
      %swap3A_1007 = arith.constant 2 : i32
      %swap3A_1008 = arith.index_cast %swap3A_1007 : i32 to index
      %swap3A_1009 = arith.index_cast %mul3A_956 : i32 to index
      %swap3A_1010 = tpu.vector_load %arg5[%swap3A_1008, %swap3A_1009] {strides = array<i32>} : memref<8x4000xf32, #tpu.memory_space<vmem>>, vector<1x16xf32>,
      %swap3A_1011 = vector.shape_cast %swap3A_1010 : vector<1x16xf32> to vector<16xf32>
      %swap3A_1012 = vector.shape_cast %get3A_970 : vector<16xf32> to vector<1x16xf32>
      tpu.vector_store %arg5[%swap3A_1008, %swap3A_1009], %swap3A_1012 {strides = array<i32>} : memref<8x4000xf32, #tpu.memory_space<vmem>>, vector<1x16xf32>,
      %swap3A_1013 = arith.constant 3 : i32
      %swap3A_1014 = arith.index_cast %swap3A_1013 : i32 to index
      %swap3A_1015 = arith.index_cast %mul3A_956 : i32 to index
      %swap3A_1016 = tpu.vector_load %arg5[%swap3A_1014, %swap3A_1015] {strides = array<i32>} : memref<8x4000xf32, #tpu.memory_space<vmem>>, vector<1x16xf32>,
      %swap3A_1017 = vector.shape_cast %swap3A_1016 : vector<1x16xf32> to vector<16xf32>
      %swap3A_1018 = vector.shape_cast %get3A_975 : vector<16xf32> to vector<1x16xf32>
      tpu.vector_store %arg5[%swap3A_1014, %swap3A_1015], %swap3A_1018 {strides = array<i32>} : memref<8x4000xf32, #tpu.memory_space<vmem>>, vector<1x16xf32>,
      %swap3A_1019 = arith.constant 4 : i32
      %swap3A_1020 = arith.index_cast %swap3A_1019 : i32 to index
      %swap3A_1021 = arith.index_cast %mul3A_956 : i32 to index
      %swap3A_1022 = tpu.vector_load %arg5[%swap3A_1020, %swap3A_1021] {strides = array<i32>} : memref<8x4000xf32, #tpu.memory_space<vmem>>, vector<1x16xf32>,
      %swap3A_1023 = vector.shape_cast %swap3A_1022 : vector<1x16xf32> to vector<16xf32>
      %swap3A_1024 = vector.shape_cast %get3A_980 : vector<16xf32> to vector<1x16xf32>
      tpu.vector_store %arg5[%swap3A_1020, %swap3A_1021], %swap3A_1024 {strides = array<i32>} : memref<8x4000xf32, #tpu.memory_space<vmem>>, vector<1x16xf32>,
      %swap3A_1025 = arith.constant 5 : i32
      %swap3A_1026 = arith.index_cast %swap3A_1025 : i32 to index
      %swap3A_1027 = arith.index_cast %mul3A_956 : i32 to index
      %swap3A_1028 = tpu.vector_load %arg5[%swap3A_1026, %swap3A_1027] {strides = array<i32>} : memref<8x4000xf32, #tpu.memory_space<vmem>>, vector<1x16xf32>,
      %swap3A_1029 = vector.shape_cast %swap3A_1028 : vector<1x16xf32> to vector<16xf32>
      %swap3A_1030 = vector.shape_cast %get3A_985 : vector<16xf32> to vector<1x16xf32>
      tpu.vector_store %arg5[%swap3A_1026, %swap3A_1027], %swap3A_1030 {strides = array<i32>} : memref<8x4000xf32, #tpu.memory_space<vmem>>, vector<1x16xf32>,
      %swap3A_1031 = arith.constant 6 : i32
      %swap3A_1032 = arith.index_cast %swap3A_1031 : i32 to index
      %swap3A_1033 = arith.index_cast %mul3A_956 : i32 to index
      %swap3A_1034 = tpu.vector_load %arg5[%swap3A_1032, %swap3A_1033] {strides = array<i32>} : memref<8x4000xf32, #tpu.memory_space<vmem>>, vector<1x16xf32>,
      %swap3A_1035 = vector.shape_cast %swap3A_1034 : vector<1x16xf32> to vector<16xf32>
      %swap3A_1036 = vector.shape_cast %get3A_990 : vector<16xf32> to vector<1x16xf32>
      tpu.vector_store %arg5[%swap3A_1032, %swap3A_1033], %swap3A_1036 {strides = array<i32>} : memref<8x4000xf32, #tpu.memory_space<vmem>>, vector<1x16xf32>,
      %swap3A_1037 = arith.constant 7 : i32
      %swap3A_1038 = arith.index_cast %swap3A_1037 : i32 to index
      %swap3A_1039 = arith.index_cast %mul3A_956 : i32 to index
      %swap3A_1040 = tpu.vector_load %arg5[%swap3A_1038, %swap3A_1039] {strides = array<i32>} : memref<8x4000xf32, #tpu.memory_space<vmem>>, vector<1x16xf32>,
      %swap3A_1041 = vector.shape_cast %swap3A_1040 : vector<1x16xf32> to vector<16xf32>
      %swap3A_1042 = vector.shape_cast %get3A_995 : vector<16xf32> to vector<1x16xf32>
      tpu.vector_store %arg5[%swap3A_1038, %swap3A_1039], %swap3A_1042 {strides = array<i32>} : memref<8x4000xf32, #tpu.memory_space<vmem>>, vector<1x16xf32>,
    }
    %scan3A_497 = arith.constant 250 : i32
    %add3A_498 = arith.constant 128 : i32
    %add3A_499 = arith.addi %mul3A_2, %add3A_498 : i32
    %dma_start3A_500 = arith.constant 0 : i32
    %dma_start3A_501 = tpu.memref_slice %arg3[%add3A_499, %dma_start3A_500] : memref<8192x4000xf32, #tpu.memory_space<hbm>> -> memref<8x4000xf32, #tpu.memory_space<hbm>>
    %dma_start3A_502 = arith.constant 0 : i32
    %dma_start3A_503 = tpu.memref_slice %arg3[%add3A_499, %dma_start3A_502] : memref<8192x4000xf32, #tpu.memory_space<hbm>> -> memref<8x4000xf32, #tpu.memory_space<hbm>>
    tpu.enqueue_dma source(%arg5 : memref<8x4000xf32, #tpu.memory_space<vmem>>) target(%dma_start3A_503 : memref<8x4000xf32, #tpu.memory_space<hbm>>) target_semaphore(%arg8 : memref<!tpu.dma_semaphore, #tpu.memory_space<semaphore_mem>>)
    %add3A_504 = arith.constant 120 : i32
    %add3A_505 = arith.addi %mul3A_2, %add3A_504 : i32
    %dma_wait3A_506 = arith.constant 0 : i32
    %dma_wait3A_507 = tpu.memref_slice %arg3[%add3A_505, %dma_wait3A_506] : memref<8192x4000xf32, #tpu.memory_space<hbm>> -> memref<8x4000xf32, #tpu.memory_space<hbm>>
    %dma_wait3A_508 = arith.constant 0 : i32
    %dma_wait3A_509 = tpu.memref_slice %arg3[%add3A_505, %dma_wait3A_508] : memref<8192x4000xf32, #tpu.memory_space<hbm>> -> memref<8x4000xf32, #tpu.memory_space<hbm>>
    tpu.wait_dma2 semaphore(%arg8 : memref<!tpu.dma_semaphore, #tpu.memory_space<semaphore_mem>>) src(%arg4 : memref<8x4000xf32, #tpu.memory_space<vmem>>) dst(%dma_wait3A_509 : memref<8x4000xf32, #tpu.memory_space<hbm>>)
    %add3A_510 = arith.constant 144 : i32
    %add3A_511 = arith.addi %mul3A_2, %add3A_510 : i32
    %dma_start3A_512 = arith.constant 0 : i32
    %dma_start3A_513 = tpu.memref_slice %arg2[%add3A_511, %dma_start3A_512] : memref<8192x4000xf32, #tpu.memory_space<hbm>> -> memref<8x4000xf32, #tpu.memory_space<hbm>>
    %dma_start3A_514 = arith.constant 0 : i32
    %dma_start3A_515 = tpu.memref_slice %arg2[%add3A_511, %dma_start3A_514] : memref<8192x4000xf32, #tpu.memory_space<hbm>> -> memref<8x4000xf32, #tpu.memory_space<hbm>>
    tpu.enqueue_dma source(%dma_start3A_515 : memref<8x4000xf32, #tpu.memory_space<hbm>>) target(%arg4 : memref<8x4000xf32, #tpu.memory_space<vmem>>) target_semaphore(%arg7 : memref<!tpu.dma_semaphore, #tpu.memory_space<semaphore_mem>>)
    %add3A_516 = arith.constant 136 : i32
    %add3A_517 = arith.addi %mul3A_2, %add3A_516 : i32
    %dma_wait3A_518 = arith.constant 0 : i32
    %dma_wait3A_519 = tpu.memref_slice %arg2[%add3A_517, %dma_wait3A_518] : memref<8192x4000xf32, #tpu.memory_space<hbm>> -> memref<8x4000xf32, #tpu.memory_space<hbm>>
    %dma_wait3A_520 = arith.constant 0 : i32
    %dma_wait3A_521 = tpu.memref_slice %arg2[%add3A_517, %dma_wait3A_520] : memref<8192x4000xf32, #tpu.memory_space<hbm>> -> memref<8x4000xf32, #tpu.memory_space<hbm>>
    tpu.wait_dma2 semaphore(%arg7 : memref<!tpu.dma_semaphore, #tpu.memory_space<semaphore_mem>>) src(%dma_wait3A_521 : memref<8x4000xf32, #tpu.memory_space<hbm>>) dst(%arg6 : memref<8x4000xf32, #tpu.memory_space<vmem>>)
    %scan3A_522 = arith.constant 0 : i32
    %scan3A_523 = arith.constant 0 : i32
    %scan3A_524 = arith.constant 250 : i32
    %scan3A_525 = arith.addi %scan3A_523, %scan3A_524 : i32
    %scan3A_526 = arith.constant 1 : i32
    scf.for %scan3A_954 = %scan3A_523 to %scan3A_525 step %scan3A_526  : i32 {
      %mul3A_955 = arith.constant 16 : i32
      %mul3A_956 = arith.muli %scan3A_954, %mul3A_955 : i32
      %get3A = arith.constant 2 : i32
      %get3A_957 = arith.index_cast %get3A : i32 to index
      %get3A_958 = arith.index_cast %mul3A_956 : i32 to index
      %get3A_959 = tpu.vector_load %arg6[%get3A_957, %get3A_958] {strides = array<i32>} : memref<8x4000xf32, #tpu.memory_space<vmem>>, vector<1x16xf32>,
      %get3A_960 = vector.shape_cast %get3A_959 : vector<1x16xf32> to vector<16xf32>
      %get3A_961 = arith.constant 0 : i32
      %get3A_962 = arith.index_cast %get3A_961 : i32 to index
      %get3A_963 = arith.index_cast %mul3A_956 : i32 to index
      %get3A_964 = tpu.vector_load %arg6[%get3A_962, %get3A_963] {strides = array<i32>} : memref<8x4000xf32, #tpu.memory_space<vmem>>, vector<1x16xf32>,
      %get3A_965 = vector.shape_cast %get3A_964 : vector<1x16xf32> to vector<16xf32>
      %get3A_966 = arith.constant 4 : i32
      %get3A_967 = arith.index_cast %get3A_966 : i32 to index
      %get3A_968 = arith.index_cast %mul3A_956 : i32 to index
      %get3A_969 = tpu.vector_load %arg6[%get3A_967, %get3A_968] {strides = array<i32>} : memref<8x4000xf32, #tpu.memory_space<vmem>>, vector<1x16xf32>,
      %get3A_970 = vector.shape_cast %get3A_969 : vector<1x16xf32> to vector<16xf32>
      %get3A_971 = arith.constant 5 : i32
      %get3A_972 = arith.index_cast %get3A_971 : i32 to index
      %get3A_973 = arith.index_cast %mul3A_956 : i32 to index
      %get3A_974 = tpu.vector_load %arg6[%get3A_972, %get3A_973] {strides = array<i32>} : memref<8x4000xf32, #tpu.memory_space<vmem>>, vector<1x16xf32>,
      %get3A_975 = vector.shape_cast %get3A_974 : vector<1x16xf32> to vector<16xf32>
      %get3A_976 = arith.constant 7 : i32
      %get3A_977 = arith.index_cast %get3A_976 : i32 to index
      %get3A_978 = arith.index_cast %mul3A_956 : i32 to index
      %get3A_979 = tpu.vector_load %arg6[%get3A_977, %get3A_978] {strides = array<i32>} : memref<8x4000xf32, #tpu.memory_space<vmem>>, vector<1x16xf32>,
      %get3A_980 = vector.shape_cast %get3A_979 : vector<1x16xf32> to vector<16xf32>
      %get3A_981 = arith.constant 6 : i32
      %get3A_982 = arith.index_cast %get3A_981 : i32 to index
      %get3A_983 = arith.index_cast %mul3A_956 : i32 to index
      %get3A_984 = tpu.vector_load %arg6[%get3A_982, %get3A_983] {strides = array<i32>} : memref<8x4000xf32, #tpu.memory_space<vmem>>, vector<1x16xf32>,
      %get3A_985 = vector.shape_cast %get3A_984 : vector<1x16xf32> to vector<16xf32>
      %get3A_986 = arith.constant 3 : i32
      %get3A_987 = arith.index_cast %get3A_986 : i32 to index
      %get3A_988 = arith.index_cast %mul3A_956 : i32 to index
      %get3A_989 = tpu.vector_load %arg6[%get3A_987, %get3A_988] {strides = array<i32>} : memref<8x4000xf32, #tpu.memory_space<vmem>>, vector<1x16xf32>,
      %get3A_990 = vector.shape_cast %get3A_989 : vector<1x16xf32> to vector<16xf32>
      %get3A_991 = arith.constant 1 : i32
      %get3A_992 = arith.index_cast %get3A_991 : i32 to index
      %get3A_993 = arith.index_cast %mul3A_956 : i32 to index
      %get3A_994 = tpu.vector_load %arg6[%get3A_992, %get3A_993] {strides = array<i32>} : memref<8x4000xf32, #tpu.memory_space<vmem>>, vector<1x16xf32>,
      %get3A_995 = vector.shape_cast %get3A_994 : vector<1x16xf32> to vector<16xf32>
      %swap3A = arith.constant 0 : i32
      %swap3A_996 = arith.index_cast %swap3A : i32 to index
      %swap3A_997 = arith.index_cast %mul3A_956 : i32 to index
      %swap3A_998 = tpu.vector_load %arg6[%swap3A_996, %swap3A_997] {strides = array<i32>} : memref<8x4000xf32, #tpu.memory_space<vmem>>, vector<1x16xf32>,
      %swap3A_999 = vector.shape_cast %swap3A_998 : vector<1x16xf32> to vector<16xf32>
      %swap3A_1000 = vector.shape_cast %get3A_960 : vector<16xf32> to vector<1x16xf32>
      tpu.vector_store %arg6[%swap3A_996, %swap3A_997], %swap3A_1000 {strides = array<i32>} : memref<8x4000xf32, #tpu.memory_space<vmem>>, vector<1x16xf32>,
      %swap3A_1001 = arith.constant 1 : i32
      %swap3A_1002 = arith.index_cast %swap3A_1001 : i32 to index
      %swap3A_1003 = arith.index_cast %mul3A_956 : i32 to index
      %swap3A_1004 = tpu.vector_load %arg6[%swap3A_1002, %swap3A_1003] {strides = array<i32>} : memref<8x4000xf32, #tpu.memory_space<vmem>>, vector<1x16xf32>,
      %swap3A_1005 = vector.shape_cast %swap3A_1004 : vector<1x16xf32> to vector<16xf32>
      %swap3A_1006 = vector.shape_cast %get3A_965 : vector<16xf32> to vector<1x16xf32>
      tpu.vector_store %arg6[%swap3A_1002, %swap3A_1003], %swap3A_1006 {strides = array<i32>} : memref<8x4000xf32, #tpu.memory_space<vmem>>, vector<1x16xf32>,
      %swap3A_1007 = arith.constant 2 : i32
      %swap3A_1008 = arith.index_cast %swap3A_1007 : i32 to index
      %swap3A_1009 = arith.index_cast %mul3A_956 : i32 to index
      %swap3A_1010 = tpu.vector_load %arg6[%swap3A_1008, %swap3A_1009] {strides = array<i32>} : memref<8x4000xf32, #tpu.memory_space<vmem>>, vector<1x16xf32>,
      %swap3A_1011 = vector.shape_cast %swap3A_1010 : vector<1x16xf32> to vector<16xf32>
      %swap3A_1012 = vector.shape_cast %get3A_970 : vector<16xf32> to vector<1x16xf32>
      tpu.vector_store %arg6[%swap3A_1008, %swap3A_1009], %swap3A_1012 {strides = array<i32>} : memref<8x4000xf32, #tpu.memory_space<vmem>>, vector<1x16xf32>,
      %swap3A_1013 = arith.constant 3 : i32
      %swap3A_1014 = arith.index_cast %swap3A_1013 : i32 to index
      %swap3A_1015 = arith.index_cast %mul3A_956 : i32 to index
      %swap3A_1016 = tpu.vector_load %arg6[%swap3A_1014, %swap3A_1015] {strides = array<i32>} : memref<8x4000xf32, #tpu.memory_space<vmem>>, vector<1x16xf32>,
      %swap3A_1017 = vector.shape_cast %swap3A_1016 : vector<1x16xf32> to vector<16xf32>
      %swap3A_1018 = vector.shape_cast %get3A_975 : vector<16xf32> to vector<1x16xf32>
      tpu.vector_store %arg6[%swap3A_1014, %swap3A_1015], %swap3A_1018 {strides = array<i32>} : memref<8x4000xf32, #tpu.memory_space<vmem>>, vector<1x16xf32>,
      %swap3A_1019 = arith.constant 4 : i32
      %swap3A_1020 = arith.index_cast %swap3A_1019 : i32 to index
      %swap3A_1021 = arith.index_cast %mul3A_956 : i32 to index
      %swap3A_1022 = tpu.vector_load %arg6[%swap3A_1020, %swap3A_1021] {strides = array<i32>} : memref<8x4000xf32, #tpu.memory_space<vmem>>, vector<1x16xf32>,
      %swap3A_1023 = vector.shape_cast %swap3A_1022 : vector<1x16xf32> to vector<16xf32>
      %swap3A_1024 = vector.shape_cast %get3A_980 : vector<16xf32> to vector<1x16xf32>
      tpu.vector_store %arg6[%swap3A_1020, %swap3A_1021], %swap3A_1024 {strides = array<i32>} : memref<8x4000xf32, #tpu.memory_space<vmem>>, vector<1x16xf32>,
      %swap3A_1025 = arith.constant 5 : i32
      %swap3A_1026 = arith.index_cast %swap3A_1025 : i32 to index
      %swap3A_1027 = arith.index_cast %mul3A_956 : i32 to index
      %swap3A_1028 = tpu.vector_load %arg6[%swap3A_1026, %swap3A_1027] {strides = array<i32>} : memref<8x4000xf32, #tpu.memory_space<vmem>>, vector<1x16xf32>,
      %swap3A_1029 = vector.shape_cast %swap3A_1028 : vector<1x16xf32> to vector<16xf32>
      %swap3A_1030 = vector.shape_cast %get3A_985 : vector<16xf32> to vector<1x16xf32>
      tpu.vector_store %arg6[%swap3A_1026, %swap3A_1027], %swap3A_1030 {strides = array<i32>} : memref<8x4000xf32, #tpu.memory_space<vmem>>, vector<1x16xf32>,
      %swap3A_1031 = arith.constant 6 : i32
      %swap3A_1032 = arith.index_cast %swap3A_1031 : i32 to index
      %swap3A_1033 = arith.index_cast %mul3A_956 : i32 to index
      %swap3A_1034 = tpu.vector_load %arg6[%swap3A_1032, %swap3A_1033] {strides = array<i32>} : memref<8x4000xf32, #tpu.memory_space<vmem>>, vector<1x16xf32>,
      %swap3A_1035 = vector.shape_cast %swap3A_1034 : vector<1x16xf32> to vector<16xf32>
      %swap3A_1036 = vector.shape_cast %get3A_990 : vector<16xf32> to vector<1x16xf32>
      tpu.vector_store %arg6[%swap3A_1032, %swap3A_1033], %swap3A_1036 {strides = array<i32>} : memref<8x4000xf32, #tpu.memory_space<vmem>>, vector<1x16xf32>,
      %swap3A_1037 = arith.constant 7 : i32
      %swap3A_1038 = arith.index_cast %swap3A_1037 : i32 to index
      %swap3A_1039 = arith.index_cast %mul3A_956 : i32 to index
      %swap3A_1040 = tpu.vector_load %arg6[%swap3A_1038, %swap3A_1039] {strides = array<i32>} : memref<8x4000xf32, #tpu.memory_space<vmem>>, vector<1x16xf32>,
      %swap3A_1041 = vector.shape_cast %swap3A_1040 : vector<1x16xf32> to vector<16xf32>
      %swap3A_1042 = vector.shape_cast %get3A_995 : vector<16xf32> to vector<1x16xf32>
      tpu.vector_store %arg6[%swap3A_1038, %swap3A_1039], %swap3A_1042 {strides = array<i32>} : memref<8x4000xf32, #tpu.memory_space<vmem>>, vector<1x16xf32>,
    }
    %scan3A_527 = arith.constant 250 : i32
    %add3A_528 = arith.constant 136 : i32
    %add3A_529 = arith.addi %mul3A_2, %add3A_528 : i32
    %dma_start3A_530 = arith.constant 0 : i32
    %dma_start3A_531 = tpu.memref_slice %arg3[%add3A_529, %dma_start3A_530] : memref<8192x4000xf32, #tpu.memory_space<hbm>> -> memref<8x4000xf32, #tpu.memory_space<hbm>>
    %dma_start3A_532 = arith.constant 0 : i32
    %dma_start3A_533 = tpu.memref_slice %arg3[%add3A_529, %dma_start3A_532] : memref<8192x4000xf32, #tpu.memory_space<hbm>> -> memref<8x4000xf32, #tpu.memory_space<hbm>>
    tpu.enqueue_dma source(%arg6 : memref<8x4000xf32, #tpu.memory_space<vmem>>) target(%dma_start3A_533 : memref<8x4000xf32, #tpu.memory_space<hbm>>) target_semaphore(%arg8 : memref<!tpu.dma_semaphore, #tpu.memory_space<semaphore_mem>>)
    %add3A_534 = arith.constant 128 : i32
    %add3A_535 = arith.addi %mul3A_2, %add3A_534 : i32
    %dma_wait3A_536 = arith.constant 0 : i32
    %dma_wait3A_537 = tpu.memref_slice %arg3[%add3A_535, %dma_wait3A_536] : memref<8192x4000xf32, #tpu.memory_space<hbm>> -> memref<8x4000xf32, #tpu.memory_space<hbm>>
    %dma_wait3A_538 = arith.constant 0 : i32
    %dma_wait3A_539 = tpu.memref_slice %arg3[%add3A_535, %dma_wait3A_538] : memref<8192x4000xf32, #tpu.memory_space<hbm>> -> memref<8x4000xf32, #tpu.memory_space<hbm>>
    tpu.wait_dma2 semaphore(%arg8 : memref<!tpu.dma_semaphore, #tpu.memory_space<semaphore_mem>>) src(%arg5 : memref<8x4000xf32, #tpu.memory_space<vmem>>) dst(%dma_wait3A_539 : memref<8x4000xf32, #tpu.memory_space<hbm>>)
    %add3A_540 = arith.constant 152 : i32
    %add3A_541 = arith.addi %mul3A_2, %add3A_540 : i32
    %dma_start3A_542 = arith.constant 0 : i32
    %dma_start3A_543 = tpu.memref_slice %arg2[%add3A_541, %dma_start3A_542] : memref<8192x4000xf32, #tpu.memory_space<hbm>> -> memref<8x4000xf32, #tpu.memory_space<hbm>>
    %dma_start3A_544 = arith.constant 0 : i32
    %dma_start3A_545 = tpu.memref_slice %arg2[%add3A_541, %dma_start3A_544] : memref<8192x4000xf32, #tpu.memory_space<hbm>> -> memref<8x4000xf32, #tpu.memory_space<hbm>>
    tpu.enqueue_dma source(%dma_start3A_545 : memref<8x4000xf32, #tpu.memory_space<hbm>>) target(%arg5 : memref<8x4000xf32, #tpu.memory_space<vmem>>) target_semaphore(%arg7 : memref<!tpu.dma_semaphore, #tpu.memory_space<semaphore_mem>>)
    %add3A_546 = arith.constant 144 : i32
    %add3A_547 = arith.addi %mul3A_2, %add3A_546 : i32
    %dma_wait3A_548 = arith.constant 0 : i32
    %dma_wait3A_549 = tpu.memref_slice %arg2[%add3A_547, %dma_wait3A_548] : memref<8192x4000xf32, #tpu.memory_space<hbm>> -> memref<8x4000xf32, #tpu.memory_space<hbm>>
    %dma_wait3A_550 = arith.constant 0 : i32
    %dma_wait3A_551 = tpu.memref_slice %arg2[%add3A_547, %dma_wait3A_550] : memref<8192x4000xf32, #tpu.memory_space<hbm>> -> memref<8x4000xf32, #tpu.memory_space<hbm>>
    tpu.wait_dma2 semaphore(%arg7 : memref<!tpu.dma_semaphore, #tpu.memory_space<semaphore_mem>>) src(%dma_wait3A_551 : memref<8x4000xf32, #tpu.memory_space<hbm>>) dst(%arg4 : memref<8x4000xf32, #tpu.memory_space<vmem>>)
    %scan3A_552 = arith.constant 0 : i32
    %scan3A_553 = arith.constant 0 : i32
    %scan3A_554 = arith.constant 250 : i32
    %scan3A_555 = arith.addi %scan3A_553, %scan3A_554 : i32
    %scan3A_556 = arith.constant 1 : i32
    scf.for %scan3A_954 = %scan3A_553 to %scan3A_555 step %scan3A_556  : i32 {
      %mul3A_955 = arith.constant 16 : i32
      %mul3A_956 = arith.muli %scan3A_954, %mul3A_955 : i32
      %get3A = arith.constant 5 : i32
      %get3A_957 = arith.index_cast %get3A : i32 to index
      %get3A_958 = arith.index_cast %mul3A_956 : i32 to index
      %get3A_959 = tpu.vector_load %arg4[%get3A_957, %get3A_958] {strides = array<i32>} : memref<8x4000xf32, #tpu.memory_space<vmem>>, vector<1x16xf32>,
      %get3A_960 = vector.shape_cast %get3A_959 : vector<1x16xf32> to vector<16xf32>
      %get3A_961 = arith.constant 7 : i32
      %get3A_962 = arith.index_cast %get3A_961 : i32 to index
      %get3A_963 = arith.index_cast %mul3A_956 : i32 to index
      %get3A_964 = tpu.vector_load %arg4[%get3A_962, %get3A_963] {strides = array<i32>} : memref<8x4000xf32, #tpu.memory_space<vmem>>, vector<1x16xf32>,
      %get3A_965 = vector.shape_cast %get3A_964 : vector<1x16xf32> to vector<16xf32>
      %get3A_966 = arith.constant 0 : i32
      %get3A_967 = arith.index_cast %get3A_966 : i32 to index
      %get3A_968 = arith.index_cast %mul3A_956 : i32 to index
      %get3A_969 = tpu.vector_load %arg4[%get3A_967, %get3A_968] {strides = array<i32>} : memref<8x4000xf32, #tpu.memory_space<vmem>>, vector<1x16xf32>,
      %get3A_970 = vector.shape_cast %get3A_969 : vector<1x16xf32> to vector<16xf32>
      %get3A_971 = arith.constant 1 : i32
      %get3A_972 = arith.index_cast %get3A_971 : i32 to index
      %get3A_973 = arith.index_cast %mul3A_956 : i32 to index
      %get3A_974 = tpu.vector_load %arg4[%get3A_972, %get3A_973] {strides = array<i32>} : memref<8x4000xf32, #tpu.memory_space<vmem>>, vector<1x16xf32>,
      %get3A_975 = vector.shape_cast %get3A_974 : vector<1x16xf32> to vector<16xf32>
      %get3A_976 = arith.constant 4 : i32
      %get3A_977 = arith.index_cast %get3A_976 : i32 to index
      %get3A_978 = arith.index_cast %mul3A_956 : i32 to index
      %get3A_979 = tpu.vector_load %arg4[%get3A_977, %get3A_978] {strides = array<i32>} : memref<8x4000xf32, #tpu.memory_space<vmem>>, vector<1x16xf32>,
      %get3A_980 = vector.shape_cast %get3A_979 : vector<1x16xf32> to vector<16xf32>
      %get3A_981 = arith.constant 2 : i32
      %get3A_982 = arith.index_cast %get3A_981 : i32 to index
      %get3A_983 = arith.index_cast %mul3A_956 : i32 to index
      %get3A_984 = tpu.vector_load %arg4[%get3A_982, %get3A_983] {strides = array<i32>} : memref<8x4000xf32, #tpu.memory_space<vmem>>, vector<1x16xf32>,
      %get3A_985 = vector.shape_cast %get3A_984 : vector<1x16xf32> to vector<16xf32>
      %get3A_986 = arith.constant 6 : i32
      %get3A_987 = arith.index_cast %get3A_986 : i32 to index
      %get3A_988 = arith.index_cast %mul3A_956 : i32 to index
      %get3A_989 = tpu.vector_load %arg4[%get3A_987, %get3A_988] {strides = array<i32>} : memref<8x4000xf32, #tpu.memory_space<vmem>>, vector<1x16xf32>,
      %get3A_990 = vector.shape_cast %get3A_989 : vector<1x16xf32> to vector<16xf32>
      %get3A_991 = arith.constant 3 : i32
      %get3A_992 = arith.index_cast %get3A_991 : i32 to index
      %get3A_993 = arith.index_cast %mul3A_956 : i32 to index
      %get3A_994 = tpu.vector_load %arg4[%get3A_992, %get3A_993] {strides = array<i32>} : memref<8x4000xf32, #tpu.memory_space<vmem>>, vector<1x16xf32>,
      %get3A_995 = vector.shape_cast %get3A_994 : vector<1x16xf32> to vector<16xf32>
      %swap3A = arith.constant 0 : i32
      %swap3A_996 = arith.index_cast %swap3A : i32 to index
      %swap3A_997 = arith.index_cast %mul3A_956 : i32 to index
      %swap3A_998 = tpu.vector_load %arg4[%swap3A_996, %swap3A_997] {strides = array<i32>} : memref<8x4000xf32, #tpu.memory_space<vmem>>, vector<1x16xf32>,
      %swap3A_999 = vector.shape_cast %swap3A_998 : vector<1x16xf32> to vector<16xf32>
      %swap3A_1000 = vector.shape_cast %get3A_960 : vector<16xf32> to vector<1x16xf32>
      tpu.vector_store %arg4[%swap3A_996, %swap3A_997], %swap3A_1000 {strides = array<i32>} : memref<8x4000xf32, #tpu.memory_space<vmem>>, vector<1x16xf32>,
      %swap3A_1001 = arith.constant 1 : i32
      %swap3A_1002 = arith.index_cast %swap3A_1001 : i32 to index
      %swap3A_1003 = arith.index_cast %mul3A_956 : i32 to index
      %swap3A_1004 = tpu.vector_load %arg4[%swap3A_1002, %swap3A_1003] {strides = array<i32>} : memref<8x4000xf32, #tpu.memory_space<vmem>>, vector<1x16xf32>,
      %swap3A_1005 = vector.shape_cast %swap3A_1004 : vector<1x16xf32> to vector<16xf32>
      %swap3A_1006 = vector.shape_cast %get3A_965 : vector<16xf32> to vector<1x16xf32>
      tpu.vector_store %arg4[%swap3A_1002, %swap3A_1003], %swap3A_1006 {strides = array<i32>} : memref<8x4000xf32, #tpu.memory_space<vmem>>, vector<1x16xf32>,
      %swap3A_1007 = arith.constant 2 : i32
      %swap3A_1008 = arith.index_cast %swap3A_1007 : i32 to index
      %swap3A_1009 = arith.index_cast %mul3A_956 : i32 to index
      %swap3A_1010 = tpu.vector_load %arg4[%swap3A_1008, %swap3A_1009] {strides = array<i32>} : memref<8x4000xf32, #tpu.memory_space<vmem>>, vector<1x16xf32>,
      %swap3A_1011 = vector.shape_cast %swap3A_1010 : vector<1x16xf32> to vector<16xf32>
      %swap3A_1012 = vector.shape_cast %get3A_970 : vector<16xf32> to vector<1x16xf32>
      tpu.vector_store %arg4[%swap3A_1008, %swap3A_1009], %swap3A_1012 {strides = array<i32>} : memref<8x4000xf32, #tpu.memory_space<vmem>>, vector<1x16xf32>,
      %swap3A_1013 = arith.constant 3 : i32
      %swap3A_1014 = arith.index_cast %swap3A_1013 : i32 to index
      %swap3A_1015 = arith.index_cast %mul3A_956 : i32 to index
      %swap3A_1016 = tpu.vector_load %arg4[%swap3A_1014, %swap3A_1015] {strides = array<i32>} : memref<8x4000xf32, #tpu.memory_space<vmem>>, vector<1x16xf32>,
      %swap3A_1017 = vector.shape_cast %swap3A_1016 : vector<1x16xf32> to vector<16xf32>
      %swap3A_1018 = vector.shape_cast %get3A_975 : vector<16xf32> to vector<1x16xf32>
      tpu.vector_store %arg4[%swap3A_1014, %swap3A_1015], %swap3A_1018 {strides = array<i32>} : memref<8x4000xf32, #tpu.memory_space<vmem>>, vector<1x16xf32>,
      %swap3A_1019 = arith.constant 4 : i32
      %swap3A_1020 = arith.index_cast %swap3A_1019 : i32 to index
      %swap3A_1021 = arith.index_cast %mul3A_956 : i32 to index
      %swap3A_1022 = tpu.vector_load %arg4[%swap3A_1020, %swap3A_1021] {strides = array<i32>} : memref<8x4000xf32, #tpu.memory_space<vmem>>, vector<1x16xf32>,
      %swap3A_1023 = vector.shape_cast %swap3A_1022 : vector<1x16xf32> to vector<16xf32>
      %swap3A_1024 = vector.shape_cast %get3A_980 : vector<16xf32> to vector<1x16xf32>
      tpu.vector_store %arg4[%swap3A_1020, %swap3A_1021], %swap3A_1024 {strides = array<i32>} : memref<8x4000xf32, #tpu.memory_space<vmem>>, vector<1x16xf32>,
      %swap3A_1025 = arith.constant 5 : i32
      %swap3A_1026 = arith.index_cast %swap3A_1025 : i32 to index
      %swap3A_1027 = arith.index_cast %mul3A_956 : i32 to index
      %swap3A_1028 = tpu.vector_load %arg4[%swap3A_1026, %swap3A_1027] {strides = array<i32>} : memref<8x4000xf32, #tpu.memory_space<vmem>>, vector<1x16xf32>,
      %swap3A_1029 = vector.shape_cast %swap3A_1028 : vector<1x16xf32> to vector<16xf32>
      %swap3A_1030 = vector.shape_cast %get3A_985 : vector<16xf32> to vector<1x16xf32>
      tpu.vector_store %arg4[%swap3A_1026, %swap3A_1027], %swap3A_1030 {strides = array<i32>} : memref<8x4000xf32, #tpu.memory_space<vmem>>, vector<1x16xf32>,
      %swap3A_1031 = arith.constant 6 : i32
      %swap3A_1032 = arith.index_cast %swap3A_1031 : i32 to index
      %swap3A_1033 = arith.index_cast %mul3A_956 : i32 to index
      %swap3A_1034 = tpu.vector_load %arg4[%swap3A_1032, %swap3A_1033] {strides = array<i32>} : memref<8x4000xf32, #tpu.memory_space<vmem>>, vector<1x16xf32>,
      %swap3A_1035 = vector.shape_cast %swap3A_1034 : vector<1x16xf32> to vector<16xf32>
      %swap3A_1036 = vector.shape_cast %get3A_990 : vector<16xf32> to vector<1x16xf32>
      tpu.vector_store %arg4[%swap3A_1032, %swap3A_1033], %swap3A_1036 {strides = array<i32>} : memref<8x4000xf32, #tpu.memory_space<vmem>>, vector<1x16xf32>,
      %swap3A_1037 = arith.constant 7 : i32
      %swap3A_1038 = arith.index_cast %swap3A_1037 : i32 to index
      %swap3A_1039 = arith.index_cast %mul3A_956 : i32 to index
      %swap3A_1040 = tpu.vector_load %arg4[%swap3A_1038, %swap3A_1039] {strides = array<i32>} : memref<8x4000xf32, #tpu.memory_space<vmem>>, vector<1x16xf32>,
      %swap3A_1041 = vector.shape_cast %swap3A_1040 : vector<1x16xf32> to vector<16xf32>
      %swap3A_1042 = vector.shape_cast %get3A_995 : vector<16xf32> to vector<1x16xf32>
      tpu.vector_store %arg4[%swap3A_1038, %swap3A_1039], %swap3A_1042 {strides = array<i32>} : memref<8x4000xf32, #tpu.memory_space<vmem>>, vector<1x16xf32>,
    }
    %scan3A_557 = arith.constant 250 : i32
    %add3A_558 = arith.constant 144 : i32
    %add3A_559 = arith.addi %mul3A_2, %add3A_558 : i32
    %dma_start3A_560 = arith.constant 0 : i32
    %dma_start3A_561 = tpu.memref_slice %arg3[%add3A_559, %dma_start3A_560] : memref<8192x4000xf32, #tpu.memory_space<hbm>> -> memref<8x4000xf32, #tpu.memory_space<hbm>>
    %dma_start3A_562 = arith.constant 0 : i32
    %dma_start3A_563 = tpu.memref_slice %arg3[%add3A_559, %dma_start3A_562] : memref<8192x4000xf32, #tpu.memory_space<hbm>> -> memref<8x4000xf32, #tpu.memory_space<hbm>>
    tpu.enqueue_dma source(%arg4 : memref<8x4000xf32, #tpu.memory_space<vmem>>) target(%dma_start3A_563 : memref<8x4000xf32, #tpu.memory_space<hbm>>) target_semaphore(%arg8 : memref<!tpu.dma_semaphore, #tpu.memory_space<semaphore_mem>>)
    %add3A_564 = arith.constant 136 : i32
    %add3A_565 = arith.addi %mul3A_2, %add3A_564 : i32
    %dma_wait3A_566 = arith.constant 0 : i32
    %dma_wait3A_567 = tpu.memref_slice %arg3[%add3A_565, %dma_wait3A_566] : memref<8192x4000xf32, #tpu.memory_space<hbm>> -> memref<8x4000xf32, #tpu.memory_space<hbm>>
    %dma_wait3A_568 = arith.constant 0 : i32
    %dma_wait3A_569 = tpu.memref_slice %arg3[%add3A_565, %dma_wait3A_568] : memref<8192x4000xf32, #tpu.memory_space<hbm>> -> memref<8x4000xf32, #tpu.memory_space<hbm>>
    tpu.wait_dma2 semaphore(%arg8 : memref<!tpu.dma_semaphore, #tpu.memory_space<semaphore_mem>>) src(%arg6 : memref<8x4000xf32, #tpu.memory_space<vmem>>) dst(%dma_wait3A_569 : memref<8x4000xf32, #tpu.memory_space<hbm>>)
    %add3A_570 = arith.constant 160 : i32
    %add3A_571 = arith.addi %mul3A_2, %add3A_570 : i32
    %dma_start3A_572 = arith.constant 0 : i32
    %dma_start3A_573 = tpu.memref_slice %arg2[%add3A_571, %dma_start3A_572] : memref<8192x4000xf32, #tpu.memory_space<hbm>> -> memref<8x4000xf32, #tpu.memory_space<hbm>>
    %dma_start3A_574 = arith.constant 0 : i32
    %dma_start3A_575 = tpu.memref_slice %arg2[%add3A_571, %dma_start3A_574] : memref<8192x4000xf32, #tpu.memory_space<hbm>> -> memref<8x4000xf32, #tpu.memory_space<hbm>>
    tpu.enqueue_dma source(%dma_start3A_575 : memref<8x4000xf32, #tpu.memory_space<hbm>>) target(%arg6 : memref<8x4000xf32, #tpu.memory_space<vmem>>) target_semaphore(%arg7 : memref<!tpu.dma_semaphore, #tpu.memory_space<semaphore_mem>>)
    %add3A_576 = arith.constant 152 : i32
    %add3A_577 = arith.addi %mul3A_2, %add3A_576 : i32
    %dma_wait3A_578 = arith.constant 0 : i32
    %dma_wait3A_579 = tpu.memref_slice %arg2[%add3A_577, %dma_wait3A_578] : memref<8192x4000xf32, #tpu.memory_space<hbm>> -> memref<8x4000xf32, #tpu.memory_space<hbm>>
    %dma_wait3A_580 = arith.constant 0 : i32
    %dma_wait3A_581 = tpu.memref_slice %arg2[%add3A_577, %dma_wait3A_580] : memref<8192x4000xf32, #tpu.memory_space<hbm>> -> memref<8x4000xf32, #tpu.memory_space<hbm>>
    tpu.wait_dma2 semaphore(%arg7 : memref<!tpu.dma_semaphore, #tpu.memory_space<semaphore_mem>>) src(%dma_wait3A_581 : memref<8x4000xf32, #tpu.memory_space<hbm>>) dst(%arg5 : memref<8x4000xf32, #tpu.memory_space<vmem>>)
    %scan3A_582 = arith.constant 0 : i32
    %scan3A_583 = arith.constant 0 : i32
    %scan3A_584 = arith.constant 250 : i32
    %scan3A_585 = arith.addi %scan3A_583, %scan3A_584 : i32
    %scan3A_586 = arith.constant 1 : i32
    scf.for %scan3A_954 = %scan3A_583 to %scan3A_585 step %scan3A_586  : i32 {
      %mul3A_955 = arith.constant 16 : i32
      %mul3A_956 = arith.muli %scan3A_954, %mul3A_955 : i32
      %get3A = arith.constant 4 : i32
      %get3A_957 = arith.index_cast %get3A : i32 to index
      %get3A_958 = arith.index_cast %mul3A_956 : i32 to index
      %get3A_959 = tpu.vector_load %arg5[%get3A_957, %get3A_958] {strides = array<i32>} : memref<8x4000xf32, #tpu.memory_space<vmem>>, vector<1x16xf32>,
      %get3A_960 = vector.shape_cast %get3A_959 : vector<1x16xf32> to vector<16xf32>
      %get3A_961 = arith.constant 5 : i32
      %get3A_962 = arith.index_cast %get3A_961 : i32 to index
      %get3A_963 = arith.index_cast %mul3A_956 : i32 to index
      %get3A_964 = tpu.vector_load %arg5[%get3A_962, %get3A_963] {strides = array<i32>} : memref<8x4000xf32, #tpu.memory_space<vmem>>, vector<1x16xf32>,
      %get3A_965 = vector.shape_cast %get3A_964 : vector<1x16xf32> to vector<16xf32>
      %get3A_966 = arith.constant 3 : i32
      %get3A_967 = arith.index_cast %get3A_966 : i32 to index
      %get3A_968 = arith.index_cast %mul3A_956 : i32 to index
      %get3A_969 = tpu.vector_load %arg5[%get3A_967, %get3A_968] {strides = array<i32>} : memref<8x4000xf32, #tpu.memory_space<vmem>>, vector<1x16xf32>,
      %get3A_970 = vector.shape_cast %get3A_969 : vector<1x16xf32> to vector<16xf32>
      %get3A_971 = arith.constant 2 : i32
      %get3A_972 = arith.index_cast %get3A_971 : i32 to index
      %get3A_973 = arith.index_cast %mul3A_956 : i32 to index
      %get3A_974 = tpu.vector_load %arg5[%get3A_972, %get3A_973] {strides = array<i32>} : memref<8x4000xf32, #tpu.memory_space<vmem>>, vector<1x16xf32>,
      %get3A_975 = vector.shape_cast %get3A_974 : vector<1x16xf32> to vector<16xf32>
      %get3A_976 = arith.constant 7 : i32
      %get3A_977 = arith.index_cast %get3A_976 : i32 to index
      %get3A_978 = arith.index_cast %mul3A_956 : i32 to index
      %get3A_979 = tpu.vector_load %arg5[%get3A_977, %get3A_978] {strides = array<i32>} : memref<8x4000xf32, #tpu.memory_space<vmem>>, vector<1x16xf32>,
      %get3A_980 = vector.shape_cast %get3A_979 : vector<1x16xf32> to vector<16xf32>
      %get3A_981 = arith.constant 6 : i32
      %get3A_982 = arith.index_cast %get3A_981 : i32 to index
      %get3A_983 = arith.index_cast %mul3A_956 : i32 to index
      %get3A_984 = tpu.vector_load %arg5[%get3A_982, %get3A_983] {strides = array<i32>} : memref<8x4000xf32, #tpu.memory_space<vmem>>, vector<1x16xf32>,
      %get3A_985 = vector.shape_cast %get3A_984 : vector<1x16xf32> to vector<16xf32>
      %get3A_986 = arith.constant 0 : i32
      %get3A_987 = arith.index_cast %get3A_986 : i32 to index
      %get3A_988 = arith.index_cast %mul3A_956 : i32 to index
      %get3A_989 = tpu.vector_load %arg5[%get3A_987, %get3A_988] {strides = array<i32>} : memref<8x4000xf32, #tpu.memory_space<vmem>>, vector<1x16xf32>,
      %get3A_990 = vector.shape_cast %get3A_989 : vector<1x16xf32> to vector<16xf32>
      %get3A_991 = arith.constant 1 : i32
      %get3A_992 = arith.index_cast %get3A_991 : i32 to index
      %get3A_993 = arith.index_cast %mul3A_956 : i32 to index
      %get3A_994 = tpu.vector_load %arg5[%get3A_992, %get3A_993] {strides = array<i32>} : memref<8x4000xf32, #tpu.memory_space<vmem>>, vector<1x16xf32>,
      %get3A_995 = vector.shape_cast %get3A_994 : vector<1x16xf32> to vector<16xf32>
      %swap3A = arith.constant 0 : i32
      %swap3A_996 = arith.index_cast %swap3A : i32 to index
      %swap3A_997 = arith.index_cast %mul3A_956 : i32 to index
      %swap3A_998 = tpu.vector_load %arg5[%swap3A_996, %swap3A_997] {strides = array<i32>} : memref<8x4000xf32, #tpu.memory_space<vmem>>, vector<1x16xf32>,
      %swap3A_999 = vector.shape_cast %swap3A_998 : vector<1x16xf32> to vector<16xf32>
      %swap3A_1000 = vector.shape_cast %get3A_960 : vector<16xf32> to vector<1x16xf32>
      tpu.vector_store %arg5[%swap3A_996, %swap3A_997], %swap3A_1000 {strides = array<i32>} : memref<8x4000xf32, #tpu.memory_space<vmem>>, vector<1x16xf32>,
      %swap3A_1001 = arith.constant 1 : i32
      %swap3A_1002 = arith.index_cast %swap3A_1001 : i32 to index
      %swap3A_1003 = arith.index_cast %mul3A_956 : i32 to index
      %swap3A_1004 = tpu.vector_load %arg5[%swap3A_1002, %swap3A_1003] {strides = array<i32>} : memref<8x4000xf32, #tpu.memory_space<vmem>>, vector<1x16xf32>,
      %swap3A_1005 = vector.shape_cast %swap3A_1004 : vector<1x16xf32> to vector<16xf32>
      %swap3A_1006 = vector.shape_cast %get3A_965 : vector<16xf32> to vector<1x16xf32>
      tpu.vector_store %arg5[%swap3A_1002, %swap3A_1003], %swap3A_1006 {strides = array<i32>} : memref<8x4000xf32, #tpu.memory_space<vmem>>, vector<1x16xf32>,
      %swap3A_1007 = arith.constant 2 : i32
      %swap3A_1008 = arith.index_cast %swap3A_1007 : i32 to index
      %swap3A_1009 = arith.index_cast %mul3A_956 : i32 to index
      %swap3A_1010 = tpu.vector_load %arg5[%swap3A_1008, %swap3A_1009] {strides = array<i32>} : memref<8x4000xf32, #tpu.memory_space<vmem>>, vector<1x16xf32>,
      %swap3A_1011 = vector.shape_cast %swap3A_1010 : vector<1x16xf32> to vector<16xf32>
      %swap3A_1012 = vector.shape_cast %get3A_970 : vector<16xf32> to vector<1x16xf32>
      tpu.vector_store %arg5[%swap3A_1008, %swap3A_1009], %swap3A_1012 {strides = array<i32>} : memref<8x4000xf32, #tpu.memory_space<vmem>>, vector<1x16xf32>,
      %swap3A_1013 = arith.constant 3 : i32
      %swap3A_1014 = arith.index_cast %swap3A_1013 : i32 to index
      %swap3A_1015 = arith.index_cast %mul3A_956 : i32 to index
      %swap3A_1016 = tpu.vector_load %arg5[%swap3A_1014, %swap3A_1015] {strides = array<i32>} : memref<8x4000xf32, #tpu.memory_space<vmem>>, vector<1x16xf32>,
      %swap3A_1017 = vector.shape_cast %swap3A_1016 : vector<1x16xf32> to vector<16xf32>
      %swap3A_1018 = vector.shape_cast %get3A_975 : vector<16xf32> to vector<1x16xf32>
      tpu.vector_store %arg5[%swap3A_1014, %swap3A_1015], %swap3A_1018 {strides = array<i32>} : memref<8x4000xf32, #tpu.memory_space<vmem>>, vector<1x16xf32>,
      %swap3A_1019 = arith.constant 4 : i32
      %swap3A_1020 = arith.index_cast %swap3A_1019 : i32 to index
      %swap3A_1021 = arith.index_cast %mul3A_956 : i32 to index
      %swap3A_1022 = tpu.vector_load %arg5[%swap3A_1020, %swap3A_1021] {strides = array<i32>} : memref<8x4000xf32, #tpu.memory_space<vmem>>, vector<1x16xf32>,
      %swap3A_1023 = vector.shape_cast %swap3A_1022 : vector<1x16xf32> to vector<16xf32>
      %swap3A_1024 = vector.shape_cast %get3A_980 : vector<16xf32> to vector<1x16xf32>
      tpu.vector_store %arg5[%swap3A_1020, %swap3A_1021], %swap3A_1024 {strides = array<i32>} : memref<8x4000xf32, #tpu.memory_space<vmem>>, vector<1x16xf32>,
      %swap3A_1025 = arith.constant 5 : i32
      %swap3A_1026 = arith.index_cast %swap3A_1025 : i32 to index
      %swap3A_1027 = arith.index_cast %mul3A_956 : i32 to index
      %swap3A_1028 = tpu.vector_load %arg5[%swap3A_1026, %swap3A_1027] {strides = array<i32>} : memref<8x4000xf32, #tpu.memory_space<vmem>>, vector<1x16xf32>,
      %swap3A_1029 = vector.shape_cast %swap3A_1028 : vector<1x16xf32> to vector<16xf32>
      %swap3A_1030 = vector.shape_cast %get3A_985 : vector<16xf32> to vector<1x16xf32>
      tpu.vector_store %arg5[%swap3A_1026, %swap3A_1027], %swap3A_1030 {strides = array<i32>} : memref<8x4000xf32, #tpu.memory_space<vmem>>, vector<1x16xf32>,
      %swap3A_1031 = arith.constant 6 : i32
      %swap3A_1032 = arith.index_cast %swap3A_1031 : i32 to index
      %swap3A_1033 = arith.index_cast %mul3A_956 : i32 to index
      %swap3A_1034 = tpu.vector_load %arg5[%swap3A_1032, %swap3A_1033] {strides = array<i32>} : memref<8x4000xf32, #tpu.memory_space<vmem>>, vector<1x16xf32>,
      %swap3A_1035 = vector.shape_cast %swap3A_1034 : vector<1x16xf32> to vector<16xf32>
      %swap3A_1036 = vector.shape_cast %get3A_990 : vector<16xf32> to vector<1x16xf32>
      tpu.vector_store %arg5[%swap3A_1032, %swap3A_1033], %swap3A_1036 {strides = array<i32>} : memref<8x4000xf32, #tpu.memory_space<vmem>>, vector<1x16xf32>,
      %swap3A_1037 = arith.constant 7 : i32
      %swap3A_1038 = arith.index_cast %swap3A_1037 : i32 to index
      %swap3A_1039 = arith.index_cast %mul3A_956 : i32 to index
      %swap3A_1040 = tpu.vector_load %arg5[%swap3A_1038, %swap3A_1039] {strides = array<i32>} : memref<8x4000xf32, #tpu.memory_space<vmem>>, vector<1x16xf32>,
      %swap3A_1041 = vector.shape_cast %swap3A_1040 : vector<1x16xf32> to vector<16xf32>
      %swap3A_1042 = vector.shape_cast %get3A_995 : vector<16xf32> to vector<1x16xf32>
      tpu.vector_store %arg5[%swap3A_1038, %swap3A_1039], %swap3A_1042 {strides = array<i32>} : memref<8x4000xf32, #tpu.memory_space<vmem>>, vector<1x16xf32>,
    }
    %scan3A_587 = arith.constant 250 : i32
    %add3A_588 = arith.constant 152 : i32
    %add3A_589 = arith.addi %mul3A_2, %add3A_588 : i32
    %dma_start3A_590 = arith.constant 0 : i32
    %dma_start3A_591 = tpu.memref_slice %arg3[%add3A_589, %dma_start3A_590] : memref<8192x4000xf32, #tpu.memory_space<hbm>> -> memref<8x4000xf32, #tpu.memory_space<hbm>>
    %dma_start3A_592 = arith.constant 0 : i32
    %dma_start3A_593 = tpu.memref_slice %arg3[%add3A_589, %dma_start3A_592] : memref<8192x4000xf32, #tpu.memory_space<hbm>> -> memref<8x4000xf32, #tpu.memory_space<hbm>>
    tpu.enqueue_dma source(%arg5 : memref<8x4000xf32, #tpu.memory_space<vmem>>) target(%dma_start3A_593 : memref<8x4000xf32, #tpu.memory_space<hbm>>) target_semaphore(%arg8 : memref<!tpu.dma_semaphore, #tpu.memory_space<semaphore_mem>>)
    %add3A_594 = arith.constant 144 : i32
    %add3A_595 = arith.addi %mul3A_2, %add3A_594 : i32
    %dma_wait3A_596 = arith.constant 0 : i32
    %dma_wait3A_597 = tpu.memref_slice %arg3[%add3A_595, %dma_wait3A_596] : memref<8192x4000xf32, #tpu.memory_space<hbm>> -> memref<8x4000xf32, #tpu.memory_space<hbm>>
    %dma_wait3A_598 = arith.constant 0 : i32
    %dma_wait3A_599 = tpu.memref_slice %arg3[%add3A_595, %dma_wait3A_598] : memref<8192x4000xf32, #tpu.memory_space<hbm>> -> memref<8x4000xf32, #tpu.memory_space<hbm>>
    tpu.wait_dma2 semaphore(%arg8 : memref<!tpu.dma_semaphore, #tpu.memory_space<semaphore_mem>>) src(%arg4 : memref<8x4000xf32, #tpu.memory_space<vmem>>) dst(%dma_wait3A_599 : memref<8x4000xf32, #tpu.memory_space<hbm>>)
    %add3A_600 = arith.constant 168 : i32
    %add3A_601 = arith.addi %mul3A_2, %add3A_600 : i32
    %dma_start3A_602 = arith.constant 0 : i32
    %dma_start3A_603 = tpu.memref_slice %arg2[%add3A_601, %dma_start3A_602] : memref<8192x4000xf32, #tpu.memory_space<hbm>> -> memref<8x4000xf32, #tpu.memory_space<hbm>>
    %dma_start3A_604 = arith.constant 0 : i32
    %dma_start3A_605 = tpu.memref_slice %arg2[%add3A_601, %dma_start3A_604] : memref<8192x4000xf32, #tpu.memory_space<hbm>> -> memref<8x4000xf32, #tpu.memory_space<hbm>>
    tpu.enqueue_dma source(%dma_start3A_605 : memref<8x4000xf32, #tpu.memory_space<hbm>>) target(%arg4 : memref<8x4000xf32, #tpu.memory_space<vmem>>) target_semaphore(%arg7 : memref<!tpu.dma_semaphore, #tpu.memory_space<semaphore_mem>>)
    %add3A_606 = arith.constant 160 : i32
    %add3A_607 = arith.addi %mul3A_2, %add3A_606 : i32
    %dma_wait3A_608 = arith.constant 0 : i32
    %dma_wait3A_609 = tpu.memref_slice %arg2[%add3A_607, %dma_wait3A_608] : memref<8192x4000xf32, #tpu.memory_space<hbm>> -> memref<8x4000xf32, #tpu.memory_space<hbm>>
    %dma_wait3A_610 = arith.constant 0 : i32
    %dma_wait3A_611 = tpu.memref_slice %arg2[%add3A_607, %dma_wait3A_610] : memref<8192x4000xf32, #tpu.memory_space<hbm>> -> memref<8x4000xf32, #tpu.memory_space<hbm>>
    tpu.wait_dma2 semaphore(%arg7 : memref<!tpu.dma_semaphore, #tpu.memory_space<semaphore_mem>>) src(%dma_wait3A_611 : memref<8x4000xf32, #tpu.memory_space<hbm>>) dst(%arg6 : memref<8x4000xf32, #tpu.memory_space<vmem>>)
    %scan3A_612 = arith.constant 0 : i32
    %scan3A_613 = arith.constant 0 : i32
    %scan3A_614 = arith.constant 250 : i32
    %scan3A_615 = arith.addi %scan3A_613, %scan3A_614 : i32
    %scan3A_616 = arith.constant 1 : i32
    scf.for %scan3A_954 = %scan3A_613 to %scan3A_615 step %scan3A_616  : i32 {
      %mul3A_955 = arith.constant 16 : i32
      %mul3A_956 = arith.muli %scan3A_954, %mul3A_955 : i32
      %get3A = arith.constant 6 : i32
      %get3A_957 = arith.index_cast %get3A : i32 to index
      %get3A_958 = arith.index_cast %mul3A_956 : i32 to index
      %get3A_959 = tpu.vector_load %arg6[%get3A_957, %get3A_958] {strides = array<i32>} : memref<8x4000xf32, #tpu.memory_space<vmem>>, vector<1x16xf32>,
      %get3A_960 = vector.shape_cast %get3A_959 : vector<1x16xf32> to vector<16xf32>
      %get3A_961 = arith.constant 5 : i32
      %get3A_962 = arith.index_cast %get3A_961 : i32 to index
      %get3A_963 = arith.index_cast %mul3A_956 : i32 to index
      %get3A_964 = tpu.vector_load %arg6[%get3A_962, %get3A_963] {strides = array<i32>} : memref<8x4000xf32, #tpu.memory_space<vmem>>, vector<1x16xf32>,
      %get3A_965 = vector.shape_cast %get3A_964 : vector<1x16xf32> to vector<16xf32>
      %get3A_966 = arith.constant 1 : i32
      %get3A_967 = arith.index_cast %get3A_966 : i32 to index
      %get3A_968 = arith.index_cast %mul3A_956 : i32 to index
      %get3A_969 = tpu.vector_load %arg6[%get3A_967, %get3A_968] {strides = array<i32>} : memref<8x4000xf32, #tpu.memory_space<vmem>>, vector<1x16xf32>,
      %get3A_970 = vector.shape_cast %get3A_969 : vector<1x16xf32> to vector<16xf32>
      %get3A_971 = arith.constant 3 : i32
      %get3A_972 = arith.index_cast %get3A_971 : i32 to index
      %get3A_973 = arith.index_cast %mul3A_956 : i32 to index
      %get3A_974 = tpu.vector_load %arg6[%get3A_972, %get3A_973] {strides = array<i32>} : memref<8x4000xf32, #tpu.memory_space<vmem>>, vector<1x16xf32>,
      %get3A_975 = vector.shape_cast %get3A_974 : vector<1x16xf32> to vector<16xf32>
      %get3A_976 = arith.constant 2 : i32
      %get3A_977 = arith.index_cast %get3A_976 : i32 to index
      %get3A_978 = arith.index_cast %mul3A_956 : i32 to index
      %get3A_979 = tpu.vector_load %arg6[%get3A_977, %get3A_978] {strides = array<i32>} : memref<8x4000xf32, #tpu.memory_space<vmem>>, vector<1x16xf32>,
      %get3A_980 = vector.shape_cast %get3A_979 : vector<1x16xf32> to vector<16xf32>
      %get3A_981 = arith.constant 7 : i32
      %get3A_982 = arith.index_cast %get3A_981 : i32 to index
      %get3A_983 = arith.index_cast %mul3A_956 : i32 to index
      %get3A_984 = tpu.vector_load %arg6[%get3A_982, %get3A_983] {strides = array<i32>} : memref<8x4000xf32, #tpu.memory_space<vmem>>, vector<1x16xf32>,
      %get3A_985 = vector.shape_cast %get3A_984 : vector<1x16xf32> to vector<16xf32>
      %get3A_986 = arith.constant 4 : i32
      %get3A_987 = arith.index_cast %get3A_986 : i32 to index
      %get3A_988 = arith.index_cast %mul3A_956 : i32 to index
      %get3A_989 = tpu.vector_load %arg6[%get3A_987, %get3A_988] {strides = array<i32>} : memref<8x4000xf32, #tpu.memory_space<vmem>>, vector<1x16xf32>,
      %get3A_990 = vector.shape_cast %get3A_989 : vector<1x16xf32> to vector<16xf32>
      %get3A_991 = arith.constant 0 : i32
      %get3A_992 = arith.index_cast %get3A_991 : i32 to index
      %get3A_993 = arith.index_cast %mul3A_956 : i32 to index
      %get3A_994 = tpu.vector_load %arg6[%get3A_992, %get3A_993] {strides = array<i32>} : memref<8x4000xf32, #tpu.memory_space<vmem>>, vector<1x16xf32>,
      %get3A_995 = vector.shape_cast %get3A_994 : vector<1x16xf32> to vector<16xf32>
      %swap3A = arith.constant 0 : i32
      %swap3A_996 = arith.index_cast %swap3A : i32 to index
      %swap3A_997 = arith.index_cast %mul3A_956 : i32 to index
      %swap3A_998 = tpu.vector_load %arg6[%swap3A_996, %swap3A_997] {strides = array<i32>} : memref<8x4000xf32, #tpu.memory_space<vmem>>, vector<1x16xf32>,
      %swap3A_999 = vector.shape_cast %swap3A_998 : vector<1x16xf32> to vector<16xf32>
      %swap3A_1000 = vector.shape_cast %get3A_960 : vector<16xf32> to vector<1x16xf32>
      tpu.vector_store %arg6[%swap3A_996, %swap3A_997], %swap3A_1000 {strides = array<i32>} : memref<8x4000xf32, #tpu.memory_space<vmem>>, vector<1x16xf32>,
      %swap3A_1001 = arith.constant 1 : i32
      %swap3A_1002 = arith.index_cast %swap3A_1001 : i32 to index
      %swap3A_1003 = arith.index_cast %mul3A_956 : i32 to index
      %swap3A_1004 = tpu.vector_load %arg6[%swap3A_1002, %swap3A_1003] {strides = array<i32>} : memref<8x4000xf32, #tpu.memory_space<vmem>>, vector<1x16xf32>,
      %swap3A_1005 = vector.shape_cast %swap3A_1004 : vector<1x16xf32> to vector<16xf32>
      %swap3A_1006 = vector.shape_cast %get3A_965 : vector<16xf32> to vector<1x16xf32>
      tpu.vector_store %arg6[%swap3A_1002, %swap3A_1003], %swap3A_1006 {strides = array<i32>} : memref<8x4000xf32, #tpu.memory_space<vmem>>, vector<1x16xf32>,
      %swap3A_1007 = arith.constant 2 : i32
      %swap3A_1008 = arith.index_cast %swap3A_1007 : i32 to index
      %swap3A_1009 = arith.index_cast %mul3A_956 : i32 to index
      %swap3A_1010 = tpu.vector_load %arg6[%swap3A_1008, %swap3A_1009] {strides = array<i32>} : memref<8x4000xf32, #tpu.memory_space<vmem>>, vector<1x16xf32>,
      %swap3A_1011 = vector.shape_cast %swap3A_1010 : vector<1x16xf32> to vector<16xf32>
      %swap3A_1012 = vector.shape_cast %get3A_970 : vector<16xf32> to vector<1x16xf32>
      tpu.vector_store %arg6[%swap3A_1008, %swap3A_1009], %swap3A_1012 {strides = array<i32>} : memref<8x4000xf32, #tpu.memory_space<vmem>>, vector<1x16xf32>,
      %swap3A_1013 = arith.constant 3 : i32
      %swap3A_1014 = arith.index_cast %swap3A_1013 : i32 to index
      %swap3A_1015 = arith.index_cast %mul3A_956 : i32 to index
      %swap3A_1016 = tpu.vector_load %arg6[%swap3A_1014, %swap3A_1015] {strides = array<i32>} : memref<8x4000xf32, #tpu.memory_space<vmem>>, vector<1x16xf32>,
      %swap3A_1017 = vector.shape_cast %swap3A_1016 : vector<1x16xf32> to vector<16xf32>
      %swap3A_1018 = vector.shape_cast %get3A_975 : vector<16xf32> to vector<1x16xf32>
      tpu.vector_store %arg6[%swap3A_1014, %swap3A_1015], %swap3A_1018 {strides = array<i32>} : memref<8x4000xf32, #tpu.memory_space<vmem>>, vector<1x16xf32>,
      %swap3A_1019 = arith.constant 4 : i32
      %swap3A_1020 = arith.index_cast %swap3A_1019 : i32 to index
      %swap3A_1021 = arith.index_cast %mul3A_956 : i32 to index
      %swap3A_1022 = tpu.vector_load %arg6[%swap3A_1020, %swap3A_1021] {strides = array<i32>} : memref<8x4000xf32, #tpu.memory_space<vmem>>, vector<1x16xf32>,
      %swap3A_1023 = vector.shape_cast %swap3A_1022 : vector<1x16xf32> to vector<16xf32>
      %swap3A_1024 = vector.shape_cast %get3A_980 : vector<16xf32> to vector<1x16xf32>
      tpu.vector_store %arg6[%swap3A_1020, %swap3A_1021], %swap3A_1024 {strides = array<i32>} : memref<8x4000xf32, #tpu.memory_space<vmem>>, vector<1x16xf32>,
      %swap3A_1025 = arith.constant 5 : i32
      %swap3A_1026 = arith.index_cast %swap3A_1025 : i32 to index
      %swap3A_1027 = arith.index_cast %mul3A_956 : i32 to index
      %swap3A_1028 = tpu.vector_load %arg6[%swap3A_1026, %swap3A_1027] {strides = array<i32>} : memref<8x4000xf32, #tpu.memory_space<vmem>>, vector<1x16xf32>,
      %swap3A_1029 = vector.shape_cast %swap3A_1028 : vector<1x16xf32> to vector<16xf32>
      %swap3A_1030 = vector.shape_cast %get3A_985 : vector<16xf32> to vector<1x16xf32>
      tpu.vector_store %arg6[%swap3A_1026, %swap3A_1027], %swap3A_1030 {strides = array<i32>} : memref<8x4000xf32, #tpu.memory_space<vmem>>, vector<1x16xf32>,
      %swap3A_1031 = arith.constant 6 : i32
      %swap3A_1032 = arith.index_cast %swap3A_1031 : i32 to index
      %swap3A_1033 = arith.index_cast %mul3A_956 : i32 to index
      %swap3A_1034 = tpu.vector_load %arg6[%swap3A_1032, %swap3A_1033] {strides = array<i32>} : memref<8x4000xf32, #tpu.memory_space<vmem>>, vector<1x16xf32>,
      %swap3A_1035 = vector.shape_cast %swap3A_1034 : vector<1x16xf32> to vector<16xf32>
      %swap3A_1036 = vector.shape_cast %get3A_990 : vector<16xf32> to vector<1x16xf32>
      tpu.vector_store %arg6[%swap3A_1032, %swap3A_1033], %swap3A_1036 {strides = array<i32>} : memref<8x4000xf32, #tpu.memory_space<vmem>>, vector<1x16xf32>,
      %swap3A_1037 = arith.constant 7 : i32
      %swap3A_1038 = arith.index_cast %swap3A_1037 : i32 to index
      %swap3A_1039 = arith.index_cast %mul3A_956 : i32 to index
      %swap3A_1040 = tpu.vector_load %arg6[%swap3A_1038, %swap3A_1039] {strides = array<i32>} : memref<8x4000xf32, #tpu.memory_space<vmem>>, vector<1x16xf32>,
      %swap3A_1041 = vector.shape_cast %swap3A_1040 : vector<1x16xf32> to vector<16xf32>
      %swap3A_1042 = vector.shape_cast %get3A_995 : vector<16xf32> to vector<1x16xf32>
      tpu.vector_store %arg6[%swap3A_1038, %swap3A_1039], %swap3A_1042 {strides = array<i32>} : memref<8x4000xf32, #tpu.memory_space<vmem>>, vector<1x16xf32>,
    }
    %scan3A_617 = arith.constant 250 : i32
    %add3A_618 = arith.constant 160 : i32
    %add3A_619 = arith.addi %mul3A_2, %add3A_618 : i32
    %dma_start3A_620 = arith.constant 0 : i32
    %dma_start3A_621 = tpu.memref_slice %arg3[%add3A_619, %dma_start3A_620] : memref<8192x4000xf32, #tpu.memory_space<hbm>> -> memref<8x4000xf32, #tpu.memory_space<hbm>>
    %dma_start3A_622 = arith.constant 0 : i32
    %dma_start3A_623 = tpu.memref_slice %arg3[%add3A_619, %dma_start3A_622] : memref<8192x4000xf32, #tpu.memory_space<hbm>> -> memref<8x4000xf32, #tpu.memory_space<hbm>>
    tpu.enqueue_dma source(%arg6 : memref<8x4000xf32, #tpu.memory_space<vmem>>) target(%dma_start3A_623 : memref<8x4000xf32, #tpu.memory_space<hbm>>) target_semaphore(%arg8 : memref<!tpu.dma_semaphore, #tpu.memory_space<semaphore_mem>>)
    %add3A_624 = arith.constant 152 : i32
    %add3A_625 = arith.addi %mul3A_2, %add3A_624 : i32
    %dma_wait3A_626 = arith.constant 0 : i32
    %dma_wait3A_627 = tpu.memref_slice %arg3[%add3A_625, %dma_wait3A_626] : memref<8192x4000xf32, #tpu.memory_space<hbm>> -> memref<8x4000xf32, #tpu.memory_space<hbm>>
    %dma_wait3A_628 = arith.constant 0 : i32
    %dma_wait3A_629 = tpu.memref_slice %arg3[%add3A_625, %dma_wait3A_628] : memref<8192x4000xf32, #tpu.memory_space<hbm>> -> memref<8x4000xf32, #tpu.memory_space<hbm>>
    tpu.wait_dma2 semaphore(%arg8 : memref<!tpu.dma_semaphore, #tpu.memory_space<semaphore_mem>>) src(%arg5 : memref<8x4000xf32, #tpu.memory_space<vmem>>) dst(%dma_wait3A_629 : memref<8x4000xf32, #tpu.memory_space<hbm>>)
    %add3A_630 = arith.constant 176 : i32
    %add3A_631 = arith.addi %mul3A_2, %add3A_630 : i32
    %dma_start3A_632 = arith.constant 0 : i32
    %dma_start3A_633 = tpu.memref_slice %arg2[%add3A_631, %dma_start3A_632] : memref<8192x4000xf32, #tpu.memory_space<hbm>> -> memref<8x4000xf32, #tpu.memory_space<hbm>>
    %dma_start3A_634 = arith.constant 0 : i32
    %dma_start3A_635 = tpu.memref_slice %arg2[%add3A_631, %dma_start3A_634] : memref<8192x4000xf32, #tpu.memory_space<hbm>> -> memref<8x4000xf32, #tpu.memory_space<hbm>>
    tpu.enqueue_dma source(%dma_start3A_635 : memref<8x4000xf32, #tpu.memory_space<hbm>>) target(%arg5 : memref<8x4000xf32, #tpu.memory_space<vmem>>) target_semaphore(%arg7 : memref<!tpu.dma_semaphore, #tpu.memory_space<semaphore_mem>>)
    %add3A_636 = arith.constant 168 : i32
    %add3A_637 = arith.addi %mul3A_2, %add3A_636 : i32
    %dma_wait3A_638 = arith.constant 0 : i32
    %dma_wait3A_639 = tpu.memref_slice %arg2[%add3A_637, %dma_wait3A_638] : memref<8192x4000xf32, #tpu.memory_space<hbm>> -> memref<8x4000xf32, #tpu.memory_space<hbm>>
    %dma_wait3A_640 = arith.constant 0 : i32
    %dma_wait3A_641 = tpu.memref_slice %arg2[%add3A_637, %dma_wait3A_640] : memref<8192x4000xf32, #tpu.memory_space<hbm>> -> memref<8x4000xf32, #tpu.memory_space<hbm>>
    tpu.wait_dma2 semaphore(%arg7 : memref<!tpu.dma_semaphore, #tpu.memory_space<semaphore_mem>>) src(%dma_wait3A_641 : memref<8x4000xf32, #tpu.memory_space<hbm>>) dst(%arg4 : memref<8x4000xf32, #tpu.memory_space<vmem>>)
    %scan3A_642 = arith.constant 0 : i32
    %scan3A_643 = arith.constant 0 : i32
    %scan3A_644 = arith.constant 250 : i32
    %scan3A_645 = arith.addi %scan3A_643, %scan3A_644 : i32
    %scan3A_646 = arith.constant 1 : i32
    scf.for %scan3A_954 = %scan3A_643 to %scan3A_645 step %scan3A_646  : i32 {
      %mul3A_955 = arith.constant 16 : i32
      %mul3A_956 = arith.muli %scan3A_954, %mul3A_955 : i32
      %get3A = arith.constant 3 : i32
      %get3A_957 = arith.index_cast %get3A : i32 to index
      %get3A_958 = arith.index_cast %mul3A_956 : i32 to index
      %get3A_959 = tpu.vector_load %arg4[%get3A_957, %get3A_958] {strides = array<i32>} : memref<8x4000xf32, #tpu.memory_space<vmem>>, vector<1x16xf32>,
      %get3A_960 = vector.shape_cast %get3A_959 : vector<1x16xf32> to vector<16xf32>
      %get3A_961 = arith.constant 1 : i32
      %get3A_962 = arith.index_cast %get3A_961 : i32 to index
      %get3A_963 = arith.index_cast %mul3A_956 : i32 to index
      %get3A_964 = tpu.vector_load %arg4[%get3A_962, %get3A_963] {strides = array<i32>} : memref<8x4000xf32, #tpu.memory_space<vmem>>, vector<1x16xf32>,
      %get3A_965 = vector.shape_cast %get3A_964 : vector<1x16xf32> to vector<16xf32>
      %get3A_966 = arith.constant 7 : i32
      %get3A_967 = arith.index_cast %get3A_966 : i32 to index
      %get3A_968 = arith.index_cast %mul3A_956 : i32 to index
      %get3A_969 = tpu.vector_load %arg4[%get3A_967, %get3A_968] {strides = array<i32>} : memref<8x4000xf32, #tpu.memory_space<vmem>>, vector<1x16xf32>,
      %get3A_970 = vector.shape_cast %get3A_969 : vector<1x16xf32> to vector<16xf32>
      %get3A_971 = arith.constant 2 : i32
      %get3A_972 = arith.index_cast %get3A_971 : i32 to index
      %get3A_973 = arith.index_cast %mul3A_956 : i32 to index
      %get3A_974 = tpu.vector_load %arg4[%get3A_972, %get3A_973] {strides = array<i32>} : memref<8x4000xf32, #tpu.memory_space<vmem>>, vector<1x16xf32>,
      %get3A_975 = vector.shape_cast %get3A_974 : vector<1x16xf32> to vector<16xf32>
      %get3A_976 = arith.constant 4 : i32
      %get3A_977 = arith.index_cast %get3A_976 : i32 to index
      %get3A_978 = arith.index_cast %mul3A_956 : i32 to index
      %get3A_979 = tpu.vector_load %arg4[%get3A_977, %get3A_978] {strides = array<i32>} : memref<8x4000xf32, #tpu.memory_space<vmem>>, vector<1x16xf32>,
      %get3A_980 = vector.shape_cast %get3A_979 : vector<1x16xf32> to vector<16xf32>
      %get3A_981 = arith.constant 0 : i32
      %get3A_982 = arith.index_cast %get3A_981 : i32 to index
      %get3A_983 = arith.index_cast %mul3A_956 : i32 to index
      %get3A_984 = tpu.vector_load %arg4[%get3A_982, %get3A_983] {strides = array<i32>} : memref<8x4000xf32, #tpu.memory_space<vmem>>, vector<1x16xf32>,
      %get3A_985 = vector.shape_cast %get3A_984 : vector<1x16xf32> to vector<16xf32>
      %get3A_986 = arith.constant 5 : i32
      %get3A_987 = arith.index_cast %get3A_986 : i32 to index
      %get3A_988 = arith.index_cast %mul3A_956 : i32 to index
      %get3A_989 = tpu.vector_load %arg4[%get3A_987, %get3A_988] {strides = array<i32>} : memref<8x4000xf32, #tpu.memory_space<vmem>>, vector<1x16xf32>,
      %get3A_990 = vector.shape_cast %get3A_989 : vector<1x16xf32> to vector<16xf32>
      %get3A_991 = arith.constant 6 : i32
      %get3A_992 = arith.index_cast %get3A_991 : i32 to index
      %get3A_993 = arith.index_cast %mul3A_956 : i32 to index
      %get3A_994 = tpu.vector_load %arg4[%get3A_992, %get3A_993] {strides = array<i32>} : memref<8x4000xf32, #tpu.memory_space<vmem>>, vector<1x16xf32>,
      %get3A_995 = vector.shape_cast %get3A_994 : vector<1x16xf32> to vector<16xf32>
      %swap3A = arith.constant 0 : i32
      %swap3A_996 = arith.index_cast %swap3A : i32 to index
      %swap3A_997 = arith.index_cast %mul3A_956 : i32 to index
      %swap3A_998 = tpu.vector_load %arg4[%swap3A_996, %swap3A_997] {strides = array<i32>} : memref<8x4000xf32, #tpu.memory_space<vmem>>, vector<1x16xf32>,
      %swap3A_999 = vector.shape_cast %swap3A_998 : vector<1x16xf32> to vector<16xf32>
      %swap3A_1000 = vector.shape_cast %get3A_960 : vector<16xf32> to vector<1x16xf32>
      tpu.vector_store %arg4[%swap3A_996, %swap3A_997], %swap3A_1000 {strides = array<i32>} : memref<8x4000xf32, #tpu.memory_space<vmem>>, vector<1x16xf32>,
      %swap3A_1001 = arith.constant 1 : i32
      %swap3A_1002 = arith.index_cast %swap3A_1001 : i32 to index
      %swap3A_1003 = arith.index_cast %mul3A_956 : i32 to index
      %swap3A_1004 = tpu.vector_load %arg4[%swap3A_1002, %swap3A_1003] {strides = array<i32>} : memref<8x4000xf32, #tpu.memory_space<vmem>>, vector<1x16xf32>,
      %swap3A_1005 = vector.shape_cast %swap3A_1004 : vector<1x16xf32> to vector<16xf32>
      %swap3A_1006 = vector.shape_cast %get3A_965 : vector<16xf32> to vector<1x16xf32>
      tpu.vector_store %arg4[%swap3A_1002, %swap3A_1003], %swap3A_1006 {strides = array<i32>} : memref<8x4000xf32, #tpu.memory_space<vmem>>, vector<1x16xf32>,
      %swap3A_1007 = arith.constant 2 : i32
      %swap3A_1008 = arith.index_cast %swap3A_1007 : i32 to index
      %swap3A_1009 = arith.index_cast %mul3A_956 : i32 to index
      %swap3A_1010 = tpu.vector_load %arg4[%swap3A_1008, %swap3A_1009] {strides = array<i32>} : memref<8x4000xf32, #tpu.memory_space<vmem>>, vector<1x16xf32>,
      %swap3A_1011 = vector.shape_cast %swap3A_1010 : vector<1x16xf32> to vector<16xf32>
      %swap3A_1012 = vector.shape_cast %get3A_970 : vector<16xf32> to vector<1x16xf32>
      tpu.vector_store %arg4[%swap3A_1008, %swap3A_1009], %swap3A_1012 {strides = array<i32>} : memref<8x4000xf32, #tpu.memory_space<vmem>>, vector<1x16xf32>,
      %swap3A_1013 = arith.constant 3 : i32
      %swap3A_1014 = arith.index_cast %swap3A_1013 : i32 to index
      %swap3A_1015 = arith.index_cast %mul3A_956 : i32 to index
      %swap3A_1016 = tpu.vector_load %arg4[%swap3A_1014, %swap3A_1015] {strides = array<i32>} : memref<8x4000xf32, #tpu.memory_space<vmem>>, vector<1x16xf32>,
      %swap3A_1017 = vector.shape_cast %swap3A_1016 : vector<1x16xf32> to vector<16xf32>
      %swap3A_1018 = vector.shape_cast %get3A_975 : vector<16xf32> to vector<1x16xf32>
      tpu.vector_store %arg4[%swap3A_1014, %swap3A_1015], %swap3A_1018 {strides = array<i32>} : memref<8x4000xf32, #tpu.memory_space<vmem>>, vector<1x16xf32>,
      %swap3A_1019 = arith.constant 4 : i32
      %swap3A_1020 = arith.index_cast %swap3A_1019 : i32 to index
      %swap3A_1021 = arith.index_cast %mul3A_956 : i32 to index
      %swap3A_1022 = tpu.vector_load %arg4[%swap3A_1020, %swap3A_1021] {strides = array<i32>} : memref<8x4000xf32, #tpu.memory_space<vmem>>, vector<1x16xf32>,
      %swap3A_1023 = vector.shape_cast %swap3A_1022 : vector<1x16xf32> to vector<16xf32>
      %swap3A_1024 = vector.shape_cast %get3A_980 : vector<16xf32> to vector<1x16xf32>
      tpu.vector_store %arg4[%swap3A_1020, %swap3A_1021], %swap3A_1024 {strides = array<i32>} : memref<8x4000xf32, #tpu.memory_space<vmem>>, vector<1x16xf32>,
      %swap3A_1025 = arith.constant 5 : i32
      %swap3A_1026 = arith.index_cast %swap3A_1025 : i32 to index
      %swap3A_1027 = arith.index_cast %mul3A_956 : i32 to index
      %swap3A_1028 = tpu.vector_load %arg4[%swap3A_1026, %swap3A_1027] {strides = array<i32>} : memref<8x4000xf32, #tpu.memory_space<vmem>>, vector<1x16xf32>,
      %swap3A_1029 = vector.shape_cast %swap3A_1028 : vector<1x16xf32> to vector<16xf32>
      %swap3A_1030 = vector.shape_cast %get3A_985 : vector<16xf32> to vector<1x16xf32>
      tpu.vector_store %arg4[%swap3A_1026, %swap3A_1027], %swap3A_1030 {strides = array<i32>} : memref<8x4000xf32, #tpu.memory_space<vmem>>, vector<1x16xf32>,
      %swap3A_1031 = arith.constant 6 : i32
      %swap3A_1032 = arith.index_cast %swap3A_1031 : i32 to index
      %swap3A_1033 = arith.index_cast %mul3A_956 : i32 to index
      %swap3A_1034 = tpu.vector_load %arg4[%swap3A_1032, %swap3A_1033] {strides = array<i32>} : memref<8x4000xf32, #tpu.memory_space<vmem>>, vector<1x16xf32>,
      %swap3A_1035 = vector.shape_cast %swap3A_1034 : vector<1x16xf32> to vector<16xf32>
      %swap3A_1036 = vector.shape_cast %get3A_990 : vector<16xf32> to vector<1x16xf32>
      tpu.vector_store %arg4[%swap3A_1032, %swap3A_1033], %swap3A_1036 {strides = array<i32>} : memref<8x4000xf32, #tpu.memory_space<vmem>>, vector<1x16xf32>,
      %swap3A_1037 = arith.constant 7 : i32
      %swap3A_1038 = arith.index_cast %swap3A_1037 : i32 to index
      %swap3A_1039 = arith.index_cast %mul3A_956 : i32 to index
      %swap3A_1040 = tpu.vector_load %arg4[%swap3A_1038, %swap3A_1039] {strides = array<i32>} : memref<8x4000xf32, #tpu.memory_space<vmem>>, vector<1x16xf32>,
      %swap3A_1041 = vector.shape_cast %swap3A_1040 : vector<1x16xf32> to vector<16xf32>
      %swap3A_1042 = vector.shape_cast %get3A_995 : vector<16xf32> to vector<1x16xf32>
      tpu.vector_store %arg4[%swap3A_1038, %swap3A_1039], %swap3A_1042 {strides = array<i32>} : memref<8x4000xf32, #tpu.memory_space<vmem>>, vector<1x16xf32>,
    }
    %scan3A_647 = arith.constant 250 : i32
    %add3A_648 = arith.constant 168 : i32
    %add3A_649 = arith.addi %mul3A_2, %add3A_648 : i32
    %dma_start3A_650 = arith.constant 0 : i32
    %dma_start3A_651 = tpu.memref_slice %arg3[%add3A_649, %dma_start3A_650] : memref<8192x4000xf32, #tpu.memory_space<hbm>> -> memref<8x4000xf32, #tpu.memory_space<hbm>>
    %dma_start3A_652 = arith.constant 0 : i32
    %dma_start3A_653 = tpu.memref_slice %arg3[%add3A_649, %dma_start3A_652] : memref<8192x4000xf32, #tpu.memory_space<hbm>> -> memref<8x4000xf32, #tpu.memory_space<hbm>>
    tpu.enqueue_dma source(%arg4 : memref<8x4000xf32, #tpu.memory_space<vmem>>) target(%dma_start3A_653 : memref<8x4000xf32, #tpu.memory_space<hbm>>) target_semaphore(%arg8 : memref<!tpu.dma_semaphore, #tpu.memory_space<semaphore_mem>>)
    %add3A_654 = arith.constant 160 : i32
    %add3A_655 = arith.addi %mul3A_2, %add3A_654 : i32
    %dma_wait3A_656 = arith.constant 0 : i32
    %dma_wait3A_657 = tpu.memref_slice %arg3[%add3A_655, %dma_wait3A_656] : memref<8192x4000xf32, #tpu.memory_space<hbm>> -> memref<8x4000xf32, #tpu.memory_space<hbm>>
    %dma_wait3A_658 = arith.constant 0 : i32
    %dma_wait3A_659 = tpu.memref_slice %arg3[%add3A_655, %dma_wait3A_658] : memref<8192x4000xf32, #tpu.memory_space<hbm>> -> memref<8x4000xf32, #tpu.memory_space<hbm>>
    tpu.wait_dma2 semaphore(%arg8 : memref<!tpu.dma_semaphore, #tpu.memory_space<semaphore_mem>>) src(%arg6 : memref<8x4000xf32, #tpu.memory_space<vmem>>) dst(%dma_wait3A_659 : memref<8x4000xf32, #tpu.memory_space<hbm>>)
    %add3A_660 = arith.constant 184 : i32
    %add3A_661 = arith.addi %mul3A_2, %add3A_660 : i32
    %dma_start3A_662 = arith.constant 0 : i32
    %dma_start3A_663 = tpu.memref_slice %arg2[%add3A_661, %dma_start3A_662] : memref<8192x4000xf32, #tpu.memory_space<hbm>> -> memref<8x4000xf32, #tpu.memory_space<hbm>>
    %dma_start3A_664 = arith.constant 0 : i32
    %dma_start3A_665 = tpu.memref_slice %arg2[%add3A_661, %dma_start3A_664] : memref<8192x4000xf32, #tpu.memory_space<hbm>> -> memref<8x4000xf32, #tpu.memory_space<hbm>>
    tpu.enqueue_dma source(%dma_start3A_665 : memref<8x4000xf32, #tpu.memory_space<hbm>>) target(%arg6 : memref<8x4000xf32, #tpu.memory_space<vmem>>) target_semaphore(%arg7 : memref<!tpu.dma_semaphore, #tpu.memory_space<semaphore_mem>>)
    %add3A_666 = arith.constant 176 : i32
    %add3A_667 = arith.addi %mul3A_2, %add3A_666 : i32
    %dma_wait3A_668 = arith.constant 0 : i32
    %dma_wait3A_669 = tpu.memref_slice %arg2[%add3A_667, %dma_wait3A_668] : memref<8192x4000xf32, #tpu.memory_space<hbm>> -> memref<8x4000xf32, #tpu.memory_space<hbm>>
    %dma_wait3A_670 = arith.constant 0 : i32
    %dma_wait3A_671 = tpu.memref_slice %arg2[%add3A_667, %dma_wait3A_670] : memref<8192x4000xf32, #tpu.memory_space<hbm>> -> memref<8x4000xf32, #tpu.memory_space<hbm>>
    tpu.wait_dma2 semaphore(%arg7 : memref<!tpu.dma_semaphore, #tpu.memory_space<semaphore_mem>>) src(%dma_wait3A_671 : memref<8x4000xf32, #tpu.memory_space<hbm>>) dst(%arg5 : memref<8x4000xf32, #tpu.memory_space<vmem>>)
    %scan3A_672 = arith.constant 0 : i32
    %scan3A_673 = arith.constant 0 : i32
    %scan3A_674 = arith.constant 250 : i32
    %scan3A_675 = arith.addi %scan3A_673, %scan3A_674 : i32
    %scan3A_676 = arith.constant 1 : i32
    scf.for %scan3A_954 = %scan3A_673 to %scan3A_675 step %scan3A_676  : i32 {
      %mul3A_955 = arith.constant 16 : i32
      %mul3A_956 = arith.muli %scan3A_954, %mul3A_955 : i32
      %get3A = arith.constant 1 : i32
      %get3A_957 = arith.index_cast %get3A : i32 to index
      %get3A_958 = arith.index_cast %mul3A_956 : i32 to index
      %get3A_959 = tpu.vector_load %arg5[%get3A_957, %get3A_958] {strides = array<i32>} : memref<8x4000xf32, #tpu.memory_space<vmem>>, vector<1x16xf32>,
      %get3A_960 = vector.shape_cast %get3A_959 : vector<1x16xf32> to vector<16xf32>
      %get3A_961 = arith.constant 7 : i32
      %get3A_962 = arith.index_cast %get3A_961 : i32 to index
      %get3A_963 = arith.index_cast %mul3A_956 : i32 to index
      %get3A_964 = tpu.vector_load %arg5[%get3A_962, %get3A_963] {strides = array<i32>} : memref<8x4000xf32, #tpu.memory_space<vmem>>, vector<1x16xf32>,
      %get3A_965 = vector.shape_cast %get3A_964 : vector<1x16xf32> to vector<16xf32>
      %get3A_966 = arith.constant 6 : i32
      %get3A_967 = arith.index_cast %get3A_966 : i32 to index
      %get3A_968 = arith.index_cast %mul3A_956 : i32 to index
      %get3A_969 = tpu.vector_load %arg5[%get3A_967, %get3A_968] {strides = array<i32>} : memref<8x4000xf32, #tpu.memory_space<vmem>>, vector<1x16xf32>,
      %get3A_970 = vector.shape_cast %get3A_969 : vector<1x16xf32> to vector<16xf32>
      %get3A_971 = arith.constant 0 : i32
      %get3A_972 = arith.index_cast %get3A_971 : i32 to index
      %get3A_973 = arith.index_cast %mul3A_956 : i32 to index
      %get3A_974 = tpu.vector_load %arg5[%get3A_972, %get3A_973] {strides = array<i32>} : memref<8x4000xf32, #tpu.memory_space<vmem>>, vector<1x16xf32>,
      %get3A_975 = vector.shape_cast %get3A_974 : vector<1x16xf32> to vector<16xf32>
      %get3A_976 = arith.constant 5 : i32
      %get3A_977 = arith.index_cast %get3A_976 : i32 to index
      %get3A_978 = arith.index_cast %mul3A_956 : i32 to index
      %get3A_979 = tpu.vector_load %arg5[%get3A_977, %get3A_978] {strides = array<i32>} : memref<8x4000xf32, #tpu.memory_space<vmem>>, vector<1x16xf32>,
      %get3A_980 = vector.shape_cast %get3A_979 : vector<1x16xf32> to vector<16xf32>
      %get3A_981 = arith.constant 3 : i32
      %get3A_982 = arith.index_cast %get3A_981 : i32 to index
      %get3A_983 = arith.index_cast %mul3A_956 : i32 to index
      %get3A_984 = tpu.vector_load %arg5[%get3A_982, %get3A_983] {strides = array<i32>} : memref<8x4000xf32, #tpu.memory_space<vmem>>, vector<1x16xf32>,
      %get3A_985 = vector.shape_cast %get3A_984 : vector<1x16xf32> to vector<16xf32>
      %get3A_986 = arith.constant 4 : i32
      %get3A_987 = arith.index_cast %get3A_986 : i32 to index
      %get3A_988 = arith.index_cast %mul3A_956 : i32 to index
      %get3A_989 = tpu.vector_load %arg5[%get3A_987, %get3A_988] {strides = array<i32>} : memref<8x4000xf32, #tpu.memory_space<vmem>>, vector<1x16xf32>,
      %get3A_990 = vector.shape_cast %get3A_989 : vector<1x16xf32> to vector<16xf32>
      %get3A_991 = arith.constant 2 : i32
      %get3A_992 = arith.index_cast %get3A_991 : i32 to index
      %get3A_993 = arith.index_cast %mul3A_956 : i32 to index
      %get3A_994 = tpu.vector_load %arg5[%get3A_992, %get3A_993] {strides = array<i32>} : memref<8x4000xf32, #tpu.memory_space<vmem>>, vector<1x16xf32>,
      %get3A_995 = vector.shape_cast %get3A_994 : vector<1x16xf32> to vector<16xf32>
      %swap3A = arith.constant 0 : i32
      %swap3A_996 = arith.index_cast %swap3A : i32 to index
      %swap3A_997 = arith.index_cast %mul3A_956 : i32 to index
      %swap3A_998 = tpu.vector_load %arg5[%swap3A_996, %swap3A_997] {strides = array<i32>} : memref<8x4000xf32, #tpu.memory_space<vmem>>, vector<1x16xf32>,
      %swap3A_999 = vector.shape_cast %swap3A_998 : vector<1x16xf32> to vector<16xf32>
      %swap3A_1000 = vector.shape_cast %get3A_960 : vector<16xf32> to vector<1x16xf32>
      tpu.vector_store %arg5[%swap3A_996, %swap3A_997], %swap3A_1000 {strides = array<i32>} : memref<8x4000xf32, #tpu.memory_space<vmem>>, vector<1x16xf32>,
      %swap3A_1001 = arith.constant 1 : i32
      %swap3A_1002 = arith.index_cast %swap3A_1001 : i32 to index
      %swap3A_1003 = arith.index_cast %mul3A_956 : i32 to index
      %swap3A_1004 = tpu.vector_load %arg5[%swap3A_1002, %swap3A_1003] {strides = array<i32>} : memref<8x4000xf32, #tpu.memory_space<vmem>>, vector<1x16xf32>,
      %swap3A_1005 = vector.shape_cast %swap3A_1004 : vector<1x16xf32> to vector<16xf32>
      %swap3A_1006 = vector.shape_cast %get3A_965 : vector<16xf32> to vector<1x16xf32>
      tpu.vector_store %arg5[%swap3A_1002, %swap3A_1003], %swap3A_1006 {strides = array<i32>} : memref<8x4000xf32, #tpu.memory_space<vmem>>, vector<1x16xf32>,
      %swap3A_1007 = arith.constant 2 : i32
      %swap3A_1008 = arith.index_cast %swap3A_1007 : i32 to index
      %swap3A_1009 = arith.index_cast %mul3A_956 : i32 to index
      %swap3A_1010 = tpu.vector_load %arg5[%swap3A_1008, %swap3A_1009] {strides = array<i32>} : memref<8x4000xf32, #tpu.memory_space<vmem>>, vector<1x16xf32>,
      %swap3A_1011 = vector.shape_cast %swap3A_1010 : vector<1x16xf32> to vector<16xf32>
      %swap3A_1012 = vector.shape_cast %get3A_970 : vector<16xf32> to vector<1x16xf32>
      tpu.vector_store %arg5[%swap3A_1008, %swap3A_1009], %swap3A_1012 {strides = array<i32>} : memref<8x4000xf32, #tpu.memory_space<vmem>>, vector<1x16xf32>,
      %swap3A_1013 = arith.constant 3 : i32
      %swap3A_1014 = arith.index_cast %swap3A_1013 : i32 to index
      %swap3A_1015 = arith.index_cast %mul3A_956 : i32 to index
      %swap3A_1016 = tpu.vector_load %arg5[%swap3A_1014, %swap3A_1015] {strides = array<i32>} : memref<8x4000xf32, #tpu.memory_space<vmem>>, vector<1x16xf32>,
      %swap3A_1017 = vector.shape_cast %swap3A_1016 : vector<1x16xf32> to vector<16xf32>
      %swap3A_1018 = vector.shape_cast %get3A_975 : vector<16xf32> to vector<1x16xf32>
      tpu.vector_store %arg5[%swap3A_1014, %swap3A_1015], %swap3A_1018 {strides = array<i32>} : memref<8x4000xf32, #tpu.memory_space<vmem>>, vector<1x16xf32>,
      %swap3A_1019 = arith.constant 4 : i32
      %swap3A_1020 = arith.index_cast %swap3A_1019 : i32 to index
      %swap3A_1021 = arith.index_cast %mul3A_956 : i32 to index
      %swap3A_1022 = tpu.vector_load %arg5[%swap3A_1020, %swap3A_1021] {strides = array<i32>} : memref<8x4000xf32, #tpu.memory_space<vmem>>, vector<1x16xf32>,
      %swap3A_1023 = vector.shape_cast %swap3A_1022 : vector<1x16xf32> to vector<16xf32>
      %swap3A_1024 = vector.shape_cast %get3A_980 : vector<16xf32> to vector<1x16xf32>
      tpu.vector_store %arg5[%swap3A_1020, %swap3A_1021], %swap3A_1024 {strides = array<i32>} : memref<8x4000xf32, #tpu.memory_space<vmem>>, vector<1x16xf32>,
      %swap3A_1025 = arith.constant 5 : i32
      %swap3A_1026 = arith.index_cast %swap3A_1025 : i32 to index
      %swap3A_1027 = arith.index_cast %mul3A_956 : i32 to index
      %swap3A_1028 = tpu.vector_load %arg5[%swap3A_1026, %swap3A_1027] {strides = array<i32>} : memref<8x4000xf32, #tpu.memory_space<vmem>>, vector<1x16xf32>,
      %swap3A_1029 = vector.shape_cast %swap3A_1028 : vector<1x16xf32> to vector<16xf32>
      %swap3A_1030 = vector.shape_cast %get3A_985 : vector<16xf32> to vector<1x16xf32>
      tpu.vector_store %arg5[%swap3A_1026, %swap3A_1027], %swap3A_1030 {strides = array<i32>} : memref<8x4000xf32, #tpu.memory_space<vmem>>, vector<1x16xf32>,
      %swap3A_1031 = arith.constant 6 : i32
      %swap3A_1032 = arith.index_cast %swap3A_1031 : i32 to index
      %swap3A_1033 = arith.index_cast %mul3A_956 : i32 to index
      %swap3A_1034 = tpu.vector_load %arg5[%swap3A_1032, %swap3A_1033] {strides = array<i32>} : memref<8x4000xf32, #tpu.memory_space<vmem>>, vector<1x16xf32>,
      %swap3A_1035 = vector.shape_cast %swap3A_1034 : vector<1x16xf32> to vector<16xf32>
      %swap3A_1036 = vector.shape_cast %get3A_990 : vector<16xf32> to vector<1x16xf32>
      tpu.vector_store %arg5[%swap3A_1032, %swap3A_1033], %swap3A_1036 {strides = array<i32>} : memref<8x4000xf32, #tpu.memory_space<vmem>>, vector<1x16xf32>,
      %swap3A_1037 = arith.constant 7 : i32
      %swap3A_1038 = arith.index_cast %swap3A_1037 : i32 to index
      %swap3A_1039 = arith.index_cast %mul3A_956 : i32 to index
      %swap3A_1040 = tpu.vector_load %arg5[%swap3A_1038, %swap3A_1039] {strides = array<i32>} : memref<8x4000xf32, #tpu.memory_space<vmem>>, vector<1x16xf32>,
      %swap3A_1041 = vector.shape_cast %swap3A_1040 : vector<1x16xf32> to vector<16xf32>
      %swap3A_1042 = vector.shape_cast %get3A_995 : vector<16xf32> to vector<1x16xf32>
      tpu.vector_store %arg5[%swap3A_1038, %swap3A_1039], %swap3A_1042 {strides = array<i32>} : memref<8x4000xf32, #tpu.memory_space<vmem>>, vector<1x16xf32>,
    }
    %scan3A_677 = arith.constant 250 : i32
    %add3A_678 = arith.constant 176 : i32
    %add3A_679 = arith.addi %mul3A_2, %add3A_678 : i32
    %dma_start3A_680 = arith.constant 0 : i32
    %dma_start3A_681 = tpu.memref_slice %arg3[%add3A_679, %dma_start3A_680] : memref<8192x4000xf32, #tpu.memory_space<hbm>> -> memref<8x4000xf32, #tpu.memory_space<hbm>>
    %dma_start3A_682 = arith.constant 0 : i32
    %dma_start3A_683 = tpu.memref_slice %arg3[%add3A_679, %dma_start3A_682] : memref<8192x4000xf32, #tpu.memory_space<hbm>> -> memref<8x4000xf32, #tpu.memory_space<hbm>>
    tpu.enqueue_dma source(%arg5 : memref<8x4000xf32, #tpu.memory_space<vmem>>) target(%dma_start3A_683 : memref<8x4000xf32, #tpu.memory_space<hbm>>) target_semaphore(%arg8 : memref<!tpu.dma_semaphore, #tpu.memory_space<semaphore_mem>>)
    %add3A_684 = arith.constant 168 : i32
    %add3A_685 = arith.addi %mul3A_2, %add3A_684 : i32
    %dma_wait3A_686 = arith.constant 0 : i32
    %dma_wait3A_687 = tpu.memref_slice %arg3[%add3A_685, %dma_wait3A_686] : memref<8192x4000xf32, #tpu.memory_space<hbm>> -> memref<8x4000xf32, #tpu.memory_space<hbm>>
    %dma_wait3A_688 = arith.constant 0 : i32
    %dma_wait3A_689 = tpu.memref_slice %arg3[%add3A_685, %dma_wait3A_688] : memref<8192x4000xf32, #tpu.memory_space<hbm>> -> memref<8x4000xf32, #tpu.memory_space<hbm>>
    tpu.wait_dma2 semaphore(%arg8 : memref<!tpu.dma_semaphore, #tpu.memory_space<semaphore_mem>>) src(%arg4 : memref<8x4000xf32, #tpu.memory_space<vmem>>) dst(%dma_wait3A_689 : memref<8x4000xf32, #tpu.memory_space<hbm>>)
    %add3A_690 = arith.constant 192 : i32
    %add3A_691 = arith.addi %mul3A_2, %add3A_690 : i32
    %dma_start3A_692 = arith.constant 0 : i32
    %dma_start3A_693 = tpu.memref_slice %arg2[%add3A_691, %dma_start3A_692] : memref<8192x4000xf32, #tpu.memory_space<hbm>> -> memref<8x4000xf32, #tpu.memory_space<hbm>>
    %dma_start3A_694 = arith.constant 0 : i32
    %dma_start3A_695 = tpu.memref_slice %arg2[%add3A_691, %dma_start3A_694] : memref<8192x4000xf32, #tpu.memory_space<hbm>> -> memref<8x4000xf32, #tpu.memory_space<hbm>>
    tpu.enqueue_dma source(%dma_start3A_695 : memref<8x4000xf32, #tpu.memory_space<hbm>>) target(%arg4 : memref<8x4000xf32, #tpu.memory_space<vmem>>) target_semaphore(%arg7 : memref<!tpu.dma_semaphore, #tpu.memory_space<semaphore_mem>>)
    %add3A_696 = arith.constant 184 : i32
    %add3A_697 = arith.addi %mul3A_2, %add3A_696 : i32
    %dma_wait3A_698 = arith.constant 0 : i32
    %dma_wait3A_699 = tpu.memref_slice %arg2[%add3A_697, %dma_wait3A_698] : memref<8192x4000xf32, #tpu.memory_space<hbm>> -> memref<8x4000xf32, #tpu.memory_space<hbm>>
    %dma_wait3A_700 = arith.constant 0 : i32
    %dma_wait3A_701 = tpu.memref_slice %arg2[%add3A_697, %dma_wait3A_700] : memref<8192x4000xf32, #tpu.memory_space<hbm>> -> memref<8x4000xf32, #tpu.memory_space<hbm>>
    tpu.wait_dma2 semaphore(%arg7 : memref<!tpu.dma_semaphore, #tpu.memory_space<semaphore_mem>>) src(%dma_wait3A_701 : memref<8x4000xf32, #tpu.memory_space<hbm>>) dst(%arg6 : memref<8x4000xf32, #tpu.memory_space<vmem>>)
    %scan3A_702 = arith.constant 0 : i32
    %scan3A_703 = arith.constant 0 : i32
    %scan3A_704 = arith.constant 250 : i32
    %scan3A_705 = arith.addi %scan3A_703, %scan3A_704 : i32
    %scan3A_706 = arith.constant 1 : i32
    scf.for %scan3A_954 = %scan3A_703 to %scan3A_705 step %scan3A_706  : i32 {
      %mul3A_955 = arith.constant 16 : i32
      %mul3A_956 = arith.muli %scan3A_954, %mul3A_955 : i32
      %get3A = arith.constant 5 : i32
      %get3A_957 = arith.index_cast %get3A : i32 to index
      %get3A_958 = arith.index_cast %mul3A_956 : i32 to index
      %get3A_959 = tpu.vector_load %arg6[%get3A_957, %get3A_958] {strides = array<i32>} : memref<8x4000xf32, #tpu.memory_space<vmem>>, vector<1x16xf32>,
      %get3A_960 = vector.shape_cast %get3A_959 : vector<1x16xf32> to vector<16xf32>
      %get3A_961 = arith.constant 0 : i32
      %get3A_962 = arith.index_cast %get3A_961 : i32 to index
      %get3A_963 = arith.index_cast %mul3A_956 : i32 to index
      %get3A_964 = tpu.vector_load %arg6[%get3A_962, %get3A_963] {strides = array<i32>} : memref<8x4000xf32, #tpu.memory_space<vmem>>, vector<1x16xf32>,
      %get3A_965 = vector.shape_cast %get3A_964 : vector<1x16xf32> to vector<16xf32>
      %get3A_966 = arith.constant 2 : i32
      %get3A_967 = arith.index_cast %get3A_966 : i32 to index
      %get3A_968 = arith.index_cast %mul3A_956 : i32 to index
      %get3A_969 = tpu.vector_load %arg6[%get3A_967, %get3A_968] {strides = array<i32>} : memref<8x4000xf32, #tpu.memory_space<vmem>>, vector<1x16xf32>,
      %get3A_970 = vector.shape_cast %get3A_969 : vector<1x16xf32> to vector<16xf32>
      %get3A_971 = arith.constant 7 : i32
      %get3A_972 = arith.index_cast %get3A_971 : i32 to index
      %get3A_973 = arith.index_cast %mul3A_956 : i32 to index
      %get3A_974 = tpu.vector_load %arg6[%get3A_972, %get3A_973] {strides = array<i32>} : memref<8x4000xf32, #tpu.memory_space<vmem>>, vector<1x16xf32>,
      %get3A_975 = vector.shape_cast %get3A_974 : vector<1x16xf32> to vector<16xf32>
      %get3A_976 = arith.constant 1 : i32
      %get3A_977 = arith.index_cast %get3A_976 : i32 to index
      %get3A_978 = arith.index_cast %mul3A_956 : i32 to index
      %get3A_979 = tpu.vector_load %arg6[%get3A_977, %get3A_978] {strides = array<i32>} : memref<8x4000xf32, #tpu.memory_space<vmem>>, vector<1x16xf32>,
      %get3A_980 = vector.shape_cast %get3A_979 : vector<1x16xf32> to vector<16xf32>
      %get3A_981 = arith.constant 3 : i32
      %get3A_982 = arith.index_cast %get3A_981 : i32 to index
      %get3A_983 = arith.index_cast %mul3A_956 : i32 to index
      %get3A_984 = tpu.vector_load %arg6[%get3A_982, %get3A_983] {strides = array<i32>} : memref<8x4000xf32, #tpu.memory_space<vmem>>, vector<1x16xf32>,
      %get3A_985 = vector.shape_cast %get3A_984 : vector<1x16xf32> to vector<16xf32>
      %get3A_986 = arith.constant 4 : i32
      %get3A_987 = arith.index_cast %get3A_986 : i32 to index
      %get3A_988 = arith.index_cast %mul3A_956 : i32 to index
      %get3A_989 = tpu.vector_load %arg6[%get3A_987, %get3A_988] {strides = array<i32>} : memref<8x4000xf32, #tpu.memory_space<vmem>>, vector<1x16xf32>,
      %get3A_990 = vector.shape_cast %get3A_989 : vector<1x16xf32> to vector<16xf32>
      %get3A_991 = arith.constant 6 : i32
      %get3A_992 = arith.index_cast %get3A_991 : i32 to index
      %get3A_993 = arith.index_cast %mul3A_956 : i32 to index
      %get3A_994 = tpu.vector_load %arg6[%get3A_992, %get3A_993] {strides = array<i32>} : memref<8x4000xf32, #tpu.memory_space<vmem>>, vector<1x16xf32>,
      %get3A_995 = vector.shape_cast %get3A_994 : vector<1x16xf32> to vector<16xf32>
      %swap3A = arith.constant 0 : i32
      %swap3A_996 = arith.index_cast %swap3A : i32 to index
      %swap3A_997 = arith.index_cast %mul3A_956 : i32 to index
      %swap3A_998 = tpu.vector_load %arg6[%swap3A_996, %swap3A_997] {strides = array<i32>} : memref<8x4000xf32, #tpu.memory_space<vmem>>, vector<1x16xf32>,
      %swap3A_999 = vector.shape_cast %swap3A_998 : vector<1x16xf32> to vector<16xf32>
      %swap3A_1000 = vector.shape_cast %get3A_960 : vector<16xf32> to vector<1x16xf32>
      tpu.vector_store %arg6[%swap3A_996, %swap3A_997], %swap3A_1000 {strides = array<i32>} : memref<8x4000xf32, #tpu.memory_space<vmem>>, vector<1x16xf32>,
      %swap3A_1001 = arith.constant 1 : i32
      %swap3A_1002 = arith.index_cast %swap3A_1001 : i32 to index
      %swap3A_1003 = arith.index_cast %mul3A_956 : i32 to index
      %swap3A_1004 = tpu.vector_load %arg6[%swap3A_1002, %swap3A_1003] {strides = array<i32>} : memref<8x4000xf32, #tpu.memory_space<vmem>>, vector<1x16xf32>,
      %swap3A_1005 = vector.shape_cast %swap3A_1004 : vector<1x16xf32> to vector<16xf32>
      %swap3A_1006 = vector.shape_cast %get3A_965 : vector<16xf32> to vector<1x16xf32>
      tpu.vector_store %arg6[%swap3A_1002, %swap3A_1003], %swap3A_1006 {strides = array<i32>} : memref<8x4000xf32, #tpu.memory_space<vmem>>, vector<1x16xf32>,
      %swap3A_1007 = arith.constant 2 : i32
      %swap3A_1008 = arith.index_cast %swap3A_1007 : i32 to index
      %swap3A_1009 = arith.index_cast %mul3A_956 : i32 to index
      %swap3A_1010 = tpu.vector_load %arg6[%swap3A_1008, %swap3A_1009] {strides = array<i32>} : memref<8x4000xf32, #tpu.memory_space<vmem>>, vector<1x16xf32>,
      %swap3A_1011 = vector.shape_cast %swap3A_1010 : vector<1x16xf32> to vector<16xf32>
      %swap3A_1012 = vector.shape_cast %get3A_970 : vector<16xf32> to vector<1x16xf32>
      tpu.vector_store %arg6[%swap3A_1008, %swap3A_1009], %swap3A_1012 {strides = array<i32>} : memref<8x4000xf32, #tpu.memory_space<vmem>>, vector<1x16xf32>,
      %swap3A_1013 = arith.constant 3 : i32
      %swap3A_1014 = arith.index_cast %swap3A_1013 : i32 to index
      %swap3A_1015 = arith.index_cast %mul3A_956 : i32 to index
      %swap3A_1016 = tpu.vector_load %arg6[%swap3A_1014, %swap3A_1015] {strides = array<i32>} : memref<8x4000xf32, #tpu.memory_space<vmem>>, vector<1x16xf32>,
      %swap3A_1017 = vector.shape_cast %swap3A_1016 : vector<1x16xf32> to vector<16xf32>
      %swap3A_1018 = vector.shape_cast %get3A_975 : vector<16xf32> to vector<1x16xf32>
      tpu.vector_store %arg6[%swap3A_1014, %swap3A_1015], %swap3A_1018 {strides = array<i32>} : memref<8x4000xf32, #tpu.memory_space<vmem>>, vector<1x16xf32>,
      %swap3A_1019 = arith.constant 4 : i32
      %swap3A_1020 = arith.index_cast %swap3A_1019 : i32 to index
      %swap3A_1021 = arith.index_cast %mul3A_956 : i32 to index
      %swap3A_1022 = tpu.vector_load %arg6[%swap3A_1020, %swap3A_1021] {strides = array<i32>} : memref<8x4000xf32, #tpu.memory_space<vmem>>, vector<1x16xf32>,
      %swap3A_1023 = vector.shape_cast %swap3A_1022 : vector<1x16xf32> to vector<16xf32>
      %swap3A_1024 = vector.shape_cast %get3A_980 : vector<16xf32> to vector<1x16xf32>
      tpu.vector_store %arg6[%swap3A_1020, %swap3A_1021], %swap3A_1024 {strides = array<i32>} : memref<8x4000xf32, #tpu.memory_space<vmem>>, vector<1x16xf32>,
      %swap3A_1025 = arith.constant 5 : i32
      %swap3A_1026 = arith.index_cast %swap3A_1025 : i32 to index
      %swap3A_1027 = arith.index_cast %mul3A_956 : i32 to index
      %swap3A_1028 = tpu.vector_load %arg6[%swap3A_1026, %swap3A_1027] {strides = array<i32>} : memref<8x4000xf32, #tpu.memory_space<vmem>>, vector<1x16xf32>,
      %swap3A_1029 = vector.shape_cast %swap3A_1028 : vector<1x16xf32> to vector<16xf32>
      %swap3A_1030 = vector.shape_cast %get3A_985 : vector<16xf32> to vector<1x16xf32>
      tpu.vector_store %arg6[%swap3A_1026, %swap3A_1027], %swap3A_1030 {strides = array<i32>} : memref<8x4000xf32, #tpu.memory_space<vmem>>, vector<1x16xf32>,
      %swap3A_1031 = arith.constant 6 : i32
      %swap3A_1032 = arith.index_cast %swap3A_1031 : i32 to index
      %swap3A_1033 = arith.index_cast %mul3A_956 : i32 to index
      %swap3A_1034 = tpu.vector_load %arg6[%swap3A_1032, %swap3A_1033] {strides = array<i32>} : memref<8x4000xf32, #tpu.memory_space<vmem>>, vector<1x16xf32>,
      %swap3A_1035 = vector.shape_cast %swap3A_1034 : vector<1x16xf32> to vector<16xf32>
      %swap3A_1036 = vector.shape_cast %get3A_990 : vector<16xf32> to vector<1x16xf32>
      tpu.vector_store %arg6[%swap3A_1032, %swap3A_1033], %swap3A_1036 {strides = array<i32>} : memref<8x4000xf32, #tpu.memory_space<vmem>>, vector<1x16xf32>,
      %swap3A_1037 = arith.constant 7 : i32
      %swap3A_1038 = arith.index_cast %swap3A_1037 : i32 to index
      %swap3A_1039 = arith.index_cast %mul3A_956 : i32 to index
      %swap3A_1040 = tpu.vector_load %arg6[%swap3A_1038, %swap3A_1039] {strides = array<i32>} : memref<8x4000xf32, #tpu.memory_space<vmem>>, vector<1x16xf32>,
      %swap3A_1041 = vector.shape_cast %swap3A_1040 : vector<1x16xf32> to vector<16xf32>
      %swap3A_1042 = vector.shape_cast %get3A_995 : vector<16xf32> to vector<1x16xf32>
      tpu.vector_store %arg6[%swap3A_1038, %swap3A_1039], %swap3A_1042 {strides = array<i32>} : memref<8x4000xf32, #tpu.memory_space<vmem>>, vector<1x16xf32>,
    }
    %scan3A_707 = arith.constant 250 : i32
    %add3A_708 = arith.constant 184 : i32
    %add3A_709 = arith.addi %mul3A_2, %add3A_708 : i32
    %dma_start3A_710 = arith.constant 0 : i32
    %dma_start3A_711 = tpu.memref_slice %arg3[%add3A_709, %dma_start3A_710] : memref<8192x4000xf32, #tpu.memory_space<hbm>> -> memref<8x4000xf32, #tpu.memory_space<hbm>>
    %dma_start3A_712 = arith.constant 0 : i32
    %dma_start3A_713 = tpu.memref_slice %arg3[%add3A_709, %dma_start3A_712] : memref<8192x4000xf32, #tpu.memory_space<hbm>> -> memref<8x4000xf32, #tpu.memory_space<hbm>>
    tpu.enqueue_dma source(%arg6 : memref<8x4000xf32, #tpu.memory_space<vmem>>) target(%dma_start3A_713 : memref<8x4000xf32, #tpu.memory_space<hbm>>) target_semaphore(%arg8 : memref<!tpu.dma_semaphore, #tpu.memory_space<semaphore_mem>>)
    %add3A_714 = arith.constant 176 : i32
    %add3A_715 = arith.addi %mul3A_2, %add3A_714 : i32
    %dma_wait3A_716 = arith.constant 0 : i32
    %dma_wait3A_717 = tpu.memref_slice %arg3[%add3A_715, %dma_wait3A_716] : memref<8192x4000xf32, #tpu.memory_space<hbm>> -> memref<8x4000xf32, #tpu.memory_space<hbm>>
    %dma_wait3A_718 = arith.constant 0 : i32
    %dma_wait3A_719 = tpu.memref_slice %arg3[%add3A_715, %dma_wait3A_718] : memref<8192x4000xf32, #tpu.memory_space<hbm>> -> memref<8x4000xf32, #tpu.memory_space<hbm>>
    tpu.wait_dma2 semaphore(%arg8 : memref<!tpu.dma_semaphore, #tpu.memory_space<semaphore_mem>>) src(%arg5 : memref<8x4000xf32, #tpu.memory_space<vmem>>) dst(%dma_wait3A_719 : memref<8x4000xf32, #tpu.memory_space<hbm>>)
    %add3A_720 = arith.constant 200 : i32
    %add3A_721 = arith.addi %mul3A_2, %add3A_720 : i32
    %dma_start3A_722 = arith.constant 0 : i32
    %dma_start3A_723 = tpu.memref_slice %arg2[%add3A_721, %dma_start3A_722] : memref<8192x4000xf32, #tpu.memory_space<hbm>> -> memref<8x4000xf32, #tpu.memory_space<hbm>>
    %dma_start3A_724 = arith.constant 0 : i32
    %dma_start3A_725 = tpu.memref_slice %arg2[%add3A_721, %dma_start3A_724] : memref<8192x4000xf32, #tpu.memory_space<hbm>> -> memref<8x4000xf32, #tpu.memory_space<hbm>>
    tpu.enqueue_dma source(%dma_start3A_725 : memref<8x4000xf32, #tpu.memory_space<hbm>>) target(%arg5 : memref<8x4000xf32, #tpu.memory_space<vmem>>) target_semaphore(%arg7 : memref<!tpu.dma_semaphore, #tpu.memory_space<semaphore_mem>>)
    %add3A_726 = arith.constant 192 : i32
    %add3A_727 = arith.addi %mul3A_2, %add3A_726 : i32
    %dma_wait3A_728 = arith.constant 0 : i32
    %dma_wait3A_729 = tpu.memref_slice %arg2[%add3A_727, %dma_wait3A_728] : memref<8192x4000xf32, #tpu.memory_space<hbm>> -> memref<8x4000xf32, #tpu.memory_space<hbm>>
    %dma_wait3A_730 = arith.constant 0 : i32
    %dma_wait3A_731 = tpu.memref_slice %arg2[%add3A_727, %dma_wait3A_730] : memref<8192x4000xf32, #tpu.memory_space<hbm>> -> memref<8x4000xf32, #tpu.memory_space<hbm>>
    tpu.wait_dma2 semaphore(%arg7 : memref<!tpu.dma_semaphore, #tpu.memory_space<semaphore_mem>>) src(%dma_wait3A_731 : memref<8x4000xf32, #tpu.memory_space<hbm>>) dst(%arg4 : memref<8x4000xf32, #tpu.memory_space<vmem>>)
    %scan3A_732 = arith.constant 0 : i32
    %scan3A_733 = arith.constant 0 : i32
    %scan3A_734 = arith.constant 250 : i32
    %scan3A_735 = arith.addi %scan3A_733, %scan3A_734 : i32
    %scan3A_736 = arith.constant 1 : i32
    scf.for %scan3A_954 = %scan3A_733 to %scan3A_735 step %scan3A_736  : i32 {
      %mul3A_955 = arith.constant 16 : i32
      %mul3A_956 = arith.muli %scan3A_954, %mul3A_955 : i32
      %get3A = arith.constant 1 : i32
      %get3A_957 = arith.index_cast %get3A : i32 to index
      %get3A_958 = arith.index_cast %mul3A_956 : i32 to index
      %get3A_959 = tpu.vector_load %arg4[%get3A_957, %get3A_958] {strides = array<i32>} : memref<8x4000xf32, #tpu.memory_space<vmem>>, vector<1x16xf32>,
      %get3A_960 = vector.shape_cast %get3A_959 : vector<1x16xf32> to vector<16xf32>
      %get3A_961 = arith.constant 3 : i32
      %get3A_962 = arith.index_cast %get3A_961 : i32 to index
      %get3A_963 = arith.index_cast %mul3A_956 : i32 to index
      %get3A_964 = tpu.vector_load %arg4[%get3A_962, %get3A_963] {strides = array<i32>} : memref<8x4000xf32, #tpu.memory_space<vmem>>, vector<1x16xf32>,
      %get3A_965 = vector.shape_cast %get3A_964 : vector<1x16xf32> to vector<16xf32>
      %get3A_966 = arith.constant 5 : i32
      %get3A_967 = arith.index_cast %get3A_966 : i32 to index
      %get3A_968 = arith.index_cast %mul3A_956 : i32 to index
      %get3A_969 = tpu.vector_load %arg4[%get3A_967, %get3A_968] {strides = array<i32>} : memref<8x4000xf32, #tpu.memory_space<vmem>>, vector<1x16xf32>,
      %get3A_970 = vector.shape_cast %get3A_969 : vector<1x16xf32> to vector<16xf32>
      %get3A_971 = arith.constant 0 : i32
      %get3A_972 = arith.index_cast %get3A_971 : i32 to index
      %get3A_973 = arith.index_cast %mul3A_956 : i32 to index
      %get3A_974 = tpu.vector_load %arg4[%get3A_972, %get3A_973] {strides = array<i32>} : memref<8x4000xf32, #tpu.memory_space<vmem>>, vector<1x16xf32>,
      %get3A_975 = vector.shape_cast %get3A_974 : vector<1x16xf32> to vector<16xf32>
      %get3A_976 = arith.constant 2 : i32
      %get3A_977 = arith.index_cast %get3A_976 : i32 to index
      %get3A_978 = arith.index_cast %mul3A_956 : i32 to index
      %get3A_979 = tpu.vector_load %arg4[%get3A_977, %get3A_978] {strides = array<i32>} : memref<8x4000xf32, #tpu.memory_space<vmem>>, vector<1x16xf32>,
      %get3A_980 = vector.shape_cast %get3A_979 : vector<1x16xf32> to vector<16xf32>
      %get3A_981 = arith.constant 6 : i32
      %get3A_982 = arith.index_cast %get3A_981 : i32 to index
      %get3A_983 = arith.index_cast %mul3A_956 : i32 to index
      %get3A_984 = tpu.vector_load %arg4[%get3A_982, %get3A_983] {strides = array<i32>} : memref<8x4000xf32, #tpu.memory_space<vmem>>, vector<1x16xf32>,
      %get3A_985 = vector.shape_cast %get3A_984 : vector<1x16xf32> to vector<16xf32>
      %get3A_986 = arith.constant 7 : i32
      %get3A_987 = arith.index_cast %get3A_986 : i32 to index
      %get3A_988 = arith.index_cast %mul3A_956 : i32 to index
      %get3A_989 = tpu.vector_load %arg4[%get3A_987, %get3A_988] {strides = array<i32>} : memref<8x4000xf32, #tpu.memory_space<vmem>>, vector<1x16xf32>,
      %get3A_990 = vector.shape_cast %get3A_989 : vector<1x16xf32> to vector<16xf32>
      %get3A_991 = arith.constant 4 : i32
      %get3A_992 = arith.index_cast %get3A_991 : i32 to index
      %get3A_993 = arith.index_cast %mul3A_956 : i32 to index
      %get3A_994 = tpu.vector_load %arg4[%get3A_992, %get3A_993] {strides = array<i32>} : memref<8x4000xf32, #tpu.memory_space<vmem>>, vector<1x16xf32>,
      %get3A_995 = vector.shape_cast %get3A_994 : vector<1x16xf32> to vector<16xf32>
      %swap3A = arith.constant 0 : i32
      %swap3A_996 = arith.index_cast %swap3A : i32 to index
      %swap3A_997 = arith.index_cast %mul3A_956 : i32 to index
      %swap3A_998 = tpu.vector_load %arg4[%swap3A_996, %swap3A_997] {strides = array<i32>} : memref<8x4000xf32, #tpu.memory_space<vmem>>, vector<1x16xf32>,
      %swap3A_999 = vector.shape_cast %swap3A_998 : vector<1x16xf32> to vector<16xf32>
      %swap3A_1000 = vector.shape_cast %get3A_960 : vector<16xf32> to vector<1x16xf32>
      tpu.vector_store %arg4[%swap3A_996, %swap3A_997], %swap3A_1000 {strides = array<i32>} : memref<8x4000xf32, #tpu.memory_space<vmem>>, vector<1x16xf32>,
      %swap3A_1001 = arith.constant 1 : i32
      %swap3A_1002 = arith.index_cast %swap3A_1001 : i32 to index
      %swap3A_1003 = arith.index_cast %mul3A_956 : i32 to index
      %swap3A_1004 = tpu.vector_load %arg4[%swap3A_1002, %swap3A_1003] {strides = array<i32>} : memref<8x4000xf32, #tpu.memory_space<vmem>>, vector<1x16xf32>,
      %swap3A_1005 = vector.shape_cast %swap3A_1004 : vector<1x16xf32> to vector<16xf32>
      %swap3A_1006 = vector.shape_cast %get3A_965 : vector<16xf32> to vector<1x16xf32>
      tpu.vector_store %arg4[%swap3A_1002, %swap3A_1003], %swap3A_1006 {strides = array<i32>} : memref<8x4000xf32, #tpu.memory_space<vmem>>, vector<1x16xf32>,
      %swap3A_1007 = arith.constant 2 : i32
      %swap3A_1008 = arith.index_cast %swap3A_1007 : i32 to index
      %swap3A_1009 = arith.index_cast %mul3A_956 : i32 to index
      %swap3A_1010 = tpu.vector_load %arg4[%swap3A_1008, %swap3A_1009] {strides = array<i32>} : memref<8x4000xf32, #tpu.memory_space<vmem>>, vector<1x16xf32>,
      %swap3A_1011 = vector.shape_cast %swap3A_1010 : vector<1x16xf32> to vector<16xf32>
      %swap3A_1012 = vector.shape_cast %get3A_970 : vector<16xf32> to vector<1x16xf32>
      tpu.vector_store %arg4[%swap3A_1008, %swap3A_1009], %swap3A_1012 {strides = array<i32>} : memref<8x4000xf32, #tpu.memory_space<vmem>>, vector<1x16xf32>,
      %swap3A_1013 = arith.constant 3 : i32
      %swap3A_1014 = arith.index_cast %swap3A_1013 : i32 to index
      %swap3A_1015 = arith.index_cast %mul3A_956 : i32 to index
      %swap3A_1016 = tpu.vector_load %arg4[%swap3A_1014, %swap3A_1015] {strides = array<i32>} : memref<8x4000xf32, #tpu.memory_space<vmem>>, vector<1x16xf32>,
      %swap3A_1017 = vector.shape_cast %swap3A_1016 : vector<1x16xf32> to vector<16xf32>
      %swap3A_1018 = vector.shape_cast %get3A_975 : vector<16xf32> to vector<1x16xf32>
      tpu.vector_store %arg4[%swap3A_1014, %swap3A_1015], %swap3A_1018 {strides = array<i32>} : memref<8x4000xf32, #tpu.memory_space<vmem>>, vector<1x16xf32>,
      %swap3A_1019 = arith.constant 4 : i32
      %swap3A_1020 = arith.index_cast %swap3A_1019 : i32 to index
      %swap3A_1021 = arith.index_cast %mul3A_956 : i32 to index
      %swap3A_1022 = tpu.vector_load %arg4[%swap3A_1020, %swap3A_1021] {strides = array<i32>} : memref<8x4000xf32, #tpu.memory_space<vmem>>, vector<1x16xf32>,
      %swap3A_1023 = vector.shape_cast %swap3A_1022 : vector<1x16xf32> to vector<16xf32>
      %swap3A_1024 = vector.shape_cast %get3A_980 : vector<16xf32> to vector<1x16xf32>
      tpu.vector_store %arg4[%swap3A_1020, %swap3A_1021], %swap3A_1024 {strides = array<i32>} : memref<8x4000xf32, #tpu.memory_space<vmem>>, vector<1x16xf32>,
      %swap3A_1025 = arith.constant 5 : i32
      %swap3A_1026 = arith.index_cast %swap3A_1025 : i32 to index
      %swap3A_1027 = arith.index_cast %mul3A_956 : i32 to index
      %swap3A_1028 = tpu.vector_load %arg4[%swap3A_1026, %swap3A_1027] {strides = array<i32>} : memref<8x4000xf32, #tpu.memory_space<vmem>>, vector<1x16xf32>,
      %swap3A_1029 = vector.shape_cast %swap3A_1028 : vector<1x16xf32> to vector<16xf32>
      %swap3A_1030 = vector.shape_cast %get3A_985 : vector<16xf32> to vector<1x16xf32>
      tpu.vector_store %arg4[%swap3A_1026, %swap3A_1027], %swap3A_1030 {strides = array<i32>} : memref<8x4000xf32, #tpu.memory_space<vmem>>, vector<1x16xf32>,
      %swap3A_1031 = arith.constant 6 : i32
      %swap3A_1032 = arith.index_cast %swap3A_1031 : i32 to index
      %swap3A_1033 = arith.index_cast %mul3A_956 : i32 to index
      %swap3A_1034 = tpu.vector_load %arg4[%swap3A_1032, %swap3A_1033] {strides = array<i32>} : memref<8x4000xf32, #tpu.memory_space<vmem>>, vector<1x16xf32>,
      %swap3A_1035 = vector.shape_cast %swap3A_1034 : vector<1x16xf32> to vector<16xf32>
      %swap3A_1036 = vector.shape_cast %get3A_990 : vector<16xf32> to vector<1x16xf32>
      tpu.vector_store %arg4[%swap3A_1032, %swap3A_1033], %swap3A_1036 {strides = array<i32>} : memref<8x4000xf32, #tpu.memory_space<vmem>>, vector<1x16xf32>,
      %swap3A_1037 = arith.constant 7 : i32
      %swap3A_1038 = arith.index_cast %swap3A_1037 : i32 to index
      %swap3A_1039 = arith.index_cast %mul3A_956 : i32 to index
      %swap3A_1040 = tpu.vector_load %arg4[%swap3A_1038, %swap3A_1039] {strides = array<i32>} : memref<8x4000xf32, #tpu.memory_space<vmem>>, vector<1x16xf32>,
      %swap3A_1041 = vector.shape_cast %swap3A_1040 : vector<1x16xf32> to vector<16xf32>
      %swap3A_1042 = vector.shape_cast %get3A_995 : vector<16xf32> to vector<1x16xf32>
      tpu.vector_store %arg4[%swap3A_1038, %swap3A_1039], %swap3A_1042 {strides = array<i32>} : memref<8x4000xf32, #tpu.memory_space<vmem>>, vector<1x16xf32>,
    }
    %scan3A_737 = arith.constant 250 : i32
    %add3A_738 = arith.constant 192 : i32
    %add3A_739 = arith.addi %mul3A_2, %add3A_738 : i32
    %dma_start3A_740 = arith.constant 0 : i32
    %dma_start3A_741 = tpu.memref_slice %arg3[%add3A_739, %dma_start3A_740] : memref<8192x4000xf32, #tpu.memory_space<hbm>> -> memref<8x4000xf32, #tpu.memory_space<hbm>>
    %dma_start3A_742 = arith.constant 0 : i32
    %dma_start3A_743 = tpu.memref_slice %arg3[%add3A_739, %dma_start3A_742] : memref<8192x4000xf32, #tpu.memory_space<hbm>> -> memref<8x4000xf32, #tpu.memory_space<hbm>>
    tpu.enqueue_dma source(%arg4 : memref<8x4000xf32, #tpu.memory_space<vmem>>) target(%dma_start3A_743 : memref<8x4000xf32, #tpu.memory_space<hbm>>) target_semaphore(%arg8 : memref<!tpu.dma_semaphore, #tpu.memory_space<semaphore_mem>>)
    %add3A_744 = arith.constant 184 : i32
    %add3A_745 = arith.addi %mul3A_2, %add3A_744 : i32
    %dma_wait3A_746 = arith.constant 0 : i32
    %dma_wait3A_747 = tpu.memref_slice %arg3[%add3A_745, %dma_wait3A_746] : memref<8192x4000xf32, #tpu.memory_space<hbm>> -> memref<8x4000xf32, #tpu.memory_space<hbm>>
    %dma_wait3A_748 = arith.constant 0 : i32
    %dma_wait3A_749 = tpu.memref_slice %arg3[%add3A_745, %dma_wait3A_748] : memref<8192x4000xf32, #tpu.memory_space<hbm>> -> memref<8x4000xf32, #tpu.memory_space<hbm>>
    tpu.wait_dma2 semaphore(%arg8 : memref<!tpu.dma_semaphore, #tpu.memory_space<semaphore_mem>>) src(%arg6 : memref<8x4000xf32, #tpu.memory_space<vmem>>) dst(%dma_wait3A_749 : memref<8x4000xf32, #tpu.memory_space<hbm>>)
    %add3A_750 = arith.constant 208 : i32
    %add3A_751 = arith.addi %mul3A_2, %add3A_750 : i32
    %dma_start3A_752 = arith.constant 0 : i32
    %dma_start3A_753 = tpu.memref_slice %arg2[%add3A_751, %dma_start3A_752] : memref<8192x4000xf32, #tpu.memory_space<hbm>> -> memref<8x4000xf32, #tpu.memory_space<hbm>>
    %dma_start3A_754 = arith.constant 0 : i32
    %dma_start3A_755 = tpu.memref_slice %arg2[%add3A_751, %dma_start3A_754] : memref<8192x4000xf32, #tpu.memory_space<hbm>> -> memref<8x4000xf32, #tpu.memory_space<hbm>>
    tpu.enqueue_dma source(%dma_start3A_755 : memref<8x4000xf32, #tpu.memory_space<hbm>>) target(%arg6 : memref<8x4000xf32, #tpu.memory_space<vmem>>) target_semaphore(%arg7 : memref<!tpu.dma_semaphore, #tpu.memory_space<semaphore_mem>>)
    %add3A_756 = arith.constant 200 : i32
    %add3A_757 = arith.addi %mul3A_2, %add3A_756 : i32
    %dma_wait3A_758 = arith.constant 0 : i32
    %dma_wait3A_759 = tpu.memref_slice %arg2[%add3A_757, %dma_wait3A_758] : memref<8192x4000xf32, #tpu.memory_space<hbm>> -> memref<8x4000xf32, #tpu.memory_space<hbm>>
    %dma_wait3A_760 = arith.constant 0 : i32
    %dma_wait3A_761 = tpu.memref_slice %arg2[%add3A_757, %dma_wait3A_760] : memref<8192x4000xf32, #tpu.memory_space<hbm>> -> memref<8x4000xf32, #tpu.memory_space<hbm>>
    tpu.wait_dma2 semaphore(%arg7 : memref<!tpu.dma_semaphore, #tpu.memory_space<semaphore_mem>>) src(%dma_wait3A_761 : memref<8x4000xf32, #tpu.memory_space<hbm>>) dst(%arg5 : memref<8x4000xf32, #tpu.memory_space<vmem>>)
    %scan3A_762 = arith.constant 0 : i32
    %scan3A_763 = arith.constant 0 : i32
    %scan3A_764 = arith.constant 250 : i32
    %scan3A_765 = arith.addi %scan3A_763, %scan3A_764 : i32
    %scan3A_766 = arith.constant 1 : i32
    scf.for %scan3A_954 = %scan3A_763 to %scan3A_765 step %scan3A_766  : i32 {
      %mul3A_955 = arith.constant 16 : i32
      %mul3A_956 = arith.muli %scan3A_954, %mul3A_955 : i32
      %get3A = arith.constant 2 : i32
      %get3A_957 = arith.index_cast %get3A : i32 to index
      %get3A_958 = arith.index_cast %mul3A_956 : i32 to index
      %get3A_959 = tpu.vector_load %arg5[%get3A_957, %get3A_958] {strides = array<i32>} : memref<8x4000xf32, #tpu.memory_space<vmem>>, vector<1x16xf32>,
      %get3A_960 = vector.shape_cast %get3A_959 : vector<1x16xf32> to vector<16xf32>
      %get3A_961 = arith.constant 0 : i32
      %get3A_962 = arith.index_cast %get3A_961 : i32 to index
      %get3A_963 = arith.index_cast %mul3A_956 : i32 to index
      %get3A_964 = tpu.vector_load %arg5[%get3A_962, %get3A_963] {strides = array<i32>} : memref<8x4000xf32, #tpu.memory_space<vmem>>, vector<1x16xf32>,
      %get3A_965 = vector.shape_cast %get3A_964 : vector<1x16xf32> to vector<16xf32>
      %get3A_966 = arith.constant 4 : i32
      %get3A_967 = arith.index_cast %get3A_966 : i32 to index
      %get3A_968 = arith.index_cast %mul3A_956 : i32 to index
      %get3A_969 = tpu.vector_load %arg5[%get3A_967, %get3A_968] {strides = array<i32>} : memref<8x4000xf32, #tpu.memory_space<vmem>>, vector<1x16xf32>,
      %get3A_970 = vector.shape_cast %get3A_969 : vector<1x16xf32> to vector<16xf32>
      %get3A_971 = arith.constant 5 : i32
      %get3A_972 = arith.index_cast %get3A_971 : i32 to index
      %get3A_973 = arith.index_cast %mul3A_956 : i32 to index
      %get3A_974 = tpu.vector_load %arg5[%get3A_972, %get3A_973] {strides = array<i32>} : memref<8x4000xf32, #tpu.memory_space<vmem>>, vector<1x16xf32>,
      %get3A_975 = vector.shape_cast %get3A_974 : vector<1x16xf32> to vector<16xf32>
      %get3A_976 = arith.constant 7 : i32
      %get3A_977 = arith.index_cast %get3A_976 : i32 to index
      %get3A_978 = arith.index_cast %mul3A_956 : i32 to index
      %get3A_979 = tpu.vector_load %arg5[%get3A_977, %get3A_978] {strides = array<i32>} : memref<8x4000xf32, #tpu.memory_space<vmem>>, vector<1x16xf32>,
      %get3A_980 = vector.shape_cast %get3A_979 : vector<1x16xf32> to vector<16xf32>
      %get3A_981 = arith.constant 6 : i32
      %get3A_982 = arith.index_cast %get3A_981 : i32 to index
      %get3A_983 = arith.index_cast %mul3A_956 : i32 to index
      %get3A_984 = tpu.vector_load %arg5[%get3A_982, %get3A_983] {strides = array<i32>} : memref<8x4000xf32, #tpu.memory_space<vmem>>, vector<1x16xf32>,
      %get3A_985 = vector.shape_cast %get3A_984 : vector<1x16xf32> to vector<16xf32>
      %get3A_986 = arith.constant 3 : i32
      %get3A_987 = arith.index_cast %get3A_986 : i32 to index
      %get3A_988 = arith.index_cast %mul3A_956 : i32 to index
      %get3A_989 = tpu.vector_load %arg5[%get3A_987, %get3A_988] {strides = array<i32>} : memref<8x4000xf32, #tpu.memory_space<vmem>>, vector<1x16xf32>,
      %get3A_990 = vector.shape_cast %get3A_989 : vector<1x16xf32> to vector<16xf32>
      %get3A_991 = arith.constant 1 : i32
      %get3A_992 = arith.index_cast %get3A_991 : i32 to index
      %get3A_993 = arith.index_cast %mul3A_956 : i32 to index
      %get3A_994 = tpu.vector_load %arg5[%get3A_992, %get3A_993] {strides = array<i32>} : memref<8x4000xf32, #tpu.memory_space<vmem>>, vector<1x16xf32>,
      %get3A_995 = vector.shape_cast %get3A_994 : vector<1x16xf32> to vector<16xf32>
      %swap3A = arith.constant 0 : i32
      %swap3A_996 = arith.index_cast %swap3A : i32 to index
      %swap3A_997 = arith.index_cast %mul3A_956 : i32 to index
      %swap3A_998 = tpu.vector_load %arg5[%swap3A_996, %swap3A_997] {strides = array<i32>} : memref<8x4000xf32, #tpu.memory_space<vmem>>, vector<1x16xf32>,
      %swap3A_999 = vector.shape_cast %swap3A_998 : vector<1x16xf32> to vector<16xf32>
      %swap3A_1000 = vector.shape_cast %get3A_960 : vector<16xf32> to vector<1x16xf32>
      tpu.vector_store %arg5[%swap3A_996, %swap3A_997], %swap3A_1000 {strides = array<i32>} : memref<8x4000xf32, #tpu.memory_space<vmem>>, vector<1x16xf32>,
      %swap3A_1001 = arith.constant 1 : i32
      %swap3A_1002 = arith.index_cast %swap3A_1001 : i32 to index
      %swap3A_1003 = arith.index_cast %mul3A_956 : i32 to index
      %swap3A_1004 = tpu.vector_load %arg5[%swap3A_1002, %swap3A_1003] {strides = array<i32>} : memref<8x4000xf32, #tpu.memory_space<vmem>>, vector<1x16xf32>,
      %swap3A_1005 = vector.shape_cast %swap3A_1004 : vector<1x16xf32> to vector<16xf32>
      %swap3A_1006 = vector.shape_cast %get3A_965 : vector<16xf32> to vector<1x16xf32>
      tpu.vector_store %arg5[%swap3A_1002, %swap3A_1003], %swap3A_1006 {strides = array<i32>} : memref<8x4000xf32, #tpu.memory_space<vmem>>, vector<1x16xf32>,
      %swap3A_1007 = arith.constant 2 : i32
      %swap3A_1008 = arith.index_cast %swap3A_1007 : i32 to index
      %swap3A_1009 = arith.index_cast %mul3A_956 : i32 to index
      %swap3A_1010 = tpu.vector_load %arg5[%swap3A_1008, %swap3A_1009] {strides = array<i32>} : memref<8x4000xf32, #tpu.memory_space<vmem>>, vector<1x16xf32>,
      %swap3A_1011 = vector.shape_cast %swap3A_1010 : vector<1x16xf32> to vector<16xf32>
      %swap3A_1012 = vector.shape_cast %get3A_970 : vector<16xf32> to vector<1x16xf32>
      tpu.vector_store %arg5[%swap3A_1008, %swap3A_1009], %swap3A_1012 {strides = array<i32>} : memref<8x4000xf32, #tpu.memory_space<vmem>>, vector<1x16xf32>,
      %swap3A_1013 = arith.constant 3 : i32
      %swap3A_1014 = arith.index_cast %swap3A_1013 : i32 to index
      %swap3A_1015 = arith.index_cast %mul3A_956 : i32 to index
      %swap3A_1016 = tpu.vector_load %arg5[%swap3A_1014, %swap3A_1015] {strides = array<i32>} : memref<8x4000xf32, #tpu.memory_space<vmem>>, vector<1x16xf32>,
      %swap3A_1017 = vector.shape_cast %swap3A_1016 : vector<1x16xf32> to vector<16xf32>
      %swap3A_1018 = vector.shape_cast %get3A_975 : vector<16xf32> to vector<1x16xf32>
      tpu.vector_store %arg5[%swap3A_1014, %swap3A_1015], %swap3A_1018 {strides = array<i32>} : memref<8x4000xf32, #tpu.memory_space<vmem>>, vector<1x16xf32>,
      %swap3A_1019 = arith.constant 4 : i32
      %swap3A_1020 = arith.index_cast %swap3A_1019 : i32 to index
      %swap3A_1021 = arith.index_cast %mul3A_956 : i32 to index
      %swap3A_1022 = tpu.vector_load %arg5[%swap3A_1020, %swap3A_1021] {strides = array<i32>} : memref<8x4000xf32, #tpu.memory_space<vmem>>, vector<1x16xf32>,
      %swap3A_1023 = vector.shape_cast %swap3A_1022 : vector<1x16xf32> to vector<16xf32>
      %swap3A_1024 = vector.shape_cast %get3A_980 : vector<16xf32> to vector<1x16xf32>
      tpu.vector_store %arg5[%swap3A_1020, %swap3A_1021], %swap3A_1024 {strides = array<i32>} : memref<8x4000xf32, #tpu.memory_space<vmem>>, vector<1x16xf32>,
      %swap3A_1025 = arith.constant 5 : i32
      %swap3A_1026 = arith.index_cast %swap3A_1025 : i32 to index
      %swap3A_1027 = arith.index_cast %mul3A_956 : i32 to index
      %swap3A_1028 = tpu.vector_load %arg5[%swap3A_1026, %swap3A_1027] {strides = array<i32>} : memref<8x4000xf32, #tpu.memory_space<vmem>>, vector<1x16xf32>,
      %swap3A_1029 = vector.shape_cast %swap3A_1028 : vector<1x16xf32> to vector<16xf32>
      %swap3A_1030 = vector.shape_cast %get3A_985 : vector<16xf32> to vector<1x16xf32>
      tpu.vector_store %arg5[%swap3A_1026, %swap3A_1027], %swap3A_1030 {strides = array<i32>} : memref<8x4000xf32, #tpu.memory_space<vmem>>, vector<1x16xf32>,
      %swap3A_1031 = arith.constant 6 : i32
      %swap3A_1032 = arith.index_cast %swap3A_1031 : i32 to index
      %swap3A_1033 = arith.index_cast %mul3A_956 : i32 to index
      %swap3A_1034 = tpu.vector_load %arg5[%swap3A_1032, %swap3A_1033] {strides = array<i32>} : memref<8x4000xf32, #tpu.memory_space<vmem>>, vector<1x16xf32>,
      %swap3A_1035 = vector.shape_cast %swap3A_1034 : vector<1x16xf32> to vector<16xf32>
      %swap3A_1036 = vector.shape_cast %get3A_990 : vector<16xf32> to vector<1x16xf32>
      tpu.vector_store %arg5[%swap3A_1032, %swap3A_1033], %swap3A_1036 {strides = array<i32>} : memref<8x4000xf32, #tpu.memory_space<vmem>>, vector<1x16xf32>,
      %swap3A_1037 = arith.constant 7 : i32
      %swap3A_1038 = arith.index_cast %swap3A_1037 : i32 to index
      %swap3A_1039 = arith.index_cast %mul3A_956 : i32 to index
      %swap3A_1040 = tpu.vector_load %arg5[%swap3A_1038, %swap3A_1039] {strides = array<i32>} : memref<8x4000xf32, #tpu.memory_space<vmem>>, vector<1x16xf32>,
      %swap3A_1041 = vector.shape_cast %swap3A_1040 : vector<1x16xf32> to vector<16xf32>
      %swap3A_1042 = vector.shape_cast %get3A_995 : vector<16xf32> to vector<1x16xf32>
      tpu.vector_store %arg5[%swap3A_1038, %swap3A_1039], %swap3A_1042 {strides = array<i32>} : memref<8x4000xf32, #tpu.memory_space<vmem>>, vector<1x16xf32>,
    }
    %scan3A_767 = arith.constant 250 : i32
    %add3A_768 = arith.constant 200 : i32
    %add3A_769 = arith.addi %mul3A_2, %add3A_768 : i32
    %dma_start3A_770 = arith.constant 0 : i32
    %dma_start3A_771 = tpu.memref_slice %arg3[%add3A_769, %dma_start3A_770] : memref<8192x4000xf32, #tpu.memory_space<hbm>> -> memref<8x4000xf32, #tpu.memory_space<hbm>>
    %dma_start3A_772 = arith.constant 0 : i32
    %dma_start3A_773 = tpu.memref_slice %arg3[%add3A_769, %dma_start3A_772] : memref<8192x4000xf32, #tpu.memory_space<hbm>> -> memref<8x4000xf32, #tpu.memory_space<hbm>>
    tpu.enqueue_dma source(%arg5 : memref<8x4000xf32, #tpu.memory_space<vmem>>) target(%dma_start3A_773 : memref<8x4000xf32, #tpu.memory_space<hbm>>) target_semaphore(%arg8 : memref<!tpu.dma_semaphore, #tpu.memory_space<semaphore_mem>>)
    %add3A_774 = arith.constant 192 : i32
    %add3A_775 = arith.addi %mul3A_2, %add3A_774 : i32
    %dma_wait3A_776 = arith.constant 0 : i32
    %dma_wait3A_777 = tpu.memref_slice %arg3[%add3A_775, %dma_wait3A_776] : memref<8192x4000xf32, #tpu.memory_space<hbm>> -> memref<8x4000xf32, #tpu.memory_space<hbm>>
    %dma_wait3A_778 = arith.constant 0 : i32
    %dma_wait3A_779 = tpu.memref_slice %arg3[%add3A_775, %dma_wait3A_778] : memref<8192x4000xf32, #tpu.memory_space<hbm>> -> memref<8x4000xf32, #tpu.memory_space<hbm>>
    tpu.wait_dma2 semaphore(%arg8 : memref<!tpu.dma_semaphore, #tpu.memory_space<semaphore_mem>>) src(%arg4 : memref<8x4000xf32, #tpu.memory_space<vmem>>) dst(%dma_wait3A_779 : memref<8x4000xf32, #tpu.memory_space<hbm>>)
    %add3A_780 = arith.constant 216 : i32
    %add3A_781 = arith.addi %mul3A_2, %add3A_780 : i32
    %dma_start3A_782 = arith.constant 0 : i32
    %dma_start3A_783 = tpu.memref_slice %arg2[%add3A_781, %dma_start3A_782] : memref<8192x4000xf32, #tpu.memory_space<hbm>> -> memref<8x4000xf32, #tpu.memory_space<hbm>>
    %dma_start3A_784 = arith.constant 0 : i32
    %dma_start3A_785 = tpu.memref_slice %arg2[%add3A_781, %dma_start3A_784] : memref<8192x4000xf32, #tpu.memory_space<hbm>> -> memref<8x4000xf32, #tpu.memory_space<hbm>>
    tpu.enqueue_dma source(%dma_start3A_785 : memref<8x4000xf32, #tpu.memory_space<hbm>>) target(%arg4 : memref<8x4000xf32, #tpu.memory_space<vmem>>) target_semaphore(%arg7 : memref<!tpu.dma_semaphore, #tpu.memory_space<semaphore_mem>>)
    %add3A_786 = arith.constant 208 : i32
    %add3A_787 = arith.addi %mul3A_2, %add3A_786 : i32
    %dma_wait3A_788 = arith.constant 0 : i32
    %dma_wait3A_789 = tpu.memref_slice %arg2[%add3A_787, %dma_wait3A_788] : memref<8192x4000xf32, #tpu.memory_space<hbm>> -> memref<8x4000xf32, #tpu.memory_space<hbm>>
    %dma_wait3A_790 = arith.constant 0 : i32
    %dma_wait3A_791 = tpu.memref_slice %arg2[%add3A_787, %dma_wait3A_790] : memref<8192x4000xf32, #tpu.memory_space<hbm>> -> memref<8x4000xf32, #tpu.memory_space<hbm>>
    tpu.wait_dma2 semaphore(%arg7 : memref<!tpu.dma_semaphore, #tpu.memory_space<semaphore_mem>>) src(%dma_wait3A_791 : memref<8x4000xf32, #tpu.memory_space<hbm>>) dst(%arg6 : memref<8x4000xf32, #tpu.memory_space<vmem>>)
    %scan3A_792 = arith.constant 0 : i32
    %scan3A_793 = arith.constant 0 : i32
    %scan3A_794 = arith.constant 250 : i32
    %scan3A_795 = arith.addi %scan3A_793, %scan3A_794 : i32
    %scan3A_796 = arith.constant 1 : i32
    scf.for %scan3A_954 = %scan3A_793 to %scan3A_795 step %scan3A_796  : i32 {
      %mul3A_955 = arith.constant 16 : i32
      %mul3A_956 = arith.muli %scan3A_954, %mul3A_955 : i32
      %get3A = arith.constant 5 : i32
      %get3A_957 = arith.index_cast %get3A : i32 to index
      %get3A_958 = arith.index_cast %mul3A_956 : i32 to index
      %get3A_959 = tpu.vector_load %arg6[%get3A_957, %get3A_958] {strides = array<i32>} : memref<8x4000xf32, #tpu.memory_space<vmem>>, vector<1x16xf32>,
      %get3A_960 = vector.shape_cast %get3A_959 : vector<1x16xf32> to vector<16xf32>
      %get3A_961 = arith.constant 7 : i32
      %get3A_962 = arith.index_cast %get3A_961 : i32 to index
      %get3A_963 = arith.index_cast %mul3A_956 : i32 to index
      %get3A_964 = tpu.vector_load %arg6[%get3A_962, %get3A_963] {strides = array<i32>} : memref<8x4000xf32, #tpu.memory_space<vmem>>, vector<1x16xf32>,
      %get3A_965 = vector.shape_cast %get3A_964 : vector<1x16xf32> to vector<16xf32>
      %get3A_966 = arith.constant 0 : i32
      %get3A_967 = arith.index_cast %get3A_966 : i32 to index
      %get3A_968 = arith.index_cast %mul3A_956 : i32 to index
      %get3A_969 = tpu.vector_load %arg6[%get3A_967, %get3A_968] {strides = array<i32>} : memref<8x4000xf32, #tpu.memory_space<vmem>>, vector<1x16xf32>,
      %get3A_970 = vector.shape_cast %get3A_969 : vector<1x16xf32> to vector<16xf32>
      %get3A_971 = arith.constant 1 : i32
      %get3A_972 = arith.index_cast %get3A_971 : i32 to index
      %get3A_973 = arith.index_cast %mul3A_956 : i32 to index
      %get3A_974 = tpu.vector_load %arg6[%get3A_972, %get3A_973] {strides = array<i32>} : memref<8x4000xf32, #tpu.memory_space<vmem>>, vector<1x16xf32>,
      %get3A_975 = vector.shape_cast %get3A_974 : vector<1x16xf32> to vector<16xf32>
      %get3A_976 = arith.constant 4 : i32
      %get3A_977 = arith.index_cast %get3A_976 : i32 to index
      %get3A_978 = arith.index_cast %mul3A_956 : i32 to index
      %get3A_979 = tpu.vector_load %arg6[%get3A_977, %get3A_978] {strides = array<i32>} : memref<8x4000xf32, #tpu.memory_space<vmem>>, vector<1x16xf32>,
      %get3A_980 = vector.shape_cast %get3A_979 : vector<1x16xf32> to vector<16xf32>
      %get3A_981 = arith.constant 2 : i32
      %get3A_982 = arith.index_cast %get3A_981 : i32 to index
      %get3A_983 = arith.index_cast %mul3A_956 : i32 to index
      %get3A_984 = tpu.vector_load %arg6[%get3A_982, %get3A_983] {strides = array<i32>} : memref<8x4000xf32, #tpu.memory_space<vmem>>, vector<1x16xf32>,
      %get3A_985 = vector.shape_cast %get3A_984 : vector<1x16xf32> to vector<16xf32>
      %get3A_986 = arith.constant 6 : i32
      %get3A_987 = arith.index_cast %get3A_986 : i32 to index
      %get3A_988 = arith.index_cast %mul3A_956 : i32 to index
      %get3A_989 = tpu.vector_load %arg6[%get3A_987, %get3A_988] {strides = array<i32>} : memref<8x4000xf32, #tpu.memory_space<vmem>>, vector<1x16xf32>,
      %get3A_990 = vector.shape_cast %get3A_989 : vector<1x16xf32> to vector<16xf32>
      %get3A_991 = arith.constant 3 : i32
      %get3A_992 = arith.index_cast %get3A_991 : i32 to index
      %get3A_993 = arith.index_cast %mul3A_956 : i32 to index
      %get3A_994 = tpu.vector_load %arg6[%get3A_992, %get3A_993] {strides = array<i32>} : memref<8x4000xf32, #tpu.memory_space<vmem>>, vector<1x16xf32>,
      %get3A_995 = vector.shape_cast %get3A_994 : vector<1x16xf32> to vector<16xf32>
      %swap3A = arith.constant 0 : i32
      %swap3A_996 = arith.index_cast %swap3A : i32 to index
      %swap3A_997 = arith.index_cast %mul3A_956 : i32 to index
      %swap3A_998 = tpu.vector_load %arg6[%swap3A_996, %swap3A_997] {strides = array<i32>} : memref<8x4000xf32, #tpu.memory_space<vmem>>, vector<1x16xf32>,
      %swap3A_999 = vector.shape_cast %swap3A_998 : vector<1x16xf32> to vector<16xf32>
      %swap3A_1000 = vector.shape_cast %get3A_960 : vector<16xf32> to vector<1x16xf32>
      tpu.vector_store %arg6[%swap3A_996, %swap3A_997], %swap3A_1000 {strides = array<i32>} : memref<8x4000xf32, #tpu.memory_space<vmem>>, vector<1x16xf32>,
      %swap3A_1001 = arith.constant 1 : i32
      %swap3A_1002 = arith.index_cast %swap3A_1001 : i32 to index
      %swap3A_1003 = arith.index_cast %mul3A_956 : i32 to index
      %swap3A_1004 = tpu.vector_load %arg6[%swap3A_1002, %swap3A_1003] {strides = array<i32>} : memref<8x4000xf32, #tpu.memory_space<vmem>>, vector<1x16xf32>,
      %swap3A_1005 = vector.shape_cast %swap3A_1004 : vector<1x16xf32> to vector<16xf32>
      %swap3A_1006 = vector.shape_cast %get3A_965 : vector<16xf32> to vector<1x16xf32>
      tpu.vector_store %arg6[%swap3A_1002, %swap3A_1003], %swap3A_1006 {strides = array<i32>} : memref<8x4000xf32, #tpu.memory_space<vmem>>, vector<1x16xf32>,
      %swap3A_1007 = arith.constant 2 : i32
      %swap3A_1008 = arith.index_cast %swap3A_1007 : i32 to index
      %swap3A_1009 = arith.index_cast %mul3A_956 : i32 to index
      %swap3A_1010 = tpu.vector_load %arg6[%swap3A_1008, %swap3A_1009] {strides = array<i32>} : memref<8x4000xf32, #tpu.memory_space<vmem>>, vector<1x16xf32>,
      %swap3A_1011 = vector.shape_cast %swap3A_1010 : vector<1x16xf32> to vector<16xf32>
      %swap3A_1012 = vector.shape_cast %get3A_970 : vector<16xf32> to vector<1x16xf32>
      tpu.vector_store %arg6[%swap3A_1008, %swap3A_1009], %swap3A_1012 {strides = array<i32>} : memref<8x4000xf32, #tpu.memory_space<vmem>>, vector<1x16xf32>,
      %swap3A_1013 = arith.constant 3 : i32
      %swap3A_1014 = arith.index_cast %swap3A_1013 : i32 to index
      %swap3A_1015 = arith.index_cast %mul3A_956 : i32 to index
      %swap3A_1016 = tpu.vector_load %arg6[%swap3A_1014, %swap3A_1015] {strides = array<i32>} : memref<8x4000xf32, #tpu.memory_space<vmem>>, vector<1x16xf32>,
      %swap3A_1017 = vector.shape_cast %swap3A_1016 : vector<1x16xf32> to vector<16xf32>
      %swap3A_1018 = vector.shape_cast %get3A_975 : vector<16xf32> to vector<1x16xf32>
      tpu.vector_store %arg6[%swap3A_1014, %swap3A_1015], %swap3A_1018 {strides = array<i32>} : memref<8x4000xf32, #tpu.memory_space<vmem>>, vector<1x16xf32>,
      %swap3A_1019 = arith.constant 4 : i32
      %swap3A_1020 = arith.index_cast %swap3A_1019 : i32 to index
      %swap3A_1021 = arith.index_cast %mul3A_956 : i32 to index
      %swap3A_1022 = tpu.vector_load %arg6[%swap3A_1020, %swap3A_1021] {strides = array<i32>} : memref<8x4000xf32, #tpu.memory_space<vmem>>, vector<1x16xf32>,
      %swap3A_1023 = vector.shape_cast %swap3A_1022 : vector<1x16xf32> to vector<16xf32>
      %swap3A_1024 = vector.shape_cast %get3A_980 : vector<16xf32> to vector<1x16xf32>
      tpu.vector_store %arg6[%swap3A_1020, %swap3A_1021], %swap3A_1024 {strides = array<i32>} : memref<8x4000xf32, #tpu.memory_space<vmem>>, vector<1x16xf32>,
      %swap3A_1025 = arith.constant 5 : i32
      %swap3A_1026 = arith.index_cast %swap3A_1025 : i32 to index
      %swap3A_1027 = arith.index_cast %mul3A_956 : i32 to index
      %swap3A_1028 = tpu.vector_load %arg6[%swap3A_1026, %swap3A_1027] {strides = array<i32>} : memref<8x4000xf32, #tpu.memory_space<vmem>>, vector<1x16xf32>,
      %swap3A_1029 = vector.shape_cast %swap3A_1028 : vector<1x16xf32> to vector<16xf32>
      %swap3A_1030 = vector.shape_cast %get3A_985 : vector<16xf32> to vector<1x16xf32>
      tpu.vector_store %arg6[%swap3A_1026, %swap3A_1027], %swap3A_1030 {strides = array<i32>} : memref<8x4000xf32, #tpu.memory_space<vmem>>, vector<1x16xf32>,
      %swap3A_1031 = arith.constant 6 : i32
      %swap3A_1032 = arith.index_cast %swap3A_1031 : i32 to index
      %swap3A_1033 = arith.index_cast %mul3A_956 : i32 to index
      %swap3A_1034 = tpu.vector_load %arg6[%swap3A_1032, %swap3A_1033] {strides = array<i32>} : memref<8x4000xf32, #tpu.memory_space<vmem>>, vector<1x16xf32>,
      %swap3A_1035 = vector.shape_cast %swap3A_1034 : vector<1x16xf32> to vector<16xf32>
      %swap3A_1036 = vector.shape_cast %get3A_990 : vector<16xf32> to vector<1x16xf32>
      tpu.vector_store %arg6[%swap3A_1032, %swap3A_1033], %swap3A_1036 {strides = array<i32>} : memref<8x4000xf32, #tpu.memory_space<vmem>>, vector<1x16xf32>,
      %swap3A_1037 = arith.constant 7 : i32
      %swap3A_1038 = arith.index_cast %swap3A_1037 : i32 to index
      %swap3A_1039 = arith.index_cast %mul3A_956 : i32 to index
      %swap3A_1040 = tpu.vector_load %arg6[%swap3A_1038, %swap3A_1039] {strides = array<i32>} : memref<8x4000xf32, #tpu.memory_space<vmem>>, vector<1x16xf32>,
      %swap3A_1041 = vector.shape_cast %swap3A_1040 : vector<1x16xf32> to vector<16xf32>
      %swap3A_1042 = vector.shape_cast %get3A_995 : vector<16xf32> to vector<1x16xf32>
      tpu.vector_store %arg6[%swap3A_1038, %swap3A_1039], %swap3A_1042 {strides = array<i32>} : memref<8x4000xf32, #tpu.memory_space<vmem>>, vector<1x16xf32>,
    }
    %scan3A_797 = arith.constant 250 : i32
    %add3A_798 = arith.constant 208 : i32
    %add3A_799 = arith.addi %mul3A_2, %add3A_798 : i32
    %dma_start3A_800 = arith.constant 0 : i32
    %dma_start3A_801 = tpu.memref_slice %arg3[%add3A_799, %dma_start3A_800] : memref<8192x4000xf32, #tpu.memory_space<hbm>> -> memref<8x4000xf32, #tpu.memory_space<hbm>>
    %dma_start3A_802 = arith.constant 0 : i32
    %dma_start3A_803 = tpu.memref_slice %arg3[%add3A_799, %dma_start3A_802] : memref<8192x4000xf32, #tpu.memory_space<hbm>> -> memref<8x4000xf32, #tpu.memory_space<hbm>>
    tpu.enqueue_dma source(%arg6 : memref<8x4000xf32, #tpu.memory_space<vmem>>) target(%dma_start3A_803 : memref<8x4000xf32, #tpu.memory_space<hbm>>) target_semaphore(%arg8 : memref<!tpu.dma_semaphore, #tpu.memory_space<semaphore_mem>>)
    %add3A_804 = arith.constant 200 : i32
    %add3A_805 = arith.addi %mul3A_2, %add3A_804 : i32
    %dma_wait3A_806 = arith.constant 0 : i32
    %dma_wait3A_807 = tpu.memref_slice %arg3[%add3A_805, %dma_wait3A_806] : memref<8192x4000xf32, #tpu.memory_space<hbm>> -> memref<8x4000xf32, #tpu.memory_space<hbm>>
    %dma_wait3A_808 = arith.constant 0 : i32
    %dma_wait3A_809 = tpu.memref_slice %arg3[%add3A_805, %dma_wait3A_808] : memref<8192x4000xf32, #tpu.memory_space<hbm>> -> memref<8x4000xf32, #tpu.memory_space<hbm>>
    tpu.wait_dma2 semaphore(%arg8 : memref<!tpu.dma_semaphore, #tpu.memory_space<semaphore_mem>>) src(%arg5 : memref<8x4000xf32, #tpu.memory_space<vmem>>) dst(%dma_wait3A_809 : memref<8x4000xf32, #tpu.memory_space<hbm>>)
    %add3A_810 = arith.constant 224 : i32
    %add3A_811 = arith.addi %mul3A_2, %add3A_810 : i32
    %dma_start3A_812 = arith.constant 0 : i32
    %dma_start3A_813 = tpu.memref_slice %arg2[%add3A_811, %dma_start3A_812] : memref<8192x4000xf32, #tpu.memory_space<hbm>> -> memref<8x4000xf32, #tpu.memory_space<hbm>>
    %dma_start3A_814 = arith.constant 0 : i32
    %dma_start3A_815 = tpu.memref_slice %arg2[%add3A_811, %dma_start3A_814] : memref<8192x4000xf32, #tpu.memory_space<hbm>> -> memref<8x4000xf32, #tpu.memory_space<hbm>>
    tpu.enqueue_dma source(%dma_start3A_815 : memref<8x4000xf32, #tpu.memory_space<hbm>>) target(%arg5 : memref<8x4000xf32, #tpu.memory_space<vmem>>) target_semaphore(%arg7 : memref<!tpu.dma_semaphore, #tpu.memory_space<semaphore_mem>>)
    %add3A_816 = arith.constant 216 : i32
    %add3A_817 = arith.addi %mul3A_2, %add3A_816 : i32
    %dma_wait3A_818 = arith.constant 0 : i32
    %dma_wait3A_819 = tpu.memref_slice %arg2[%add3A_817, %dma_wait3A_818] : memref<8192x4000xf32, #tpu.memory_space<hbm>> -> memref<8x4000xf32, #tpu.memory_space<hbm>>
    %dma_wait3A_820 = arith.constant 0 : i32
    %dma_wait3A_821 = tpu.memref_slice %arg2[%add3A_817, %dma_wait3A_820] : memref<8192x4000xf32, #tpu.memory_space<hbm>> -> memref<8x4000xf32, #tpu.memory_space<hbm>>
    tpu.wait_dma2 semaphore(%arg7 : memref<!tpu.dma_semaphore, #tpu.memory_space<semaphore_mem>>) src(%dma_wait3A_821 : memref<8x4000xf32, #tpu.memory_space<hbm>>) dst(%arg4 : memref<8x4000xf32, #tpu.memory_space<vmem>>)
    %scan3A_822 = arith.constant 0 : i32
    %scan3A_823 = arith.constant 0 : i32
    %scan3A_824 = arith.constant 250 : i32
    %scan3A_825 = arith.addi %scan3A_823, %scan3A_824 : i32
    %scan3A_826 = arith.constant 1 : i32
    scf.for %scan3A_954 = %scan3A_823 to %scan3A_825 step %scan3A_826  : i32 {
      %mul3A_955 = arith.constant 16 : i32
      %mul3A_956 = arith.muli %scan3A_954, %mul3A_955 : i32
      %get3A = arith.constant 4 : i32
      %get3A_957 = arith.index_cast %get3A : i32 to index
      %get3A_958 = arith.index_cast %mul3A_956 : i32 to index
      %get3A_959 = tpu.vector_load %arg4[%get3A_957, %get3A_958] {strides = array<i32>} : memref<8x4000xf32, #tpu.memory_space<vmem>>, vector<1x16xf32>,
      %get3A_960 = vector.shape_cast %get3A_959 : vector<1x16xf32> to vector<16xf32>
      %get3A_961 = arith.constant 5 : i32
      %get3A_962 = arith.index_cast %get3A_961 : i32 to index
      %get3A_963 = arith.index_cast %mul3A_956 : i32 to index
      %get3A_964 = tpu.vector_load %arg4[%get3A_962, %get3A_963] {strides = array<i32>} : memref<8x4000xf32, #tpu.memory_space<vmem>>, vector<1x16xf32>,
      %get3A_965 = vector.shape_cast %get3A_964 : vector<1x16xf32> to vector<16xf32>
      %get3A_966 = arith.constant 3 : i32
      %get3A_967 = arith.index_cast %get3A_966 : i32 to index
      %get3A_968 = arith.index_cast %mul3A_956 : i32 to index
      %get3A_969 = tpu.vector_load %arg4[%get3A_967, %get3A_968] {strides = array<i32>} : memref<8x4000xf32, #tpu.memory_space<vmem>>, vector<1x16xf32>,
      %get3A_970 = vector.shape_cast %get3A_969 : vector<1x16xf32> to vector<16xf32>
      %get3A_971 = arith.constant 2 : i32
      %get3A_972 = arith.index_cast %get3A_971 : i32 to index
      %get3A_973 = arith.index_cast %mul3A_956 : i32 to index
      %get3A_974 = tpu.vector_load %arg4[%get3A_972, %get3A_973] {strides = array<i32>} : memref<8x4000xf32, #tpu.memory_space<vmem>>, vector<1x16xf32>,
      %get3A_975 = vector.shape_cast %get3A_974 : vector<1x16xf32> to vector<16xf32>
      %get3A_976 = arith.constant 7 : i32
      %get3A_977 = arith.index_cast %get3A_976 : i32 to index
      %get3A_978 = arith.index_cast %mul3A_956 : i32 to index
      %get3A_979 = tpu.vector_load %arg4[%get3A_977, %get3A_978] {strides = array<i32>} : memref<8x4000xf32, #tpu.memory_space<vmem>>, vector<1x16xf32>,
      %get3A_980 = vector.shape_cast %get3A_979 : vector<1x16xf32> to vector<16xf32>
      %get3A_981 = arith.constant 6 : i32
      %get3A_982 = arith.index_cast %get3A_981 : i32 to index
      %get3A_983 = arith.index_cast %mul3A_956 : i32 to index
      %get3A_984 = tpu.vector_load %arg4[%get3A_982, %get3A_983] {strides = array<i32>} : memref<8x4000xf32, #tpu.memory_space<vmem>>, vector<1x16xf32>,
      %get3A_985 = vector.shape_cast %get3A_984 : vector<1x16xf32> to vector<16xf32>
      %get3A_986 = arith.constant 0 : i32
      %get3A_987 = arith.index_cast %get3A_986 : i32 to index
      %get3A_988 = arith.index_cast %mul3A_956 : i32 to index
      %get3A_989 = tpu.vector_load %arg4[%get3A_987, %get3A_988] {strides = array<i32>} : memref<8x4000xf32, #tpu.memory_space<vmem>>, vector<1x16xf32>,
      %get3A_990 = vector.shape_cast %get3A_989 : vector<1x16xf32> to vector<16xf32>
      %get3A_991 = arith.constant 1 : i32
      %get3A_992 = arith.index_cast %get3A_991 : i32 to index
      %get3A_993 = arith.index_cast %mul3A_956 : i32 to index
      %get3A_994 = tpu.vector_load %arg4[%get3A_992, %get3A_993] {strides = array<i32>} : memref<8x4000xf32, #tpu.memory_space<vmem>>, vector<1x16xf32>,
      %get3A_995 = vector.shape_cast %get3A_994 : vector<1x16xf32> to vector<16xf32>
      %swap3A = arith.constant 0 : i32
      %swap3A_996 = arith.index_cast %swap3A : i32 to index
      %swap3A_997 = arith.index_cast %mul3A_956 : i32 to index
      %swap3A_998 = tpu.vector_load %arg4[%swap3A_996, %swap3A_997] {strides = array<i32>} : memref<8x4000xf32, #tpu.memory_space<vmem>>, vector<1x16xf32>,
      %swap3A_999 = vector.shape_cast %swap3A_998 : vector<1x16xf32> to vector<16xf32>
      %swap3A_1000 = vector.shape_cast %get3A_960 : vector<16xf32> to vector<1x16xf32>
      tpu.vector_store %arg4[%swap3A_996, %swap3A_997], %swap3A_1000 {strides = array<i32>} : memref<8x4000xf32, #tpu.memory_space<vmem>>, vector<1x16xf32>,
      %swap3A_1001 = arith.constant 1 : i32
      %swap3A_1002 = arith.index_cast %swap3A_1001 : i32 to index
      %swap3A_1003 = arith.index_cast %mul3A_956 : i32 to index
      %swap3A_1004 = tpu.vector_load %arg4[%swap3A_1002, %swap3A_1003] {strides = array<i32>} : memref<8x4000xf32, #tpu.memory_space<vmem>>, vector<1x16xf32>,
      %swap3A_1005 = vector.shape_cast %swap3A_1004 : vector<1x16xf32> to vector<16xf32>
      %swap3A_1006 = vector.shape_cast %get3A_965 : vector<16xf32> to vector<1x16xf32>
      tpu.vector_store %arg4[%swap3A_1002, %swap3A_1003], %swap3A_1006 {strides = array<i32>} : memref<8x4000xf32, #tpu.memory_space<vmem>>, vector<1x16xf32>,
      %swap3A_1007 = arith.constant 2 : i32
      %swap3A_1008 = arith.index_cast %swap3A_1007 : i32 to index
      %swap3A_1009 = arith.index_cast %mul3A_956 : i32 to index
      %swap3A_1010 = tpu.vector_load %arg4[%swap3A_1008, %swap3A_1009] {strides = array<i32>} : memref<8x4000xf32, #tpu.memory_space<vmem>>, vector<1x16xf32>,
      %swap3A_1011 = vector.shape_cast %swap3A_1010 : vector<1x16xf32> to vector<16xf32>
      %swap3A_1012 = vector.shape_cast %get3A_970 : vector<16xf32> to vector<1x16xf32>
      tpu.vector_store %arg4[%swap3A_1008, %swap3A_1009], %swap3A_1012 {strides = array<i32>} : memref<8x4000xf32, #tpu.memory_space<vmem>>, vector<1x16xf32>,
      %swap3A_1013 = arith.constant 3 : i32
      %swap3A_1014 = arith.index_cast %swap3A_1013 : i32 to index
      %swap3A_1015 = arith.index_cast %mul3A_956 : i32 to index
      %swap3A_1016 = tpu.vector_load %arg4[%swap3A_1014, %swap3A_1015] {strides = array<i32>} : memref<8x4000xf32, #tpu.memory_space<vmem>>, vector<1x16xf32>,
      %swap3A_1017 = vector.shape_cast %swap3A_1016 : vector<1x16xf32> to vector<16xf32>
      %swap3A_1018 = vector.shape_cast %get3A_975 : vector<16xf32> to vector<1x16xf32>
      tpu.vector_store %arg4[%swap3A_1014, %swap3A_1015], %swap3A_1018 {strides = array<i32>} : memref<8x4000xf32, #tpu.memory_space<vmem>>, vector<1x16xf32>,
      %swap3A_1019 = arith.constant 4 : i32
      %swap3A_1020 = arith.index_cast %swap3A_1019 : i32 to index
      %swap3A_1021 = arith.index_cast %mul3A_956 : i32 to index
      %swap3A_1022 = tpu.vector_load %arg4[%swap3A_1020, %swap3A_1021] {strides = array<i32>} : memref<8x4000xf32, #tpu.memory_space<vmem>>, vector<1x16xf32>,
      %swap3A_1023 = vector.shape_cast %swap3A_1022 : vector<1x16xf32> to vector<16xf32>
      %swap3A_1024 = vector.shape_cast %get3A_980 : vector<16xf32> to vector<1x16xf32>
      tpu.vector_store %arg4[%swap3A_1020, %swap3A_1021], %swap3A_1024 {strides = array<i32>} : memref<8x4000xf32, #tpu.memory_space<vmem>>, vector<1x16xf32>,
      %swap3A_1025 = arith.constant 5 : i32
      %swap3A_1026 = arith.index_cast %swap3A_1025 : i32 to index
      %swap3A_1027 = arith.index_cast %mul3A_956 : i32 to index
      %swap3A_1028 = tpu.vector_load %arg4[%swap3A_1026, %swap3A_1027] {strides = array<i32>} : memref<8x4000xf32, #tpu.memory_space<vmem>>, vector<1x16xf32>,
      %swap3A_1029 = vector.shape_cast %swap3A_1028 : vector<1x16xf32> to vector<16xf32>
      %swap3A_1030 = vector.shape_cast %get3A_985 : vector<16xf32> to vector<1x16xf32>
      tpu.vector_store %arg4[%swap3A_1026, %swap3A_1027], %swap3A_1030 {strides = array<i32>} : memref<8x4000xf32, #tpu.memory_space<vmem>>, vector<1x16xf32>,
      %swap3A_1031 = arith.constant 6 : i32
      %swap3A_1032 = arith.index_cast %swap3A_1031 : i32 to index
      %swap3A_1033 = arith.index_cast %mul3A_956 : i32 to index
      %swap3A_1034 = tpu.vector_load %arg4[%swap3A_1032, %swap3A_1033] {strides = array<i32>} : memref<8x4000xf32, #tpu.memory_space<vmem>>, vector<1x16xf32>,
      %swap3A_1035 = vector.shape_cast %swap3A_1034 : vector<1x16xf32> to vector<16xf32>
      %swap3A_1036 = vector.shape_cast %get3A_990 : vector<16xf32> to vector<1x16xf32>
      tpu.vector_store %arg4[%swap3A_1032, %swap3A_1033], %swap3A_1036 {strides = array<i32>} : memref<8x4000xf32, #tpu.memory_space<vmem>>, vector<1x16xf32>,
      %swap3A_1037 = arith.constant 7 : i32
      %swap3A_1038 = arith.index_cast %swap3A_1037 : i32 to index
      %swap3A_1039 = arith.index_cast %mul3A_956 : i32 to index
      %swap3A_1040 = tpu.vector_load %arg4[%swap3A_1038, %swap3A_1039] {strides = array<i32>} : memref<8x4000xf32, #tpu.memory_space<vmem>>, vector<1x16xf32>,
      %swap3A_1041 = vector.shape_cast %swap3A_1040 : vector<1x16xf32> to vector<16xf32>
      %swap3A_1042 = vector.shape_cast %get3A_995 : vector<16xf32> to vector<1x16xf32>
      tpu.vector_store %arg4[%swap3A_1038, %swap3A_1039], %swap3A_1042 {strides = array<i32>} : memref<8x4000xf32, #tpu.memory_space<vmem>>, vector<1x16xf32>,
    }
    %scan3A_827 = arith.constant 250 : i32
    %add3A_828 = arith.constant 216 : i32
    %add3A_829 = arith.addi %mul3A_2, %add3A_828 : i32
    %dma_start3A_830 = arith.constant 0 : i32
    %dma_start3A_831 = tpu.memref_slice %arg3[%add3A_829, %dma_start3A_830] : memref<8192x4000xf32, #tpu.memory_space<hbm>> -> memref<8x4000xf32, #tpu.memory_space<hbm>>
    %dma_start3A_832 = arith.constant 0 : i32
    %dma_start3A_833 = tpu.memref_slice %arg3[%add3A_829, %dma_start3A_832] : memref<8192x4000xf32, #tpu.memory_space<hbm>> -> memref<8x4000xf32, #tpu.memory_space<hbm>>
    tpu.enqueue_dma source(%arg4 : memref<8x4000xf32, #tpu.memory_space<vmem>>) target(%dma_start3A_833 : memref<8x4000xf32, #tpu.memory_space<hbm>>) target_semaphore(%arg8 : memref<!tpu.dma_semaphore, #tpu.memory_space<semaphore_mem>>)
    %add3A_834 = arith.constant 208 : i32
    %add3A_835 = arith.addi %mul3A_2, %add3A_834 : i32
    %dma_wait3A_836 = arith.constant 0 : i32
    %dma_wait3A_837 = tpu.memref_slice %arg3[%add3A_835, %dma_wait3A_836] : memref<8192x4000xf32, #tpu.memory_space<hbm>> -> memref<8x4000xf32, #tpu.memory_space<hbm>>
    %dma_wait3A_838 = arith.constant 0 : i32
    %dma_wait3A_839 = tpu.memref_slice %arg3[%add3A_835, %dma_wait3A_838] : memref<8192x4000xf32, #tpu.memory_space<hbm>> -> memref<8x4000xf32, #tpu.memory_space<hbm>>
    tpu.wait_dma2 semaphore(%arg8 : memref<!tpu.dma_semaphore, #tpu.memory_space<semaphore_mem>>) src(%arg6 : memref<8x4000xf32, #tpu.memory_space<vmem>>) dst(%dma_wait3A_839 : memref<8x4000xf32, #tpu.memory_space<hbm>>)
    %add3A_840 = arith.constant 232 : i32
    %add3A_841 = arith.addi %mul3A_2, %add3A_840 : i32
    %dma_start3A_842 = arith.constant 0 : i32
    %dma_start3A_843 = tpu.memref_slice %arg2[%add3A_841, %dma_start3A_842] : memref<8192x4000xf32, #tpu.memory_space<hbm>> -> memref<8x4000xf32, #tpu.memory_space<hbm>>
    %dma_start3A_844 = arith.constant 0 : i32
    %dma_start3A_845 = tpu.memref_slice %arg2[%add3A_841, %dma_start3A_844] : memref<8192x4000xf32, #tpu.memory_space<hbm>> -> memref<8x4000xf32, #tpu.memory_space<hbm>>
    tpu.enqueue_dma source(%dma_start3A_845 : memref<8x4000xf32, #tpu.memory_space<hbm>>) target(%arg6 : memref<8x4000xf32, #tpu.memory_space<vmem>>) target_semaphore(%arg7 : memref<!tpu.dma_semaphore, #tpu.memory_space<semaphore_mem>>)
    %add3A_846 = arith.constant 224 : i32
    %add3A_847 = arith.addi %mul3A_2, %add3A_846 : i32
    %dma_wait3A_848 = arith.constant 0 : i32
    %dma_wait3A_849 = tpu.memref_slice %arg2[%add3A_847, %dma_wait3A_848] : memref<8192x4000xf32, #tpu.memory_space<hbm>> -> memref<8x4000xf32, #tpu.memory_space<hbm>>
    %dma_wait3A_850 = arith.constant 0 : i32
    %dma_wait3A_851 = tpu.memref_slice %arg2[%add3A_847, %dma_wait3A_850] : memref<8192x4000xf32, #tpu.memory_space<hbm>> -> memref<8x4000xf32, #tpu.memory_space<hbm>>
    tpu.wait_dma2 semaphore(%arg7 : memref<!tpu.dma_semaphore, #tpu.memory_space<semaphore_mem>>) src(%dma_wait3A_851 : memref<8x4000xf32, #tpu.memory_space<hbm>>) dst(%arg5 : memref<8x4000xf32, #tpu.memory_space<vmem>>)
    %scan3A_852 = arith.constant 0 : i32
    %scan3A_853 = arith.constant 0 : i32
    %scan3A_854 = arith.constant 250 : i32
    %scan3A_855 = arith.addi %scan3A_853, %scan3A_854 : i32
    %scan3A_856 = arith.constant 1 : i32
    scf.for %scan3A_954 = %scan3A_853 to %scan3A_855 step %scan3A_856  : i32 {
      %mul3A_955 = arith.constant 16 : i32
      %mul3A_956 = arith.muli %scan3A_954, %mul3A_955 : i32
      %get3A = arith.constant 6 : i32
      %get3A_957 = arith.index_cast %get3A : i32 to index
      %get3A_958 = arith.index_cast %mul3A_956 : i32 to index
      %get3A_959 = tpu.vector_load %arg5[%get3A_957, %get3A_958] {strides = array<i32>} : memref<8x4000xf32, #tpu.memory_space<vmem>>, vector<1x16xf32>,
      %get3A_960 = vector.shape_cast %get3A_959 : vector<1x16xf32> to vector<16xf32>
      %get3A_961 = arith.constant 5 : i32
      %get3A_962 = arith.index_cast %get3A_961 : i32 to index
      %get3A_963 = arith.index_cast %mul3A_956 : i32 to index
      %get3A_964 = tpu.vector_load %arg5[%get3A_962, %get3A_963] {strides = array<i32>} : memref<8x4000xf32, #tpu.memory_space<vmem>>, vector<1x16xf32>,
      %get3A_965 = vector.shape_cast %get3A_964 : vector<1x16xf32> to vector<16xf32>
      %get3A_966 = arith.constant 1 : i32
      %get3A_967 = arith.index_cast %get3A_966 : i32 to index
      %get3A_968 = arith.index_cast %mul3A_956 : i32 to index
      %get3A_969 = tpu.vector_load %arg5[%get3A_967, %get3A_968] {strides = array<i32>} : memref<8x4000xf32, #tpu.memory_space<vmem>>, vector<1x16xf32>,
      %get3A_970 = vector.shape_cast %get3A_969 : vector<1x16xf32> to vector<16xf32>
      %get3A_971 = arith.constant 3 : i32
      %get3A_972 = arith.index_cast %get3A_971 : i32 to index
      %get3A_973 = arith.index_cast %mul3A_956 : i32 to index
      %get3A_974 = tpu.vector_load %arg5[%get3A_972, %get3A_973] {strides = array<i32>} : memref<8x4000xf32, #tpu.memory_space<vmem>>, vector<1x16xf32>,
      %get3A_975 = vector.shape_cast %get3A_974 : vector<1x16xf32> to vector<16xf32>
      %get3A_976 = arith.constant 2 : i32
      %get3A_977 = arith.index_cast %get3A_976 : i32 to index
      %get3A_978 = arith.index_cast %mul3A_956 : i32 to index
      %get3A_979 = tpu.vector_load %arg5[%get3A_977, %get3A_978] {strides = array<i32>} : memref<8x4000xf32, #tpu.memory_space<vmem>>, vector<1x16xf32>,
      %get3A_980 = vector.shape_cast %get3A_979 : vector<1x16xf32> to vector<16xf32>
      %get3A_981 = arith.constant 7 : i32
      %get3A_982 = arith.index_cast %get3A_981 : i32 to index
      %get3A_983 = arith.index_cast %mul3A_956 : i32 to index
      %get3A_984 = tpu.vector_load %arg5[%get3A_982, %get3A_983] {strides = array<i32>} : memref<8x4000xf32, #tpu.memory_space<vmem>>, vector<1x16xf32>,
      %get3A_985 = vector.shape_cast %get3A_984 : vector<1x16xf32> to vector<16xf32>
      %get3A_986 = arith.constant 4 : i32
      %get3A_987 = arith.index_cast %get3A_986 : i32 to index
      %get3A_988 = arith.index_cast %mul3A_956 : i32 to index
      %get3A_989 = tpu.vector_load %arg5[%get3A_987, %get3A_988] {strides = array<i32>} : memref<8x4000xf32, #tpu.memory_space<vmem>>, vector<1x16xf32>,
      %get3A_990 = vector.shape_cast %get3A_989 : vector<1x16xf32> to vector<16xf32>
      %get3A_991 = arith.constant 0 : i32
      %get3A_992 = arith.index_cast %get3A_991 : i32 to index
      %get3A_993 = arith.index_cast %mul3A_956 : i32 to index
      %get3A_994 = tpu.vector_load %arg5[%get3A_992, %get3A_993] {strides = array<i32>} : memref<8x4000xf32, #tpu.memory_space<vmem>>, vector<1x16xf32>,
      %get3A_995 = vector.shape_cast %get3A_994 : vector<1x16xf32> to vector<16xf32>
      %swap3A = arith.constant 0 : i32
      %swap3A_996 = arith.index_cast %swap3A : i32 to index
      %swap3A_997 = arith.index_cast %mul3A_956 : i32 to index
      %swap3A_998 = tpu.vector_load %arg5[%swap3A_996, %swap3A_997] {strides = array<i32>} : memref<8x4000xf32, #tpu.memory_space<vmem>>, vector<1x16xf32>,
      %swap3A_999 = vector.shape_cast %swap3A_998 : vector<1x16xf32> to vector<16xf32>
      %swap3A_1000 = vector.shape_cast %get3A_960 : vector<16xf32> to vector<1x16xf32>
      tpu.vector_store %arg5[%swap3A_996, %swap3A_997], %swap3A_1000 {strides = array<i32>} : memref<8x4000xf32, #tpu.memory_space<vmem>>, vector<1x16xf32>,
      %swap3A_1001 = arith.constant 1 : i32
      %swap3A_1002 = arith.index_cast %swap3A_1001 : i32 to index
      %swap3A_1003 = arith.index_cast %mul3A_956 : i32 to index
      %swap3A_1004 = tpu.vector_load %arg5[%swap3A_1002, %swap3A_1003] {strides = array<i32>} : memref<8x4000xf32, #tpu.memory_space<vmem>>, vector<1x16xf32>,
      %swap3A_1005 = vector.shape_cast %swap3A_1004 : vector<1x16xf32> to vector<16xf32>
      %swap3A_1006 = vector.shape_cast %get3A_965 : vector<16xf32> to vector<1x16xf32>
      tpu.vector_store %arg5[%swap3A_1002, %swap3A_1003], %swap3A_1006 {strides = array<i32>} : memref<8x4000xf32, #tpu.memory_space<vmem>>, vector<1x16xf32>,
      %swap3A_1007 = arith.constant 2 : i32
      %swap3A_1008 = arith.index_cast %swap3A_1007 : i32 to index
      %swap3A_1009 = arith.index_cast %mul3A_956 : i32 to index
      %swap3A_1010 = tpu.vector_load %arg5[%swap3A_1008, %swap3A_1009] {strides = array<i32>} : memref<8x4000xf32, #tpu.memory_space<vmem>>, vector<1x16xf32>,
      %swap3A_1011 = vector.shape_cast %swap3A_1010 : vector<1x16xf32> to vector<16xf32>
      %swap3A_1012 = vector.shape_cast %get3A_970 : vector<16xf32> to vector<1x16xf32>
      tpu.vector_store %arg5[%swap3A_1008, %swap3A_1009], %swap3A_1012 {strides = array<i32>} : memref<8x4000xf32, #tpu.memory_space<vmem>>, vector<1x16xf32>,
      %swap3A_1013 = arith.constant 3 : i32
      %swap3A_1014 = arith.index_cast %swap3A_1013 : i32 to index
      %swap3A_1015 = arith.index_cast %mul3A_956 : i32 to index
      %swap3A_1016 = tpu.vector_load %arg5[%swap3A_1014, %swap3A_1015] {strides = array<i32>} : memref<8x4000xf32, #tpu.memory_space<vmem>>, vector<1x16xf32>,
      %swap3A_1017 = vector.shape_cast %swap3A_1016 : vector<1x16xf32> to vector<16xf32>
      %swap3A_1018 = vector.shape_cast %get3A_975 : vector<16xf32> to vector<1x16xf32>
      tpu.vector_store %arg5[%swap3A_1014, %swap3A_1015], %swap3A_1018 {strides = array<i32>} : memref<8x4000xf32, #tpu.memory_space<vmem>>, vector<1x16xf32>,
      %swap3A_1019 = arith.constant 4 : i32
      %swap3A_1020 = arith.index_cast %swap3A_1019 : i32 to index
      %swap3A_1021 = arith.index_cast %mul3A_956 : i32 to index
      %swap3A_1022 = tpu.vector_load %arg5[%swap3A_1020, %swap3A_1021] {strides = array<i32>} : memref<8x4000xf32, #tpu.memory_space<vmem>>, vector<1x16xf32>,
      %swap3A_1023 = vector.shape_cast %swap3A_1022 : vector<1x16xf32> to vector<16xf32>
      %swap3A_1024 = vector.shape_cast %get3A_980 : vector<16xf32> to vector<1x16xf32>
      tpu.vector_store %arg5[%swap3A_1020, %swap3A_1021], %swap3A_1024 {strides = array<i32>} : memref<8x4000xf32, #tpu.memory_space<vmem>>, vector<1x16xf32>,
      %swap3A_1025 = arith.constant 5 : i32
      %swap3A_1026 = arith.index_cast %swap3A_1025 : i32 to index
      %swap3A_1027 = arith.index_cast %mul3A_956 : i32 to index
      %swap3A_1028 = tpu.vector_load %arg5[%swap3A_1026, %swap3A_1027] {strides = array<i32>} : memref<8x4000xf32, #tpu.memory_space<vmem>>, vector<1x16xf32>,
      %swap3A_1029 = vector.shape_cast %swap3A_1028 : vector<1x16xf32> to vector<16xf32>
      %swap3A_1030 = vector.shape_cast %get3A_985 : vector<16xf32> to vector<1x16xf32>
      tpu.vector_store %arg5[%swap3A_1026, %swap3A_1027], %swap3A_1030 {strides = array<i32>} : memref<8x4000xf32, #tpu.memory_space<vmem>>, vector<1x16xf32>,
      %swap3A_1031 = arith.constant 6 : i32
      %swap3A_1032 = arith.index_cast %swap3A_1031 : i32 to index
      %swap3A_1033 = arith.index_cast %mul3A_956 : i32 to index
      %swap3A_1034 = tpu.vector_load %arg5[%swap3A_1032, %swap3A_1033] {strides = array<i32>} : memref<8x4000xf32, #tpu.memory_space<vmem>>, vector<1x16xf32>,
      %swap3A_1035 = vector.shape_cast %swap3A_1034 : vector<1x16xf32> to vector<16xf32>
      %swap3A_1036 = vector.shape_cast %get3A_990 : vector<16xf32> to vector<1x16xf32>
      tpu.vector_store %arg5[%swap3A_1032, %swap3A_1033], %swap3A_1036 {strides = array<i32>} : memref<8x4000xf32, #tpu.memory_space<vmem>>, vector<1x16xf32>,
      %swap3A_1037 = arith.constant 7 : i32
      %swap3A_1038 = arith.index_cast %swap3A_1037 : i32 to index
      %swap3A_1039 = arith.index_cast %mul3A_956 : i32 to index
      %swap3A_1040 = tpu.vector_load %arg5[%swap3A_1038, %swap3A_1039] {strides = array<i32>} : memref<8x4000xf32, #tpu.memory_space<vmem>>, vector<1x16xf32>,
      %swap3A_1041 = vector.shape_cast %swap3A_1040 : vector<1x16xf32> to vector<16xf32>
      %swap3A_1042 = vector.shape_cast %get3A_995 : vector<16xf32> to vector<1x16xf32>
      tpu.vector_store %arg5[%swap3A_1038, %swap3A_1039], %swap3A_1042 {strides = array<i32>} : memref<8x4000xf32, #tpu.memory_space<vmem>>, vector<1x16xf32>,
    }
    %scan3A_857 = arith.constant 250 : i32
    %add3A_858 = arith.constant 224 : i32
    %add3A_859 = arith.addi %mul3A_2, %add3A_858 : i32
    %dma_start3A_860 = arith.constant 0 : i32
    %dma_start3A_861 = tpu.memref_slice %arg3[%add3A_859, %dma_start3A_860] : memref<8192x4000xf32, #tpu.memory_space<hbm>> -> memref<8x4000xf32, #tpu.memory_space<hbm>>
    %dma_start3A_862 = arith.constant 0 : i32
    %dma_start3A_863 = tpu.memref_slice %arg3[%add3A_859, %dma_start3A_862] : memref<8192x4000xf32, #tpu.memory_space<hbm>> -> memref<8x4000xf32, #tpu.memory_space<hbm>>
    tpu.enqueue_dma source(%arg5 : memref<8x4000xf32, #tpu.memory_space<vmem>>) target(%dma_start3A_863 : memref<8x4000xf32, #tpu.memory_space<hbm>>) target_semaphore(%arg8 : memref<!tpu.dma_semaphore, #tpu.memory_space<semaphore_mem>>)
    %add3A_864 = arith.constant 216 : i32
    %add3A_865 = arith.addi %mul3A_2, %add3A_864 : i32
    %dma_wait3A_866 = arith.constant 0 : i32
    %dma_wait3A_867 = tpu.memref_slice %arg3[%add3A_865, %dma_wait3A_866] : memref<8192x4000xf32, #tpu.memory_space<hbm>> -> memref<8x4000xf32, #tpu.memory_space<hbm>>
    %dma_wait3A_868 = arith.constant 0 : i32
    %dma_wait3A_869 = tpu.memref_slice %arg3[%add3A_865, %dma_wait3A_868] : memref<8192x4000xf32, #tpu.memory_space<hbm>> -> memref<8x4000xf32, #tpu.memory_space<hbm>>
    tpu.wait_dma2 semaphore(%arg8 : memref<!tpu.dma_semaphore, #tpu.memory_space<semaphore_mem>>) src(%arg4 : memref<8x4000xf32, #tpu.memory_space<vmem>>) dst(%dma_wait3A_869 : memref<8x4000xf32, #tpu.memory_space<hbm>>)
    %add3A_870 = arith.constant 240 : i32
    %add3A_871 = arith.addi %mul3A_2, %add3A_870 : i32
    %dma_start3A_872 = arith.constant 0 : i32
    %dma_start3A_873 = tpu.memref_slice %arg2[%add3A_871, %dma_start3A_872] : memref<8192x4000xf32, #tpu.memory_space<hbm>> -> memref<8x4000xf32, #tpu.memory_space<hbm>>
    %dma_start3A_874 = arith.constant 0 : i32
    %dma_start3A_875 = tpu.memref_slice %arg2[%add3A_871, %dma_start3A_874] : memref<8192x4000xf32, #tpu.memory_space<hbm>> -> memref<8x4000xf32, #tpu.memory_space<hbm>>
    tpu.enqueue_dma source(%dma_start3A_875 : memref<8x4000xf32, #tpu.memory_space<hbm>>) target(%arg4 : memref<8x4000xf32, #tpu.memory_space<vmem>>) target_semaphore(%arg7 : memref<!tpu.dma_semaphore, #tpu.memory_space<semaphore_mem>>)
    %add3A_876 = arith.constant 232 : i32
    %add3A_877 = arith.addi %mul3A_2, %add3A_876 : i32
    %dma_wait3A_878 = arith.constant 0 : i32
    %dma_wait3A_879 = tpu.memref_slice %arg2[%add3A_877, %dma_wait3A_878] : memref<8192x4000xf32, #tpu.memory_space<hbm>> -> memref<8x4000xf32, #tpu.memory_space<hbm>>
    %dma_wait3A_880 = arith.constant 0 : i32
    %dma_wait3A_881 = tpu.memref_slice %arg2[%add3A_877, %dma_wait3A_880] : memref<8192x4000xf32, #tpu.memory_space<hbm>> -> memref<8x4000xf32, #tpu.memory_space<hbm>>
    tpu.wait_dma2 semaphore(%arg7 : memref<!tpu.dma_semaphore, #tpu.memory_space<semaphore_mem>>) src(%dma_wait3A_881 : memref<8x4000xf32, #tpu.memory_space<hbm>>) dst(%arg6 : memref<8x4000xf32, #tpu.memory_space<vmem>>)
    %scan3A_882 = arith.constant 0 : i32
    %scan3A_883 = arith.constant 0 : i32
    %scan3A_884 = arith.constant 250 : i32
    %scan3A_885 = arith.addi %scan3A_883, %scan3A_884 : i32
    %scan3A_886 = arith.constant 1 : i32
    scf.for %scan3A_954 = %scan3A_883 to %scan3A_885 step %scan3A_886  : i32 {
      %mul3A_955 = arith.constant 16 : i32
      %mul3A_956 = arith.muli %scan3A_954, %mul3A_955 : i32
      %get3A = arith.constant 3 : i32
      %get3A_957 = arith.index_cast %get3A : i32 to index
      %get3A_958 = arith.index_cast %mul3A_956 : i32 to index
      %get3A_959 = tpu.vector_load %arg6[%get3A_957, %get3A_958] {strides = array<i32>} : memref<8x4000xf32, #tpu.memory_space<vmem>>, vector<1x16xf32>,
      %get3A_960 = vector.shape_cast %get3A_959 : vector<1x16xf32> to vector<16xf32>
      %get3A_961 = arith.constant 1 : i32
      %get3A_962 = arith.index_cast %get3A_961 : i32 to index
      %get3A_963 = arith.index_cast %mul3A_956 : i32 to index
      %get3A_964 = tpu.vector_load %arg6[%get3A_962, %get3A_963] {strides = array<i32>} : memref<8x4000xf32, #tpu.memory_space<vmem>>, vector<1x16xf32>,
      %get3A_965 = vector.shape_cast %get3A_964 : vector<1x16xf32> to vector<16xf32>
      %get3A_966 = arith.constant 7 : i32
      %get3A_967 = arith.index_cast %get3A_966 : i32 to index
      %get3A_968 = arith.index_cast %mul3A_956 : i32 to index
      %get3A_969 = tpu.vector_load %arg6[%get3A_967, %get3A_968] {strides = array<i32>} : memref<8x4000xf32, #tpu.memory_space<vmem>>, vector<1x16xf32>,
      %get3A_970 = vector.shape_cast %get3A_969 : vector<1x16xf32> to vector<16xf32>
      %get3A_971 = arith.constant 2 : i32
      %get3A_972 = arith.index_cast %get3A_971 : i32 to index
      %get3A_973 = arith.index_cast %mul3A_956 : i32 to index
      %get3A_974 = tpu.vector_load %arg6[%get3A_972, %get3A_973] {strides = array<i32>} : memref<8x4000xf32, #tpu.memory_space<vmem>>, vector<1x16xf32>,
      %get3A_975 = vector.shape_cast %get3A_974 : vector<1x16xf32> to vector<16xf32>
      %get3A_976 = arith.constant 4 : i32
      %get3A_977 = arith.index_cast %get3A_976 : i32 to index
      %get3A_978 = arith.index_cast %mul3A_956 : i32 to index
      %get3A_979 = tpu.vector_load %arg6[%get3A_977, %get3A_978] {strides = array<i32>} : memref<8x4000xf32, #tpu.memory_space<vmem>>, vector<1x16xf32>,
      %get3A_980 = vector.shape_cast %get3A_979 : vector<1x16xf32> to vector<16xf32>
      %get3A_981 = arith.constant 0 : i32
      %get3A_982 = arith.index_cast %get3A_981 : i32 to index
      %get3A_983 = arith.index_cast %mul3A_956 : i32 to index
      %get3A_984 = tpu.vector_load %arg6[%get3A_982, %get3A_983] {strides = array<i32>} : memref<8x4000xf32, #tpu.memory_space<vmem>>, vector<1x16xf32>,
      %get3A_985 = vector.shape_cast %get3A_984 : vector<1x16xf32> to vector<16xf32>
      %get3A_986 = arith.constant 5 : i32
      %get3A_987 = arith.index_cast %get3A_986 : i32 to index
      %get3A_988 = arith.index_cast %mul3A_956 : i32 to index
      %get3A_989 = tpu.vector_load %arg6[%get3A_987, %get3A_988] {strides = array<i32>} : memref<8x4000xf32, #tpu.memory_space<vmem>>, vector<1x16xf32>,
      %get3A_990 = vector.shape_cast %get3A_989 : vector<1x16xf32> to vector<16xf32>
      %get3A_991 = arith.constant 6 : i32
      %get3A_992 = arith.index_cast %get3A_991 : i32 to index
      %get3A_993 = arith.index_cast %mul3A_956 : i32 to index
      %get3A_994 = tpu.vector_load %arg6[%get3A_992, %get3A_993] {strides = array<i32>} : memref<8x4000xf32, #tpu.memory_space<vmem>>, vector<1x16xf32>,
      %get3A_995 = vector.shape_cast %get3A_994 : vector<1x16xf32> to vector<16xf32>
      %swap3A = arith.constant 0 : i32
      %swap3A_996 = arith.index_cast %swap3A : i32 to index
      %swap3A_997 = arith.index_cast %mul3A_956 : i32 to index
      %swap3A_998 = tpu.vector_load %arg6[%swap3A_996, %swap3A_997] {strides = array<i32>} : memref<8x4000xf32, #tpu.memory_space<vmem>>, vector<1x16xf32>,
      %swap3A_999 = vector.shape_cast %swap3A_998 : vector<1x16xf32> to vector<16xf32>
      %swap3A_1000 = vector.shape_cast %get3A_960 : vector<16xf32> to vector<1x16xf32>
      tpu.vector_store %arg6[%swap3A_996, %swap3A_997], %swap3A_1000 {strides = array<i32>} : memref<8x4000xf32, #tpu.memory_space<vmem>>, vector<1x16xf32>,
      %swap3A_1001 = arith.constant 1 : i32
      %swap3A_1002 = arith.index_cast %swap3A_1001 : i32 to index
      %swap3A_1003 = arith.index_cast %mul3A_956 : i32 to index
      %swap3A_1004 = tpu.vector_load %arg6[%swap3A_1002, %swap3A_1003] {strides = array<i32>} : memref<8x4000xf32, #tpu.memory_space<vmem>>, vector<1x16xf32>,
      %swap3A_1005 = vector.shape_cast %swap3A_1004 : vector<1x16xf32> to vector<16xf32>
      %swap3A_1006 = vector.shape_cast %get3A_965 : vector<16xf32> to vector<1x16xf32>
      tpu.vector_store %arg6[%swap3A_1002, %swap3A_1003], %swap3A_1006 {strides = array<i32>} : memref<8x4000xf32, #tpu.memory_space<vmem>>, vector<1x16xf32>,
      %swap3A_1007 = arith.constant 2 : i32
      %swap3A_1008 = arith.index_cast %swap3A_1007 : i32 to index
      %swap3A_1009 = arith.index_cast %mul3A_956 : i32 to index
      %swap3A_1010 = tpu.vector_load %arg6[%swap3A_1008, %swap3A_1009] {strides = array<i32>} : memref<8x4000xf32, #tpu.memory_space<vmem>>, vector<1x16xf32>,
      %swap3A_1011 = vector.shape_cast %swap3A_1010 : vector<1x16xf32> to vector<16xf32>
      %swap3A_1012 = vector.shape_cast %get3A_970 : vector<16xf32> to vector<1x16xf32>
      tpu.vector_store %arg6[%swap3A_1008, %swap3A_1009], %swap3A_1012 {strides = array<i32>} : memref<8x4000xf32, #tpu.memory_space<vmem>>, vector<1x16xf32>,
      %swap3A_1013 = arith.constant 3 : i32
      %swap3A_1014 = arith.index_cast %swap3A_1013 : i32 to index
      %swap3A_1015 = arith.index_cast %mul3A_956 : i32 to index
      %swap3A_1016 = tpu.vector_load %arg6[%swap3A_1014, %swap3A_1015] {strides = array<i32>} : memref<8x4000xf32, #tpu.memory_space<vmem>>, vector<1x16xf32>,
      %swap3A_1017 = vector.shape_cast %swap3A_1016 : vector<1x16xf32> to vector<16xf32>
      %swap3A_1018 = vector.shape_cast %get3A_975 : vector<16xf32> to vector<1x16xf32>
      tpu.vector_store %arg6[%swap3A_1014, %swap3A_1015], %swap3A_1018 {strides = array<i32>} : memref<8x4000xf32, #tpu.memory_space<vmem>>, vector<1x16xf32>,
      %swap3A_1019 = arith.constant 4 : i32
      %swap3A_1020 = arith.index_cast %swap3A_1019 : i32 to index
      %swap3A_1021 = arith.index_cast %mul3A_956 : i32 to index
      %swap3A_1022 = tpu.vector_load %arg6[%swap3A_1020, %swap3A_1021] {strides = array<i32>} : memref<8x4000xf32, #tpu.memory_space<vmem>>, vector<1x16xf32>,
      %swap3A_1023 = vector.shape_cast %swap3A_1022 : vector<1x16xf32> to vector<16xf32>
      %swap3A_1024 = vector.shape_cast %get3A_980 : vector<16xf32> to vector<1x16xf32>
      tpu.vector_store %arg6[%swap3A_1020, %swap3A_1021], %swap3A_1024 {strides = array<i32>} : memref<8x4000xf32, #tpu.memory_space<vmem>>, vector<1x16xf32>,
      %swap3A_1025 = arith.constant 5 : i32
      %swap3A_1026 = arith.index_cast %swap3A_1025 : i32 to index
      %swap3A_1027 = arith.index_cast %mul3A_956 : i32 to index
      %swap3A_1028 = tpu.vector_load %arg6[%swap3A_1026, %swap3A_1027] {strides = array<i32>} : memref<8x4000xf32, #tpu.memory_space<vmem>>, vector<1x16xf32>,
      %swap3A_1029 = vector.shape_cast %swap3A_1028 : vector<1x16xf32> to vector<16xf32>
      %swap3A_1030 = vector.shape_cast %get3A_985 : vector<16xf32> to vector<1x16xf32>
      tpu.vector_store %arg6[%swap3A_1026, %swap3A_1027], %swap3A_1030 {strides = array<i32>} : memref<8x4000xf32, #tpu.memory_space<vmem>>, vector<1x16xf32>,
      %swap3A_1031 = arith.constant 6 : i32
      %swap3A_1032 = arith.index_cast %swap3A_1031 : i32 to index
      %swap3A_1033 = arith.index_cast %mul3A_956 : i32 to index
      %swap3A_1034 = tpu.vector_load %arg6[%swap3A_1032, %swap3A_1033] {strides = array<i32>} : memref<8x4000xf32, #tpu.memory_space<vmem>>, vector<1x16xf32>,
      %swap3A_1035 = vector.shape_cast %swap3A_1034 : vector<1x16xf32> to vector<16xf32>
      %swap3A_1036 = vector.shape_cast %get3A_990 : vector<16xf32> to vector<1x16xf32>
      tpu.vector_store %arg6[%swap3A_1032, %swap3A_1033], %swap3A_1036 {strides = array<i32>} : memref<8x4000xf32, #tpu.memory_space<vmem>>, vector<1x16xf32>,
      %swap3A_1037 = arith.constant 7 : i32
      %swap3A_1038 = arith.index_cast %swap3A_1037 : i32 to index
      %swap3A_1039 = arith.index_cast %mul3A_956 : i32 to index
      %swap3A_1040 = tpu.vector_load %arg6[%swap3A_1038, %swap3A_1039] {strides = array<i32>} : memref<8x4000xf32, #tpu.memory_space<vmem>>, vector<1x16xf32>,
      %swap3A_1041 = vector.shape_cast %swap3A_1040 : vector<1x16xf32> to vector<16xf32>
      %swap3A_1042 = vector.shape_cast %get3A_995 : vector<16xf32> to vector<1x16xf32>
      tpu.vector_store %arg6[%swap3A_1038, %swap3A_1039], %swap3A_1042 {strides = array<i32>} : memref<8x4000xf32, #tpu.memory_space<vmem>>, vector<1x16xf32>,
    }
    %scan3A_887 = arith.constant 250 : i32
    %add3A_888 = arith.constant 232 : i32
    %add3A_889 = arith.addi %mul3A_2, %add3A_888 : i32
    %dma_start3A_890 = arith.constant 0 : i32
    %dma_start3A_891 = tpu.memref_slice %arg3[%add3A_889, %dma_start3A_890] : memref<8192x4000xf32, #tpu.memory_space<hbm>> -> memref<8x4000xf32, #tpu.memory_space<hbm>>
    %dma_start3A_892 = arith.constant 0 : i32
    %dma_start3A_893 = tpu.memref_slice %arg3[%add3A_889, %dma_start3A_892] : memref<8192x4000xf32, #tpu.memory_space<hbm>> -> memref<8x4000xf32, #tpu.memory_space<hbm>>
    tpu.enqueue_dma source(%arg6 : memref<8x4000xf32, #tpu.memory_space<vmem>>) target(%dma_start3A_893 : memref<8x4000xf32, #tpu.memory_space<hbm>>) target_semaphore(%arg8 : memref<!tpu.dma_semaphore, #tpu.memory_space<semaphore_mem>>)
    %add3A_894 = arith.constant 224 : i32
    %add3A_895 = arith.addi %mul3A_2, %add3A_894 : i32
    %dma_wait3A_896 = arith.constant 0 : i32
    %dma_wait3A_897 = tpu.memref_slice %arg3[%add3A_895, %dma_wait3A_896] : memref<8192x4000xf32, #tpu.memory_space<hbm>> -> memref<8x4000xf32, #tpu.memory_space<hbm>>
    %dma_wait3A_898 = arith.constant 0 : i32
    %dma_wait3A_899 = tpu.memref_slice %arg3[%add3A_895, %dma_wait3A_898] : memref<8192x4000xf32, #tpu.memory_space<hbm>> -> memref<8x4000xf32, #tpu.memory_space<hbm>>
    tpu.wait_dma2 semaphore(%arg8 : memref<!tpu.dma_semaphore, #tpu.memory_space<semaphore_mem>>) src(%arg5 : memref<8x4000xf32, #tpu.memory_space<vmem>>) dst(%dma_wait3A_899 : memref<8x4000xf32, #tpu.memory_space<hbm>>)
    %add3A_900 = arith.constant 248 : i32
    %add3A_901 = arith.addi %mul3A_2, %add3A_900 : i32
    %dma_start3A_902 = arith.constant 0 : i32
    %dma_start3A_903 = tpu.memref_slice %arg2[%add3A_901, %dma_start3A_902] : memref<8192x4000xf32, #tpu.memory_space<hbm>> -> memref<8x4000xf32, #tpu.memory_space<hbm>>
    %dma_start3A_904 = arith.constant 0 : i32
    %dma_start3A_905 = tpu.memref_slice %arg2[%add3A_901, %dma_start3A_904] : memref<8192x4000xf32, #tpu.memory_space<hbm>> -> memref<8x4000xf32, #tpu.memory_space<hbm>>
    tpu.enqueue_dma source(%dma_start3A_905 : memref<8x4000xf32, #tpu.memory_space<hbm>>) target(%arg5 : memref<8x4000xf32, #tpu.memory_space<vmem>>) target_semaphore(%arg7 : memref<!tpu.dma_semaphore, #tpu.memory_space<semaphore_mem>>)
    %add3A_906 = arith.constant 240 : i32
    %add3A_907 = arith.addi %mul3A_2, %add3A_906 : i32
    %dma_wait3A_908 = arith.constant 0 : i32
    %dma_wait3A_909 = tpu.memref_slice %arg2[%add3A_907, %dma_wait3A_908] : memref<8192x4000xf32, #tpu.memory_space<hbm>> -> memref<8x4000xf32, #tpu.memory_space<hbm>>
    %dma_wait3A_910 = arith.constant 0 : i32
    %dma_wait3A_911 = tpu.memref_slice %arg2[%add3A_907, %dma_wait3A_910] : memref<8192x4000xf32, #tpu.memory_space<hbm>> -> memref<8x4000xf32, #tpu.memory_space<hbm>>
    tpu.wait_dma2 semaphore(%arg7 : memref<!tpu.dma_semaphore, #tpu.memory_space<semaphore_mem>>) src(%dma_wait3A_911 : memref<8x4000xf32, #tpu.memory_space<hbm>>) dst(%arg4 : memref<8x4000xf32, #tpu.memory_space<vmem>>)
    %scan3A_912 = arith.constant 0 : i32
    %scan3A_913 = arith.constant 0 : i32
    %scan3A_914 = arith.constant 250 : i32
    %scan3A_915 = arith.addi %scan3A_913, %scan3A_914 : i32
    %scan3A_916 = arith.constant 1 : i32
    scf.for %scan3A_954 = %scan3A_913 to %scan3A_915 step %scan3A_916  : i32 {
      %mul3A_955 = arith.constant 16 : i32
      %mul3A_956 = arith.muli %scan3A_954, %mul3A_955 : i32
      %get3A = arith.constant 1 : i32
      %get3A_957 = arith.index_cast %get3A : i32 to index
      %get3A_958 = arith.index_cast %mul3A_956 : i32 to index
      %get3A_959 = tpu.vector_load %arg4[%get3A_957, %get3A_958] {strides = array<i32>} : memref<8x4000xf32, #tpu.memory_space<vmem>>, vector<1x16xf32>,
      %get3A_960 = vector.shape_cast %get3A_959 : vector<1x16xf32> to vector<16xf32>
      %get3A_961 = arith.constant 7 : i32
      %get3A_962 = arith.index_cast %get3A_961 : i32 to index
      %get3A_963 = arith.index_cast %mul3A_956 : i32 to index
      %get3A_964 = tpu.vector_load %arg4[%get3A_962, %get3A_963] {strides = array<i32>} : memref<8x4000xf32, #tpu.memory_space<vmem>>, vector<1x16xf32>,
      %get3A_965 = vector.shape_cast %get3A_964 : vector<1x16xf32> to vector<16xf32>
      %get3A_966 = arith.constant 6 : i32
      %get3A_967 = arith.index_cast %get3A_966 : i32 to index
      %get3A_968 = arith.index_cast %mul3A_956 : i32 to index
      %get3A_969 = tpu.vector_load %arg4[%get3A_967, %get3A_968] {strides = array<i32>} : memref<8x4000xf32, #tpu.memory_space<vmem>>, vector<1x16xf32>,
      %get3A_970 = vector.shape_cast %get3A_969 : vector<1x16xf32> to vector<16xf32>
      %get3A_971 = arith.constant 0 : i32
      %get3A_972 = arith.index_cast %get3A_971 : i32 to index
      %get3A_973 = arith.index_cast %mul3A_956 : i32 to index
      %get3A_974 = tpu.vector_load %arg4[%get3A_972, %get3A_973] {strides = array<i32>} : memref<8x4000xf32, #tpu.memory_space<vmem>>, vector<1x16xf32>,
      %get3A_975 = vector.shape_cast %get3A_974 : vector<1x16xf32> to vector<16xf32>
      %get3A_976 = arith.constant 5 : i32
      %get3A_977 = arith.index_cast %get3A_976 : i32 to index
      %get3A_978 = arith.index_cast %mul3A_956 : i32 to index
      %get3A_979 = tpu.vector_load %arg4[%get3A_977, %get3A_978] {strides = array<i32>} : memref<8x4000xf32, #tpu.memory_space<vmem>>, vector<1x16xf32>,
      %get3A_980 = vector.shape_cast %get3A_979 : vector<1x16xf32> to vector<16xf32>
      %get3A_981 = arith.constant 3 : i32
      %get3A_982 = arith.index_cast %get3A_981 : i32 to index
      %get3A_983 = arith.index_cast %mul3A_956 : i32 to index
      %get3A_984 = tpu.vector_load %arg4[%get3A_982, %get3A_983] {strides = array<i32>} : memref<8x4000xf32, #tpu.memory_space<vmem>>, vector<1x16xf32>,
      %get3A_985 = vector.shape_cast %get3A_984 : vector<1x16xf32> to vector<16xf32>
      %get3A_986 = arith.constant 4 : i32
      %get3A_987 = arith.index_cast %get3A_986 : i32 to index
      %get3A_988 = arith.index_cast %mul3A_956 : i32 to index
      %get3A_989 = tpu.vector_load %arg4[%get3A_987, %get3A_988] {strides = array<i32>} : memref<8x4000xf32, #tpu.memory_space<vmem>>, vector<1x16xf32>,
      %get3A_990 = vector.shape_cast %get3A_989 : vector<1x16xf32> to vector<16xf32>
      %get3A_991 = arith.constant 2 : i32
      %get3A_992 = arith.index_cast %get3A_991 : i32 to index
      %get3A_993 = arith.index_cast %mul3A_956 : i32 to index
      %get3A_994 = tpu.vector_load %arg4[%get3A_992, %get3A_993] {strides = array<i32>} : memref<8x4000xf32, #tpu.memory_space<vmem>>, vector<1x16xf32>,
      %get3A_995 = vector.shape_cast %get3A_994 : vector<1x16xf32> to vector<16xf32>
      %swap3A = arith.constant 0 : i32
      %swap3A_996 = arith.index_cast %swap3A : i32 to index
      %swap3A_997 = arith.index_cast %mul3A_956 : i32 to index
      %swap3A_998 = tpu.vector_load %arg4[%swap3A_996, %swap3A_997] {strides = array<i32>} : memref<8x4000xf32, #tpu.memory_space<vmem>>, vector<1x16xf32>,
      %swap3A_999 = vector.shape_cast %swap3A_998 : vector<1x16xf32> to vector<16xf32>
      %swap3A_1000 = vector.shape_cast %get3A_960 : vector<16xf32> to vector<1x16xf32>
      tpu.vector_store %arg4[%swap3A_996, %swap3A_997], %swap3A_1000 {strides = array<i32>} : memref<8x4000xf32, #tpu.memory_space<vmem>>, vector<1x16xf32>,
      %swap3A_1001 = arith.constant 1 : i32
      %swap3A_1002 = arith.index_cast %swap3A_1001 : i32 to index
      %swap3A_1003 = arith.index_cast %mul3A_956 : i32 to index
      %swap3A_1004 = tpu.vector_load %arg4[%swap3A_1002, %swap3A_1003] {strides = array<i32>} : memref<8x4000xf32, #tpu.memory_space<vmem>>, vector<1x16xf32>,
      %swap3A_1005 = vector.shape_cast %swap3A_1004 : vector<1x16xf32> to vector<16xf32>
      %swap3A_1006 = vector.shape_cast %get3A_965 : vector<16xf32> to vector<1x16xf32>
      tpu.vector_store %arg4[%swap3A_1002, %swap3A_1003], %swap3A_1006 {strides = array<i32>} : memref<8x4000xf32, #tpu.memory_space<vmem>>, vector<1x16xf32>,
      %swap3A_1007 = arith.constant 2 : i32
      %swap3A_1008 = arith.index_cast %swap3A_1007 : i32 to index
      %swap3A_1009 = arith.index_cast %mul3A_956 : i32 to index
      %swap3A_1010 = tpu.vector_load %arg4[%swap3A_1008, %swap3A_1009] {strides = array<i32>} : memref<8x4000xf32, #tpu.memory_space<vmem>>, vector<1x16xf32>,
      %swap3A_1011 = vector.shape_cast %swap3A_1010 : vector<1x16xf32> to vector<16xf32>
      %swap3A_1012 = vector.shape_cast %get3A_970 : vector<16xf32> to vector<1x16xf32>
      tpu.vector_store %arg4[%swap3A_1008, %swap3A_1009], %swap3A_1012 {strides = array<i32>} : memref<8x4000xf32, #tpu.memory_space<vmem>>, vector<1x16xf32>,
      %swap3A_1013 = arith.constant 3 : i32
      %swap3A_1014 = arith.index_cast %swap3A_1013 : i32 to index
      %swap3A_1015 = arith.index_cast %mul3A_956 : i32 to index
      %swap3A_1016 = tpu.vector_load %arg4[%swap3A_1014, %swap3A_1015] {strides = array<i32>} : memref<8x4000xf32, #tpu.memory_space<vmem>>, vector<1x16xf32>,
      %swap3A_1017 = vector.shape_cast %swap3A_1016 : vector<1x16xf32> to vector<16xf32>
      %swap3A_1018 = vector.shape_cast %get3A_975 : vector<16xf32> to vector<1x16xf32>
      tpu.vector_store %arg4[%swap3A_1014, %swap3A_1015], %swap3A_1018 {strides = array<i32>} : memref<8x4000xf32, #tpu.memory_space<vmem>>, vector<1x16xf32>,
      %swap3A_1019 = arith.constant 4 : i32
      %swap3A_1020 = arith.index_cast %swap3A_1019 : i32 to index
      %swap3A_1021 = arith.index_cast %mul3A_956 : i32 to index
      %swap3A_1022 = tpu.vector_load %arg4[%swap3A_1020, %swap3A_1021] {strides = array<i32>} : memref<8x4000xf32, #tpu.memory_space<vmem>>, vector<1x16xf32>,
      %swap3A_1023 = vector.shape_cast %swap3A_1022 : vector<1x16xf32> to vector<16xf32>
      %swap3A_1024 = vector.shape_cast %get3A_980 : vector<16xf32> to vector<1x16xf32>
      tpu.vector_store %arg4[%swap3A_1020, %swap3A_1021], %swap3A_1024 {strides = array<i32>} : memref<8x4000xf32, #tpu.memory_space<vmem>>, vector<1x16xf32>,
      %swap3A_1025 = arith.constant 5 : i32
      %swap3A_1026 = arith.index_cast %swap3A_1025 : i32 to index
      %swap3A_1027 = arith.index_cast %mul3A_956 : i32 to index
      %swap3A_1028 = tpu.vector_load %arg4[%swap3A_1026, %swap3A_1027] {strides = array<i32>} : memref<8x4000xf32, #tpu.memory_space<vmem>>, vector<1x16xf32>,
      %swap3A_1029 = vector.shape_cast %swap3A_1028 : vector<1x16xf32> to vector<16xf32>
      %swap3A_1030 = vector.shape_cast %get3A_985 : vector<16xf32> to vector<1x16xf32>
      tpu.vector_store %arg4[%swap3A_1026, %swap3A_1027], %swap3A_1030 {strides = array<i32>} : memref<8x4000xf32, #tpu.memory_space<vmem>>, vector<1x16xf32>,
      %swap3A_1031 = arith.constant 6 : i32
      %swap3A_1032 = arith.index_cast %swap3A_1031 : i32 to index
      %swap3A_1033 = arith.index_cast %mul3A_956 : i32 to index
      %swap3A_1034 = tpu.vector_load %arg4[%swap3A_1032, %swap3A_1033] {strides = array<i32>} : memref<8x4000xf32, #tpu.memory_space<vmem>>, vector<1x16xf32>,
      %swap3A_1035 = vector.shape_cast %swap3A_1034 : vector<1x16xf32> to vector<16xf32>
      %swap3A_1036 = vector.shape_cast %get3A_990 : vector<16xf32> to vector<1x16xf32>
      tpu.vector_store %arg4[%swap3A_1032, %swap3A_1033], %swap3A_1036 {strides = array<i32>} : memref<8x4000xf32, #tpu.memory_space<vmem>>, vector<1x16xf32>,
      %swap3A_1037 = arith.constant 7 : i32
      %swap3A_1038 = arith.index_cast %swap3A_1037 : i32 to index
      %swap3A_1039 = arith.index_cast %mul3A_956 : i32 to index
      %swap3A_1040 = tpu.vector_load %arg4[%swap3A_1038, %swap3A_1039] {strides = array<i32>} : memref<8x4000xf32, #tpu.memory_space<vmem>>, vector<1x16xf32>,
      %swap3A_1041 = vector.shape_cast %swap3A_1040 : vector<1x16xf32> to vector<16xf32>
      %swap3A_1042 = vector.shape_cast %get3A_995 : vector<16xf32> to vector<1x16xf32>
      tpu.vector_store %arg4[%swap3A_1038, %swap3A_1039], %swap3A_1042 {strides = array<i32>} : memref<8x4000xf32, #tpu.memory_space<vmem>>, vector<1x16xf32>,
    }
    %scan3A_917 = arith.constant 250 : i32
    %add3A_918 = arith.constant 240 : i32
    %add3A_919 = arith.addi %mul3A_2, %add3A_918 : i32
    %dma_start3A_920 = arith.constant 0 : i32
    %dma_start3A_921 = tpu.memref_slice %arg3[%add3A_919, %dma_start3A_920] : memref<8192x4000xf32, #tpu.memory_space<hbm>> -> memref<8x4000xf32, #tpu.memory_space<hbm>>
    %dma_start3A_922 = arith.constant 0 : i32
    %dma_start3A_923 = tpu.memref_slice %arg3[%add3A_919, %dma_start3A_922] : memref<8192x4000xf32, #tpu.memory_space<hbm>> -> memref<8x4000xf32, #tpu.memory_space<hbm>>
    tpu.enqueue_dma source(%arg4 : memref<8x4000xf32, #tpu.memory_space<vmem>>) target(%dma_start3A_923 : memref<8x4000xf32, #tpu.memory_space<hbm>>) target_semaphore(%arg8 : memref<!tpu.dma_semaphore, #tpu.memory_space<semaphore_mem>>)
    %add3A_924 = arith.constant 248 : i32
    %add3A_925 = arith.addi %mul3A_2, %add3A_924 : i32
    %dma_wait3A_926 = arith.constant 0 : i32
    %dma_wait3A_927 = tpu.memref_slice %arg2[%add3A_925, %dma_wait3A_926] : memref<8192x4000xf32, #tpu.memory_space<hbm>> -> memref<8x4000xf32, #tpu.memory_space<hbm>>
    %dma_wait3A_928 = arith.constant 0 : i32
    %dma_wait3A_929 = tpu.memref_slice %arg2[%add3A_925, %dma_wait3A_928] : memref<8192x4000xf32, #tpu.memory_space<hbm>> -> memref<8x4000xf32, #tpu.memory_space<hbm>>
    tpu.wait_dma2 semaphore(%arg7 : memref<!tpu.dma_semaphore, #tpu.memory_space<semaphore_mem>>) src(%dma_wait3A_929 : memref<8x4000xf32, #tpu.memory_space<hbm>>) dst(%arg5 : memref<8x4000xf32, #tpu.memory_space<vmem>>)
    %scan3A_930 = arith.constant 0 : i32
    %scan3A_931 = arith.constant 0 : i32
    %scan3A_932 = arith.constant 250 : i32
    %scan3A_933 = arith.addi %scan3A_931, %scan3A_932 : i32
    %scan3A_934 = arith.constant 1 : i32
    scf.for %scan3A_954 = %scan3A_931 to %scan3A_933 step %scan3A_934  : i32 {
      %mul3A_955 = arith.constant 16 : i32
      %mul3A_956 = arith.muli %scan3A_954, %mul3A_955 : i32
      %get3A = arith.constant 5 : i32
      %get3A_957 = arith.index_cast %get3A : i32 to index
      %get3A_958 = arith.index_cast %mul3A_956 : i32 to index
      %get3A_959 = tpu.vector_load %arg5[%get3A_957, %get3A_958] {strides = array<i32>} : memref<8x4000xf32, #tpu.memory_space<vmem>>, vector<1x16xf32>,
      %get3A_960 = vector.shape_cast %get3A_959 : vector<1x16xf32> to vector<16xf32>
      %get3A_961 = arith.constant 0 : i32
      %get3A_962 = arith.index_cast %get3A_961 : i32 to index
      %get3A_963 = arith.index_cast %mul3A_956 : i32 to index
      %get3A_964 = tpu.vector_load %arg5[%get3A_962, %get3A_963] {strides = array<i32>} : memref<8x4000xf32, #tpu.memory_space<vmem>>, vector<1x16xf32>,
      %get3A_965 = vector.shape_cast %get3A_964 : vector<1x16xf32> to vector<16xf32>
      %get3A_966 = arith.constant 2 : i32
      %get3A_967 = arith.index_cast %get3A_966 : i32 to index
      %get3A_968 = arith.index_cast %mul3A_956 : i32 to index
      %get3A_969 = tpu.vector_load %arg5[%get3A_967, %get3A_968] {strides = array<i32>} : memref<8x4000xf32, #tpu.memory_space<vmem>>, vector<1x16xf32>,
      %get3A_970 = vector.shape_cast %get3A_969 : vector<1x16xf32> to vector<16xf32>
      %get3A_971 = arith.constant 7 : i32
      %get3A_972 = arith.index_cast %get3A_971 : i32 to index
      %get3A_973 = arith.index_cast %mul3A_956 : i32 to index
      %get3A_974 = tpu.vector_load %arg5[%get3A_972, %get3A_973] {strides = array<i32>} : memref<8x4000xf32, #tpu.memory_space<vmem>>, vector<1x16xf32>,
      %get3A_975 = vector.shape_cast %get3A_974 : vector<1x16xf32> to vector<16xf32>
      %get3A_976 = arith.constant 1 : i32
      %get3A_977 = arith.index_cast %get3A_976 : i32 to index
      %get3A_978 = arith.index_cast %mul3A_956 : i32 to index
      %get3A_979 = tpu.vector_load %arg5[%get3A_977, %get3A_978] {strides = array<i32>} : memref<8x4000xf32, #tpu.memory_space<vmem>>, vector<1x16xf32>,
      %get3A_980 = vector.shape_cast %get3A_979 : vector<1x16xf32> to vector<16xf32>
      %get3A_981 = arith.constant 3 : i32
      %get3A_982 = arith.index_cast %get3A_981 : i32 to index
      %get3A_983 = arith.index_cast %mul3A_956 : i32 to index
      %get3A_984 = tpu.vector_load %arg5[%get3A_982, %get3A_983] {strides = array<i32>} : memref<8x4000xf32, #tpu.memory_space<vmem>>, vector<1x16xf32>,
      %get3A_985 = vector.shape_cast %get3A_984 : vector<1x16xf32> to vector<16xf32>
      %get3A_986 = arith.constant 4 : i32
      %get3A_987 = arith.index_cast %get3A_986 : i32 to index
      %get3A_988 = arith.index_cast %mul3A_956 : i32 to index
      %get3A_989 = tpu.vector_load %arg5[%get3A_987, %get3A_988] {strides = array<i32>} : memref<8x4000xf32, #tpu.memory_space<vmem>>, vector<1x16xf32>,
      %get3A_990 = vector.shape_cast %get3A_989 : vector<1x16xf32> to vector<16xf32>
      %get3A_991 = arith.constant 6 : i32
      %get3A_992 = arith.index_cast %get3A_991 : i32 to index
      %get3A_993 = arith.index_cast %mul3A_956 : i32 to index
      %get3A_994 = tpu.vector_load %arg5[%get3A_992, %get3A_993] {strides = array<i32>} : memref<8x4000xf32, #tpu.memory_space<vmem>>, vector<1x16xf32>,
      %get3A_995 = vector.shape_cast %get3A_994 : vector<1x16xf32> to vector<16xf32>
      %swap3A = arith.constant 0 : i32
      %swap3A_996 = arith.index_cast %swap3A : i32 to index
      %swap3A_997 = arith.index_cast %mul3A_956 : i32 to index
      %swap3A_998 = tpu.vector_load %arg5[%swap3A_996, %swap3A_997] {strides = array<i32>} : memref<8x4000xf32, #tpu.memory_space<vmem>>, vector<1x16xf32>,
      %swap3A_999 = vector.shape_cast %swap3A_998 : vector<1x16xf32> to vector<16xf32>
      %swap3A_1000 = vector.shape_cast %get3A_960 : vector<16xf32> to vector<1x16xf32>
      tpu.vector_store %arg5[%swap3A_996, %swap3A_997], %swap3A_1000 {strides = array<i32>} : memref<8x4000xf32, #tpu.memory_space<vmem>>, vector<1x16xf32>,
      %swap3A_1001 = arith.constant 1 : i32
      %swap3A_1002 = arith.index_cast %swap3A_1001 : i32 to index
      %swap3A_1003 = arith.index_cast %mul3A_956 : i32 to index
      %swap3A_1004 = tpu.vector_load %arg5[%swap3A_1002, %swap3A_1003] {strides = array<i32>} : memref<8x4000xf32, #tpu.memory_space<vmem>>, vector<1x16xf32>,
      %swap3A_1005 = vector.shape_cast %swap3A_1004 : vector<1x16xf32> to vector<16xf32>
      %swap3A_1006 = vector.shape_cast %get3A_965 : vector<16xf32> to vector<1x16xf32>
      tpu.vector_store %arg5[%swap3A_1002, %swap3A_1003], %swap3A_1006 {strides = array<i32>} : memref<8x4000xf32, #tpu.memory_space<vmem>>, vector<1x16xf32>,
      %swap3A_1007 = arith.constant 2 : i32
      %swap3A_1008 = arith.index_cast %swap3A_1007 : i32 to index
      %swap3A_1009 = arith.index_cast %mul3A_956 : i32 to index
      %swap3A_1010 = tpu.vector_load %arg5[%swap3A_1008, %swap3A_1009] {strides = array<i32>} : memref<8x4000xf32, #tpu.memory_space<vmem>>, vector<1x16xf32>,
      %swap3A_1011 = vector.shape_cast %swap3A_1010 : vector<1x16xf32> to vector<16xf32>
      %swap3A_1012 = vector.shape_cast %get3A_970 : vector<16xf32> to vector<1x16xf32>
      tpu.vector_store %arg5[%swap3A_1008, %swap3A_1009], %swap3A_1012 {strides = array<i32>} : memref<8x4000xf32, #tpu.memory_space<vmem>>, vector<1x16xf32>,
      %swap3A_1013 = arith.constant 3 : i32
      %swap3A_1014 = arith.index_cast %swap3A_1013 : i32 to index
      %swap3A_1015 = arith.index_cast %mul3A_956 : i32 to index
      %swap3A_1016 = tpu.vector_load %arg5[%swap3A_1014, %swap3A_1015] {strides = array<i32>} : memref<8x4000xf32, #tpu.memory_space<vmem>>, vector<1x16xf32>,
      %swap3A_1017 = vector.shape_cast %swap3A_1016 : vector<1x16xf32> to vector<16xf32>
      %swap3A_1018 = vector.shape_cast %get3A_975 : vector<16xf32> to vector<1x16xf32>
      tpu.vector_store %arg5[%swap3A_1014, %swap3A_1015], %swap3A_1018 {strides = array<i32>} : memref<8x4000xf32, #tpu.memory_space<vmem>>, vector<1x16xf32>,
      %swap3A_1019 = arith.constant 4 : i32
      %swap3A_1020 = arith.index_cast %swap3A_1019 : i32 to index
      %swap3A_1021 = arith.index_cast %mul3A_956 : i32 to index
      %swap3A_1022 = tpu.vector_load %arg5[%swap3A_1020, %swap3A_1021] {strides = array<i32>} : memref<8x4000xf32, #tpu.memory_space<vmem>>, vector<1x16xf32>,
      %swap3A_1023 = vector.shape_cast %swap3A_1022 : vector<1x16xf32> to vector<16xf32>
      %swap3A_1024 = vector.shape_cast %get3A_980 : vector<16xf32> to vector<1x16xf32>
      tpu.vector_store %arg5[%swap3A_1020, %swap3A_1021], %swap3A_1024 {strides = array<i32>} : memref<8x4000xf32, #tpu.memory_space<vmem>>, vector<1x16xf32>,
      %swap3A_1025 = arith.constant 5 : i32
      %swap3A_1026 = arith.index_cast %swap3A_1025 : i32 to index
      %swap3A_1027 = arith.index_cast %mul3A_956 : i32 to index
      %swap3A_1028 = tpu.vector_load %arg5[%swap3A_1026, %swap3A_1027] {strides = array<i32>} : memref<8x4000xf32, #tpu.memory_space<vmem>>, vector<1x16xf32>,
      %swap3A_1029 = vector.shape_cast %swap3A_1028 : vector<1x16xf32> to vector<16xf32>
      %swap3A_1030 = vector.shape_cast %get3A_985 : vector<16xf32> to vector<1x16xf32>
      tpu.vector_store %arg5[%swap3A_1026, %swap3A_1027], %swap3A_1030 {strides = array<i32>} : memref<8x4000xf32, #tpu.memory_space<vmem>>, vector<1x16xf32>,
      %swap3A_1031 = arith.constant 6 : i32
      %swap3A_1032 = arith.index_cast %swap3A_1031 : i32 to index
      %swap3A_1033 = arith.index_cast %mul3A_956 : i32 to index
      %swap3A_1034 = tpu.vector_load %arg5[%swap3A_1032, %swap3A_1033] {strides = array<i32>} : memref<8x4000xf32, #tpu.memory_space<vmem>>, vector<1x16xf32>,
      %swap3A_1035 = vector.shape_cast %swap3A_1034 : vector<1x16xf32> to vector<16xf32>
      %swap3A_1036 = vector.shape_cast %get3A_990 : vector<16xf32> to vector<1x16xf32>
      tpu.vector_store %arg5[%swap3A_1032, %swap3A_1033], %swap3A_1036 {strides = array<i32>} : memref<8x4000xf32, #tpu.memory_space<vmem>>, vector<1x16xf32>,
      %swap3A_1037 = arith.constant 7 : i32
      %swap3A_1038 = arith.index_cast %swap3A_1037 : i32 to index
      %swap3A_1039 = arith.index_cast %mul3A_956 : i32 to index
      %swap3A_1040 = tpu.vector_load %arg5[%swap3A_1038, %swap3A_1039] {strides = array<i32>} : memref<8x4000xf32, #tpu.memory_space<vmem>>, vector<1x16xf32>,
      %swap3A_1041 = vector.shape_cast %swap3A_1040 : vector<1x16xf32> to vector<16xf32>
      %swap3A_1042 = vector.shape_cast %get3A_995 : vector<16xf32> to vector<1x16xf32>
      tpu.vector_store %arg5[%swap3A_1038, %swap3A_1039], %swap3A_1042 {strides = array<i32>} : memref<8x4000xf32, #tpu.memory_space<vmem>>, vector<1x16xf32>,
    }
    %scan3A_935 = arith.constant 250 : i32
    %add3A_936 = arith.constant 248 : i32
    %add3A_937 = arith.addi %mul3A_2, %add3A_936 : i32
    %dma_start3A_938 = arith.constant 0 : i32
    %dma_start3A_939 = tpu.memref_slice %arg3[%add3A_937, %dma_start3A_938] : memref<8192x4000xf32, #tpu.memory_space<hbm>> -> memref<8x4000xf32, #tpu.memory_space<hbm>>
    %dma_start3A_940 = arith.constant 0 : i32
    %dma_start3A_941 = tpu.memref_slice %arg3[%add3A_937, %dma_start3A_940] : memref<8192x4000xf32, #tpu.memory_space<hbm>> -> memref<8x4000xf32, #tpu.memory_space<hbm>>
    tpu.enqueue_dma source(%arg5 : memref<8x4000xf32, #tpu.memory_space<vmem>>) target(%dma_start3A_941 : memref<8x4000xf32, #tpu.memory_space<hbm>>) target_semaphore(%arg8 : memref<!tpu.dma_semaphore, #tpu.memory_space<semaphore_mem>>)
    %add3A_942 = arith.constant 240 : i32
    %add3A_943 = arith.addi %mul3A_2, %add3A_942 : i32
    %dma_wait3A_944 = arith.constant 0 : i32
    %dma_wait3A_945 = tpu.memref_slice %arg3[%add3A_943, %dma_wait3A_944] : memref<8192x4000xf32, #tpu.memory_space<hbm>> -> memref<8x4000xf32, #tpu.memory_space<hbm>>
    %dma_wait3A_946 = arith.constant 0 : i32
    %dma_wait3A_947 = tpu.memref_slice %arg3[%add3A_943, %dma_wait3A_946] : memref<8192x4000xf32, #tpu.memory_space<hbm>> -> memref<8x4000xf32, #tpu.memory_space<hbm>>
    tpu.wait_dma2 semaphore(%arg8 : memref<!tpu.dma_semaphore, #tpu.memory_space<semaphore_mem>>) src(%arg4 : memref<8x4000xf32, #tpu.memory_space<vmem>>) dst(%dma_wait3A_947 : memref<8x4000xf32, #tpu.memory_space<hbm>>)
    %add3A_948 = arith.constant 248 : i32
    %add3A_949 = arith.addi %mul3A_2, %add3A_948 : i32
    %dma_wait3A_950 = arith.constant 0 : i32
    %dma_wait3A_951 = tpu.memref_slice %arg3[%add3A_949, %dma_wait3A_950] : memref<8192x4000xf32, #tpu.memory_space<hbm>> -> memref<8x4000xf32, #tpu.memory_space<hbm>>
    %dma_wait3A_952 = arith.constant 0 : i32
    %dma_wait3A_953 = tpu.memref_slice %arg3[%add3A_949, %dma_wait3A_952] : memref<8192x4000xf32, #tpu.memory_space<hbm>> -> memref<8x4000xf32, #tpu.memory_space<hbm>>
    tpu.wait_dma2 semaphore(%arg8 : memref<!tpu.dma_semaphore, #tpu.memory_space<semaphore_mem>>) src(%arg5 : memref<8x4000xf32, #tpu.memory_space<vmem>>) dst(%dma_wait3A_953 : memref<8x4000xf32, #tpu.memory_space<hbm>>)
    return
  }
}

</mosaic_0001>

<sc_bundles>
// kernel: kernel.3.cloned.1.call-start
scs
__scs_entry_jumppad:
0x0: {  	(pc) =	sbr.rel $0x88, $3  }
0x1: {  	(tag) =	ssettag $0x0;
	lr =	simm.s32 $0x1  }
0x2: {  	[smem:$0x3FA0] =	sst lr;
	_ =	strace $0xD0000000  }
0x3: {  	_ = 	snop  }
0x4: {  	_ = 	snop  }
0x5: {  	_ = 	snop  }
0x6: {  	_ = 	snop  }
0x7: {  	_ = 	snop  }
__scs_overlays_trampoline_lowered:
0x8: {  	[smem:$0x3FAF] =	sst s0  }
0x9: {  	[smem:$0x3FB0] =	sst s1  }
0xa: {  	[smem:$0x3FB1] =	sst s2  }
0xb: {  	[smem:$0x3FB2] =	sst s3  }
0xc: {  	[smem:$0x3FB3] =	sst s4  }
0xd: {  	[smem:$0x3FB4] =	sst s5  }
0xe: {  	[smem:$0x3FB5] =	sst s6  }
0xf: {  	[smem:$0x3FB6] =	sst s7  }
0x10: {  	[smem:$0x3FB7] =	sst s8  }
0x11: {  	[smem:$0x3FB8] =	sst s9;
	s0 =	simm.s32 @!p0 $0x0  }
0x12: {  	s1 =	sld [smem:$0x3F9E];
	s0 =	simm.s32 @p0 $0x1  }
0x13: {  	[smem:$0x3FB9] =	sst s0;
	s0 =	simm.s32 @!p1 $0x0  }
0x14: {  	s2 =	sld [smem:$0x3F9D];
	s0 =	simm.s32 @p1 $0x1  }
0x15: {  	[smem:$0x3FBA] =	sst s0;
	s0 =	simm.s32 @!p2 $0x0  }
0x16: {  	s3 =	sld [smem:$0x3FDB];
	s0 =	simm.s32 @p2 $0x1  }
0x17: {  	s4 =	simm.s32 $0x1BF5;
	[smem:$0x3FBC] =	sst s0  }
0x18: {  	s0 =	sld [smem:$0x3F9F];
	_ =	swait.ge [sflag:s4], $0x0  }
0x19: {  	s7 =	sld [smem:$0x3FA0]  }
0x1a: {  	s8 =	sadd.s32 $0xFFFFE003, lr  }
0x1b: {  	s9 =	sadd.s32 $0xFFFFFEF7, lr;
	s5 =	simm.s32 $0xFFFFFFFF;
	p2 =	slt.u32 s8, $0xFFFFF086  }
0x1c: {  	p1 =	slt.u32 s9, $0xF7A;
	s5 =	simm.s32 @!p2 $0x0  }
0x1d: {  	s5 =	simm.s32 @p1 $0x1;
	p0 =	seq.s32 s7, s2  }
0x1e: {  	s7 =	smul.u32 @!p0 $0xF7A, s2;
	p2 =	seq.s32 @!p0 s5, $0x0  }
0x1f: {  	s9 =	smul.u32 $0xF7A, s1;
	s8 =	simm.s32 @!p0 $0x1BF5;
	p2 =	por !p2, p0  }
0x20: {  	[sflag:s8] =	ssyncset.s32 @!p0 $0xFFFFF086;
	s6 =	sadd.s32 @!p0 s3, s7;
	s7 =	simm.s32 @!p0 $0x108  }
0x21: {  	s3 =	sadd.s32 s3, s9;
	s6 =	sadd.s32 @!p0 $0x88, s6;
	s7 =	simm.s32 @p2 $0x1082  }
0x22: {  	[simem:s7], [sflag:s8] =	dma.local @!p0 [hbm:s6], $0xF7A  }
0x23: {  	s9 =	sor.u32 $0xD0000000, s2;
	s6 =	simm.s32 $0x108;
	_ =	swait.ge @!p0 [sflag:s8], $0x0  }
0x24: {  	s3 =	sadd.s32 $0x88, s3;
	s6 =	simm.s32 @!p1 $0x1082;
	[sflag:s4] =	ssyncset.s32 $0xFFFFF086  }
0x25: {  	[simem:s6], [sflag:s4] =	dma.local [hbm:s3], $0xF7A  }
0x26: {  	[smem:$0x3FA0] =	sst s1;
	(tag) =	ssettag s2;
	_ =	strace s9  }
0x27: {  	s1 =	sld [smem:$0x3FB0]  }
0x28: {  	s2 =	sld [smem:$0x3FB1]  }
0x29: {  	s4 =	sld [smem:$0x3FB3]  }
0x2a: {  	p0 =	seq.s32 s5, $0x0;
	s5 =	sld [smem:$0x3FB4]  }
0x2b: {  	s6 =	sld [smem:$0x3FB5]  }
0x2c: {  	s7 =	sld [smem:$0x3FB6]  }
0x2d: {  	s3 =	simm.s32 $0x108;
	s8 =	sld [smem:$0x3FB7]  }
0x2e: {  	s3 =	simm.s32 @!p0 $0x1082;
	s9 =	sld [smem:$0x3FB8]  }
0x2f: {  	lr =	sadd.s32 s0, s3;
	s0 =	sld [smem:$0x3FAF]  }
0x30: {  	s3 =	sld [smem:$0x3FB2]  }
0x31: {  	[smem:$0x3FBB] =	sst s10  }
0x32: {  	s10 =	sld [smem:$0x3FB9];
	_ =	sdelay $0x3  }
0x33: {  	p0 =	seq.s32 s10, $0x1;
	s10 =	sld [smem:$0x3FBB];
	_ =	sdelay $0x3  }
0x34: {  	[smem:$0x3FBB] =	sst s10  }
0x35: {  	s10 =	sld [smem:$0x3FBA];
	_ =	sdelay $0x3  }
0x36: {  	p1 =	seq.s32 s10, $0x1;
	s10 =	sld [smem:$0x3FBB];
	_ =	sdelay $0x3  }
0x37: {  	[smem:$0x3FBB] =	sst s10  }
0x38: {  	s10 =	sld [smem:$0x3FBC]  }
0x39: {  	_ = 	snop;
	(pc) =	sbr.ind lr, $3  }
0x3a: {  	_ = 	snop  }
0x3b: {  	_ = 	snop  }
0x3c: {  	p2 =	seq.s32 s10, $0x1;
	s10 =	sld [smem:$0x3FBB]  }
0x3d: {  	_ =	shalt  }
0x3e: {  	_ =	shalt  }
0x3f: {  	_ =	shalt  }
0x40: {  	_ =	shalt  }
0x41: {  	_ =	shalt  }
0x42: {  	_ =	shalt  }
0x43: {  	_ =	shalt  }
0x44: {  	_ =	shalt  }
0x45: {  	_ =	shalt  }
0x46: {  	_ =	shalt  }
0x47: {  	_ =	shalt  }
0x48: {  	_ =	shalt  }
0x49: {  	_ =	shalt  }
0x4a: {  	_ =	shalt  }
0x4b: {  	_ =	shalt  }
0x4c: {  	_ =	shalt  }
0x4d: {  	_ =	shalt  }
0x4e: {  	_ =	shalt  }
0x4f: {  	_ =	shalt  }
0x50: {  	_ =	shalt  }
0x51: {  	_ =	shalt  }
0x52: {  	_ =	shalt  }
0x53: {  	_ =	shalt  }
0x54: {  	_ =	shalt  }
0x55: {  	_ =	shalt  }
0x56: {  	_ =	shalt  }
0x57: {  	_ =	shalt  }
0x58: {  	_ =	shalt  }
0x59: {  	_ =	shalt  }
0x5a: {  	_ =	shalt  }
0x5b: {  	_ =	shalt  }
0x5c: {  	_ =	shalt  }
0x5d: {  	_ =	shalt  }
0x5e: {  	_ =	shalt  }
0x5f: {  	_ =	shalt  }
0x60: {  	_ =	shalt  }
0x61: {  	_ =	shalt  }
0x62: {  	_ =	shalt  }
0x63: {  	_ =	shalt  }
0x64: {  	_ =	shalt  }
0x65: {  	_ =	shalt  }
0x66: {  	_ =	shalt  }
0x67: {  	_ =	shalt  }
0x68: {  	_ =	shalt  }
0x69: {  	_ =	shalt  }
0x6a: {  	_ =	shalt  }
0x6b: {  	_ =	shalt  }
0x6c: {  	_ =	shalt  }
0x6d: {  	_ =	shalt  }
0x6e: {  	_ =	shalt  }
0x6f: {  	_ =	shalt  }
0x70: {  	_ =	shalt  }
0x71: {  	_ =	shalt  }
0x72: {  	_ =	shalt  }
0x73: {  	_ =	shalt  }
0x74: {  	_ =	shalt  }
0x75: {  	_ =	shalt  }
0x76: {  	_ =	shalt  }
0x77: {  	_ =	shalt  }
0x78: {  	_ =	shalt  }
0x79: {  	_ =	shalt  }
0x7a: {  	_ =	shalt  }
0x7b: {  	_ =	shalt  }
0x7c: {  	_ =	shalt  }
0x7d: {  	_ =	shalt  }
0x7e: {  	_ =	shalt  }
0x7f: {  	_ =	shalt  }
0x80: {  	_ =	shalt  }
0x81: {  	_ =	shalt  }
0x82: {  	_ =	shalt  }
0x83: {  	_ =	shalt  }
0x84: {  	_ =	shalt  }
0x85: {  	_ =	shalt  }
0x86: {  	_ =	shalt  }
0x87: {  	_ =	shalt  }
.Lfunc_end0:
.L_simem_size_0:
called_computation.1_lowered:
.L_overlay_start_0:
0x88: {  	s2 =	sld [smem:$0x3FD9]  }
0x89: {  	s3 =	sld [smem:$0x3FFE];
	_ =	sdelay $0x1  }
0x8a: {  	s1 =	srdreg.scid  }
0x8b: {  	s0 =	sand.u32 $0x1, s1  }
0x8c: {  	s16 =	sshll.u32 s0, $0xA;
	s2 =	sadd.s32 s3, s2  }
0x8d: {  	s2 =	sadd.s32 s2, s16  }
0x8e: {  	[smem:$0x3FC7] =	sst s2  }
0x8f: {  	_ = 	snop  }
0x90: {  	(tm) =	ssettm $0x1  }
0x91: {  	s17 =	sld [smem:$0x3FFB];
	_ =	sdelay $0x3  }
0x92: {  	_ =	strace s17  }
0x93: {  	s2 =	sld [smem:$0x3FFC];
	_ =	sdelay $0x3  }
0x94: {  	_ =	strace s2  }
0x95: {  	s2 =	sld [smem:$0x3FFD];
	_ =	sdelay $0x3  }
0x96: {  	_ =	strace s2  }
0x97: {  	_ =	strace $0x8FFFFFFF  }
0x98: {  	s18 =	sld [smem:$0x3FDB];
	_ =	sdelay $0x1  }
0x99: {  	s19 =	simm.s32 $_scs_section_size  }
0x9a: {  	s4 =	simm.s32 $_size__tile_overlayer_lowered;
	s5 =	simm.s32 $_tile_overlayer_lowered  }
0x9b: {  	s22 =	simm.s32 $0x1BFF;
	s21 =	sshll.u32 s5, $0x1;
	s2 =	sadd.s32 s19, s18  }
0x9c: {  	s6 =	simm.s32 $0x0;
	s20 =	sshll.u32 s4, $0x1;
	s4 =	sadd.s32 s21, s2  }
0x9d: {  	[timem:s6], [sflag:s22] =	dma.local [hbm:s4], s20  }
0x9e: {  	_ =	swait.ge [sflag:s22], s20  }
0x9f: {  	s3 =	ssub.s32 $0x0, s20;
	[sflag:s22] =	ssyncset.done $0x0  }
0xa0: {  	[sflag:s22] =	ssyncadd.s32 s3;
	_ =	sdelay $0x1  }
0xa1: {  	s23 =	simm.s32 $0x1B8B  }
0xa2: {  	_ =	swait.ge [sflag:s23], $0x1  }
0xa3: {  	[sflag:s23] =	ssyncset.done $0x0  }
0xa4: {  	s25 =	simm.s32 $0x1B8E;
	s24 =	sld [smem:$0x3FFE];
	[sflag:s23] =	ssyncadd.s32 $0xFFFFFFFF  }
0xa5: {  	s26 =	simm.s32 $execute0_lowered;
	[smem:$0x3FD2] =	sst s25  }
0xa6: {  	s4 =	sshll.u32 s26, $0x1;
	_ =	strace $0x80000046;
	[dreg:$0x1] =	wrdreg $0xFFFFFFFF  }
0xa7: {  	s28 =	simm.s32 $_size_execute0_lowered;
	s2 =	sadd.s32 s2, s4;
	[dreg:$0x0] =	wrdreg $0x0  }
0xa8: {  	s4 =	sshll.u32 s28, $0x1;
	[dreg:$0x2] =	wrdreg s2  }
0xa9: {  	[dreg:$0x3] =	wrdreg s4  }
0xaa: {  	[dreg:$0x4] =	wrdreg $0xC0  }
0xab: {  	_ =	task [dreg:s6], $0x5FFFF  }
0xac: {  	[dreg:$0x1] =	wrdreg $0xFFFFFFFF  }
0xad: {  	[dreg:$0x0] =	wrdreg $0x60  }
0xae: {  	[dreg:$0x2] =	wrdreg s24  }
0xaf: {  	[dreg:$0x3] =	wrdreg $0x9  }
0xb0: {  	_ =	task.clear_ibuf [dreg:s6], $0x4FFFF;
	_ =	strace $0x90000046  }
0xb1: {  	s29 =	simm.s32 $0x9;
	_ =	strace $0x80000048  }
0xb2: {  	_ =	swait.ge [sflag:s29], $0x1  }
0xb3: {  	[sflag:s29] =	ssyncadd.s32 $0xFFFFFFFF  }
0xb4: {  	_ =	strace $0x90000048  }
0xb5: {  	_ =	sfence  }
0xb6: {  	s30 =	sld [smem:$0x0];
	_ =	sdelay $0x2  }
0xb7: {  	s31 =	sshll.u32 s1, $0xD;
	s1 =	sshrl.u32 s1, $0x2  }
0xb8: {  	s3 =	sand.u32 $0x4000, s31;
	s1 =	sadd.s32 s1, s30  }
0xb9: {  	s0 =	sor.u32 s3, s0;
	s1 =	sshll.u32 s1, $0x11  }
0xba: {  	s0 =	sor.u32 s1, s0  }
0xbb: {  	s0 =	sadd.s32 $0x8F2B, s0  }
0xbc: {  	[sflag:s0] =	ssyncadd.remote.s32 $0x1  }
0xbd: {  	_ =	sfence.sel $0xFFFF  }
0xbe: {  	[dreg:$0x0] =	wrdreg $0xFFFFFFFF;
	(pc) =	sbr.abs _section_cstart, $3  }
0xbf: {  	[dreg:$0x1] =	wrdreg $0xFFFFFFFF  }
0xc0: {  	_ =	task.clear_ibuf [dreg:s6], $0x2FFFF;
	_ =	strace $0x9FFFFFFF  }
0xc1: {  	(tm) =	ssettm $0x7FFFFFFF  }
tec
execute0_lowered:
.L_overlay_start_1:
0x0: {  	(tag) =	ssettag $0x1  }
0x1: {  	s2 =	srdreg.scid  }
0x2: {  	s4 =	stileid.u32;
	s2 =	sand.u32 $0x1, s2  }
0x3: {  	s4 =	sshll.u32 s4, $0x12;
	s6 =	sshll.u32 s2, $0x11  }
0x4: {  	s0 =	rddreg [dreg:$0x0];
	s22 =	ssub.s32 $0x2, s2;
	s2 =	sor.u32 s6, s4  }
0x5: {  	s1 =	simm.s32 $0x0;
	s3 =	sadd.s32 $0x800, s0;
	s7 =	sor.u32 $0x1000, s2  }
0x6: {  	[smem:$0x7FF] =	sst s1;
	s8 =	sor.u32 $0x2000, s2;
	s24 =	sadd.s32 s3, s7  }
0x7: {  	s5 =	sadd.s32 $0x400800, s0;
	s25 =	sadd.s32 s3, s8;
	[dreg:$0x2] =	wrdreg s24  }
0x8: {  	s4 =	sor.u32 $0x3000, s2;
	s26 =	sadd.s32 s5, s7;
	[dreg:$0x3] =	wrdreg s25  }
0x9: {  	s10 =	sadd.s32 s3, s4;
	[dreg:$0x4] =	wrdreg s26  }
0xa: {  	s9 =	sor.u32 $0x4000, s2;
	s11 =	sadd.s32 s5, s8;
	[dreg:$0x5] =	wrdreg s10  }
0xb: {  	s12 =	sadd.s32 s3, s9;
	[dreg:$0x6] =	wrdreg s11  }
0xc: {  	s13 =	sor.u32 $0x5000, s2;
	s0 =	sadd.s32 s5, s4;
	[dreg:$0x7] =	wrdreg s12  }
0xd: {  	s15 =	sadd.s32 s3, s13;
	[dreg:$0x8] =	wrdreg s0  }
0xe: {  	s14 =	sor.u32 $0x6000, s2;
	s4 =	sadd.s32 s5, s9;
	[dreg:$0x9] =	wrdreg s15  }
0xf: {  	s17 =	sor.u32 $0x7000, s2;
	s16 =	sadd.s32 s3, s14;
	[dreg:$0xa] =	wrdreg s4  }
0x10: {  	s23 =	sshrl.u32 s22, $0x1;
	s19 =	sadd.s32 s3, s17;
	[dreg:$0xb] =	wrdreg s16  }
0x11: {  	s18 =	sor.u32 $0x8000, s2;
	s7 =	sadd.s32 s5, s14;
	[dreg:$0xd] =	wrdreg s19  }
0x12: {  	s21 =	sor.u32 $0x9000, s2;
	s20 =	sadd.s32 s3, s18;
	[dreg:$0xe] =	wrdreg s7  }
0x13: {  	s6 =	ssub.s32 s22, s23;
	s23 =	sadd.s32 s3, s21;
	[dreg:$0xf] =	wrdreg s20  }
0x14: {  	s0 =	sadd.s32 s5, s13;
	[dreg:$0x11] =	wrdreg s23  }
0x15: {  	s22 =	sor.u32 $0xA000, s2;
	s4 =	sadd.s32 s5, s18;
	[dreg:$0xc] =	wrdreg s0  }
0x16: {  	s31 =	sadd.s32 s3, s2;
	s24 =	sadd.s32 s3, s22;
	[dreg:$0x12] =	wrdreg s4  }
0x17: {  	s8 =	sor.u32 $0xC000, s2;
	s25 =	sadd.s32 s5, s22;
	[dreg:$0x13] =	wrdreg s24  }
0x18: {  	s14 =	sor.u32 $0xF000, s2;
	s9 =	sadd.s32 s3, s8;
	[dreg:$0x15] =	wrdreg s25  }
0x19: {  	s6 =	smax.u32 s6, $0x1;
	s15 =	sadd.s32 s3, s14;
	[dreg:$0x18] =	wrdreg s9  }
0x1a: {  	s26 =	sor.u32 $0xB000, s2;
	s0 =	sadd.s32 s5, s17;
	[dreg:$0x1e] =	wrdreg s15  }
0x1b: {  	s10 =	sor.u32 $0xD000, s2;
	s7 =	sadd.s32 s3, s26;
	[dreg:$0x10] =	wrdreg s0  }
0x1c: {  	s12 =	sor.u32 $0xE000, s2;
	s11 =	sadd.s32 s3, s10;
	[dreg:$0x16] =	wrdreg s7  }
0x1d: {  	s16 =	sor.u32 $0x10000, s2;
	s13 =	sadd.s32 s3, s12;
	[dreg:$0x1a] =	wrdreg s11  }
0x1e: {  	s18 =	sor.u32 $0x11000, s2;
	s17 =	sadd.s32 s3, s16;
	[dreg:$0x1c] =	wrdreg s13  }
0x1f: {  	s22 =	sor.u32 $0x13000, s2;
	s19 =	sadd.s32 s3, s18;
	[smem:$0x7EA] =	sst s17  }
0x20: {  	s20 =	sor.u32 $0x12000, s2;
	s23 =	sadd.s32 s3, s22;
	[smem:$0x7EC] =	sst s19  }
0x21: {  	s24 =	sor.u32 $0x14000, s2;
	s0 =	sadd.s32 s5, s21;
	[smem:$0x7F0] =	sst s23  }
0x22: {  	s21 =	sadd.s32 s3, s20;
	s25 =	sadd.s32 s3, s24;
	[dreg:$0x14] =	wrdreg s0  }
0x23: {  	s17 =	sor.u32 $0x1B000, s2;
	s19 =	sor.u32 $0x1D000, s2;
	[smem:$0x7EE] =	sst s21  }
0x24: {  	s0 =	sadd.s32 s5, s26;
	[smem:$0x7F2] =	sst s25;
	s26 =	sor.u32 $0x15000, s2  }
0x25: {  	s25 =	sadd.s32 s5, s17;
	s29 =	sadd.s32 s3, s19;
	s30 =	sadd.s32 s5, s19  }
0x26: {  	s21 =	sor.u32 $0x1F000, s2;
	[dreg:$0x17] =	wrdreg s0;
	s0 =	sadd.s32 s5, s8  }
0x27: {  	s7 =	sadd.s32 s3, s26;
	s8 =	sor.u32 $0x16000, s2;
	[dreg:$0x19] =	wrdreg s0  }
0x28: {  	s0 =	sadd.s32 s5, s10;
	[smem:$0x7F4] =	sst s7;
	s9 =	sadd.s32 s3, s8  }
0x29: {  	s10 =	sor.u32 $0x17000, s2;
	s7 =	simm.s32 $0x8000;
	[dreg:$0x1b] =	wrdreg s0  }
0x2a: {  	s0 =	sadd.s32 s5, s12;
	[smem:$0x7F6] =	sst s9;
	s11 =	sadd.s32 s3, s10  }
0x2b: {  	s12 =	sor.u32 $0x18000, s2;
	s9 =	simm.s32 $0x10000;
	[dreg:$0x1d] =	wrdreg s0  }
0x2c: {  	s0 =	sadd.s32 s5, s14;
	[smem:$0x7F8] =	sst s11;
	s13 =	sadd.s32 s3, s12  }
0x2d: {  	s14 =	sor.u32 $0x19000, s2;
	s11 =	simm.s32 $0x0;
	[dreg:$0x1f] =	wrdreg s0  }
0x2e: {  	s0 =	sadd.s32 s5, s16;
	[smem:$0x7FA] =	sst s13;
	s15 =	sadd.s32 s3, s14  }
0x2f: {  	s16 =	sor.u32 $0x1A000, s2;
	[smem:$0x7EB] =	sst s0;
	s0 =	sadd.s32 s5, s18  }
0x30: {  	[smem:$0x7FC] =	sst s15;
	s23 =	sadd.s32 s5, s16;
	s18 =	sor.u32 $0x1C000, s2  }
0x31: {  	[smem:$0x7ED] =	sst s0;
	s0 =	sadd.s32 s5, s20;
	s28 =	sadd.s32 s5, s18  }
0x32: {  	s20 =	sor.u32 $0x1E000, s2;
	[smem:$0x7EF] =	sst s0;
	s0 =	sadd.s32 s5, s22  }
0x33: {  	s22 =	sadd.s32 s3, s16;
	[smem:$0x7F1] =	sst s0;
	s0 =	sadd.s32 s5, s24  }
0x34: {  	s4 =	sadd.s32 s5, s20;
	[smem:$0x7F3] =	sst s0;
	s0 =	sadd.s32 s5, s26  }
0x35: {  	s24 =	sadd.s32 s3, s17;
	[smem:$0x7F5] =	sst s0;
	s0 =	sadd.s32 s5, s8  }
0x36: {  	s26 =	sadd.s32 s3, s18;
	[smem:$0x7F7] =	sst s0;
	s0 =	sadd.s32 s5, s10  }
0x37: {  	s8 =	simm.s32 $0x1;
	[smem:$0x7F9] =	sst s0;
	s0 =	sadd.s32 s5, s12  }
0x38: {  	s10 =	simm.s32 $0x2;
	[smem:$0x7FB] =	sst s0;
	s0 =	sadd.s32 s5, s14  }
0x39: {  	[smem:$0x7FD] =	sst s0;
	s0 =	sadd.s32 s5, s2;
	s2 =	sadd.s32 s3, s20  }
0x3a: {  	s3 =	sadd.s32 s3, s21;
	s5 =	sadd.s32 s5, s21;
	_ =	strace $0x80000047  }
.LBB2_1:
0x3b: {  	[tilespmem:s1], [sflag:$0x1] =	stream.linear.gather [hbm4b:s31+s1], $0x8000, $0x38;
	[tilespmem:$0x18000] =	vst v63  }
0x3c: {  	s12 =	rddreg [dreg:$0x2]  }
0x3d: {  	[tilespmem:s7], [sflag:$0x1] =	stream.linear.gather [hbm4b:s12+s1], $0x8000, $0x38;
	[tilespmem:$0x18000] =	vst v63  }
0x3e: {  	_ =	swait.ge [sflag:s8], $0x8000  }
0x3f: {  	s20 =	sand.u32 $0x70, s1;
	s13 =	sand.u32 $0x7C00, s1;
	[sflag:s8] =	ssyncset.done $0x0  }
0x40: {  	s12 =	sor.u32 s20, s13;
	[sflag:s8] =	ssyncadd.s32 $0xFFFF8000  }
0x41: {  	v0 =	vld [tilespmem:s12+$0x0]  }
0x42: {  	v1 =	vld [tilespmem:s12+$0x80]  }
0x43: {  	s21 =	sand.u32 $0x7, s1;
	v3 =	vld [tilespmem:s12+$0x180]  }
0x44: {  	s14 =	simm.s32 $0x0;
	s13 =	sshll.u32 s21, $0x4;
	v4 =	vld [tilespmem:s12+$0x280]  }
0x45: {  	s15 =	simm.s32 $0x0;
	s16 =	sadd.s32 $0x0, s13;
	s13 =	simm.s32 $0x10;
	v2 =	vld [tilespmem:s12+$0x100]  }
.LBB2_2:
0x46: {  	p0 =	sne.s32 s13, $0xF90;
	v5 =	vld [tilespmem:s12+$0x300];
	s16 =	sor.u32 $0x380, s16  }
0x47: {  	v6 =	vld [tilespmem:s16+$0x0];
	[tilespmem:s12+$0x0] =	vst v1  }
0x48: {  	[tilespmem:s12+$0x80] =	vst v3  }
0x49: {  	v1 =	vld [tilespmem:s12+$0x200];
	[tilespmem:s12+$0x100] =	vst v4  }
0x4a: {  	[tilespmem:s12+$0x180] =	vst v0  }
0x4b: {  	[tilespmem:s12+$0x200] =	vst v2  }
0x4c: {  	s14 =	sadd.s32 $0x80, s14;
	[tilespmem:s12+$0x280] =	vst v5  }
0x4d: {  	s17 =	sand.u32 $0x70, s13;
	s18 =	sand.u32 $0x7C00, s14;
	[tilespmem:s12+$0x300] =	vst v6  }
0x4e: {  	s12 =	sor.u32 s17, s18;
	[tilespmem:s16+$0x0] =	vst v1  }
.Ltmp0:
0x4f: {  	v0 =	vld [tilespmem:s12+$0x0];
	(pc) =	sbr.rel @p0 .LBB2_2-.Ltmp0, $4  }
0x50: {  	s15 =	sadd.s32 $0x1, s15;
	v1 =	vld [tilespmem:s12+$0x80]  }
0x51: {  	s16 =	sand.u32 $0x7, s15;
	v3 =	vld [tilespmem:s12+$0x180]  }
0x52: {  	s16 =	sshll.u32 s16, $0x4;
	v4 =	vld [tilespmem:s12+$0x280]  }
0x53: {  	s13 =	sadd.s32 $0x10, s13;
	s16 =	sadd.s32 s16, s14;
	v2 =	vld [tilespmem:s12+$0x100]  }
0x54: {  	s13 =	sor.u32 $0x380, s16;
	v6 =	vld [tilespmem:s12+$0x300]  }
0x55: {  	v5 =	vld [tilespmem:s13+$0x0];
	[tilespmem:s12+$0x0] =	vst v1  }
0x56: {  	[tilespmem:s12+$0x180] =	vst v0  }
0x57: {  	v1 =	vld [tilespmem:s12+$0x200];
	[tilespmem:s12+$0x80] =	vst v3  }
0x58: {  	[tilespmem:s12+$0x100] =	vst v4  }
0x59: {  	[tilespmem:s12+$0x200] =	vst v2  }
0x5a: {  	[tilespmem:s12+$0x280] =	vst v6  }
0x5b: {  	[tilespmem:s12+$0x300] =	vst v5  }
0x5c: {  	s17 =	simm.s32 $0x0;
	[tilespmem:s13+$0x0] =	vst v1  }
0x5d: {  	[hbm4b:s0+s17] =	stream.linear.scatter [tilespmem:s17], [sflag:$0x2], $0x8000, $0x38;
	[tilespmem:$0x18000] =	vst v63  }
0x5e: {  	s18 =	rddreg [dreg:$0x3];
	s19 =	sand.u32 $0x7, s17  }
0x5f: {  	[tilespmem:s9], [sflag:$0x1] =	stream.linear.gather [hbm4b:s18+s17], $0x8000, $0x38;
	[tilespmem:$0x18000] =	vst v63  }
0x60: {  	s13 =	sshll.u32 s19, $0x4;
	_ =	swait.ge [sflag:s8], $0x8000  }
0x61: {  	s14 =	sand.u32 $0x70, s17;
	s13 =	sadd.s32 $0x0, s13;
	[sflag:s8] =	ssyncset.done $0x0  }
0x62: {  	s12 =	sand.u32 $0x7C00, s17;
	s13 =	sor.u32 $0x380, s13;
	[sflag:s8] =	ssyncadd.s32 $0xFFFF8000  }
0x63: {  	s16 =	simm.s32 $0x1;
	s15 =	sor.u32 s14, s12;
	v2 =	vld [tilespmem:s13+$0x8000]  }
0x64: {  	s20 =	sand.u32 $0x7, s16;
	v1 =	vld [tilespmem:s15+$0x8180]  }
0x65: {  	s21 =	simm.s32 $0x10;
	s12 =	sshll.u32 s20, $0x4;
	s17 =	simm.s32 $0x80;
	v0 =	vld [tilespmem:s15+$0x8280]  }
0x66: {  	s14 =	sand.u32 $0x70, s21;
	s20 =	sadd.s32 $0x80, s12;
	s19 =	sand.u32 $0x7C00, s17;
	v3 =	vld [tilespmem:s15+$0x8200]  }
0x67: {  	s18 =	simm.s32 $0x20;
	s12 =	sor.u32 s14, s19;
	s14 =	sor.u32 $0x380, s20;
	v4 =	vld [tilespmem:s15+$0x8000]  }
.LBB2_4:
0x68: {  	p0 =	sne.s32 s18, $0xF90;
	s17 =	sadd.s32 $0x80, s17;
	s16 =	sadd.s32 $0x1, s16;
	v5 =	vld [tilespmem:s15+$0x8300];
	[tilespmem:s15+$0x8200] =	vst v2  }
0x69: {  	s19 =	smov.u32 s18;
	s18 =	sadd.s32 $0x10, s18;
	v2 =	vld [tilespmem:s15+$0x8100];
	[tilespmem:s15+$0x8300] =	vst v1  }
0x6a: {  	v1 =	vld [tilespmem:s15+$0x8080];
	[tilespmem:s15+$0x8180] =	vst v0  }
0x6b: {  	s20 =	sand.u32 $0x7, s16;
	[tilespmem:s15+$0x8100] =	vst v3  }
0x6c: {  	s19 =	sand.u32 $0x70, s19;
	s21 =	sand.u32 $0x7C00, s17;
	s20 =	sshll.u32 s20, $0x4;
	[tilespmem:s15+$0x8080] =	vst v4  }
0x6d: {  	s19 =	sor.u32 s19, s21;
	s20 =	sadd.s32 s20, s17;
	[tilespmem:s15+$0x8280] =	vst v5  }
0x6e: {  	s20 =	sor.u32 $0x380, s20;
	[tilespmem:s15+$0x8000] =	vst v2;
	s15 =	smov.u32 s12;
	s12 =	smov.u32 s19  }
0x6f: {  	[tilespmem:s13+$0x8000] =	vst v1;
	s13 =	smov.u32 s14;
	s14 =	smov.u32 s20  }
.Ltmp1:
0x70: {  	v2 =	vld [tilespmem:s13+$0x8000];
	(pc) =	sbr.rel @p0 .LBB2_4-.Ltmp1, $4  }
0x71: {  	v1 =	vld [tilespmem:s15+$0x8180]  }
0x72: {  	v0 =	vld [tilespmem:s15+$0x8280]  }
0x73: {  	v3 =	vld [tilespmem:s15+$0x8200]  }
0x74: {  	v4 =	vld [tilespmem:s15+$0x8000]  }
0x75: {  	v5 =	vld [tilespmem:s15+$0x8300];
	[tilespmem:s15+$0x8200] =	vst v2  }
0x76: {  	v2 =	vld [tilespmem:s15+$0x8100];
	[tilespmem:s15+$0x8300] =	vst v1  }
0x77: {  	v1 =	vld [tilespmem:s15+$0x8080];
	[tilespmem:s15+$0x8180] =	vst v0  }
0x78: {  	[tilespmem:s15+$0x8100] =	vst v3  }
0x79: {  	[tilespmem:s15+$0x8080] =	vst v4  }
0x7a: {  	[tilespmem:s15+$0x8280] =	vst v5  }
0x7b: {  	[tilespmem:s15+$0x8000] =	vst v2  }
0x7c: {  	[tilespmem:s13+$0x8000] =	vst v1  }
0x7d: {  	v0 =	vld [tilespmem:s14+$0x8000]  }
0x7e: {  	v1 =	vld [tilespmem:s12+$0x8180]  }
0x7f: {  	v2 =	vld [tilespmem:s12+$0x8280]  }
0x80: {  	v3 =	vld [tilespmem:s12+$0x8200]  }
0x81: {  	v62 =	vld [tilespmem:s12+$0x8000]  }
0x82: {  	v63 =	vld [tilespmem:s12+$0x8300];
	[tilespmem:s12+$0x8200] =	vst v0  }
0x83: {  	v0 =	vld [tilespmem:s12+$0x8100];
	[tilespmem:s12+$0x8300] =	vst v1  }
0x84: {  	v1 =	vld [tilespmem:s12+$0x8080];
	[tilespmem:s12+$0x8180] =	vst v2  }
0x85: {  	[tilespmem:s12+$0x8100] =	vst v3  }
0x86: {  	[tilespmem:s12+$0x8080] =	vst v62  }
0x87: {  	[tilespmem:s12+$0x8280] =	vst v63  }
0x88: {  	[tilespmem:s12+$0x8000] =	vst v0  }
0x89: {  	s17 =	rddreg [dreg:$0x4];
	s12 =	simm.s32 $0x0;
	[tilespmem:s14+$0x8000] =	vst v1  }
0x8a: {  	[hbm4b:s17+s12] =	stream.linear.scatter [tilespmem:s7], [sflag:$0x2], $0x8000, $0x38;
	[tilespmem:$0x18000] =	vst v63  }
0x8b: {  	_ =	swait.ge [sflag:s10], $0x8000  }
0x8c: {  	[sflag:s10] =	ssyncset.done $0x0  }
0x8d: {  	s18 =	rddreg [dreg:$0x5];
	[sflag:s10] =	ssyncadd.s32 $0xFFFF8000  }
0x8e: {  	[tilespmem:s12], [sflag:$0x1] =	stream.linear.gather [hbm4b:s18+s12], $0x8000, $0x38;
	[tilespmem:$0x18000] =	vst v63  }
0x8f: {  	_ =	swait.ge [sflag:s8], $0x8000  }
0x90: {  	s19 =	sand.u32 $0x70, s12;
	s20 =	sand.u32 $0x7C00, s12;
	[sflag:s8] =	ssyncset.done $0x0  }
0x91: {  	s13 =	sor.u32 s19, s20;
	[sflag:s8] =	ssyncadd.s32 $0xFFFF8000  }
0x92: {  	s21 =	sand.u32 $0x7, s12;
	v0 =	vld [tilespmem:s13+$0x10280]  }
0x93: {  	s15 =	simm.s32 $0x0;
	s14 =	simm.s32 $0x10;
	s16 =	sshll.u32 s21, $0x4;
	v1 =	vld [tilespmem:s13+$0x10000]  }
.LBB2_6:
0x94: {  	p0 =	sne.s32 s14, $0xF90;
	s16 =	sadd.s32 s16, s12;
	v2 =	vld [tilespmem:s13+$0x10080]  }
0x95: {  	s16 =	sor.u32 $0x380, s16;
	v3 =	vld [tilespmem:s13+$0x10100]  }
0x96: {  	v4 =	vld [tilespmem:s16+$0x10000]  }
0x97: {  	v5 =	vld [tilespmem:s13+$0x10180];
	[tilespmem:s13+$0x10000] =	vst v0  }
0x98: {  	[tilespmem:s13+$0x10100] =	vst v1  }
0x99: {  	[tilespmem:s13+$0x10180] =	vst v2  }
.Ltmp2:
0x9a: {  	s12 =	sadd.s32 $0x80, s12;
	[tilespmem:s13+$0x10280] =	vst v3;
	(pc) =	sbr.rel @p0 .LBB2_6-.Ltmp2, $4  }
0x9b: {  	s17 =	sand.u32 $0x70, s14;
	s18 =	sand.u32 $0x7C00, s12;
	[tilespmem:s13+$0x10080] =	vst v4  }
0x9c: {  	s15 =	sadd.s32 $0x1, s15;
	s13 =	sor.u32 s17, s18;
	[tilespmem:s16+$0x10000] =	vst v5  }
0x9d: {  	s16 =	sand.u32 $0x7, s15;
	v0 =	vld [tilespmem:s13+$0x10280]  }
0x9e: {  	s14 =	sadd.s32 $0x10, s14;
	s16 =	sshll.u32 s16, $0x4;
	v1 =	vld [tilespmem:s13+$0x10000]  }
0x9f: {  	s12 =	sadd.s32 s16, s12;
	v2 =	vld [tilespmem:s13+$0x10080]  }
0xa0: {  	v3 =	vld [tilespmem:s13+$0x10100];
	s12 =	sor.u32 $0x380, s12  }
0xa1: {  	v4 =	vld [tilespmem:s12+$0x10000]  }
0xa2: {  	v5 =	vld [tilespmem:s13+$0x10180];
	[tilespmem:s13+$0x10000] =	vst v0  }
0xa3: {  	[tilespmem:s13+$0x10100] =	vst v1  }
0xa4: {  	[tilespmem:s13+$0x10180] =	vst v2  }
0xa5: {  	[tilespmem:s13+$0x10280] =	vst v3  }
0xa6: {  	[tilespmem:s13+$0x10080] =	vst v4  }
0xa7: {  	s18 =	rddreg [dreg:$0x6];
	[tilespmem:s12+$0x10000] =	vst v5;
	s12 =	simm.s32 $0x0  }
0xa8: {  	[hbm4b:s18+s12] =	stream.linear.scatter [tilespmem:s9], [sflag:$0x2], $0x8000, $0x38;
	[tilespmem:$0x18000] =	vst v63  }
0xa9: {  	_ =	swait.ge [sflag:s10], $0x8000  }
0xaa: {  	s15 =	simm.s32 $0x10;
	s16 =	simm.s32 $0x0;
	[sflag:s10] =	ssyncset.done $0x0  }
0xab: {  	s20 =	sand.u32 $0x7, s12;
	s19 =	rddreg [dreg:$0x7];
	[sflag:s10] =	ssyncadd.s32 $0xFFFF8000  }
0xac: {  	[tilespmem:s7], [sflag:$0x1] =	stream.linear.gather [hbm4b:s19+s12], $0x8000, $0x38;
	[tilespmem:$0x18000] =	vst v63  }
0xad: {  	s14 =	sand.u32 $0x70, s12;
	s13 =	sshll.u32 s20, $0x4;
	_ =	swait.ge [sflag:s8], $0x8000  }
0xae: {  	s21 =	sand.u32 $0x7C00, s12;
	s13 =	sadd.s32 $0x0, s13;
	[sflag:s8] =	ssyncset.done $0x0  }
0xaf: {  	s14 =	sor.u32 s14, s21;
	s13 =	sor.u32 $0x380, s13;
	[sflag:s8] =	ssyncadd.s32 $0xFFFF8000  }
.LBB2_8:
0xb0: {  	p0 =	sne.s32 s15, $0xF90;
	v0 =	vld [tilespmem:s13+$0x0];
	s12 =	sadd.s32 $0x80, s12;
	s16 =	sadd.s32 $0x1, s16  }
0xb1: {  	s17 =	smov.u32 s15;
	s15 =	sadd.s32 $0x10, s15;
	v1 =	vld [tilespmem:s14+$0x180]  }
0xb2: {  	v2 =	vld [tilespmem:s14+$0x100]  }
0xb3: {  	s18 =	sand.u32 $0x7, s16;
	v3 =	vld [tilespmem:s14+$0x300]  }
0xb4: {  	s17 =	sand.u32 $0x70, s17;
	s19 =	sand.u32 $0x7C00, s12;
	s18 =	sshll.u32 s18, $0x4;
	v4 =	vld [tilespmem:s14+$0x200]  }
0xb5: {  	s17 =	sor.u32 s17, s19;
	s18 =	sadd.s32 s18, s12;
	v5 =	vld [tilespmem:s14+$0x280];
	[tilespmem:s14+$0x200] =	vst v0  }
0xb6: {  	s18 =	sor.u32 $0x380, s18;
	v0 =	vld [tilespmem:s14+$0x0];
	[tilespmem:s14+$0x100] =	vst v1  }
0xb7: {  	v1 =	vld [tilespmem:s14+$0x80];
	[tilespmem:s14+$0x180] =	vst v2  }
.Ltmp3:
0xb8: {  	[tilespmem:s14+$0x280] =	vst v3;
	(pc) =	sbr.rel @p0 .LBB2_8-.Ltmp3, $4  }
0xb9: {  	[tilespmem:s14+$0x0] =	vst v4  }
0xba: {  	[tilespmem:s14+$0x80] =	vst v5  }
0xbb: {  	[tilespmem:s14+$0x300] =	vst v0;
	s14 =	smov.u32 s17  }
0xbc: {  	[tilespmem:s13+$0x0] =	vst v1;
	s13 =	smov.u32 s18  }
0xbd: {  	v0 =	vld [tilespmem:s13+$0x0]  }
0xbe: {  	v1 =	vld [tilespmem:s14+$0x180]  }
0xbf: {  	v2 =	vld [tilespmem:s14+$0x100]  }
0xc0: {  	v3 =	vld [tilespmem:s14+$0x300]  }
0xc1: {  	v4 =	vld [tilespmem:s14+$0x200]  }
0xc2: {  	v5 =	vld [tilespmem:s14+$0x280];
	[tilespmem:s14+$0x200] =	vst v0  }
0xc3: {  	v0 =	vld [tilespmem:s14+$0x0];
	[tilespmem:s14+$0x100] =	vst v1  }
0xc4: {  	v1 =	vld [tilespmem:s14+$0x80];
	[tilespmem:s14+$0x180] =	vst v2  }
0xc5: {  	[tilespmem:s14+$0x280] =	vst v3  }
0xc6: {  	[tilespmem:s14+$0x0] =	vst v4  }
0xc7: {  	[tilespmem:s14+$0x80] =	vst v5  }
0xc8: {  	[tilespmem:s14+$0x300] =	vst v0  }
0xc9: {  	s12 =	simm.s32 $0x0;
	s18 =	rddreg [dreg:$0x8];
	[tilespmem:s13+$0x0] =	vst v1  }
0xca: {  	[hbm4b:s18+s12] =	stream.linear.scatter [tilespmem:s12], [sflag:$0x2], $0x8000, $0x38;
	[tilespmem:$0x18000] =	vst v63  }
0xcb: {  	_ =	swait.ge [sflag:s10], $0x8000  }
0xcc: {  	[sflag:s10] =	ssyncset.done $0x0  }
0xcd: {  	s20 =	sand.u32 $0x7, s12;
	s19 =	rddreg [dreg:$0x9];
	[sflag:s10] =	ssyncadd.s32 $0xFFFF8000  }
0xce: {  	[tilespmem:s9], [sflag:$0x1] =	stream.linear.gather [hbm4b:s19+s12], $0x8000, $0x38;
	[tilespmem:$0x18000] =	vst v63  }
0xcf: {  	s13 =	sshll.u32 s20, $0x4;
	_ =	swait.ge [sflag:s8], $0x8000  }
0xd0: {  	s21 =	sand.u32 $0x70, s12;
	s13 =	sadd.s32 $0x0, s13;
	[sflag:s8] =	ssyncset.done $0x0  }
0xd1: {  	s15 =	sand.u32 $0x7C00, s12;
	s13 =	sor.u32 $0x380, s13;
	[sflag:s8] =	ssyncadd.s32 $0xFFFF8000  }
0xd2: {  	s14 =	sor.u32 s21, s15;
	v5 =	vld [tilespmem:s13+$0x8000]  }
0xd3: {  	v4 =	vld [tilespmem:s14+$0x8200]  }
0xd4: {  	v3 =	vld [tilespmem:s14+$0x8100]  }
0xd5: {  	v2 =	vld [tilespmem:s14+$0x8280]  }
0xd6: {  	v1 =	vld [tilespmem:s14+$0x8080]  }
0xd7: {  	s16 =	simm.s32 $0x0;
	s15 =	simm.s32 $0x10;
	v0 =	vld [tilespmem:s14+$0x8300];
	[tilespmem:s14+$0x8280] =	vst v5  }
.LBB2_10:
0xd8: {  	p0 =	sne.s32 s15, $0xF90;
	v5 =	vld [tilespmem:s14+$0x8000];
	[tilespmem:s14+$0x8300] =	vst v4;
	s12 =	sadd.s32 $0x80, s12;
	s16 =	sadd.s32 $0x1, s16  }
0xd9: {  	s17 =	smov.u32 s15;
	s15 =	sadd.s32 $0x10, s15;
	[tilespmem:s14+$0x8200] =	vst v3  }
0xda: {  	s18 =	sand.u32 $0x7, s16;
	[tilespmem:s14+$0x8080] =	vst v2  }
0xdb: {  	s18 =	sshll.u32 s18, $0x4;
	[tilespmem:s14+$0x8100] =	vst v1  }
0xdc: {  	s17 =	sand.u32 $0x70, s17;
	s19 =	sand.u32 $0x7C00, s12;
	s18 =	sadd.s32 s18, s12;
	[tilespmem:s14+$0x8000] =	vst v0  }
0xdd: {  	s14 =	sor.u32 s17, s19;
	[tilespmem:s13+$0x8000] =	vst v5;
	s13 =	sor.u32 $0x380, s18  }
0xde: {  	v5 =	vld [tilespmem:s13+$0x8000]  }
.Ltmp4:
0xdf: {  	v4 =	vld [tilespmem:s14+$0x8200];
	(pc) =	sbr.rel @p0 .LBB2_10-.Ltmp4, $4  }
0xe0: {  	v3 =	vld [tilespmem:s14+$0x8100]  }
0xe1: {  	v2 =	vld [tilespmem:s14+$0x8280]  }
0xe2: {  	v1 =	vld [tilespmem:s14+$0x8080]  }
0xe3: {  	v0 =	vld [tilespmem:s14+$0x8300];
	[tilespmem:s14+$0x8280] =	vst v5  }
0xe4: {  	v5 =	vld [tilespmem:s14+$0x8000];
	[tilespmem:s14+$0x8300] =	vst v4  }
0xe5: {  	[tilespmem:s14+$0x8200] =	vst v3  }
0xe6: {  	[tilespmem:s14+$0x8080] =	vst v2  }
0xe7: {  	[tilespmem:s14+$0x8100] =	vst v1  }
0xe8: {  	[tilespmem:s14+$0x8000] =	vst v0  }
0xe9: {  	s12 =	simm.s32 $0x0;
	s17 =	rddreg [dreg:$0xa];
	[tilespmem:s13+$0x8000] =	vst v5  }
0xea: {  	[hbm4b:s17+s12] =	stream.linear.scatter [tilespmem:s7], [sflag:$0x2], $0x8000, $0x38;
	[tilespmem:$0x18000] =	vst v63  }
0xeb: {  	_ =	swait.ge [sflag:s10], $0x8000  }
0xec: {  	[sflag:s10] =	ssyncset.done $0x0  }
0xed: {  	s18 =	rddreg [dreg:$0xb];
	[sflag:s10] =	ssyncadd.s32 $0xFFFF8000  }
0xee: {  	[tilespmem:s12], [sflag:$0x1] =	stream.linear.gather [hbm4b:s18+s12], $0x8000, $0x38;
	[tilespmem:$0x18000] =	vst v63  }
0xef: {  	_ =	swait.ge [sflag:s8], $0x8000  }
0xf0: {  	s19 =	sand.u32 $0x70, s12;
	s20 =	sand.u32 $0x7C00, s12;
	[sflag:s8] =	ssyncset.done $0x0  }
0xf1: {  	s13 =	sor.u32 s19, s20;
	[sflag:s8] =	ssyncadd.s32 $0xFFFF8000  }
0xf2: {  	s21 =	sand.u32 $0x7, s12;
	v0 =	vld [tilespmem:s13+$0x10180]  }
0xf3: {  	s15 =	simm.s32 $0x0;
	s16 =	sshll.u32 s21, $0x4;
	s14 =	simm.s32 $0x10;
	v1 =	vld [tilespmem:s13+$0x10100]  }
.LBB2_12:
0xf4: {  	p0 =	sne.s32 s14, $0xF90;
	s16 =	sadd.s32 s16, s12;
	v2 =	vld [tilespmem:s13+$0x10000]  }
0xf5: {  	s16 =	sor.u32 $0x380, s16;
	v3 =	vld [tilespmem:s13+$0x10280]  }
0xf6: {  	v4 =	vld [tilespmem:s16+$0x10000]  }
0xf7: {  	v5 =	vld [tilespmem:s13+$0x10300];
	[tilespmem:s13+$0x10000] =	vst v0  }
0xf8: {  	[tilespmem:s13+$0x10180] =	vst v1  }
0xf9: {  	[tilespmem:s13+$0x10280] =	vst v2  }
.Ltmp5:
0xfa: {  	s12 =	sadd.s32 $0x80, s12;
	[tilespmem:s13+$0x10300] =	vst v3;
	(pc) =	sbr.rel @p0 .LBB2_12-.Ltmp5, $4  }
0xfb: {  	s17 =	sand.u32 $0x70, s14;
	s18 =	sand.u32 $0x7C00, s12;
	[tilespmem:s13+$0x10100] =	vst v4  }
0xfc: {  	s15 =	sadd.s32 $0x1, s15;
	s13 =	sor.u32 s17, s18;
	[tilespmem:s16+$0x10000] =	vst v5  }
0xfd: {  	s16 =	sand.u32 $0x7, s15;
	v0 =	vld [tilespmem:s13+$0x10180]  }
0xfe: {  	s14 =	sadd.s32 $0x10, s14;
	s16 =	sshll.u32 s16, $0x4;
	v1 =	vld [tilespmem:s13+$0x10100]  }
0xff: {  	s12 =	sadd.s32 s16, s12;
	v2 =	vld [tilespmem:s13+$0x10000]  }
0x100: {  	v3 =	vld [tilespmem:s13+$0x10280];
	s12 =	sor.u32 $0x380, s12  }
0x101: {  	v4 =	vld [tilespmem:s12+$0x10000]  }
0x102: {  	v5 =	vld [tilespmem:s13+$0x10300];
	[tilespmem:s13+$0x10000] =	vst v0  }
0x103: {  	[tilespmem:s13+$0x10180] =	vst v1  }
0x104: {  	[tilespmem:s13+$0x10280] =	vst v2  }
0x105: {  	[tilespmem:s13+$0x10300] =	vst v3  }
0x106: {  	[tilespmem:s13+$0x10100] =	vst v4  }
0x107: {  	s18 =	rddreg [dreg:$0xc];
	[tilespmem:s12+$0x10000] =	vst v5;
	s12 =	simm.s32 $0x0  }
0x108: {  	[hbm4b:s18+s12] =	stream.linear.scatter [tilespmem:s9], [sflag:$0x2], $0x8000, $0x38;
	[tilespmem:$0x18000] =	vst v63  }
0x109: {  	_ =	swait.ge [sflag:s10], $0x8000  }
0x10a: {  	[sflag:s10] =	ssyncset.done $0x0  }
0x10b: {  	s19 =	rddreg [dreg:$0xd];
	[sflag:s10] =	ssyncadd.s32 $0xFFFF8000  }
0x10c: {  	[tilespmem:s7], [sflag:$0x1] =	stream.linear.gather [hbm4b:s19+s12], $0x8000, $0x38;
	[tilespmem:$0x18000] =	vst v63  }
0x10d: {  	_ =	swait.ge [sflag:s8], $0x8000  }
0x10e: {  	s20 =	sand.u32 $0x70, s12;
	s14 =	sand.u32 $0x7C00, s12;
	[sflag:s8] =	ssyncset.done $0x0  }
0x10f: {  	s13 =	sor.u32 s20, s14;
	[sflag:s8] =	ssyncadd.s32 $0xFFFF8000  }
0x110: {  	s21 =	sand.u32 $0x7, s12;
	v3 =	vld [tilespmem:s13+$0x200]  }
0x111: {  	s14 =	sshll.u32 s21, $0x4;
	v2 =	vld [tilespmem:s13+$0x180]  }
0x112: {  	s14 =	sadd.s32 $0x0, s14;
	v1 =	vld [tilespmem:s13+$0x280]  }
0x113: {  	s15 =	simm.s32 $0x10;
	s16 =	simm.s32 $0x0;
	s14 =	sor.u32 $0x380, s14;
	v0 =	vld [tilespmem:s13+$0x300]  }
.LBB2_14:
0x114: {  	p0 =	sne.s32 s15, $0xF90;
	v4 =	vld [tilespmem:s14+$0x0];
	s12 =	sadd.s32 $0x80, s12;
	s16 =	sadd.s32 $0x1, s16  }
0x115: {  	s17 =	smov.u32 s15;
	s15 =	sadd.s32 $0x10, s15;
	v5 =	vld [tilespmem:s13+$0x80];
	[tilespmem:s13+$0x300] =	vst v3  }
0x116: {  	v3 =	vld [tilespmem:s13+$0x0];
	[tilespmem:s13+$0x280] =	vst v2  }
0x117: {  	s18 =	sand.u32 $0x7, s16;
	v2 =	vld [tilespmem:s13+$0x100];
	[tilespmem:s13+$0x200] =	vst v1  }
0x118: {  	s17 =	sand.u32 $0x70, s17;
	s19 =	sand.u32 $0x7C00, s12;
	s18 =	sshll.u32 s18, $0x4;
	[tilespmem:s13+$0x100] =	vst v0  }
0x119: {  	s17 =	sor.u32 s17, s19;
	s18 =	sadd.s32 s18, s12;
	[tilespmem:s13+$0x80] =	vst v4  }
0x11a: {  	s18 =	sor.u32 $0x380, s18;
	[tilespmem:s13+$0x0] =	vst v5  }
0x11b: {  	[tilespmem:s13+$0x180] =	vst v3;
	s13 =	smov.u32 s17  }
.Ltmp6:
0x11c: {  	[tilespmem:s14+$0x0] =	vst v2;
	s14 =	smov.u32 s18;
	(pc) =	sbr.rel @p0 .LBB2_14-.Ltmp6, $4  }
0x11d: {  	v3 =	vld [tilespmem:s13+$0x200]  }
0x11e: {  	v2 =	vld [tilespmem:s13+$0x180]  }
0x11f: {  	v1 =	vld [tilespmem:s13+$0x280]  }
0x120: {  	v0 =	vld [tilespmem:s13+$0x300]  }
0x121: {  	v4 =	vld [tilespmem:s14+$0x0]  }
0x122: {  	v5 =	vld [tilespmem:s13+$0x80];
	[tilespmem:s13+$0x300] =	vst v3  }
0x123: {  	v3 =	vld [tilespmem:s13+$0x0];
	[tilespmem:s13+$0x280] =	vst v2  }
0x124: {  	v2 =	vld [tilespmem:s13+$0x100];
	[tilespmem:s13+$0x200] =	vst v1  }
0x125: {  	[tilespmem:s13+$0x100] =	vst v0  }
0x126: {  	[tilespmem:s13+$0x80] =	vst v4  }
0x127: {  	[tilespmem:s13+$0x0] =	vst v5  }
0x128: {  	[tilespmem:s13+$0x180] =	vst v3  }
0x129: {  	s12 =	simm.s32 $0x0;
	s17 =	rddreg [dreg:$0xe];
	[tilespmem:s14+$0x0] =	vst v2  }
0x12a: {  	[hbm4b:s17+s12] =	stream.linear.scatter [tilespmem:s12], [sflag:$0x2], $0x8000, $0x38;
	[tilespmem:$0x18000] =	vst v63  }
0x12b: {  	_ =	swait.ge [sflag:s10], $0x8000  }
0x12c: {  	[sflag:s10] =	ssyncset.done $0x0  }
0x12d: {  	s18 =	rddreg [dreg:$0xf];
	[sflag:s10] =	ssyncadd.s32 $0xFFFF8000  }
0x12e: {  	[tilespmem:s9], [sflag:$0x1] =	stream.linear.gather [hbm4b:s18+s12], $0x8000, $0x38;
	[tilespmem:$0x18000] =	vst v63  }
0x12f: {  	_ =	swait.ge [sflag:s8], $0x8000  }
0x130: {  	s19 =	sand.u32 $0x70, s12;
	s20 =	sand.u32 $0x7C00, s12;
	[sflag:s8] =	ssyncset.done $0x0  }
0x131: {  	s13 =	sor.u32 s19, s20;
	[sflag:s8] =	ssyncadd.s32 $0xFFFF8000  }
0x132: {  	v0 =	vld [tilespmem:s13+$0x8280]  }
0x133: {  	s21 =	sand.u32 $0x7, s12;
	v1 =	vld [tilespmem:s13+$0x8000]  }
0x134: {  	s15 =	simm.s32 $0x0;
	s16 =	sshll.u32 s21, $0x4;
	s14 =	simm.s32 $0x10;
	v2 =	vld [tilespmem:s13+$0x8080]  }
.LBB2_16:
0x135: {  	p0 =	sne.s32 s14, $0xF90;
	s16 =	sadd.s32 s16, s12;
	v3 =	vld [tilespmem:s13+$0x8180]  }
0x136: {  	s16 =	sor.u32 $0x380, s16;
	v4 =	vld [tilespmem:s13+$0x8200]  }
0x137: {  	v5 =	vld [tilespmem:s16+$0x8000];
	[tilespmem:s13+$0x8000] =	vst v0  }
0x138: {  	v0 =	vld [tilespmem:s13+$0x8300];
	[tilespmem:s13+$0x8080] =	vst v1  }
0x139: {  	[tilespmem:s13+$0x8200] =	vst v2  }
0x13a: {  	[tilespmem:s13+$0x8280] =	vst v3  }
0x13b: {  	s12 =	sadd.s32 $0x80, s12;
	[tilespmem:s13+$0x8300] =	vst v4  }
.Ltmp7:
0x13c: {  	s17 =	sand.u32 $0x70, s14;
	s18 =	sand.u32 $0x7C00, s12;
	[tilespmem:s13+$0x8180] =	vst v5;
	(pc) =	sbr.rel @p0 .LBB2_16-.Ltmp7, $4  }
0x13d: {  	s13 =	sor.u32 s17, s18;
	[tilespmem:s16+$0x8000] =	vst v0  }
0x13e: {  	s15 =	sadd.s32 $0x1, s15;
	v0 =	vld [tilespmem:s13+$0x8280]  }
0x13f: {  	s16 =	sand.u32 $0x7, s15;
	v1 =	vld [tilespmem:s13+$0x8000]  }
0x140: {  	s14 =	sadd.s32 $0x10, s14;
	s16 =	sshll.u32 s16, $0x4;
	v2 =	vld [tilespmem:s13+$0x8080]  }
0x141: {  	s12 =	sadd.s32 s16, s12;
	v3 =	vld [tilespmem:s13+$0x8180]  }
0x142: {  	v4 =	vld [tilespmem:s13+$0x8200];
	s12 =	sor.u32 $0x380, s12  }
0x143: {  	v5 =	vld [tilespmem:s12+$0x8000];
	[tilespmem:s13+$0x8000] =	vst v0  }
0x144: {  	v0 =	vld [tilespmem:s13+$0x8300];
	[tilespmem:s13+$0x8080] =	vst v1  }
0x145: {  	[tilespmem:s13+$0x8200] =	vst v2  }
0x146: {  	[tilespmem:s13+$0x8280] =	vst v3  }
0x147: {  	[tilespmem:s13+$0x8300] =	vst v4  }
0x148: {  	[tilespmem:s13+$0x8180] =	vst v5  }
0x149: {  	s18 =	rddreg [dreg:$0x10];
	[tilespmem:s12+$0x8000] =	vst v0;
	s12 =	simm.s32 $0x0  }
0x14a: {  	[hbm4b:s18+s12] =	stream.linear.scatter [tilespmem:s7], [sflag:$0x2], $0x8000, $0x38;
	[tilespmem:$0x18000] =	vst v63  }
0x14b: {  	_ =	swait.ge [sflag:s10], $0x8000  }
0x14c: {  	[sflag:s10] =	ssyncset.done $0x0  }
0x14d: {  	s19 =	rddreg [dreg:$0x11];
	[sflag:s10] =	ssyncadd.s32 $0xFFFF8000  }
0x14e: {  	[tilespmem:s12], [sflag:$0x1] =	stream.linear.gather [hbm4b:s19+s12], $0x8000, $0x38;
	[tilespmem:$0x18000] =	vst v63  }
0x14f: {  	_ =	swait.ge [sflag:s8], $0x8000  }
0x150: {  	s20 =	sand.u32 $0x70, s12;
	s14 =	sand.u32 $0x7C00, s12;
	[sflag:s8] =	ssyncset.done $0x0  }
0x151: {  	s13 =	sor.u32 s20, s14;
	[sflag:s8] =	ssyncadd.s32 $0xFFFF8000  }
0x152: {  	v0 =	vld [tilespmem:s13+$0x10000]  }
0x153: {  	v1 =	vld [tilespmem:s13+$0x10080]  }
0x154: {  	s21 =	sand.u32 $0x7, s12;
	v3 =	vld [tilespmem:s13+$0x10180]  }
0x155: {  	s14 =	sshll.u32 s21, $0x4;
	v4 =	vld [tilespmem:s13+$0x10280]  }
0x156: {  	s15 =	simm.s32 $0x0;
	s16 =	sadd.s32 $0x0, s14;
	s14 =	simm.s32 $0x10;
	v2 =	vld [tilespmem:s13+$0x10100]  }
.LBB2_18:
0x157: {  	p0 =	sne.s32 s14, $0xF90;
	v5 =	vld [tilespmem:s13+$0x10300];
	s16 =	sor.u32 $0x380, s16  }
0x158: {  	v6 =	vld [tilespmem:s16+$0x10000];
	[tilespmem:s13+$0x10000] =	vst v1  }
0x159: {  	[tilespmem:s13+$0x10080] =	vst v3  }
0x15a: {  	v1 =	vld [tilespmem:s13+$0x10200];
	[tilespmem:s13+$0x10100] =	vst v4  }
0x15b: {  	[tilespmem:s13+$0x10180] =	vst v0  }
0x15c: {  	[tilespmem:s13+$0x10200] =	vst v2  }
0x15d: {  	s12 =	sadd.s32 $0x80, s12;
	[tilespmem:s13+$0x10280] =	vst v5  }
0x15e: {  	s17 =	sand.u32 $0x70, s14;
	s18 =	sand.u32 $0x7C00, s12;
	[tilespmem:s13+$0x10300] =	vst v6  }
0x15f: {  	s13 =	sor.u32 s17, s18;
	[tilespmem:s16+$0x10000] =	vst v1  }
.Ltmp8:
0x160: {  	v0 =	vld [tilespmem:s13+$0x10000];
	(pc) =	sbr.rel @p0 .LBB2_18-.Ltmp8, $4  }
0x161: {  	s15 =	sadd.s32 $0x1, s15;
	v1 =	vld [tilespmem:s13+$0x10080]  }
0x162: {  	s16 =	sand.u32 $0x7, s15;
	v3 =	vld [tilespmem:s13+$0x10180]  }
0x163: {  	s16 =	sshll.u32 s16, $0x4;
	v4 =	vld [tilespmem:s13+$0x10280]  }
0x164: {  	s14 =	sadd.s32 $0x10, s14;
	s16 =	sadd.s32 s16, s12;
	v2 =	vld [tilespmem:s13+$0x10100]  }
0x165: {  	s12 =	sor.u32 $0x380, s16;
	v6 =	vld [tilespmem:s13+$0x10300]  }
0x166: {  	v5 =	vld [tilespmem:s12+$0x10000];
	[tilespmem:s13+$0x10000] =	vst v1  }
0x167: {  	[tilespmem:s13+$0x10180] =	vst v0  }
0x168: {  	v1 =	vld [tilespmem:s13+$0x10200];
	[tilespmem:s13+$0x10080] =	vst v3  }
0x169: {  	[tilespmem:s13+$0x10100] =	vst v4  }
0x16a: {  	[tilespmem:s13+$0x10200] =	vst v2  }
0x16b: {  	[tilespmem:s13+$0x10280] =	vst v6  }
0x16c: {  	[tilespmem:s13+$0x10300] =	vst v5  }
0x16d: {  	s16 =	simm.s32 $0x0;
	s17 =	rddreg [dreg:$0x12];
	[tilespmem:s12+$0x10000] =	vst v1  }
0x16e: {  	[hbm4b:s17+s16] =	stream.linear.scatter [tilespmem:s9], [sflag:$0x2], $0x8000, $0x38;
	[tilespmem:$0x18000] =	vst v63  }
0x16f: {  	_ =	swait.ge [sflag:s10], $0x8000  }
0x170: {  	[sflag:s10] =	ssyncset.done $0x0  }
0x171: {  	s19 =	sand.u32 $0x7, s16;
	s18 =	rddreg [dreg:$0x13];
	[sflag:s10] =	ssyncadd.s32 $0xFFFF8000  }
0x172: {  	[tilespmem:s7], [sflag:$0x1] =	stream.linear.gather [hbm4b:s18+s16], $0x8000, $0x38;
	[tilespmem:$0x18000] =	vst v63  }
0x173: {  	s13 =	sshll.u32 s19, $0x4;
	_ =	swait.ge [sflag:s8], $0x8000  }
0x174: {  	s14 =	sand.u32 $0x70, s16;
	s13 =	sadd.s32 $0x0, s13;
	[sflag:s8] =	ssyncset.done $0x0  }
0x175: {  	s12 =	sand.u32 $0x7C00, s16;
	s13 =	sor.u32 $0x380, s13;
	[sflag:s8] =	ssyncadd.s32 $0xFFFF8000  }
0x176: {  	s15 =	sor.u32 s14, s12;
	s16 =	simm.s32 $0x1;
	v2 =	vld [tilespmem:s13+$0x0]  }
0x177: {  	s20 =	sand.u32 $0x7, s16;
	v1 =	vld [tilespmem:s15+$0x180]  }
0x178: {  	s21 =	simm.s32 $0x10;
	s17 =	simm.s32 $0x80;
	s12 =	sshll.u32 s20, $0x4;
	v0 =	vld [tilespmem:s15+$0x280]  }
0x179: {  	s14 =	sand.u32 $0x70, s21;
	s19 =	sand.u32 $0x7C00, s17;
	s20 =	sadd.s32 $0x80, s12;
	v3 =	vld [tilespmem:s15+$0x200]  }
0x17a: {  	s18 =	simm.s32 $0x20;
	s12 =	sor.u32 s14, s19;
	s14 =	sor.u32 $0x380, s20;
	v4 =	vld [tilespmem:s15+$0x0]  }
.LBB2_20:
0x17b: {  	p0 =	sne.s32 s18, $0xF90;
	s17 =	sadd.s32 $0x80, s17;
	s16 =	sadd.s32 $0x1, s16;
	v5 =	vld [tilespmem:s15+$0x300];
	[tilespmem:s15+$0x200] =	vst v2  }
0x17c: {  	s19 =	smov.u32 s18;
	s18 =	sadd.s32 $0x10, s18;
	v2 =	vld [tilespmem:s15+$0x100];
	[tilespmem:s15+$0x300] =	vst v1  }
0x17d: {  	v1 =	vld [tilespmem:s15+$0x80];
	[tilespmem:s15+$0x180] =	vst v0  }
0x17e: {  	s20 =	sand.u32 $0x7, s16;
	[tilespmem:s15+$0x100] =	vst v3  }
0x17f: {  	s19 =	sand.u32 $0x70, s19;
	s21 =	sand.u32 $0x7C00, s17;
	s20 =	sshll.u32 s20, $0x4;
	[tilespmem:s15+$0x80] =	vst v4  }
0x180: {  	s19 =	sor.u32 s19, s21;
	s20 =	sadd.s32 s20, s17;
	[tilespmem:s15+$0x280] =	vst v5  }
0x181: {  	s20 =	sor.u32 $0x380, s20;
	[tilespmem:s15+$0x0] =	vst v2;
	s15 =	smov.u32 s12;
	s12 =	smov.u32 s19  }
0x182: {  	[tilespmem:s13+$0x0] =	vst v1;
	s13 =	smov.u32 s14;
	s14 =	smov.u32 s20  }
.Ltmp9:
0x183: {  	v2 =	vld [tilespmem:s13+$0x0];
	(pc) =	sbr.rel @p0 .LBB2_20-.Ltmp9, $4  }
0x184: {  	v1 =	vld [tilespmem:s15+$0x180]  }
0x185: {  	v0 =	vld [tilespmem:s15+$0x280]  }
0x186: {  	v3 =	vld [tilespmem:s15+$0x200]  }
0x187: {  	v4 =	vld [tilespmem:s15+$0x0]  }
0x188: {  	v5 =	vld [tilespmem:s15+$0x300];
	[tilespmem:s15+$0x200] =	vst v2  }
0x189: {  	v2 =	vld [tilespmem:s15+$0x100];
	[tilespmem:s15+$0x300] =	vst v1  }
0x18a: {  	v1 =	vld [tilespmem:s15+$0x80];
	[tilespmem:s15+$0x180] =	vst v0  }
0x18b: {  	[tilespmem:s15+$0x100] =	vst v3  }
0x18c: {  	[tilespmem:s15+$0x80] =	vst v4  }
0x18d: {  	[tilespmem:s15+$0x280] =	vst v5  }
0x18e: {  	[tilespmem:s15+$0x0] =	vst v2  }
0x18f: {  	[tilespmem:s13+$0x0] =	vst v1  }
0x190: {  	v0 =	vld [tilespmem:s14+$0x0]  }
0x191: {  	v1 =	vld [tilespmem:s12+$0x180]  }
0x192: {  	v2 =	vld [tilespmem:s12+$0x280]  }
0x193: {  	v3 =	vld [tilespmem:s12+$0x200]  }
0x194: {  	v62 =	vld [tilespmem:s12+$0x0]  }
0x195: {  	v63 =	vld [tilespmem:s12+$0x300];
	[tilespmem:s12+$0x200] =	vst v0  }
0x196: {  	v0 =	vld [tilespmem:s12+$0x100];
	[tilespmem:s12+$0x300] =	vst v1  }
0x197: {  	v1 =	vld [tilespmem:s12+$0x80];
	[tilespmem:s12+$0x180] =	vst v2  }
0x198: {  	[tilespmem:s12+$0x100] =	vst v3  }
0x199: {  	[tilespmem:s12+$0x80] =	vst v62  }
0x19a: {  	[tilespmem:s12+$0x280] =	vst v63  }
0x19b: {  	[tilespmem:s12+$0x0] =	vst v0  }
0x19c: {  	s17 =	rddreg [dreg:$0x14];
	s12 =	simm.s32 $0x0;
	[tilespmem:s14+$0x0] =	vst v1  }
0x19d: {  	[hbm4b:s17+s12] =	stream.linear.scatter [tilespmem:s12], [sflag:$0x2], $0x8000, $0x38;
	[tilespmem:$0x18000] =	vst v63  }
0x19e: {  	_ =	swait.ge [sflag:s10], $0x8000  }
0x19f: {  	[sflag:s10] =	ssyncset.done $0x0  }
0x1a0: {  	s18 =	rddreg [dreg:$0x16];
	[sflag:s10] =	ssyncadd.s32 $0xFFFF8000  }
0x1a1: {  	[tilespmem:s9], [sflag:$0x1] =	stream.linear.gather [hbm4b:s18+s12], $0x8000, $0x38;
	[tilespmem:$0x18000] =	vst v63  }
0x1a2: {  	_ =	swait.ge [sflag:s8], $0x8000  }
0x1a3: {  	s19 =	sand.u32 $0x70, s12;
	s20 =	sand.u32 $0x7C00, s12;
	[sflag:s8] =	ssyncset.done $0x0  }
0x1a4: {  	s13 =	sor.u32 s19, s20;
	[sflag:s8] =	ssyncadd.s32 $0xFFFF8000  }
0x1a5: {  	s21 =	sand.u32 $0x7, s12;
	v0 =	vld [tilespmem:s13+$0x8280]  }
0x1a6: {  	s15 =	simm.s32 $0x0;
	s14 =	simm.s32 $0x10;
	s16 =	sshll.u32 s21, $0x4;
	v1 =	vld [tilespmem:s13+$0x8000]  }
.LBB2_22:
0x1a7: {  	p0 =	sne.s32 s14, $0xF90;
	s16 =	sadd.s32 s16, s12;
	v2 =	vld [tilespmem:s13+$0x8080]  }
0x1a8: {  	s16 =	sor.u32 $0x380, s16;
	v3 =	vld [tilespmem:s13+$0x8100]  }
0x1a9: {  	v4 =	vld [tilespmem:s16+$0x8000]  }
0x1aa: {  	v5 =	vld [tilespmem:s13+$0x8180];
	[tilespmem:s13+$0x8000] =	vst v0  }
0x1ab: {  	[tilespmem:s13+$0x8100] =	vst v1  }
0x1ac: {  	[tilespmem:s13+$0x8180] =	vst v2  }
.Ltmp10:
0x1ad: {  	s12 =	sadd.s32 $0x80, s12;
	[tilespmem:s13+$0x8280] =	vst v3;
	(pc) =	sbr.rel @p0 .LBB2_22-.Ltmp10, $4  }
0x1ae: {  	s17 =	sand.u32 $0x70, s14;
	s18 =	sand.u32 $0x7C00, s12;
	[tilespmem:s13+$0x8080] =	vst v4  }
0x1af: {  	s15 =	sadd.s32 $0x1, s15;
	s13 =	sor.u32 s17, s18;
	[tilespmem:s16+$0x8000] =	vst v5  }
0x1b0: {  	s16 =	sand.u32 $0x7, s15;
	v0 =	vld [tilespmem:s13+$0x8280]  }
0x1b1: {  	s14 =	sadd.s32 $0x10, s14;
	s16 =	sshll.u32 s16, $0x4;
	v1 =	vld [tilespmem:s13+$0x8000]  }
0x1b2: {  	s12 =	sadd.s32 s16, s12;
	v2 =	vld [tilespmem:s13+$0x8080]  }
0x1b3: {  	v3 =	vld [tilespmem:s13+$0x8100];
	s12 =	sor.u32 $0x380, s12  }
0x1b4: {  	v4 =	vld [tilespmem:s12+$0x8000]  }
0x1b5: {  	v5 =	vld [tilespmem:s13+$0x8180];
	[tilespmem:s13+$0x8000] =	vst v0  }
0x1b6: {  	[tilespmem:s13+$0x8100] =	vst v1  }
0x1b7: {  	[tilespmem:s13+$0x8180] =	vst v2  }
0x1b8: {  	[tilespmem:s13+$0x8280] =	vst v3  }
0x1b9: {  	[tilespmem:s13+$0x8080] =	vst v4  }
0x1ba: {  	s18 =	rddreg [dreg:$0x15];
	[tilespmem:s12+$0x8000] =	vst v5;
	s12 =	simm.s32 $0x0  }
0x1bb: {  	[hbm4b:s18+s12] =	stream.linear.scatter [tilespmem:s7], [sflag:$0x2], $0x8000, $0x38;
	[tilespmem:$0x18000] =	vst v63  }
0x1bc: {  	_ =	swait.ge [sflag:s10], $0x8000  }
0x1bd: {  	s15 =	simm.s32 $0x10;
	s16 =	simm.s32 $0x0;
	[sflag:s10] =	ssyncset.done $0x0  }
0x1be: {  	s20 =	sand.u32 $0x7, s12;
	s19 =	rddreg [dreg:$0x18];
	[sflag:s10] =	ssyncadd.s32 $0xFFFF8000  }
0x1bf: {  	[tilespmem:s12], [sflag:$0x1] =	stream.linear.gather [hbm4b:s19+s12], $0x8000, $0x38;
	[tilespmem:$0x18000] =	vst v63  }
0x1c0: {  	s14 =	sand.u32 $0x70, s12;
	s13 =	sshll.u32 s20, $0x4;
	_ =	swait.ge [sflag:s8], $0x8000  }
0x1c1: {  	s21 =	sand.u32 $0x7C00, s12;
	s13 =	sadd.s32 $0x0, s13;
	[sflag:s8] =	ssyncset.done $0x0  }
0x1c2: {  	s14 =	sor.u32 s14, s21;
	s13 =	sor.u32 $0x380, s13;
	[sflag:s8] =	ssyncadd.s32 $0xFFFF8000  }
.LBB2_24:
0x1c3: {  	p0 =	sne.s32 s15, $0xF90;
	v0 =	vld [tilespmem:s13+$0x10000];
	s12 =	sadd.s32 $0x80, s12;
	s16 =	sadd.s32 $0x1, s16  }
0x1c4: {  	s17 =	smov.u32 s15;
	s15 =	sadd.s32 $0x10, s15;
	v1 =	vld [tilespmem:s14+$0x10180]  }
0x1c5: {  	v2 =	vld [tilespmem:s14+$0x10100]  }
0x1c6: {  	s18 =	sand.u32 $0x7, s16;
	v3 =	vld [tilespmem:s14+$0x10300]  }
0x1c7: {  	s17 =	sand.u32 $0x70, s17;
	s19 =	sand.u32 $0x7C00, s12;
	s18 =	sshll.u32 s18, $0x4;
	v4 =	vld [tilespmem:s14+$0x10200]  }
0x1c8: {  	s17 =	sor.u32 s17, s19;
	s18 =	sadd.s32 s18, s12;
	v5 =	vld [tilespmem:s14+$0x10280];
	[tilespmem:s14+$0x10200] =	vst v0  }
0x1c9: {  	s18 =	sor.u32 $0x380, s18;
	v0 =	vld [tilespmem:s14+$0x10000];
	[tilespmem:s14+$0x10100] =	vst v1  }
0x1ca: {  	v1 =	vld [tilespmem:s14+$0x10080];
	[tilespmem:s14+$0x10180] =	vst v2  }
.Ltmp11:
0x1cb: {  	[tilespmem:s14+$0x10280] =	vst v3;
	(pc) =	sbr.rel @p0 .LBB2_24-.Ltmp11, $4  }
0x1cc: {  	[tilespmem:s14+$0x10000] =	vst v4  }
0x1cd: {  	[tilespmem:s14+$0x10080] =	vst v5  }
0x1ce: {  	[tilespmem:s14+$0x10300] =	vst v0;
	s14 =	smov.u32 s17  }
0x1cf: {  	[tilespmem:s13+$0x10000] =	vst v1;
	s13 =	smov.u32 s18  }
0x1d0: {  	v0 =	vld [tilespmem:s13+$0x10000]  }
0x1d1: {  	v1 =	vld [tilespmem:s14+$0x10180]  }
0x1d2: {  	v2 =	vld [tilespmem:s14+$0x10100]  }
0x1d3: {  	v3 =	vld [tilespmem:s14+$0x10300]  }
0x1d4: {  	v4 =	vld [tilespmem:s14+$0x10200]  }
0x1d5: {  	v5 =	vld [tilespmem:s14+$0x10280];
	[tilespmem:s14+$0x10200] =	vst v0  }
0x1d6: {  	v0 =	vld [tilespmem:s14+$0x10000];
	[tilespmem:s14+$0x10100] =	vst v1  }
0x1d7: {  	v1 =	vld [tilespmem:s14+$0x10080];
	[tilespmem:s14+$0x10180] =	vst v2  }
0x1d8: {  	[tilespmem:s14+$0x10280] =	vst v3  }
0x1d9: {  	[tilespmem:s14+$0x10000] =	vst v4  }
0x1da: {  	[tilespmem:s14+$0x10080] =	vst v5  }
0x1db: {  	[tilespmem:s14+$0x10300] =	vst v0  }
0x1dc: {  	s12 =	simm.s32 $0x0;
	s18 =	rddreg [dreg:$0x17];
	[tilespmem:s13+$0x10000] =	vst v1  }
0x1dd: {  	[hbm4b:s18+s12] =	stream.linear.scatter [tilespmem:s9], [sflag:$0x2], $0x8000, $0x38;
	[tilespmem:$0x18000] =	vst v63  }
0x1de: {  	_ =	swait.ge [sflag:s10], $0x8000  }
0x1df: {  	[sflag:s10] =	ssyncset.done $0x0  }
0x1e0: {  	s20 =	sand.u32 $0x7, s12;
	s19 =	rddreg [dreg:$0x1a];
	[sflag:s10] =	ssyncadd.s32 $0xFFFF8000  }
0x1e1: {  	[tilespmem:s7], [sflag:$0x1] =	stream.linear.gather [hbm4b:s19+s12], $0x8000, $0x38;
	[tilespmem:$0x18000] =	vst v63  }
0x1e2: {  	s13 =	sshll.u32 s20, $0x4;
	_ =	swait.ge [sflag:s8], $0x8000  }
0x1e3: {  	s21 =	sand.u32 $0x70, s12;
	s13 =	sadd.s32 $0x0, s13;
	[sflag:s8] =	ssyncset.done $0x0  }
0x1e4: {  	s15 =	sand.u32 $0x7C00, s12;
	s13 =	sor.u32 $0x380, s13;
	[sflag:s8] =	ssyncadd.s32 $0xFFFF8000  }
0x1e5: {  	s14 =	sor.u32 s21, s15;
	v5 =	vld [tilespmem:s13+$0x0]  }
0x1e6: {  	v4 =	vld [tilespmem:s14+$0x200]  }
0x1e7: {  	v3 =	vld [tilespmem:s14+$0x100]  }
0x1e8: {  	v2 =	vld [tilespmem:s14+$0x280]  }
0x1e9: {  	v1 =	vld [tilespmem:s14+$0x80]  }
0x1ea: {  	s16 =	simm.s32 $0x0;
	s15 =	simm.s32 $0x10;
	v0 =	vld [tilespmem:s14+$0x300];
	[tilespmem:s14+$0x280] =	vst v5  }
.LBB2_26:
0x1eb: {  	p0 =	sne.s32 s15, $0xF90;
	v5 =	vld [tilespmem:s14+$0x0];
	[tilespmem:s14+$0x300] =	vst v4;
	s12 =	sadd.s32 $0x80, s12;
	s16 =	sadd.s32 $0x1, s16  }
0x1ec: {  	s17 =	smov.u32 s15;
	s15 =	sadd.s32 $0x10, s15;
	[tilespmem:s14+$0x200] =	vst v3  }
0x1ed: {  	s18 =	sand.u32 $0x7, s16;
	[tilespmem:s14+$0x80] =	vst v2  }
0x1ee: {  	s18 =	sshll.u32 s18, $0x4;
	[tilespmem:s14+$0x100] =	vst v1  }
0x1ef: {  	s17 =	sand.u32 $0x70, s17;
	s19 =	sand.u32 $0x7C00, s12;
	s18 =	sadd.s32 s18, s12;
	[tilespmem:s14+$0x0] =	vst v0  }
0x1f0: {  	s14 =	sor.u32 s17, s19;
	[tilespmem:s13+$0x0] =	vst v5;
	s13 =	sor.u32 $0x380, s18  }
0x1f1: {  	v5 =	vld [tilespmem:s13+$0x0]  }
.Ltmp12:
0x1f2: {  	v4 =	vld [tilespmem:s14+$0x200];
	(pc) =	sbr.rel @p0 .LBB2_26-.Ltmp12, $4  }
0x1f3: {  	v3 =	vld [tilespmem:s14+$0x100]  }
0x1f4: {  	v2 =	vld [tilespmem:s14+$0x280]  }
0x1f5: {  	v1 =	vld [tilespmem:s14+$0x80]  }
0x1f6: {  	v0 =	vld [tilespmem:s14+$0x300];
	[tilespmem:s14+$0x280] =	vst v5  }
0x1f7: {  	v5 =	vld [tilespmem:s14+$0x0];
	[tilespmem:s14+$0x300] =	vst v4  }
0x1f8: {  	[tilespmem:s14+$0x200] =	vst v3  }
0x1f9: {  	[tilespmem:s14+$0x80] =	vst v2  }
0x1fa: {  	[tilespmem:s14+$0x100] =	vst v1  }
0x1fb: {  	[tilespmem:s14+$0x0] =	vst v0  }
0x1fc: {  	s12 =	simm.s32 $0x0;
	s17 =	rddreg [dreg:$0x19];
	[tilespmem:s13+$0x0] =	vst v5  }
0x1fd: {  	[hbm4b:s17+s12] =	stream.linear.scatter [tilespmem:s12], [sflag:$0x2], $0x8000, $0x38;
	[tilespmem:$0x18000] =	vst v63  }
0x1fe: {  	_ =	swait.ge [sflag:s10], $0x8000  }
0x1ff: {  	[sflag:s10] =	ssyncset.done $0x0  }
0x200: {  	s18 =	rddreg [dreg:$0x1c];
	[sflag:s10] =	ssyncadd.s32 $0xFFFF8000  }
0x201: {  	[tilespmem:s9], [sflag:$0x1] =	stream.linear.gather [hbm4b:s18+s12], $0x8000, $0x38;
	[tilespmem:$0x18000] =	vst v63  }
0x202: {  	_ =	swait.ge [sflag:s8], $0x8000  }
0x203: {  	s19 =	sand.u32 $0x70, s12;
	s20 =	sand.u32 $0x7C00, s12;
	[sflag:s8] =	ssyncset.done $0x0  }
0x204: {  	s13 =	sor.u32 s19, s20;
	[sflag:s8] =	ssyncadd.s32 $0xFFFF8000  }
0x205: {  	s21 =	sand.u32 $0x7, s12;
	v0 =	vld [tilespmem:s13+$0x8180]  }
0x206: {  	s15 =	simm.s32 $0x0;
	s16 =	sshll.u32 s21, $0x4;
	s14 =	simm.s32 $0x10;
	v1 =	vld [tilespmem:s13+$0x8100]  }
.LBB2_28:
0x207: {  	p0 =	sne.s32 s14, $0xF90;
	s16 =	sadd.s32 s16, s12;
	v2 =	vld [tilespmem:s13+$0x8000]  }
0x208: {  	s16 =	sor.u32 $0x380, s16;
	v3 =	vld [tilespmem:s13+$0x8280]  }
0x209: {  	v4 =	vld [tilespmem:s16+$0x8000]  }
0x20a: {  	v5 =	vld [tilespmem:s13+$0x8300];
	[tilespmem:s13+$0x8000] =	vst v0  }
0x20b: {  	[tilespmem:s13+$0x8180] =	vst v1  }
0x20c: {  	[tilespmem:s13+$0x8280] =	vst v2  }
.Ltmp13:
0x20d: {  	s12 =	sadd.s32 $0x80, s12;
	[tilespmem:s13+$0x8300] =	vst v3;
	(pc) =	sbr.rel @p0 .LBB2_28-.Ltmp13, $4  }
0x20e: {  	s17 =	sand.u32 $0x70, s14;
	s18 =	sand.u32 $0x7C00, s12;
	[tilespmem:s13+$0x8100] =	vst v4  }
0x20f: {  	s15 =	sadd.s32 $0x1, s15;
	s13 =	sor.u32 s17, s18;
	[tilespmem:s16+$0x8000] =	vst v5  }
0x210: {  	s16 =	sand.u32 $0x7, s15;
	v0 =	vld [tilespmem:s13+$0x8180]  }
0x211: {  	s14 =	sadd.s32 $0x10, s14;
	s16 =	sshll.u32 s16, $0x4;
	v1 =	vld [tilespmem:s13+$0x8100]  }
0x212: {  	s12 =	sadd.s32 s16, s12;
	v2 =	vld [tilespmem:s13+$0x8000]  }
0x213: {  	v3 =	vld [tilespmem:s13+$0x8280];
	s12 =	sor.u32 $0x380, s12  }
0x214: {  	v4 =	vld [tilespmem:s12+$0x8000]  }
0x215: {  	v5 =	vld [tilespmem:s13+$0x8300];
	[tilespmem:s13+$0x8000] =	vst v0  }
0x216: {  	[tilespmem:s13+$0x8180] =	vst v1  }
0x217: {  	[tilespmem:s13+$0x8280] =	vst v2  }
0x218: {  	[tilespmem:s13+$0x8300] =	vst v3  }
0x219: {  	[tilespmem:s13+$0x8100] =	vst v4  }
0x21a: {  	s18 =	rddreg [dreg:$0x1b];
	[tilespmem:s12+$0x8000] =	vst v5;
	s12 =	simm.s32 $0x0  }
0x21b: {  	[hbm4b:s18+s12] =	stream.linear.scatter [tilespmem:s7], [sflag:$0x2], $0x8000, $0x38;
	[tilespmem:$0x18000] =	vst v63  }
0x21c: {  	_ =	swait.ge [sflag:s10], $0x8000  }
0x21d: {  	[sflag:s10] =	ssyncset.done $0x0  }
0x21e: {  	s19 =	rddreg [dreg:$0x1e];
	[sflag:s10] =	ssyncadd.s32 $0xFFFF8000  }
0x21f: {  	[tilespmem:s12], [sflag:$0x1] =	stream.linear.gather [hbm4b:s19+s12], $0x8000, $0x38;
	[tilespmem:$0x18000] =	vst v63  }
0x220: {  	_ =	swait.ge [sflag:s8], $0x8000  }
0x221: {  	s20 =	sand.u32 $0x70, s12;
	s14 =	sand.u32 $0x7C00, s12;
	[sflag:s8] =	ssyncset.done $0x0  }
0x222: {  	s13 =	sor.u32 s20, s14;
	[sflag:s8] =	ssyncadd.s32 $0xFFFF8000  }
0x223: {  	s21 =	sand.u32 $0x7, s12;
	v3 =	vld [tilespmem:s13+$0x10200]  }
0x224: {  	s14 =	sshll.u32 s21, $0x4;
	v2 =	vld [tilespmem:s13+$0x10180]  }
0x225: {  	s14 =	sadd.s32 $0x0, s14;
	v1 =	vld [tilespmem:s13+$0x10280]  }
0x226: {  	s15 =	simm.s32 $0x10;
	s16 =	simm.s32 $0x0;
	s14 =	sor.u32 $0x380, s14;
	v0 =	vld [tilespmem:s13+$0x10300]  }
.LBB2_30:
0x227: {  	p0 =	sne.s32 s15, $0xF90;
	v4 =	vld [tilespmem:s14+$0x10000];
	s12 =	sadd.s32 $0x80, s12;
	s16 =	sadd.s32 $0x1, s16  }
0x228: {  	s17 =	smov.u32 s15;
	s15 =	sadd.s32 $0x10, s15;
	v5 =	vld [tilespmem:s13+$0x10080];
	[tilespmem:s13+$0x10300] =	vst v3  }
0x229: {  	v3 =	vld [tilespmem:s13+$0x10000];
	[tilespmem:s13+$0x10280] =	vst v2  }
0x22a: {  	s18 =	sand.u32 $0x7, s16;
	v2 =	vld [tilespmem:s13+$0x10100];
	[tilespmem:s13+$0x10200] =	vst v1  }
0x22b: {  	s17 =	sand.u32 $0x70, s17;
	s19 =	sand.u32 $0x7C00, s12;
	s18 =	sshll.u32 s18, $0x4;
	[tilespmem:s13+$0x10100] =	vst v0  }
0x22c: {  	s17 =	sor.u32 s17, s19;
	s18 =	sadd.s32 s18, s12;
	[tilespmem:s13+$0x10080] =	vst v4  }
0x22d: {  	s18 =	sor.u32 $0x380, s18;
	[tilespmem:s13+$0x10000] =	vst v5  }
0x22e: {  	[tilespmem:s13+$0x10180] =	vst v3;
	s13 =	smov.u32 s17  }
.Ltmp14:
0x22f: {  	[tilespmem:s14+$0x10000] =	vst v2;
	s14 =	smov.u32 s18;
	(pc) =	sbr.rel @p0 .LBB2_30-.Ltmp14, $4  }
0x230: {  	v3 =	vld [tilespmem:s13+$0x10200]  }
0x231: {  	v2 =	vld [tilespmem:s13+$0x10180]  }
0x232: {  	v1 =	vld [tilespmem:s13+$0x10280]  }
0x233: {  	v0 =	vld [tilespmem:s13+$0x10300]  }
0x234: {  	v4 =	vld [tilespmem:s14+$0x10000]  }
0x235: {  	v5 =	vld [tilespmem:s13+$0x10080];
	[tilespmem:s13+$0x10300] =	vst v3  }
0x236: {  	v3 =	vld [tilespmem:s13+$0x10000];
	[tilespmem:s13+$0x10280] =	vst v2  }
0x237: {  	v2 =	vld [tilespmem:s13+$0x10100];
	[tilespmem:s13+$0x10200] =	vst v1  }
0x238: {  	[tilespmem:s13+$0x10100] =	vst v0  }
0x239: {  	[tilespmem:s13+$0x10080] =	vst v4  }
0x23a: {  	[tilespmem:s13+$0x10000] =	vst v5  }
0x23b: {  	[tilespmem:s13+$0x10180] =	vst v3  }
0x23c: {  	s12 =	simm.s32 $0x0;
	s17 =	rddreg [dreg:$0x1d];
	[tilespmem:s14+$0x10000] =	vst v2  }
0x23d: {  	[hbm4b:s17+s12] =	stream.linear.scatter [tilespmem:s9], [sflag:$0x2], $0x8000, $0x38;
	[tilespmem:$0x18000] =	vst v63  }
0x23e: {  	_ =	swait.ge [sflag:s10], $0x8000  }
0x23f: {  	s18 =	sld [smem:$0x7EA]  }
0x240: {  	[sflag:s10] =	ssyncset.done $0x0  }
0x241: {  	[sflag:s10] =	ssyncadd.s32 $0xFFFF8000  }
0x242: {  	[tilespmem:s7], [sflag:$0x1] =	stream.linear.gather [hbm4b:s18+s12], $0x8000, $0x38;
	[tilespmem:$0x18000] =	vst v63  }
0x243: {  	_ =	swait.ge [sflag:s8], $0x8000  }
0x244: {  	s19 =	sand.u32 $0x70, s12;
	s20 =	sand.u32 $0x7C00, s12;
	[sflag:s8] =	ssyncset.done $0x0  }
0x245: {  	s13 =	sor.u32 s19, s20;
	[sflag:s8] =	ssyncadd.s32 $0xFFFF8000  }
0x246: {  	v0 =	vld [tilespmem:s13+$0x280]  }
0x247: {  	s21 =	sand.u32 $0x7, s12;
	v1 =	vld [tilespmem:s13+$0x0]  }
0x248: {  	s15 =	simm.s32 $0x0;
	s16 =	sshll.u32 s21, $0x4;
	s14 =	simm.s32 $0x10;
	v2 =	vld [tilespmem:s13+$0x80]  }
.LBB2_32:
0x249: {  	p0 =	sne.s32 s14, $0xF90;
	s16 =	sadd.s32 s16, s12;
	v3 =	vld [tilespmem:s13+$0x180]  }
0x24a: {  	s16 =	sor.u32 $0x380, s16;
	v4 =	vld [tilespmem:s13+$0x200]  }
0x24b: {  	v5 =	vld [tilespmem:s16+$0x0];
	[tilespmem:s13+$0x0] =	vst v0  }
0x24c: {  	v0 =	vld [tilespmem:s13+$0x300];
	[tilespmem:s13+$0x80] =	vst v1  }
0x24d: {  	[tilespmem:s13+$0x200] =	vst v2  }
0x24e: {  	[tilespmem:s13+$0x280] =	vst v3  }
0x24f: {  	s12 =	sadd.s32 $0x80, s12;
	[tilespmem:s13+$0x300] =	vst v4  }
.Ltmp15:
0x250: {  	s17 =	sand.u32 $0x70, s14;
	s18 =	sand.u32 $0x7C00, s12;
	[tilespmem:s13+$0x180] =	vst v5;
	(pc) =	sbr.rel @p0 .LBB2_32-.Ltmp15, $4  }
0x251: {  	s13 =	sor.u32 s17, s18;
	[tilespmem:s16+$0x0] =	vst v0  }
0x252: {  	s15 =	sadd.s32 $0x1, s15;
	v0 =	vld [tilespmem:s13+$0x280]  }
0x253: {  	s16 =	sand.u32 $0x7, s15;
	v1 =	vld [tilespmem:s13+$0x0]  }
0x254: {  	s14 =	sadd.s32 $0x10, s14;
	s16 =	sshll.u32 s16, $0x4;
	v2 =	vld [tilespmem:s13+$0x80]  }
0x255: {  	s12 =	sadd.s32 s16, s12;
	v3 =	vld [tilespmem:s13+$0x180]  }
0x256: {  	v4 =	vld [tilespmem:s13+$0x200];
	s12 =	sor.u32 $0x380, s12  }
0x257: {  	v5 =	vld [tilespmem:s12+$0x0];
	[tilespmem:s13+$0x0] =	vst v0  }
0x258: {  	v0 =	vld [tilespmem:s13+$0x300];
	[tilespmem:s13+$0x80] =	vst v1  }
0x259: {  	[tilespmem:s13+$0x200] =	vst v2  }
0x25a: {  	[tilespmem:s13+$0x280] =	vst v3  }
0x25b: {  	[tilespmem:s13+$0x300] =	vst v4  }
0x25c: {  	[tilespmem:s13+$0x180] =	vst v5  }
0x25d: {  	s18 =	rddreg [dreg:$0x1f];
	[tilespmem:s12+$0x0] =	vst v0;
	s12 =	simm.s32 $0x0  }
0x25e: {  	[hbm4b:s18+s12] =	stream.linear.scatter [tilespmem:s12], [sflag:$0x2], $0x8000, $0x38;
	[tilespmem:$0x18000] =	vst v63  }
0x25f: {  	_ =	swait.ge [sflag:s10], $0x8000  }
0x260: {  	s19 =	sld [smem:$0x7EC]  }
0x261: {  	[sflag:s10] =	ssyncset.done $0x0  }
0x262: {  	[sflag:s10] =	ssyncadd.s32 $0xFFFF8000  }
0x263: {  	[tilespmem:s9], [sflag:$0x1] =	stream.linear.gather [hbm4b:s19+s12], $0x8000, $0x38;
	[tilespmem:$0x18000] =	vst v63  }
0x264: {  	_ =	swait.ge [sflag:s8], $0x8000  }
0x265: {  	s20 =	sand.u32 $0x70, s12;
	s14 =	sand.u32 $0x7C00, s12;
	[sflag:s8] =	ssyncset.done $0x0  }
0x266: {  	s13 =	sor.u32 s20, s14;
	[sflag:s8] =	ssyncadd.s32 $0xFFFF8000  }
0x267: {  	v0 =	vld [tilespmem:s13+$0x8000]  }
0x268: {  	v1 =	vld [tilespmem:s13+$0x8080]  }
0x269: {  	s21 =	sand.u32 $0x7, s12;
	v3 =	vld [tilespmem:s13+$0x8180]  }
0x26a: {  	s14 =	sshll.u32 s21, $0x4;
	v4 =	vld [tilespmem:s13+$0x8280]  }
0x26b: {  	s15 =	simm.s32 $0x0;
	s16 =	sadd.s32 $0x0, s14;
	s14 =	simm.s32 $0x10;
	v2 =	vld [tilespmem:s13+$0x8100]  }
.LBB2_34:
0x26c: {  	p0 =	sne.s32 s14, $0xF90;
	v5 =	vld [tilespmem:s13+$0x8300];
	s16 =	sor.u32 $0x380, s16  }
0x26d: {  	v6 =	vld [tilespmem:s16+$0x8000];
	[tilespmem:s13+$0x8000] =	vst v1  }
0x26e: {  	[tilespmem:s13+$0x8080] =	vst v3  }
0x26f: {  	v1 =	vld [tilespmem:s13+$0x8200];
	[tilespmem:s13+$0x8100] =	vst v4  }
0x270: {  	[tilespmem:s13+$0x8180] =	vst v0  }
0x271: {  	[tilespmem:s13+$0x8200] =	vst v2  }
0x272: {  	s12 =	sadd.s32 $0x80, s12;
	[tilespmem:s13+$0x8280] =	vst v5  }
0x273: {  	s17 =	sand.u32 $0x70, s14;
	s18 =	sand.u32 $0x7C00, s12;
	[tilespmem:s13+$0x8300] =	vst v6  }
0x274: {  	s13 =	sor.u32 s17, s18;
	[tilespmem:s16+$0x8000] =	vst v1  }
.Ltmp16:
0x275: {  	v0 =	vld [tilespmem:s13+$0x8000];
	(pc) =	sbr.rel @p0 .LBB2_34-.Ltmp16, $4  }
0x276: {  	s15 =	sadd.s32 $0x1, s15;
	v1 =	vld [tilespmem:s13+$0x8080]  }
0x277: {  	s16 =	sand.u32 $0x7, s15;
	v3 =	vld [tilespmem:s13+$0x8180]  }
0x278: {  	s16 =	sshll.u32 s16, $0x4;
	v4 =	vld [tilespmem:s13+$0x8280]  }
0x279: {  	s14 =	sadd.s32 $0x10, s14;
	s16 =	sadd.s32 s16, s12;
	v2 =	vld [tilespmem:s13+$0x8100]  }
0x27a: {  	s12 =	sor.u32 $0x380, s16;
	v6 =	vld [tilespmem:s13+$0x8300]  }
0x27b: {  	v5 =	vld [tilespmem:s12+$0x8000];
	[tilespmem:s13+$0x8000] =	vst v1  }
0x27c: {  	[tilespmem:s13+$0x8180] =	vst v0  }
0x27d: {  	v1 =	vld [tilespmem:s13+$0x8200];
	[tilespmem:s13+$0x8080] =	vst v3  }
0x27e: {  	[tilespmem:s13+$0x8100] =	vst v4  }
0x27f: {  	[tilespmem:s13+$0x8200] =	vst v2  }
0x280: {  	s17 =	sld [smem:$0x7EB];
	[tilespmem:s13+$0x8280] =	vst v6  }
0x281: {  	[tilespmem:s13+$0x8300] =	vst v5  }
0x282: {  	s16 =	simm.s32 $0x0;
	[tilespmem:s12+$0x8000] =	vst v1  }
0x283: {  	[hbm4b:s17+s16] =	stream.linear.scatter [tilespmem:s7], [sflag:$0x2], $0x8000, $0x38;
	[tilespmem:$0x18000] =	vst v63  }
0x284: {  	_ =	swait.ge [sflag:s10], $0x8000  }
0x285: {  	s18 =	sld [smem:$0x7EE]  }
0x286: {  	[sflag:s10] =	ssyncset.done $0x0  }
0x287: {  	s19 =	sand.u32 $0x7, s16;
	[sflag:s10] =	ssyncadd.s32 $0xFFFF8000  }
0x288: {  	[tilespmem:s16], [sflag:$0x1] =	stream.linear.gather [hbm4b:s18+s16], $0x8000, $0x38;
	[tilespmem:$0x18000] =	vst v63  }
0x289: {  	s13 =	sshll.u32 s19, $0x4;
	_ =	swait.ge [sflag:s8], $0x8000  }
0x28a: {  	s14 =	sand.u32 $0x70, s16;
	s13 =	sadd.s32 $0x0, s13;
	[sflag:s8] =	ssyncset.done $0x0  }
0x28b: {  	s12 =	sand.u32 $0x7C00, s16;
	s13 =	sor.u32 $0x380, s13;
	[sflag:s8] =	ssyncadd.s32 $0xFFFF8000  }
0x28c: {  	s15 =	sor.u32 s14, s12;
	s16 =	simm.s32 $0x1;
	v2 =	vld [tilespmem:s13+$0x10000]  }
0x28d: {  	s20 =	sand.u32 $0x7, s16;
	v1 =	vld [tilespmem:s15+$0x10180]  }
0x28e: {  	s21 =	simm.s32 $0x10;
	s17 =	simm.s32 $0x80;
	s12 =	sshll.u32 s20, $0x4;
	v0 =	vld [tilespmem:s15+$0x10280]  }
0x28f: {  	s14 =	sand.u32 $0x70, s21;
	s19 =	sand.u32 $0x7C00, s17;
	s20 =	sadd.s32 $0x80, s12;
	v3 =	vld [tilespmem:s15+$0x10200]  }
0x290: {  	s18 =	simm.s32 $0x20;
	s12 =	sor.u32 s14, s19;
	s14 =	sor.u32 $0x380, s20;
	v4 =	vld [tilespmem:s15+$0x10000]  }
.LBB2_36:
0x291: {  	p0 =	sne.s32 s18, $0xF90;
	s17 =	sadd.s32 $0x80, s17;
	s16 =	sadd.s32 $0x1, s16;
	v5 =	vld [tilespmem:s15+$0x10300];
	[tilespmem:s15+$0x10200] =	vst v2  }
0x292: {  	s19 =	smov.u32 s18;
	s18 =	sadd.s32 $0x10, s18;
	v2 =	vld [tilespmem:s15+$0x10100];
	[tilespmem:s15+$0x10300] =	vst v1  }
0x293: {  	v1 =	vld [tilespmem:s15+$0x10080];
	[tilespmem:s15+$0x10180] =	vst v0  }
0x294: {  	s20 =	sand.u32 $0x7, s16;
	[tilespmem:s15+$0x10100] =	vst v3  }
0x295: {  	s19 =	sand.u32 $0x70, s19;
	s21 =	sand.u32 $0x7C00, s17;
	s20 =	sshll.u32 s20, $0x4;
	[tilespmem:s15+$0x10080] =	vst v4  }
0x296: {  	s19 =	sor.u32 s19, s21;
	s20 =	sadd.s32 s20, s17;
	[tilespmem:s15+$0x10280] =	vst v5  }
0x297: {  	s20 =	sor.u32 $0x380, s20;
	[tilespmem:s15+$0x10000] =	vst v2;
	s15 =	smov.u32 s12;
	s12 =	smov.u32 s19  }
0x298: {  	[tilespmem:s13+$0x10000] =	vst v1;
	s13 =	smov.u32 s14;
	s14 =	smov.u32 s20  }
.Ltmp17:
0x299: {  	v2 =	vld [tilespmem:s13+$0x10000];
	(pc) =	sbr.rel @p0 .LBB2_36-.Ltmp17, $4  }
0x29a: {  	v1 =	vld [tilespmem:s15+$0x10180]  }
0x29b: {  	v0 =	vld [tilespmem:s15+$0x10280]  }
0x29c: {  	v3 =	vld [tilespmem:s15+$0x10200]  }
0x29d: {  	v4 =	vld [tilespmem:s15+$0x10000]  }
0x29e: {  	v5 =	vld [tilespmem:s15+$0x10300];
	[tilespmem:s15+$0x10200] =	vst v2  }
0x29f: {  	v2 =	vld [tilespmem:s15+$0x10100];
	[tilespmem:s15+$0x10300] =	vst v1  }
0x2a0: {  	v1 =	vld [tilespmem:s15+$0x10080];
	[tilespmem:s15+$0x10180] =	vst v0  }
0x2a1: {  	[tilespmem:s15+$0x10100] =	vst v3  }
0x2a2: {  	[tilespmem:s15+$0x10080] =	vst v4  }
0x2a3: {  	[tilespmem:s15+$0x10280] =	vst v5  }
0x2a4: {  	[tilespmem:s15+$0x10000] =	vst v2  }
0x2a5: {  	[tilespmem:s13+$0x10000] =	vst v1  }
0x2a6: {  	v0 =	vld [tilespmem:s14+$0x10000]  }
0x2a7: {  	v1 =	vld [tilespmem:s12+$0x10180]  }
0x2a8: {  	v2 =	vld [tilespmem:s12+$0x10280]  }
0x2a9: {  	v3 =	vld [tilespmem:s12+$0x10200]  }
0x2aa: {  	v62 =	vld [tilespmem:s12+$0x10000]  }
0x2ab: {  	v63 =	vld [tilespmem:s12+$0x10300];
	[tilespmem:s12+$0x10200] =	vst v0  }
0x2ac: {  	v0 =	vld [tilespmem:s12+$0x10100];
	[tilespmem:s12+$0x10300] =	vst v1  }
0x2ad: {  	v1 =	vld [tilespmem:s12+$0x10080];
	[tilespmem:s12+$0x10180] =	vst v2  }
0x2ae: {  	[tilespmem:s12+$0x10100] =	vst v3  }
0x2af: {  	[tilespmem:s12+$0x10080] =	vst v62  }
0x2b0: {  	s17 =	sld [smem:$0x7ED];
	[tilespmem:s12+$0x10280] =	vst v63  }
0x2b1: {  	[tilespmem:s12+$0x10000] =	vst v0  }
0x2b2: {  	s12 =	simm.s32 $0x0;
	[tilespmem:s14+$0x10000] =	vst v1  }
0x2b3: {  	[hbm4b:s17+s12] =	stream.linear.scatter [tilespmem:s9], [sflag:$0x2], $0x8000, $0x38;
	[tilespmem:$0x18000] =	vst v63  }
0x2b4: {  	_ =	swait.ge [sflag:s10], $0x8000  }
0x2b5: {  	s18 =	sld [smem:$0x7F0]  }
0x2b6: {  	[sflag:s10] =	ssyncset.done $0x0  }
0x2b7: {  	[sflag:s10] =	ssyncadd.s32 $0xFFFF8000  }
0x2b8: {  	[tilespmem:s7], [sflag:$0x1] =	stream.linear.gather [hbm4b:s18+s12], $0x8000, $0x38;
	[tilespmem:$0x18000] =	vst v63  }
0x2b9: {  	_ =	swait.ge [sflag:s8], $0x8000  }
0x2ba: {  	s19 =	sand.u32 $0x70, s12;
	s20 =	sand.u32 $0x7C00, s12;
	[sflag:s8] =	ssyncset.done $0x0  }
0x2bb: {  	s13 =	sor.u32 s19, s20;
	[sflag:s8] =	ssyncadd.s32 $0xFFFF8000  }
0x2bc: {  	s21 =	sand.u32 $0x7, s12;
	v0 =	vld [tilespmem:s13+$0x280]  }
0x2bd: {  	s15 =	simm.s32 $0x0;
	s14 =	simm.s32 $0x10;
	s16 =	sshll.u32 s21, $0x4;
	v1 =	vld [tilespmem:s13+$0x0]  }
.LBB2_38:
0x2be: {  	p0 =	sne.s32 s14, $0xF90;
	s16 =	sadd.s32 s16, s12;
	v2 =	vld [tilespmem:s13+$0x80]  }
0x2bf: {  	s16 =	sor.u32 $0x380, s16;
	v3 =	vld [tilespmem:s13+$0x100]  }
0x2c0: {  	v4 =	vld [tilespmem:s16+$0x0]  }
0x2c1: {  	v5 =	vld [tilespmem:s13+$0x180];
	[tilespmem:s13+$0x0] =	vst v0  }
0x2c2: {  	[tilespmem:s13+$0x100] =	vst v1  }
0x2c3: {  	[tilespmem:s13+$0x180] =	vst v2  }
.Ltmp18:
0x2c4: {  	s12 =	sadd.s32 $0x80, s12;
	[tilespmem:s13+$0x280] =	vst v3;
	(pc) =	sbr.rel @p0 .LBB2_38-.Ltmp18, $4  }
0x2c5: {  	s17 =	sand.u32 $0x70, s14;
	s18 =	sand.u32 $0x7C00, s12;
	[tilespmem:s13+$0x80] =	vst v4  }
0x2c6: {  	s15 =	sadd.s32 $0x1, s15;
	s13 =	sor.u32 s17, s18;
	[tilespmem:s16+$0x0] =	vst v5  }
0x2c7: {  	s16 =	sand.u32 $0x7, s15;
	v0 =	vld [tilespmem:s13+$0x280]  }
0x2c8: {  	s14 =	sadd.s32 $0x10, s14;
	s16 =	sshll.u32 s16, $0x4;
	v1 =	vld [tilespmem:s13+$0x0]  }
0x2c9: {  	s12 =	sadd.s32 s16, s12;
	v2 =	vld [tilespmem:s13+$0x80]  }
0x2ca: {  	v3 =	vld [tilespmem:s13+$0x100];
	s12 =	sor.u32 $0x380, s12  }
0x2cb: {  	v4 =	vld [tilespmem:s12+$0x0]  }
0x2cc: {  	v5 =	vld [tilespmem:s13+$0x180];
	[tilespmem:s13+$0x0] =	vst v0  }
0x2cd: {  	[tilespmem:s13+$0x100] =	vst v1  }
0x2ce: {  	[tilespmem:s13+$0x180] =	vst v2  }
0x2cf: {  	s18 =	sld [smem:$0x7EF];
	[tilespmem:s13+$0x280] =	vst v3  }
0x2d0: {  	[tilespmem:s13+$0x80] =	vst v4  }
0x2d1: {  	[tilespmem:s12+$0x0] =	vst v5;
	s12 =	simm.s32 $0x0  }
0x2d2: {  	[hbm4b:s18+s12] =	stream.linear.scatter [tilespmem:s12], [sflag:$0x2], $0x8000, $0x38;
	[tilespmem:$0x18000] =	vst v63  }
0x2d3: {  	_ =	swait.ge [sflag:s10], $0x8000  }
0x2d4: {  	s19 =	sld [smem:$0x7F2]  }
0x2d5: {  	s15 =	simm.s32 $0x10;
	[sflag:s10] =	ssyncset.done $0x0  }
0x2d6: {  	s16 =	simm.s32 $0x0;
	s20 =	sand.u32 $0x7, s12;
	[sflag:s10] =	ssyncadd.s32 $0xFFFF8000  }
0x2d7: {  	[tilespmem:s9], [sflag:$0x1] =	stream.linear.gather [hbm4b:s19+s12], $0x8000, $0x38;
	[tilespmem:$0x18000] =	vst v63  }
0x2d8: {  	s14 =	sand.u32 $0x70, s12;
	s13 =	sshll.u32 s20, $0x4;
	_ =	swait.ge [sflag:s8], $0x8000  }
0x2d9: {  	s21 =	sand.u32 $0x7C00, s12;
	s13 =	sadd.s32 $0x0, s13;
	[sflag:s8] =	ssyncset.done $0x0  }
0x2da: {  	s14 =	sor.u32 s14, s21;
	s13 =	sor.u32 $0x380, s13;
	[sflag:s8] =	ssyncadd.s32 $0xFFFF8000  }
.LBB2_40:
0x2db: {  	p0 =	sne.s32 s15, $0xF90;
	v0 =	vld [tilespmem:s13+$0x8000];
	s12 =	sadd.s32 $0x80, s12;
	s16 =	sadd.s32 $0x1, s16  }
0x2dc: {  	s17 =	smov.u32 s15;
	s15 =	sadd.s32 $0x10, s15;
	v1 =	vld [tilespmem:s14+$0x8180]  }
0x2dd: {  	v2 =	vld [tilespmem:s14+$0x8100]  }
0x2de: {  	s18 =	sand.u32 $0x7, s16;
	v3 =	vld [tilespmem:s14+$0x8300]  }
0x2df: {  	s17 =	sand.u32 $0x70, s17;
	s19 =	sand.u32 $0x7C00, s12;
	s18 =	sshll.u32 s18, $0x4;
	v4 =	vld [tilespmem:s14+$0x8200]  }
0x2e0: {  	s17 =	sor.u32 s17, s19;
	s18 =	sadd.s32 s18, s12;
	v5 =	vld [tilespmem:s14+$0x8280];
	[tilespmem:s14+$0x8200] =	vst v0  }
0x2e1: {  	s18 =	sor.u32 $0x380, s18;
	v0 =	vld [tilespmem:s14+$0x8000];
	[tilespmem:s14+$0x8100] =	vst v1  }
0x2e2: {  	v1 =	vld [tilespmem:s14+$0x8080];
	[tilespmem:s14+$0x8180] =	vst v2  }
.Ltmp19:
0x2e3: {  	[tilespmem:s14+$0x8280] =	vst v3;
	(pc) =	sbr.rel @p0 .LBB2_40-.Ltmp19, $4  }
0x2e4: {  	[tilespmem:s14+$0x8000] =	vst v4  }
0x2e5: {  	[tilespmem:s14+$0x8080] =	vst v5  }
0x2e6: {  	[tilespmem:s14+$0x8300] =	vst v0;
	s14 =	smov.u32 s17  }
0x2e7: {  	[tilespmem:s13+$0x8000] =	vst v1;
	s13 =	smov.u32 s18  }
0x2e8: {  	v0 =	vld [tilespmem:s13+$0x8000]  }
0x2e9: {  	v1 =	vld [tilespmem:s14+$0x8180]  }
0x2ea: {  	v2 =	vld [tilespmem:s14+$0x8100]  }
0x2eb: {  	v3 =	vld [tilespmem:s14+$0x8300]  }
0x2ec: {  	v4 =	vld [tilespmem:s14+$0x8200]  }
0x2ed: {  	v5 =	vld [tilespmem:s14+$0x8280];
	[tilespmem:s14+$0x8200] =	vst v0  }
0x2ee: {  	v0 =	vld [tilespmem:s14+$0x8000];
	[tilespmem:s14+$0x8100] =	vst v1  }
0x2ef: {  	v1 =	vld [tilespmem:s14+$0x8080];
	[tilespmem:s14+$0x8180] =	vst v2  }
0x2f0: {  	[tilespmem:s14+$0x8280] =	vst v3  }
0x2f1: {  	[tilespmem:s14+$0x8000] =	vst v4  }
0x2f2: {  	s18 =	sld [smem:$0x7F1];
	[tilespmem:s14+$0x8080] =	vst v5  }
0x2f3: {  	[tilespmem:s14+$0x8300] =	vst v0  }
0x2f4: {  	s12 =	simm.s32 $0x0;
	[tilespmem:s13+$0x8000] =	vst v1  }
0x2f5: {  	[hbm4b:s18+s12] =	stream.linear.scatter [tilespmem:s7], [sflag:$0x2], $0x8000, $0x38;
	[tilespmem:$0x18000] =	vst v63  }
0x2f6: {  	_ =	swait.ge [sflag:s10], $0x8000  }
0x2f7: {  	s19 =	sld [smem:$0x7F4]  }
0x2f8: {  	[sflag:s10] =	ssyncset.done $0x0  }
0x2f9: {  	s20 =	sand.u32 $0x7, s12;
	[sflag:s10] =	ssyncadd.s32 $0xFFFF8000  }
0x2fa: {  	[tilespmem:s12], [sflag:$0x1] =	stream.linear.gather [hbm4b:s19+s12], $0x8000, $0x38;
	[tilespmem:$0x18000] =	vst v63  }
0x2fb: {  	s13 =	sshll.u32 s20, $0x4;
	_ =	swait.ge [sflag:s8], $0x8000  }
0x2fc: {  	s21 =	sand.u32 $0x70, s12;
	s13 =	sadd.s32 $0x0, s13;
	[sflag:s8] =	ssyncset.done $0x0  }
0x2fd: {  	s15 =	sand.u32 $0x7C00, s12;
	s13 =	sor.u32 $0x380, s13;
	[sflag:s8] =	ssyncadd.s32 $0xFFFF8000  }
0x2fe: {  	s14 =	sor.u32 s21, s15;
	v5 =	vld [tilespmem:s13+$0x10000]  }
0x2ff: {  	v4 =	vld [tilespmem:s14+$0x10200]  }
0x300: {  	v3 =	vld [tilespmem:s14+$0x10100]  }
0x301: {  	v2 =	vld [tilespmem:s14+$0x10280]  }
0x302: {  	v1 =	vld [tilespmem:s14+$0x10080]  }
0x303: {  	s16 =	simm.s32 $0x0;
	s15 =	simm.s32 $0x10;
	v0 =	vld [tilespmem:s14+$0x10300];
	[tilespmem:s14+$0x10280] =	vst v5  }
.LBB2_42:
0x304: {  	p0 =	sne.s32 s15, $0xF90;
	v5 =	vld [tilespmem:s14+$0x10000];
	[tilespmem:s14+$0x10300] =	vst v4;
	s12 =	sadd.s32 $0x80, s12;
	s16 =	sadd.s32 $0x1, s16  }
0x305: {  	s17 =	smov.u32 s15;
	s15 =	sadd.s32 $0x10, s15;
	[tilespmem:s14+$0x10200] =	vst v3  }
0x306: {  	s18 =	sand.u32 $0x7, s16;
	[tilespmem:s14+$0x10080] =	vst v2  }
0x307: {  	s18 =	sshll.u32 s18, $0x4;
	[tilespmem:s14+$0x10100] =	vst v1  }
0x308: {  	s17 =	sand.u32 $0x70, s17;
	s19 =	sand.u32 $0x7C00, s12;
	s18 =	sadd.s32 s18, s12;
	[tilespmem:s14+$0x10000] =	vst v0  }
0x309: {  	s14 =	sor.u32 s17, s19;
	[tilespmem:s13+$0x10000] =	vst v5;
	s13 =	sor.u32 $0x380, s18  }
0x30a: {  	v5 =	vld [tilespmem:s13+$0x10000]  }
.Ltmp20:
0x30b: {  	v4 =	vld [tilespmem:s14+$0x10200];
	(pc) =	sbr.rel @p0 .LBB2_42-.Ltmp20, $4  }
0x30c: {  	v3 =	vld [tilespmem:s14+$0x10100]  }
0x30d: {  	v2 =	vld [tilespmem:s14+$0x10280]  }
0x30e: {  	v1 =	vld [tilespmem:s14+$0x10080]  }
0x30f: {  	v0 =	vld [tilespmem:s14+$0x10300];
	[tilespmem:s14+$0x10280] =	vst v5  }
0x310: {  	v5 =	vld [tilespmem:s14+$0x10000];
	[tilespmem:s14+$0x10300] =	vst v4  }
0x311: {  	[tilespmem:s14+$0x10200] =	vst v3  }
0x312: {  	[tilespmem:s14+$0x10080] =	vst v2  }
0x313: {  	s17 =	sld [smem:$0x7F3];
	[tilespmem:s14+$0x10100] =	vst v1  }
0x314: {  	[tilespmem:s14+$0x10000] =	vst v0  }
0x315: {  	s12 =	simm.s32 $0x0;
	[tilespmem:s13+$0x10000] =	vst v5  }
0x316: {  	[hbm4b:s17+s12] =	stream.linear.scatter [tilespmem:s9], [sflag:$0x2], $0x8000, $0x38;
	[tilespmem:$0x18000] =	vst v63  }
0x317: {  	_ =	swait.ge [sflag:s10], $0x8000  }
0x318: {  	s18 =	sld [smem:$0x7F6]  }
0x319: {  	[sflag:s10] =	ssyncset.done $0x0  }
0x31a: {  	[sflag:s10] =	ssyncadd.s32 $0xFFFF8000  }
0x31b: {  	[tilespmem:s7], [sflag:$0x1] =	stream.linear.gather [hbm4b:s18+s12], $0x8000, $0x38;
	[tilespmem:$0x18000] =	vst v63  }
0x31c: {  	_ =	swait.ge [sflag:s8], $0x8000  }
0x31d: {  	s19 =	sand.u32 $0x70, s12;
	s20 =	sand.u32 $0x7C00, s12;
	[sflag:s8] =	ssyncset.done $0x0  }
0x31e: {  	s13 =	sor.u32 s19, s20;
	[sflag:s8] =	ssyncadd.s32 $0xFFFF8000  }
0x31f: {  	s21 =	sand.u32 $0x7, s12;
	v0 =	vld [tilespmem:s13+$0x180]  }
0x320: {  	s15 =	simm.s32 $0x0;
	s16 =	sshll.u32 s21, $0x4;
	s14 =	simm.s32 $0x10;
	v1 =	vld [tilespmem:s13+$0x100]  }
.LBB2_44:
0x321: {  	p0 =	sne.s32 s14, $0xF90;
	s16 =	sadd.s32 s16, s12;
	v2 =	vld [tilespmem:s13+$0x0]  }
0x322: {  	s16 =	sor.u32 $0x380, s16;
	v3 =	vld [tilespmem:s13+$0x280]  }
0x323: {  	v4 =	vld [tilespmem:s16+$0x0]  }
0x324: {  	v5 =	vld [tilespmem:s13+$0x300];
	[tilespmem:s13+$0x0] =	vst v0  }
0x325: {  	[tilespmem:s13+$0x180] =	vst v1  }
0x326: {  	[tilespmem:s13+$0x280] =	vst v2  }
.Ltmp21:
0x327: {  	s12 =	sadd.s32 $0x80, s12;
	[tilespmem:s13+$0x300] =	vst v3;
	(pc) =	sbr.rel @p0 .LBB2_44-.Ltmp21, $4  }
0x328: {  	s17 =	sand.u32 $0x70, s14;
	s18 =	sand.u32 $0x7C00, s12;
	[tilespmem:s13+$0x100] =	vst v4  }
0x329: {  	s15 =	sadd.s32 $0x1, s15;
	s13 =	sor.u32 s17, s18;
	[tilespmem:s16+$0x0] =	vst v5  }
0x32a: {  	s16 =	sand.u32 $0x7, s15;
	v0 =	vld [tilespmem:s13+$0x180]  }
0x32b: {  	s14 =	sadd.s32 $0x10, s14;
	s16 =	sshll.u32 s16, $0x4;
	v1 =	vld [tilespmem:s13+$0x100]  }
0x32c: {  	s12 =	sadd.s32 s16, s12;
	v2 =	vld [tilespmem:s13+$0x0]  }
0x32d: {  	v3 =	vld [tilespmem:s13+$0x280];
	s12 =	sor.u32 $0x380, s12  }
0x32e: {  	v4 =	vld [tilespmem:s12+$0x0]  }
0x32f: {  	v5 =	vld [tilespmem:s13+$0x300];
	[tilespmem:s13+$0x0] =	vst v0  }
0x330: {  	[tilespmem:s13+$0x180] =	vst v1  }
0x331: {  	[tilespmem:s13+$0x280] =	vst v2  }
0x332: {  	s18 =	sld [smem:$0x7F5];
	[tilespmem:s13+$0x300] =	vst v3  }
0x333: {  	[tilespmem:s13+$0x100] =	vst v4  }
0x334: {  	[tilespmem:s12+$0x0] =	vst v5;
	s12 =	simm.s32 $0x0  }
0x335: {  	[hbm4b:s18+s12] =	stream.linear.scatter [tilespmem:s12], [sflag:$0x2], $0x8000, $0x38;
	[tilespmem:$0x18000] =	vst v63  }
0x336: {  	_ =	swait.ge [sflag:s10], $0x8000  }
0x337: {  	s19 =	sld [smem:$0x7F8]  }
0x338: {  	[sflag:s10] =	ssyncset.done $0x0  }
0x339: {  	[sflag:s10] =	ssyncadd.s32 $0xFFFF8000  }
0x33a: {  	[tilespmem:s9], [sflag:$0x1] =	stream.linear.gather [hbm4b:s19+s12], $0x8000, $0x38;
	[tilespmem:$0x18000] =	vst v63  }
0x33b: {  	_ =	swait.ge [sflag:s8], $0x8000  }
0x33c: {  	s20 =	sand.u32 $0x70, s12;
	s14 =	sand.u32 $0x7C00, s12;
	[sflag:s8] =	ssyncset.done $0x0  }
0x33d: {  	s13 =	sor.u32 s20, s14;
	[sflag:s8] =	ssyncadd.s32 $0xFFFF8000  }
0x33e: {  	s21 =	sand.u32 $0x7, s12;
	v3 =	vld [tilespmem:s13+$0x8200]  }
0x33f: {  	s14 =	sshll.u32 s21, $0x4;
	v2 =	vld [tilespmem:s13+$0x8180]  }
0x340: {  	s14 =	sadd.s32 $0x0, s14;
	v1 =	vld [tilespmem:s13+$0x8280]  }
0x341: {  	s15 =	simm.s32 $0x10;
	s16 =	simm.s32 $0x0;
	s14 =	sor.u32 $0x380, s14;
	v0 =	vld [tilespmem:s13+$0x8300]  }
.LBB2_46:
0x342: {  	p0 =	sne.s32 s15, $0xF90;
	v4 =	vld [tilespmem:s14+$0x8000];
	s12 =	sadd.s32 $0x80, s12;
	s16 =	sadd.s32 $0x1, s16  }
0x343: {  	s17 =	smov.u32 s15;
	s15 =	sadd.s32 $0x10, s15;
	v5 =	vld [tilespmem:s13+$0x8080];
	[tilespmem:s13+$0x8300] =	vst v3  }
0x344: {  	v3 =	vld [tilespmem:s13+$0x8000];
	[tilespmem:s13+$0x8280] =	vst v2  }
0x345: {  	s18 =	sand.u32 $0x7, s16;
	v2 =	vld [tilespmem:s13+$0x8100];
	[tilespmem:s13+$0x8200] =	vst v1  }
0x346: {  	s17 =	sand.u32 $0x70, s17;
	s19 =	sand.u32 $0x7C00, s12;
	s18 =	sshll.u32 s18, $0x4;
	[tilespmem:s13+$0x8100] =	vst v0  }
0x347: {  	s17 =	sor.u32 s17, s19;
	s18 =	sadd.s32 s18, s12;
	[tilespmem:s13+$0x8080] =	vst v4  }
0x348: {  	s18 =	sor.u32 $0x380, s18;
	[tilespmem:s13+$0x8000] =	vst v5  }
0x349: {  	[tilespmem:s13+$0x8180] =	vst v3;
	s13 =	smov.u32 s17  }
.Ltmp22:
0x34a: {  	[tilespmem:s14+$0x8000] =	vst v2;
	s14 =	smov.u32 s18;
	(pc) =	sbr.rel @p0 .LBB2_46-.Ltmp22, $4  }
0x34b: {  	v3 =	vld [tilespmem:s13+$0x8200]  }
0x34c: {  	v2 =	vld [tilespmem:s13+$0x8180]  }
0x34d: {  	v1 =	vld [tilespmem:s13+$0x8280]  }
0x34e: {  	v0 =	vld [tilespmem:s13+$0x8300]  }
0x34f: {  	v4 =	vld [tilespmem:s14+$0x8000]  }
0x350: {  	v5 =	vld [tilespmem:s13+$0x8080];
	[tilespmem:s13+$0x8300] =	vst v3  }
0x351: {  	v3 =	vld [tilespmem:s13+$0x8000];
	[tilespmem:s13+$0x8280] =	vst v2  }
0x352: {  	v2 =	vld [tilespmem:s13+$0x8100];
	[tilespmem:s13+$0x8200] =	vst v1  }
0x353: {  	[tilespmem:s13+$0x8100] =	vst v0  }
0x354: {  	[tilespmem:s13+$0x8080] =	vst v4  }
0x355: {  	s17 =	sld [smem:$0x7F7];
	[tilespmem:s13+$0x8000] =	vst v5  }
0x356: {  	[tilespmem:s13+$0x8180] =	vst v3  }
0x357: {  	s12 =	simm.s32 $0x0;
	[tilespmem:s14+$0x8000] =	vst v2  }
0x358: {  	[hbm4b:s17+s12] =	stream.linear.scatter [tilespmem:s7], [sflag:$0x2], $0x8000, $0x38;
	[tilespmem:$0x18000] =	vst v63  }
0x359: {  	_ =	swait.ge [sflag:s10], $0x8000  }
0x35a: {  	s18 =	sld [smem:$0x7FA]  }
0x35b: {  	[sflag:s10] =	ssyncset.done $0x0  }
0x35c: {  	[sflag:s10] =	ssyncadd.s32 $0xFFFF8000  }
0x35d: {  	[tilespmem:s12], [sflag:$0x1] =	stream.linear.gather [hbm4b:s18+s12], $0x8000, $0x38;
	[tilespmem:$0x18000] =	vst v63  }
0x35e: {  	_ =	swait.ge [sflag:s8], $0x8000  }
0x35f: {  	s19 =	sand.u32 $0x70, s12;
	s20 =	sand.u32 $0x7C00, s12;
	[sflag:s8] =	ssyncset.done $0x0  }
0x360: {  	s13 =	sor.u32 s19, s20;
	[sflag:s8] =	ssyncadd.s32 $0xFFFF8000  }
0x361: {  	v0 =	vld [tilespmem:s13+$0x10280]  }
0x362: {  	s21 =	sand.u32 $0x7, s12;
	v1 =	vld [tilespmem:s13+$0x10000]  }
0x363: {  	s15 =	simm.s32 $0x0;
	s16 =	sshll.u32 s21, $0x4;
	s14 =	simm.s32 $0x10;
	v2 =	vld [tilespmem:s13+$0x10080]  }
.LBB2_48:
0x364: {  	p0 =	sne.s32 s14, $0xF90;
	s16 =	sadd.s32 s16, s12;
	v3 =	vld [tilespmem:s13+$0x10180]  }
0x365: {  	s16 =	sor.u32 $0x380, s16;
	v4 =	vld [tilespmem:s13+$0x10200]  }
0x366: {  	v5 =	vld [tilespmem:s16+$0x10000];
	[tilespmem:s13+$0x10000] =	vst v0  }
0x367: {  	v0 =	vld [tilespmem:s13+$0x10300];
	[tilespmem:s13+$0x10080] =	vst v1  }
0x368: {  	[tilespmem:s13+$0x10200] =	vst v2  }
0x369: {  	[tilespmem:s13+$0x10280] =	vst v3  }
0x36a: {  	s12 =	sadd.s32 $0x80, s12;
	[tilespmem:s13+$0x10300] =	vst v4  }
.Ltmp23:
0x36b: {  	s17 =	sand.u32 $0x70, s14;
	s18 =	sand.u32 $0x7C00, s12;
	[tilespmem:s13+$0x10180] =	vst v5;
	(pc) =	sbr.rel @p0 .LBB2_48-.Ltmp23, $4  }
0x36c: {  	s13 =	sor.u32 s17, s18;
	[tilespmem:s16+$0x10000] =	vst v0  }
0x36d: {  	s15 =	sadd.s32 $0x1, s15;
	v0 =	vld [tilespmem:s13+$0x10280]  }
0x36e: {  	s16 =	sand.u32 $0x7, s15;
	v1 =	vld [tilespmem:s13+$0x10000]  }
0x36f: {  	s14 =	sadd.s32 $0x10, s14;
	s16 =	sshll.u32 s16, $0x4;
	v2 =	vld [tilespmem:s13+$0x10080]  }
0x370: {  	s12 =	sadd.s32 s16, s12;
	v3 =	vld [tilespmem:s13+$0x10180]  }
0x371: {  	v4 =	vld [tilespmem:s13+$0x10200];
	s12 =	sor.u32 $0x380, s12  }
0x372: {  	v5 =	vld [tilespmem:s12+$0x10000];
	[tilespmem:s13+$0x10000] =	vst v0  }
0x373: {  	v0 =	vld [tilespmem:s13+$0x10300];
	[tilespmem:s13+$0x10080] =	vst v1  }
0x374: {  	[tilespmem:s13+$0x10200] =	vst v2  }
0x375: {  	[tilespmem:s13+$0x10280] =	vst v3  }
0x376: {  	s18 =	sld [smem:$0x7F9];
	[tilespmem:s13+$0x10300] =	vst v4  }
0x377: {  	[tilespmem:s13+$0x10180] =	vst v5  }
0x378: {  	[tilespmem:s12+$0x10000] =	vst v0;
	s12 =	simm.s32 $0x0  }
0x379: {  	[hbm4b:s18+s12] =	stream.linear.scatter [tilespmem:s9], [sflag:$0x2], $0x8000, $0x38;
	[tilespmem:$0x18000] =	vst v63  }
0x37a: {  	_ =	swait.ge [sflag:s10], $0x8000  }
0x37b: {  	s19 =	sld [smem:$0x7FC]  }
0x37c: {  	[sflag:s10] =	ssyncset.done $0x0  }
0x37d: {  	[sflag:s10] =	ssyncadd.s32 $0xFFFF8000  }
0x37e: {  	[tilespmem:s7], [sflag:$0x1] =	stream.linear.gather [hbm4b:s19+s12], $0x8000, $0x38;
	[tilespmem:$0x18000] =	vst v63  }
0x37f: {  	_ =	swait.ge [sflag:s8], $0x8000  }
0x380: {  	s20 =	sand.u32 $0x70, s12;
	s14 =	sand.u32 $0x7C00, s12;
	[sflag:s8] =	ssyncset.done $0x0  }
0x381: {  	s13 =	sor.u32 s20, s14;
	[sflag:s8] =	ssyncadd.s32 $0xFFFF8000  }
0x382: {  	v0 =	vld [tilespmem:s13+$0x0]  }
0x383: {  	v1 =	vld [tilespmem:s13+$0x80]  }
0x384: {  	s21 =	sand.u32 $0x7, s12;
	v3 =	vld [tilespmem:s13+$0x180]  }
0x385: {  	s14 =	sshll.u32 s21, $0x4;
	v4 =	vld [tilespmem:s13+$0x280]  }
0x386: {  	s15 =	simm.s32 $0x0;
	s16 =	sadd.s32 $0x0, s14;
	s14 =	simm.s32 $0x10;
	v2 =	vld [tilespmem:s13+$0x100]  }
.LBB2_50:
0x387: {  	p0 =	sne.s32 s14, $0xF90;
	v5 =	vld [tilespmem:s13+$0x300];
	s16 =	sor.u32 $0x380, s16  }
0x388: {  	v6 =	vld [tilespmem:s16+$0x0];
	[tilespmem:s13+$0x0] =	vst v1  }
0x389: {  	[tilespmem:s13+$0x80] =	vst v3  }
0x38a: {  	v1 =	vld [tilespmem:s13+$0x200];
	[tilespmem:s13+$0x100] =	vst v4  }
0x38b: {  	[tilespmem:s13+$0x180] =	vst v0  }
0x38c: {  	[tilespmem:s13+$0x200] =	vst v2  }
0x38d: {  	s12 =	sadd.s32 $0x80, s12;
	[tilespmem:s13+$0x280] =	vst v5  }
0x38e: {  	s17 =	sand.u32 $0x70, s14;
	s18 =	sand.u32 $0x7C00, s12;
	[tilespmem:s13+$0x300] =	vst v6  }
0x38f: {  	s13 =	sor.u32 s17, s18;
	[tilespmem:s16+$0x0] =	vst v1  }
.Ltmp24:
0x390: {  	v0 =	vld [tilespmem:s13+$0x0];
	(pc) =	sbr.rel @p0 .LBB2_50-.Ltmp24, $4  }
0x391: {  	s15 =	sadd.s32 $0x1, s15;
	v1 =	vld [tilespmem:s13+$0x80]  }
0x392: {  	s16 =	sand.u32 $0x7, s15;
	v3 =	vld [tilespmem:s13+$0x180]  }
0x393: {  	s16 =	sshll.u32 s16, $0x4;
	v4 =	vld [tilespmem:s13+$0x280]  }
0x394: {  	s14 =	sadd.s32 $0x10, s14;
	s16 =	sadd.s32 s16, s12;
	v2 =	vld [tilespmem:s13+$0x100]  }
0x395: {  	s12 =	sor.u32 $0x380, s16;
	v6 =	vld [tilespmem:s13+$0x300]  }
0x396: {  	v5 =	vld [tilespmem:s12+$0x0];
	[tilespmem:s13+$0x0] =	vst v1  }
0x397: {  	[tilespmem:s13+$0x180] =	vst v0  }
0x398: {  	v1 =	vld [tilespmem:s13+$0x200];
	[tilespmem:s13+$0x80] =	vst v3  }
0x399: {  	[tilespmem:s13+$0x100] =	vst v4  }
0x39a: {  	[tilespmem:s13+$0x200] =	vst v2  }
0x39b: {  	s18 =	sld [smem:$0x7FB];
	[tilespmem:s13+$0x280] =	vst v6  }
0x39c: {  	[tilespmem:s13+$0x300] =	vst v5  }
0x39d: {  	s17 =	simm.s32 $0x0;
	[tilespmem:s12+$0x0] =	vst v1  }
0x39e: {  	[hbm4b:s18+s17] =	stream.linear.scatter [tilespmem:s17], [sflag:$0x2], $0x8000, $0x38;
	[tilespmem:$0x18000] =	vst v63  }
0x39f: {  	_ =	swait.ge [sflag:s10], $0x8000  }
0x3a0: {  	[sflag:s10] =	ssyncset.done $0x0  }
0x3a1: {  	s19 =	sand.u32 $0x7, s17;
	[sflag:s10] =	ssyncadd.s32 $0xFFFF8000  }
0x3a2: {  	[tilespmem:s9], [sflag:$0x1] =	stream.linear.gather [hbm4b:s22+s17], $0x8000, $0x38;
	[tilespmem:$0x18000] =	vst v63  }
0x3a3: {  	s13 =	sshll.u32 s19, $0x4;
	_ =	swait.ge [sflag:s8], $0x8000  }
0x3a4: {  	s14 =	sand.u32 $0x70, s17;
	s13 =	sadd.s32 $0x0, s13;
	[sflag:s8] =	ssyncset.done $0x0  }
0x3a5: {  	s12 =	sand.u32 $0x7C00, s17;
	s13 =	sor.u32 $0x380, s13;
	[sflag:s8] =	ssyncadd.s32 $0xFFFF8000  }
0x3a6: {  	s16 =	simm.s32 $0x1;
	s15 =	sor.u32 s14, s12;
	v2 =	vld [tilespmem:s13+$0x8000]  }
0x3a7: {  	s20 =	sand.u32 $0x7, s16;
	v1 =	vld [tilespmem:s15+$0x8180]  }
0x3a8: {  	s21 =	simm.s32 $0x10;
	s12 =	sshll.u32 s20, $0x4;
	s17 =	simm.s32 $0x80;
	v0 =	vld [tilespmem:s15+$0x8280]  }
0x3a9: {  	s14 =	sand.u32 $0x70, s21;
	s20 =	sadd.s32 $0x80, s12;
	s19 =	sand.u32 $0x7C00, s17;
	v3 =	vld [tilespmem:s15+$0x8200]  }
0x3aa: {  	s18 =	simm.s32 $0x20;
	s12 =	sor.u32 s14, s19;
	s14 =	sor.u32 $0x380, s20;
	v4 =	vld [tilespmem:s15+$0x8000]  }
.LBB2_52:
0x3ab: {  	p0 =	sne.s32 s18, $0xF90;
	s17 =	sadd.s32 $0x80, s17;
	s16 =	sadd.s32 $0x1, s16;
	v5 =	vld [tilespmem:s15+$0x8300];
	[tilespmem:s15+$0x8200] =	vst v2  }
0x3ac: {  	s19 =	smov.u32 s18;
	s18 =	sadd.s32 $0x10, s18;
	v2 =	vld [tilespmem:s15+$0x8100];
	[tilespmem:s15+$0x8300] =	vst v1  }
0x3ad: {  	v1 =	vld [tilespmem:s15+$0x8080];
	[tilespmem:s15+$0x8180] =	vst v0  }
0x3ae: {  	s20 =	sand.u32 $0x7, s16;
	[tilespmem:s15+$0x8100] =	vst v3  }
0x3af: {  	s19 =	sand.u32 $0x70, s19;
	s21 =	sand.u32 $0x7C00, s17;
	s20 =	sshll.u32 s20, $0x4;
	[tilespmem:s15+$0x8080] =	vst v4  }
0x3b0: {  	s19 =	sor.u32 s19, s21;
	s20 =	sadd.s32 s20, s17;
	[tilespmem:s15+$0x8280] =	vst v5  }
0x3b1: {  	s20 =	sor.u32 $0x380, s20;
	[tilespmem:s15+$0x8000] =	vst v2;
	s15 =	smov.u32 s12;
	s12 =	smov.u32 s19  }
0x3b2: {  	[tilespmem:s13+$0x8000] =	vst v1;
	s13 =	smov.u32 s14;
	s14 =	smov.u32 s20  }
.Ltmp25:
0x3b3: {  	v2 =	vld [tilespmem:s13+$0x8000];
	(pc) =	sbr.rel @p0 .LBB2_52-.Ltmp25, $4  }
0x3b4: {  	v1 =	vld [tilespmem:s15+$0x8180]  }
0x3b5: {  	v0 =	vld [tilespmem:s15+$0x8280]  }
0x3b6: {  	v3 =	vld [tilespmem:s15+$0x8200]  }
0x3b7: {  	v4 =	vld [tilespmem:s15+$0x8000]  }
0x3b8: {  	v5 =	vld [tilespmem:s15+$0x8300];
	[tilespmem:s15+$0x8200] =	vst v2  }
0x3b9: {  	v2 =	vld [tilespmem:s15+$0x8100];
	[tilespmem:s15+$0x8300] =	vst v1  }
0x3ba: {  	v1 =	vld [tilespmem:s15+$0x8080];
	[tilespmem:s15+$0x8180] =	vst v0  }
0x3bb: {  	[tilespmem:s15+$0x8100] =	vst v3  }
0x3bc: {  	[tilespmem:s15+$0x8080] =	vst v4  }
0x3bd: {  	[tilespmem:s15+$0x8280] =	vst v5  }
0x3be: {  	[tilespmem:s15+$0x8000] =	vst v2  }
0x3bf: {  	[tilespmem:s13+$0x8000] =	vst v1  }
0x3c0: {  	v0 =	vld [tilespmem:s14+$0x8000]  }
0x3c1: {  	v1 =	vld [tilespmem:s12+$0x8180]  }
0x3c2: {  	v2 =	vld [tilespmem:s12+$0x8280]  }
0x3c3: {  	v3 =	vld [tilespmem:s12+$0x8200]  }
0x3c4: {  	v62 =	vld [tilespmem:s12+$0x8000]  }
0x3c5: {  	v63 =	vld [tilespmem:s12+$0x8300];
	[tilespmem:s12+$0x8200] =	vst v0  }
0x3c6: {  	v0 =	vld [tilespmem:s12+$0x8100];
	[tilespmem:s12+$0x8300] =	vst v1  }
0x3c7: {  	v1 =	vld [tilespmem:s12+$0x8080];
	[tilespmem:s12+$0x8180] =	vst v2  }
0x3c8: {  	[tilespmem:s12+$0x8100] =	vst v3  }
0x3c9: {  	[tilespmem:s12+$0x8080] =	vst v62  }
0x3ca: {  	s18 =	sld [smem:$0x7FD];
	[tilespmem:s12+$0x8280] =	vst v63  }
0x3cb: {  	[tilespmem:s12+$0x8000] =	vst v0  }
0x3cc: {  	s12 =	simm.s32 $0x0;
	[tilespmem:s14+$0x8000] =	vst v1  }
0x3cd: {  	[hbm4b:s18+s12] =	stream.linear.scatter [tilespmem:s7], [sflag:$0x2], $0x8000, $0x38;
	[tilespmem:$0x18000] =	vst v63  }
0x3ce: {  	_ =	swait.ge [sflag:s10], $0x8000  }
0x3cf: {  	[sflag:s10] =	ssyncset.done $0x0  }
0x3d0: {  	[sflag:s10] =	ssyncadd.s32 $0xFFFF8000  }
0x3d1: {  	[tilespmem:s12], [sflag:$0x1] =	stream.linear.gather [hbm4b:s24+s12], $0x8000, $0x38;
	[tilespmem:$0x18000] =	vst v63  }
0x3d2: {  	_ =	swait.ge [sflag:s8], $0x8000  }
0x3d3: {  	s19 =	sand.u32 $0x70, s12;
	s20 =	sand.u32 $0x7C00, s12;
	[sflag:s8] =	ssyncset.done $0x0  }
0x3d4: {  	s13 =	sor.u32 s19, s20;
	[sflag:s8] =	ssyncadd.s32 $0xFFFF8000  }
0x3d5: {  	s21 =	sand.u32 $0x7, s12;
	v0 =	vld [tilespmem:s13+$0x10280]  }
0x3d6: {  	s15 =	simm.s32 $0x0;
	s14 =	simm.s32 $0x10;
	s16 =	sshll.u32 s21, $0x4;
	v1 =	vld [tilespmem:s13+$0x10000]  }
.LBB2_54:
0x3d7: {  	p0 =	sne.s32 s14, $0xF90;
	s16 =	sadd.s32 s16, s12;
	v2 =	vld [tilespmem:s13+$0x10080]  }
0x3d8: {  	s16 =	sor.u32 $0x380, s16;
	v3 =	vld [tilespmem:s13+$0x10100]  }
0x3d9: {  	v4 =	vld [tilespmem:s16+$0x10000]  }
0x3da: {  	v5 =	vld [tilespmem:s13+$0x10180];
	[tilespmem:s13+$0x10000] =	vst v0  }
0x3db: {  	[tilespmem:s13+$0x10100] =	vst v1  }
0x3dc: {  	[tilespmem:s13+$0x10180] =	vst v2  }
.Ltmp26:
0x3dd: {  	s12 =	sadd.s32 $0x80, s12;
	[tilespmem:s13+$0x10280] =	vst v3;
	(pc) =	sbr.rel @p0 .LBB2_54-.Ltmp26, $4  }
0x3de: {  	s17 =	sand.u32 $0x70, s14;
	s18 =	sand.u32 $0x7C00, s12;
	[tilespmem:s13+$0x10080] =	vst v4  }
0x3df: {  	s15 =	sadd.s32 $0x1, s15;
	s13 =	sor.u32 s17, s18;
	[tilespmem:s16+$0x10000] =	vst v5  }
0x3e0: {  	s16 =	sand.u32 $0x7, s15;
	v0 =	vld [tilespmem:s13+$0x10280]  }
0x3e1: {  	s14 =	sadd.s32 $0x10, s14;
	s16 =	sshll.u32 s16, $0x4;
	v1 =	vld [tilespmem:s13+$0x10000]  }
0x3e2: {  	s12 =	sadd.s32 s16, s12;
	v2 =	vld [tilespmem:s13+$0x10080]  }
0x3e3: {  	v3 =	vld [tilespmem:s13+$0x10100];
	s12 =	sor.u32 $0x380, s12  }
0x3e4: {  	v4 =	vld [tilespmem:s12+$0x10000]  }
0x3e5: {  	v5 =	vld [tilespmem:s13+$0x10180];
	[tilespmem:s13+$0x10000] =	vst v0  }
0x3e6: {  	[tilespmem:s13+$0x10100] =	vst v1  }
0x3e7: {  	[tilespmem:s13+$0x10180] =	vst v2  }
0x3e8: {  	[tilespmem:s13+$0x10280] =	vst v3  }
0x3e9: {  	[tilespmem:s13+$0x10080] =	vst v4  }
0x3ea: {  	[tilespmem:s12+$0x10000] =	vst v5;
	s12 =	simm.s32 $0x0  }
0x3eb: {  	[hbm4b:s23+s12] =	stream.linear.scatter [tilespmem:s9], [sflag:$0x2], $0x8000, $0x38;
	[tilespmem:$0x18000] =	vst v63  }
0x3ec: {  	_ =	swait.ge [sflag:s10], $0x8000  }
0x3ed: {  	s15 =	simm.s32 $0x10;
	[sflag:s10] =	ssyncset.done $0x0  }
0x3ee: {  	s16 =	simm.s32 $0x0;
	s20 =	sand.u32 $0x7, s12;
	[sflag:s10] =	ssyncadd.s32 $0xFFFF8000  }
0x3ef: {  	[tilespmem:s7], [sflag:$0x1] =	stream.linear.gather [hbm4b:s26+s12], $0x8000, $0x38;
	[tilespmem:$0x18000] =	vst v63  }
0x3f0: {  	s14 =	sand.u32 $0x70, s12;
	s13 =	sshll.u32 s20, $0x4;
	_ =	swait.ge [sflag:s8], $0x8000  }
0x3f1: {  	s21 =	sand.u32 $0x7C00, s12;
	s13 =	sadd.s32 $0x0, s13;
	[sflag:s8] =	ssyncset.done $0x0  }
0x3f2: {  	s14 =	sor.u32 s14, s21;
	s13 =	sor.u32 $0x380, s13;
	[sflag:s8] =	ssyncadd.s32 $0xFFFF8000  }
.LBB2_56:
0x3f3: {  	p0 =	sne.s32 s15, $0xF90;
	v0 =	vld [tilespmem:s13+$0x0];
	s12 =	sadd.s32 $0x80, s12;
	s16 =	sadd.s32 $0x1, s16  }
0x3f4: {  	s17 =	smov.u32 s15;
	s15 =	sadd.s32 $0x10, s15;
	v1 =	vld [tilespmem:s14+$0x180]  }
0x3f5: {  	v2 =	vld [tilespmem:s14+$0x100]  }
0x3f6: {  	s18 =	sand.u32 $0x7, s16;
	v3 =	vld [tilespmem:s14+$0x300]  }
0x3f7: {  	s17 =	sand.u32 $0x70, s17;
	s19 =	sand.u32 $0x7C00, s12;
	s18 =	sshll.u32 s18, $0x4;
	v4 =	vld [tilespmem:s14+$0x200]  }
0x3f8: {  	s17 =	sor.u32 s17, s19;
	s18 =	sadd.s32 s18, s12;
	v5 =	vld [tilespmem:s14+$0x280];
	[tilespmem:s14+$0x200] =	vst v0  }
0x3f9: {  	s18 =	sor.u32 $0x380, s18;
	v0 =	vld [tilespmem:s14+$0x0];
	[tilespmem:s14+$0x100] =	vst v1  }
0x3fa: {  	v1 =	vld [tilespmem:s14+$0x80];
	[tilespmem:s14+$0x180] =	vst v2  }
.Ltmp27:
0x3fb: {  	[tilespmem:s14+$0x280] =	vst v3;
	(pc) =	sbr.rel @p0 .LBB2_56-.Ltmp27, $4  }
0x3fc: {  	[tilespmem:s14+$0x0] =	vst v4  }
0x3fd: {  	[tilespmem:s14+$0x80] =	vst v5  }
0x3fe: {  	[tilespmem:s14+$0x300] =	vst v0;
	s14 =	smov.u32 s17  }
0x3ff: {  	[tilespmem:s13+$0x0] =	vst v1;
	s13 =	smov.u32 s18  }
0x400: {  	v0 =	vld [tilespmem:s13+$0x0]  }
0x401: {  	v1 =	vld [tilespmem:s14+$0x180]  }
0x402: {  	v2 =	vld [tilespmem:s14+$0x100]  }
0x403: {  	v3 =	vld [tilespmem:s14+$0x300]  }
0x404: {  	v4 =	vld [tilespmem:s14+$0x200]  }
0x405: {  	v5 =	vld [tilespmem:s14+$0x280];
	[tilespmem:s14+$0x200] =	vst v0  }
0x406: {  	v0 =	vld [tilespmem:s14+$0x0];
	[tilespmem:s14+$0x100] =	vst v1  }
0x407: {  	v1 =	vld [tilespmem:s14+$0x80];
	[tilespmem:s14+$0x180] =	vst v2  }
0x408: {  	[tilespmem:s14+$0x280] =	vst v3  }
0x409: {  	[tilespmem:s14+$0x0] =	vst v4  }
0x40a: {  	[tilespmem:s14+$0x80] =	vst v5  }
0x40b: {  	[tilespmem:s14+$0x300] =	vst v0  }
0x40c: {  	s12 =	simm.s32 $0x0;
	[tilespmem:s13+$0x0] =	vst v1  }
0x40d: {  	[hbm4b:s25+s12] =	stream.linear.scatter [tilespmem:s12], [sflag:$0x2], $0x8000, $0x38;
	[tilespmem:$0x18000] =	vst v63  }
0x40e: {  	_ =	swait.ge [sflag:s10], $0x8000  }
0x40f: {  	[sflag:s10] =	ssyncset.done $0x0  }
0x410: {  	s20 =	sand.u32 $0x7, s12;
	[sflag:s10] =	ssyncadd.s32 $0xFFFF8000  }
0x411: {  	[tilespmem:s9], [sflag:$0x1] =	stream.linear.gather [hbm4b:s29+s12], $0x8000, $0x38;
	[tilespmem:$0x18000] =	vst v63  }
0x412: {  	s13 =	sshll.u32 s20, $0x4;
	_ =	swait.ge [sflag:s8], $0x8000  }
0x413: {  	s21 =	sand.u32 $0x70, s12;
	s13 =	sadd.s32 $0x0, s13;
	[sflag:s8] =	ssyncset.done $0x0  }
0x414: {  	s15 =	sand.u32 $0x7C00, s12;
	s13 =	sor.u32 $0x380, s13;
	[sflag:s8] =	ssyncadd.s32 $0xFFFF8000  }
0x415: {  	s14 =	sor.u32 s21, s15;
	v5 =	vld [tilespmem:s13+$0x8000]  }
0x416: {  	v4 =	vld [tilespmem:s14+$0x8200]  }
0x417: {  	v3 =	vld [tilespmem:s14+$0x8100]  }
0x418: {  	v2 =	vld [tilespmem:s14+$0x8280]  }
0x419: {  	v1 =	vld [tilespmem:s14+$0x8080]  }
0x41a: {  	s16 =	simm.s32 $0x0;
	s15 =	simm.s32 $0x10;
	v0 =	vld [tilespmem:s14+$0x8300];
	[tilespmem:s14+$0x8280] =	vst v5  }
.LBB2_58:
0x41b: {  	p0 =	sne.s32 s15, $0xF90;
	v5 =	vld [tilespmem:s14+$0x8000];
	[tilespmem:s14+$0x8300] =	vst v4;
	s12 =	sadd.s32 $0x80, s12;
	s16 =	sadd.s32 $0x1, s16  }
0x41c: {  	s17 =	smov.u32 s15;
	s15 =	sadd.s32 $0x10, s15;
	[tilespmem:s14+$0x8200] =	vst v3  }
0x41d: {  	s18 =	sand.u32 $0x7, s16;
	[tilespmem:s14+$0x8080] =	vst v2  }
0x41e: {  	s18 =	sshll.u32 s18, $0x4;
	[tilespmem:s14+$0x8100] =	vst v1  }
0x41f: {  	s17 =	sand.u32 $0x70, s17;
	s19 =	sand.u32 $0x7C00, s12;
	s18 =	sadd.s32 s18, s12;
	[tilespmem:s14+$0x8000] =	vst v0  }
0x420: {  	s14 =	sor.u32 s17, s19;
	[tilespmem:s13+$0x8000] =	vst v5;
	s13 =	sor.u32 $0x380, s18  }
0x421: {  	v5 =	vld [tilespmem:s13+$0x8000]  }
.Ltmp28:
0x422: {  	v4 =	vld [tilespmem:s14+$0x8200];
	(pc) =	sbr.rel @p0 .LBB2_58-.Ltmp28, $4  }
0x423: {  	v3 =	vld [tilespmem:s14+$0x8100]  }
0x424: {  	v2 =	vld [tilespmem:s14+$0x8280]  }
0x425: {  	v1 =	vld [tilespmem:s14+$0x8080]  }
0x426: {  	v0 =	vld [tilespmem:s14+$0x8300];
	[tilespmem:s14+$0x8280] =	vst v5  }
0x427: {  	v5 =	vld [tilespmem:s14+$0x8000];
	[tilespmem:s14+$0x8300] =	vst v4  }
0x428: {  	[tilespmem:s14+$0x8200] =	vst v3  }
0x429: {  	[tilespmem:s14+$0x8080] =	vst v2  }
0x42a: {  	[tilespmem:s14+$0x8100] =	vst v1  }
0x42b: {  	[tilespmem:s14+$0x8000] =	vst v0  }
0x42c: {  	s12 =	simm.s32 $0x0;
	[tilespmem:s13+$0x8000] =	vst v5  }
0x42d: {  	[hbm4b:s28+s12] =	stream.linear.scatter [tilespmem:s7], [sflag:$0x2], $0x8000, $0x38;
	[tilespmem:$0x18000] =	vst v63  }
0x42e: {  	_ =	swait.ge [sflag:s10], $0x8000  }
0x42f: {  	[sflag:s10] =	ssyncset.done $0x0  }
0x430: {  	[sflag:s10] =	ssyncadd.s32 $0xFFFF8000  }
0x431: {  	[tilespmem:s12], [sflag:$0x1] =	stream.linear.gather [hbm4b:s2+s12], $0x8000, $0x38;
	[tilespmem:$0x18000] =	vst v63  }
0x432: {  	_ =	swait.ge [sflag:s8], $0x8000  }
0x433: {  	s19 =	sand.u32 $0x70, s12;
	s20 =	sand.u32 $0x7C00, s12;
	[sflag:s8] =	ssyncset.done $0x0  }
0x434: {  	s13 =	sor.u32 s19, s20;
	[sflag:s8] =	ssyncadd.s32 $0xFFFF8000  }
0x435: {  	s21 =	sand.u32 $0x7, s12;
	v0 =	vld [tilespmem:s13+$0x10180]  }
0x436: {  	s15 =	simm.s32 $0x0;
	s16 =	sshll.u32 s21, $0x4;
	s14 =	simm.s32 $0x10;
	v1 =	vld [tilespmem:s13+$0x10100]  }
.LBB2_60:
0x437: {  	p0 =	sne.s32 s14, $0xF90;
	s16 =	sadd.s32 s16, s12;
	v2 =	vld [tilespmem:s13+$0x10000]  }
0x438: {  	s16 =	sor.u32 $0x380, s16;
	v3 =	vld [tilespmem:s13+$0x10280]  }
0x439: {  	v4 =	vld [tilespmem:s16+$0x10000]  }
0x43a: {  	v5 =	vld [tilespmem:s13+$0x10300];
	[tilespmem:s13+$0x10000] =	vst v0  }
0x43b: {  	[tilespmem:s13+$0x10180] =	vst v1  }
0x43c: {  	[tilespmem:s13+$0x10280] =	vst v2  }
.Ltmp29:
0x43d: {  	s12 =	sadd.s32 $0x80, s12;
	[tilespmem:s13+$0x10300] =	vst v3;
	(pc) =	sbr.rel @p0 .LBB2_60-.Ltmp29, $4  }
0x43e: {  	s17 =	sand.u32 $0x70, s14;
	s18 =	sand.u32 $0x7C00, s12;
	[tilespmem:s13+$0x10100] =	vst v4  }
0x43f: {  	s15 =	sadd.s32 $0x1, s15;
	s13 =	sor.u32 s17, s18;
	[tilespmem:s16+$0x10000] =	vst v5  }
0x440: {  	s16 =	sand.u32 $0x7, s15;
	v0 =	vld [tilespmem:s13+$0x10180]  }
0x441: {  	s14 =	sadd.s32 $0x10, s14;
	s16 =	sshll.u32 s16, $0x4;
	v1 =	vld [tilespmem:s13+$0x10100]  }
0x442: {  	s12 =	sadd.s32 s16, s12;
	v2 =	vld [tilespmem:s13+$0x10000]  }
0x443: {  	v3 =	vld [tilespmem:s13+$0x10280];
	s12 =	sor.u32 $0x380, s12  }
0x444: {  	v4 =	vld [tilespmem:s12+$0x10000]  }
0x445: {  	v5 =	vld [tilespmem:s13+$0x10300];
	[tilespmem:s13+$0x10000] =	vst v0  }
0x446: {  	[tilespmem:s13+$0x10180] =	vst v1  }
0x447: {  	[tilespmem:s13+$0x10280] =	vst v2  }
0x448: {  	[tilespmem:s13+$0x10300] =	vst v3  }
0x449: {  	[tilespmem:s13+$0x10100] =	vst v4  }
0x44a: {  	[tilespmem:s12+$0x10000] =	vst v5;
	s12 =	simm.s32 $0x0  }
0x44b: {  	[hbm4b:s30+s12] =	stream.linear.scatter [tilespmem:s9], [sflag:$0x2], $0x8000, $0x38;
	[tilespmem:$0x18000] =	vst v63  }
0x44c: {  	_ =	swait.ge [sflag:s10], $0x8000  }
0x44d: {  	[sflag:s10] =	ssyncset.done $0x0  }
0x44e: {  	[sflag:s10] =	ssyncadd.s32 $0xFFFF8000  }
0x44f: {  	[tilespmem:s7], [sflag:$0x1] =	stream.linear.gather [hbm4b:s3+s12], $0x8000, $0x38;
	[tilespmem:$0x18000] =	vst v63  }
0x450: {  	_ =	swait.ge [sflag:s8], $0x8000  }
0x451: {  	s20 =	sand.u32 $0x70, s12;
	s14 =	sand.u32 $0x7C00, s12;
	[sflag:s8] =	ssyncset.done $0x0  }
0x452: {  	s13 =	sor.u32 s20, s14;
	[sflag:s8] =	ssyncadd.s32 $0xFFFF8000  }
0x453: {  	s21 =	sand.u32 $0x7, s12;
	v3 =	vld [tilespmem:s13+$0x200]  }
0x454: {  	s14 =	sshll.u32 s21, $0x4;
	v2 =	vld [tilespmem:s13+$0x180]  }
0x455: {  	s14 =	sadd.s32 $0x0, s14;
	v1 =	vld [tilespmem:s13+$0x280]  }
0x456: {  	s15 =	simm.s32 $0x10;
	s16 =	simm.s32 $0x0;
	s14 =	sor.u32 $0x380, s14;
	v0 =	vld [tilespmem:s13+$0x300]  }
.LBB2_62:
0x457: {  	p0 =	sne.s32 s15, $0xF90;
	v4 =	vld [tilespmem:s14+$0x0];
	s12 =	sadd.s32 $0x80, s12;
	s16 =	sadd.s32 $0x1, s16  }
0x458: {  	s17 =	smov.u32 s15;
	s15 =	sadd.s32 $0x10, s15;
	v5 =	vld [tilespmem:s13+$0x80];
	[tilespmem:s13+$0x300] =	vst v3  }
0x459: {  	v3 =	vld [tilespmem:s13+$0x0];
	[tilespmem:s13+$0x280] =	vst v2  }
0x45a: {  	s18 =	sand.u32 $0x7, s16;
	v2 =	vld [tilespmem:s13+$0x100];
	[tilespmem:s13+$0x200] =	vst v1  }
0x45b: {  	s17 =	sand.u32 $0x70, s17;
	s19 =	sand.u32 $0x7C00, s12;
	s18 =	sshll.u32 s18, $0x4;
	[tilespmem:s13+$0x100] =	vst v0  }
0x45c: {  	s17 =	sor.u32 s17, s19;
	s18 =	sadd.s32 s18, s12;
	[tilespmem:s13+$0x80] =	vst v4  }
0x45d: {  	s18 =	sor.u32 $0x380, s18;
	[tilespmem:s13+$0x0] =	vst v5  }
0x45e: {  	[tilespmem:s13+$0x180] =	vst v3;
	s13 =	smov.u32 s17  }
.Ltmp30:
0x45f: {  	[tilespmem:s14+$0x0] =	vst v2;
	s14 =	smov.u32 s18;
	(pc) =	sbr.rel @p0 .LBB2_62-.Ltmp30, $4  }
0x460: {  	v3 =	vld [tilespmem:s13+$0x200]  }
0x461: {  	v2 =	vld [tilespmem:s13+$0x180]  }
0x462: {  	v1 =	vld [tilespmem:s13+$0x280]  }
0x463: {  	v0 =	vld [tilespmem:s13+$0x300]  }
0x464: {  	v4 =	vld [tilespmem:s14+$0x0]  }
0x465: {  	v5 =	vld [tilespmem:s13+$0x80];
	[tilespmem:s13+$0x300] =	vst v3  }
0x466: {  	v3 =	vld [tilespmem:s13+$0x0];
	[tilespmem:s13+$0x280] =	vst v2  }
0x467: {  	v2 =	vld [tilespmem:s13+$0x100];
	[tilespmem:s13+$0x200] =	vst v1  }
0x468: {  	[tilespmem:s13+$0x100] =	vst v0  }
0x469: {  	[tilespmem:s13+$0x80] =	vst v4  }
0x46a: {  	[tilespmem:s13+$0x0] =	vst v5  }
0x46b: {  	[tilespmem:s13+$0x180] =	vst v3  }
0x46c: {  	s13 =	simm.s32 $0x0;
	[tilespmem:s14+$0x0] =	vst v2  }
0x46d: {  	[hbm4b:s4+s13] =	stream.linear.scatter [tilespmem:s13], [sflag:$0x2], $0x8000, $0x38;
	[tilespmem:$0x18000] =	vst v63  }
0x46e: {  	_ =	swait.ge [sflag:s8], $0x8000  }
0x46f: {  	s12 =	sand.u32 $0x70, s13;
	s20 =	sand.u32 $0x7C00, s13;
	[sflag:s8] =	ssyncset.done $0x0  }
0x470: {  	s12 =	sor.u32 s12, s20;
	[sflag:s8] =	ssyncadd.s32 $0xFFFF8000  }
0x471: {  	v0 =	vld [tilespmem:s12+$0x8280]  }
0x472: {  	s21 =	sand.u32 $0x7, s13;
	v1 =	vld [tilespmem:s12+$0x8000]  }
0x473: {  	s15 =	simm.s32 $0x0;
	s14 =	simm.s32 $0x10;
	s16 =	sshll.u32 s21, $0x4;
	v2 =	vld [tilespmem:s12+$0x8080]  }
.LBB2_64:
0x474: {  	p0 =	sne.s32 s14, $0xF90;
	s16 =	sadd.s32 s16, s13;
	v3 =	vld [tilespmem:s12+$0x8180]  }
0x475: {  	s16 =	sor.u32 $0x380, s16;
	v4 =	vld [tilespmem:s12+$0x8200]  }
0x476: {  	v5 =	vld [tilespmem:s16+$0x8000];
	[tilespmem:s12+$0x8000] =	vst v0  }
0x477: {  	v0 =	vld [tilespmem:s12+$0x8300];
	[tilespmem:s12+$0x8080] =	vst v1  }
0x478: {  	[tilespmem:s12+$0x8200] =	vst v2  }
0x479: {  	[tilespmem:s12+$0x8280] =	vst v3  }
0x47a: {  	s13 =	sadd.s32 $0x80, s13;
	[tilespmem:s12+$0x8300] =	vst v4  }
.Ltmp31:
0x47b: {  	s17 =	sand.u32 $0x70, s14;
	s18 =	sand.u32 $0x7C00, s13;
	[tilespmem:s12+$0x8180] =	vst v5;
	(pc) =	sbr.rel @p0 .LBB2_64-.Ltmp31, $4  }
0x47c: {  	s12 =	sor.u32 s17, s18;
	[tilespmem:s16+$0x8000] =	vst v0  }
0x47d: {  	s15 =	sadd.s32 $0x1, s15;
	v0 =	vld [tilespmem:s12+$0x8280]  }
0x47e: {  	s16 =	sand.u32 $0x7, s15;
	v1 =	vld [tilespmem:s12+$0x8000]  }
0x47f: {  	s14 =	sadd.s32 $0x10, s14;
	s16 =	sshll.u32 s16, $0x4;
	v2 =	vld [tilespmem:s12+$0x8080]  }
0x480: {  	s13 =	sadd.s32 s16, s13;
	v3 =	vld [tilespmem:s12+$0x8180]  }
0x481: {  	v4 =	vld [tilespmem:s12+$0x8200];
	s13 =	sor.u32 $0x380, s13  }
0x482: {  	v5 =	vld [tilespmem:s13+$0x8000];
	[tilespmem:s12+$0x8000] =	vst v0  }
0x483: {  	v63 =	vld [tilespmem:s12+$0x8300];
	[tilespmem:s12+$0x8080] =	vst v1  }
0x484: {  	[tilespmem:s12+$0x8200] =	vst v2  }
0x485: {  	[tilespmem:s12+$0x8280] =	vst v3  }
0x486: {  	[tilespmem:s12+$0x8300] =	vst v4  }
0x487: {  	[tilespmem:s12+$0x8180] =	vst v5  }
0x488: {  	s11 =	sadd.s32 $0x1, s11;
	[tilespmem:s13+$0x8000] =	vst v63  }
0x489: {  	[hbm4b:s5+s1] =	stream.linear.scatter [tilespmem:s7], [sflag:$0x2], $0x8000, $0x38;
	[tilespmem:$0x18000] =	vst v63  }
0x48a: {  	p0 =	sne.s32 s11, s6;
	_ =	swait.ge [sflag:s10], $0x8000  }
.Ltmp32:
0x48b: {  	[sflag:s10] =	ssyncset.done $0x0;
	(pc) =	sbr.rel @p0 .LBB2_1-.Ltmp32, $4  }
0x48c: {  	[sflag:s10] =	ssyncadd.s32 $0xFFFF8000  }
0x48d: {  	_ =	swait.ge [sflag:s10], $0x8000  }
0x48e: {  	[sflag:s10] =	ssyncset.done $0x0  }
0x48f: {  	[sflag:s10] =	ssyncadd.s32 $0xFFFF8000  }
0x490: {  	_ =	sfence.sel $0x180000  }
0x491: {  	[bflag:$0x0] =	sbarrier.arrive $0xFFFF  }
0x492: {  	_ =	strace $0x90000047  }
0x493: {  	s0 =	stileid.u32;
	[bflag:$0x2] =	sbarrier.arrive $0xFFFF  }
0x494: {  	p0 =	sne.s32 s0, $0x0;
	s0 =	rddreg [dreg:$0x1]  }
0x495: {  	s0 =	sadd.s32 @!p0 $0x100000, s0  }
0x496: {  	[sflag:s0] =	ssyncadd.tile.s32 @!p0 $0x1;
	_ =	shalt  }
.Lfunc_end2:
_tile_overlayer_lowered:
.L_overlay_start_2:
0x497: {  	(tag) =	ssettag $0x2  }
0x498: {  	s0 =	rddreg [dreg:$0x0];
	s2 =	stileid.u32  }
0x499: {  	s1 =	rddreg [dreg:$0x1];
	p0 =	sne.s32 s2, $0x0  }
0x49a: {  	s3 =	rddreg [dreg:$0x2];
	[bflag:$0x3] =	sbarrier.arrive $0xFFFF;
	s2 =	simm.s32 @!p0 $0x1C03  }
0x49b: {  	[timem:s3], [sflag:s2] =	dma.local @!p0 [hbm:s0], s1  }
0x49c: {  	s0 =	simm.s32 @!p0 $0x3  }
0x49d: {  	_ =	swait.ge @!p0 [sflag:s0], s1  }
0x49e: {  	s1 =	ssub.s32 @!p0 $0x0, s1;
	[sflag:s0] =	ssyncset.done @!p0 $0x0  }
0x49f: {  	[sflag:s0] =	ssyncadd.s32 @!p0 s1  }
0x4a0: {  	[bflag:$0x3] =	sbarrier.arrive $0xFFFF  }
0x4a1: {  	_ =	shalt  }

// kernel: sparse-core-data-format-call.cloned.1.call-start
scs
called_computation_lowered:
.L_overlay_start_0:
0x0: {  	s2 =	sld [smem:$0x3FD9]  }
0x1: {  	s3 =	sld [smem:$0x3FFE];
	_ =	sdelay $0x1  }
0x2: {  	s1 =	srdreg.scid  }
0x3: {  	s0 =	sand.u32 $0x1, s1  }
0x4: {  	s18 =	sshll.u32 s0, $0xA;
	s2 =	sadd.s32 s3, s2  }
0x5: {  	s2 =	sadd.s32 s2, s18  }
0x6: {  	[smem:$0x3FC7] =	sst s2  }
0x7: {  	_ = 	snop  }
0x8: {  	s2 =	sld [smem:$0x3FD0];
	(tm) =	ssettm $0x1  }
0x9: {  	s19 =	sld [smem:$0x3FFB];
	_ =	sdelay $0x3  }
0xa: {  	_ =	strace s19  }
0xb: {  	s3 =	sld [smem:$0x3FFC];
	_ =	sdelay $0x3  }
0xc: {  	_ =	strace s3  }
0xd: {  	s3 =	sld [smem:$0x3FFD];
	_ =	sdelay $0x3  }
0xe: {  	_ =	strace s3  }
0xf: {  	_ =	strace $0x8FFFFFFF  }
0x10: {  	s20 =	sld [smem:$0x3FDB];
	_ =	sdelay $0x1  }
0x11: {  	s4 =	simm.s32 $_scs_section_size  }
0x12: {  	s5 =	simm.s32 $_size__tile_overlayer_lowered;
	s6 =	simm.s32 $_tile_overlayer_lowered  }
0x13: {  	s23 =	simm.s32 $0x1BFF;
	s22 =	sshll.u32 s6, $0x1;
	s3 =	sadd.s32 s4, s20  }
0x14: {  	s7 =	simm.s32 $0x0;
	s21 =	sshll.u32 s5, $0x1;
	s5 =	sadd.s32 s22, s3  }
0x15: {  	[timem:s7], [sflag:s23] =	dma.local [hbm:s5], s21  }
0x16: {  	_ =	swait.ge [sflag:s23], s21  }
0x17: {  	s4 =	ssub.s32 $0x0, s21;
	[sflag:s23] =	ssyncset.done $0x0  }
0x18: {  	[sflag:s23] =	ssyncadd.s32 s4;
	_ =	sdelay $0x1  }
0x19: {  	s24 =	simm.s32 $0x1B8B  }
0x1a: {  	_ =	swait.ge [sflag:s24], $0x1  }
0x1b: {  	[sflag:s24] =	ssyncset.done $0x0  }
0x1c: {  	s26 =	simm.s32 $0x1B8E;
	s25 =	sld [smem:$0x3FFE];
	[sflag:s24] =	ssyncadd.s32 $0xFFFFFFFF  }
0x1d: {  	s27 =	simm.s32 $execute0_lowered;
	[smem:$0x3FD2] =	sst s26  }
0x1e: {  	s5 =	sshll.u32 s27, $0x1;
	_ =	strace $0x80000049;
	[dreg:$0x1] =	wrdreg $0xFFFFFFFF  }
0x1f: {  	s28 =	simm.s32 $_size_execute0_lowered;
	s3 =	sadd.s32 s3, s5;
	[dreg:$0x0] =	wrdreg $0x0  }
0x20: {  	s5 =	sshll.u32 s28, $0x1;
	[dreg:$0x2] =	wrdreg s3  }
0x21: {  	[dreg:$0x3] =	wrdreg s5  }
0x22: {  	[dreg:$0x4] =	wrdreg $0xC0  }
0x23: {  	_ =	task [dreg:s7], $0x5FFFF  }
0x24: {  	[dreg:$0x1] =	wrdreg $0xFFFFFFFF  }
0x25: {  	[dreg:$0x0] =	wrdreg $0x60  }
0x26: {  	[dreg:$0x2] =	wrdreg s25  }
0x27: {  	[dreg:$0x3] =	wrdreg s2  }
0x28: {  	[dreg:$0x4] =	wrdreg $0x9  }
0x29: {  	_ =	task.clear_ibuf [dreg:s7], $0x5FFFF;
	_ =	strace $0x90000049  }
0x2a: {  	s29 =	simm.s32 $0x9;
	_ =	strace $0x8000004B  }
0x2b: {  	_ =	swait.ge [sflag:s29], $0x1  }
0x2c: {  	[sflag:s29] =	ssyncadd.s32 $0xFFFFFFFF  }
0x2d: {  	_ =	strace $0x9000004B  }
0x2e: {  	_ =	sfence  }
0x2f: {  	s30 =	sld [smem:$0x0];
	_ =	sdelay $0x2  }
0x30: {  	s31 =	sshll.u32 s1, $0xD;
	s1 =	sshrl.u32 s1, $0x2  }
0x31: {  	s3 =	sand.u32 $0x4000, s31;
	s1 =	sadd.s32 s1, s30  }
0x32: {  	s0 =	sor.u32 s3, s0;
	s1 =	sshll.u32 s1, $0x11  }
0x33: {  	s0 =	sor.u32 s1, s0  }
0x34: {  	s0 =	sadd.s32 $0x8F2B, s0  }
0x35: {  	[sflag:s0] =	ssyncadd.remote.s32 $0x1  }
0x36: {  	_ =	sfence.sel $0xFFFF  }
0x37: {  	[dreg:$0x0] =	wrdreg $0xFFFFFFFF;
	(pc) =	sbr.abs _section_cstart, $3  }
0x38: {  	[dreg:$0x1] =	wrdreg $0xFFFFFFFF  }
0x39: {  	_ =	task.clear_ibuf [dreg:s7], $0x2FFFF;
	_ =	strace $0x9FFFFFFF  }
0x3a: {  	(tm) =	ssettm $0x7FFFFFFF  }
0x3b: {  	_ =	shalt  }
tec
execute0_lowered:
.L_overlay_start_1:
0x0: {  	(tag) =	ssettag $0x1  }
0x1: {  	s1 =	rddreg [dreg:$0x0]  }
0x2: {  	s2 =	rddreg [dreg:$0x1]  }
0x3: {  	s0 =	rddreg [dreg:$0x2];
	_ =	strace $0x8000004A;
	s4 =	srdreg.scid  }
0x4: {  	s6 =	simm.s32 $0x2;
	s13 =	simm.s32 $0x0;
	p0 =	por $0x0, $0x0  }
0x5: {  	s15 =	simm.s32 $0x0;
	s14 =	simm.s32 $0x0;
	s8 =	simm.s32 $0x0  }
.Ltmp0:
0x6: {  	s9 =	simm.s32 $0x0;
	s10 =	simm.s32 $0x0;
	(pc) =	sbr.rel .LBB1_1-.Ltmp0, $4  }
0x7: {  	s12 =	simm.s32 $0x0;
	s3 =	sadd.s32 $0x400800, s1;
	s5 =	sshll.u32 s4, $0x4  }
0x8: {  	s1 =	stileid.u32;
	s4 =	simm.s32 $0x1;
	s5 =	sand.u32 $0x10, s5  }
0x9: {  	s7 =	simm.s32 $0x0;
	[sflag:s4] =	ssyncpa.u1 $0x0;
	s5 =	sor.u32 s1, s5  }
0xa: {  	[sflag:s6] =	ssyncpa.u1 $0x0;
	s6 =	simm.s32 $0x0;
	s11 =	smov.u32 s5  }
.LBB1_5:
0xb: {  	p1 =	slt.u32 s7, $0x2  }
0xc: {  	p2 =	sgt.s32 @!p1 s15, $0x3F  }
0xd: {  	s16 =	smov.u32 s15;
	s17 =	sshra.s32 @!p1 s15, $0x1F;
	p2 =	por !p2, p1  }
0xe: {  	s15 =	sand.u32 @!p1 s17, s15;
	s16 =	simm.s32 @p2 $0x3F  }
0xf: {  	p3 =	sgt.s32 @!p1 s13, $0xF20;
	s15 =	ssub.s32 @!p1 s16, s15  }
0x10: {  	p3 =	por !p3, p1;
	s17 =	smov.u32 s13;
	s16 =	sadd.s32 @!p1 $0xFFFFFFC1, s15  }
0x11: {  	s15 =	ssub.s32 @!p1 $0x40, s15;
	p2 =	sgt.s32 @!p1 s16, $0x0;
	s16 =	sshra.s32 @!p1 s13, $0x1F  }
0x12: {  	s13 =	sand.u32 @!p1 s16, s13;
	s16 =	ssub.s32 @!p1 $0x0, s14;
	p2 =	por !p2, p1  }
0x13: {  	s17 =	simm.s32 @p3 $0xF20;
	s14 =	smin.u32 @!p1 s14, s16;
	s15 =	simm.s32 @!p2 $0x0  }
0x14: {  	s13 =	ssub.s32 @!p1 s17, s13;
	s17 =	smov.u32 s11;
	p2 =	sgt.s32 @!p1 s14, $0x7F  }
0x15: {  	s16 =	sadd.s32 @!p1 $0xFFFFF0E0, s13;
	s14 =	ssub.s32 @!p1 $0x80, s14;
	p2 =	por !p2, p1  }
0x16: {  	s13 =	ssub.s32 @!p1 $0xFA0, s13;
	p3 =	sgt.s32 @!p1 s16, $0x7F;
	s14 =	simm.s32 @!p2 $0x0  }
0x17: {  	s16 =	sadd.s32 $0x80, s10;
	p2 =	por !p3, p1;
	s14 =	smul.u32 @!p1 s14, s15  }
0x18: {  	s13 =	simm.s32 @!p2 $0x0;
	p2 =	sgt.s32 s16, $0xF9F;
	s15 =	sadd.s32 $0x20, s11  }
0x19: {  	s18 =	smov.u32 s12;
	s17 =	smov.u32 @p2 s15  }
0x1a: {  	s13 =	smul.u32 @!p1 s13, s14;
	p3 =	sgt.s32 s17, $0x3F;
	s14 =	sadd.s32 $0x80, s12  }
0x1b: {  	s7 =	sadd.s32 $0x1, s7;
	p0 =	por !p0, !p0;
	s18 =	smov.u32 @p3 s14  }
0x1c: {  	s19 =	simm.s32 @!p1 $0x2;
	s16 =	simm.s32 @p2 $0x0;
	p2 =	sgt.s32 s18, $0x7F  }
0x1d: {  	s15 =	smov.u32 s8;
	s18 =	simm.s32 @p2 $0x0;
	p2 =	sne.s32 s7, $0x42  }
.Ltmp1:
0x1e: {  	s8 =	smov.u32 s11;
	s17 =	smov.u32 @p3 s5;
	(pc) =	sbr.rel @!p2 .LBB1_6-.Ltmp1, $4  }
0x1f: {  	s14 =	smov.u32 s9;
	s9 =	smov.u32 s12;
	s13 =	sand.u32 @!p1 $0x3FFFFFFF, s13  }
0x20: {  	s11 =	smov.u32 s17;
	_ =	swait.ge @!p1 [sflag:s19], s13;
	s20 =	ssub.s32 @!p1 $0x0, s13  }
0x21: {  	s13 =	smov.u32 s6;
	s6 =	smov.u32 s10;
	[sflag:s19] =	ssyncset.done @!p1 $0x0  }
0x22: {  	s10 =	smov.u32 s16;
	s12 =	smov.u32 s18;
	[sflag:s19] =	ssyncadd.s32 @!p1 s20  }
.LBB1_1:
0x23: {  	p1 =	sgt.u32 s7, $0x3F  }
0x24: {  	s16 =	sxor.u32 @!p1 $0xFFFFFFFF, s7;
	s17 =	sand.u32 @!p1 $0x78, s10;
	s18 =	sshll.u32 @!p1 s11, $0xC  }
0x25: {  	s19 =	sshll.u32 @!p1 s11, $0x7;
	s20 =	sshll.u32 @!p1 s10, $0x3;
	s16 =	sshll.u32 @!p1 s16, $0xE  }
0x26: {  	s18 =	sand.u32 @!p1 $0x38000, s18;
	s19 =	sand.u32 @!p1 $0x380, s19;
	s16 =	sand.u32 @!p1 $0x4000, s16  }
0x27: {  	s18 =	sadd.s32 @!p1 s18, s20;
	s20 =	sand.u32 @!p1 $0xC00, s20;
	s17 =	sor.u32 @!p1 s19, s17  }
0x28: {  	s19 =	sshll.u32 @!p1 s12, $0xF;
	s17 =	sor.u32 @!p1 s20, s17;
	s18 =	sshrl.u32 @!p1 s18, $0x3  }
0x29: {  	s19 =	sadd.s32 @!p1 s3, s19;
	s20 =	sand.u32 @!p1 $0x7, s10;
	s18 =	sand.u32 @!p1 $0x7E00, s18  }
0x2a: {  	s17 =	sshrl.u32 @!p1 s17, $0x3;
	s18 =	sadd.s32 @!p1 s18, s19;
	s19 =	sshll.u32 @!p1 s20, $0x12  }
0x2b: {  	s17 =	sadd.s32 @!p1 s17, s18;
	s18 =	sor.u32 @!p1 $0x80, s19;
	s19 =	simm.s32 @!p1 $0x40000  }
0x2c: {  	[tilespmem:s16], [sflag:$0x1] =	stream.strided.gather @!p1 [hbm4b:s17+s18], $0x4000, s19, s18, $0x38;
	[tilespmem:$0x10100] =	vst v63  }
0x2d: {  	p1 =	seq.s32 s7, $0x0  }
0x2e: {  	p2 =	seq.s32 @!p1 s7, $0x41  }
0x2f: {  	p1 =	por p1, p2  }
.Ltmp2:
0x30: {  	_ = 	snop;
	(pc) =	sbr.rel @p1 .LBB1_5-.Ltmp2, $1  }
0x31: {  	_ =	sdelay $0x3  }
0x32: {  	s16 =	simm.s32 $0x1  }
0x33: {  	_ =	swait.ge [sflag:s4], $0x4000;
	s16 =	simm.s32 @!p0 $0x0  }
0x34: {  	[sflag:s4] =	ssyncset.done $0x0;
	s17 =	sshll.u32 s16, $0xE  }
0x35: {  	[sflag:s4] =	ssyncadd.s32 $0xFFFFC000;
	s17 =	sor.u32 $0x40, s17  }
0x36: {  	s16 =	smul.u32 $0x10200, s16;
	v0 =	vld [tilespmem:s17+$0x30]  }
0x37: {  	v1 =	vld [tilespmem:s17+$0xFFFFFFD0]  }
0x38: {  	s16 =	sshrl.u32 s16, $0x2;
	v5 =	vld [tilespmem:s17+$0xFFFFFFE0]  }
0x39: {  	v6 =	vld [tilespmem:s17+$0xFFFFFFF0];
	s19 =	sor.u32 $0x8000, s16  }
0x3a: {  	s31 =	sand.u32 $0x1, s7;
	v4 =	vld [tilespmem:s17+$0x0];
	s18 =	sadd.s32 $0x0, s19  }
0x3b: {  	v3 =	vld [tilespmem:s17+$0x10];
	s16 =	smul.u32 $0x10200, s31;
	[tilespmem:s18+$0x3870 ss:$0x81] =	vst.msk $0xffff, v0  }
0x3c: {  	v2 =	vld [tilespmem:s17+$0x20];
	[tilespmem:s18+$0x810 ss:$0x81] =	vst.msk $0xffff, v1  }
0x3d: {  	s16 =	sshrl.u32 s16, $0x2;
	v0 =	vld [tilespmem:s17+$0xFFFFFFC0];
	[tilespmem:s18+$0x1020 ss:$0x81] =	vst.msk $0xffff, v5;
	s17 =	sadd.s32 $0x80, s17  }
0x3e: {  	s20 =	simm.s32 $0x4;
	s21 =	simm.s32 $0x8;
	s16 =	sor.u32 $0x8000, s16;
	[tilespmem:s18+$0x1830 ss:$0x81] =	vst.msk $0xffff, v6;
	v1 =	vld [tilespmem:s17+$0x30]  }
.LBB1_3:
0x3f: {  	p1 =	sne.s32 s21, $0x1FC;
	v5 =	vld [tilespmem:s17+$0xFFFFFFD0];
	[tilespmem:s18+$0x2040 ss:$0x81] =	vst.msk $0xffff, v4  }
0x40: {  	v6 =	vld [tilespmem:s17+$0xFFFFFFE0];
	[tilespmem:s18+$0x2850 ss:$0x81] =	vst.msk $0xffff, v3  }
0x41: {  	s22 =	sshra.s32 s20, $0x2;
	s20 =	smov.u32 s21;
	v7 =	vld [tilespmem:s17+$0xFFFFFFF0];
	[tilespmem:s18+$0x3060 ss:$0x81] =	vst.msk $0xffff, v2  }
.Ltmp3:
0x42: {  	v4 =	vld [tilespmem:s17+$0x0];
	[tilespmem:s18+$0x0 ss:$0x81] =	vst.msk $0xffff, v0;
	s18 =	sadd.s32 s22, s19;
	(pc) =	sbr.rel @p1 .LBB1_3-.Ltmp3, $4  }
0x43: {  	v3 =	vld [tilespmem:s17+$0x10];
	[tilespmem:s18+$0x3870 ss:$0x81] =	vst.msk $0xffff, v1  }
0x44: {  	[tilespmem:s18+$0x810 ss:$0x81] =	vst.msk $0xffff, v5;
	v2 =	vld [tilespmem:s17+$0x20]  }
0x45: {  	v0 =	vld [tilespmem:s17+$0xFFFFFFC0];
	[tilespmem:s18+$0x1020 ss:$0x81] =	vst.msk $0xffff, v6;
	s17 =	sadd.s32 $0x80, s17  }
0x46: {  	s21 =	sadd.s32 $0x4, s21;
	v1 =	vld [tilespmem:s17+$0x30];
	[tilespmem:s18+$0x1830 ss:$0x81] =	vst.msk $0xffff, v7  }
0x47: {  	s21 =	sshll.u32 s6, $0x7  }
0x48: {  	s22 =	sshll.u32 s9, $0x3;
	p1 =	sgt.s32 s8, $0x3F;
	s27 =	sshra.s32 s8, $0x1F  }
0x49: {  	s20 =	sshra.s32 s20, $0x2;
	s23 =	sand.u32 $0xFFFFFC00, s21;
	s22 =	sand.u32 $0xFFFFFC00, s22  }
0x4a: {  	s30 =	ssub.s32 $0x0, s9;
	s21 =	sand.u32 $0x380, s21;
	s22 =	sadd.s32 s22, s23  }
0x4b: {  	[tilespmem:s18+$0x2040 ss:$0x81] =	vst.msk $0xffff, v4;
	s31 =	sshra.s32 s6, $0x1F;
	s21 =	sor.u32 s21, s22;
	s22 =	smov.u32 s8  }
0x4c: {  	s19 =	sadd.s32 s20, s19;
	[tilespmem:s18+$0x2850 ss:$0x81] =	vst.msk $0xffff, v3;
	s23 =	sand.u32 s27, s8;
	s22 =	simm.s32 @!p1 $0x3F  }
0x4d: {  	v5 =	vld [tilespmem:s17+$0xFFFFFFD0];
	[tilespmem:s18+$0x3060 ss:$0x81] =	vst.msk $0xffff, v2;
	s27 =	smul.u32 $0xFA00, s8;
	s21 =	sshrl.u32 s21, $0x7;
	s22 =	ssub.s32 s22, s23  }
0x4e: {  	v58 =	vld [tilespmem:s17+$0xFFFFFFE0];
	[tilespmem:s18+$0x0 ss:$0x81] =	vst.msk $0xffff, v0;
	s18 =	sand.u32 s31, s6;
	s24 =	smulhi.u32 $0x20C49BB, s21;
	s28 =	sadd.s32 $0xFFFFFFC1, s22  }
0x4f: {  	v59 =	vld [tilespmem:s17+$0xFFFFFFF0];
	s20 =	ssub.s32 $0x40, s22;
	s22 =	smov.u32 s6;
	p1 =	sgt.s32 s28, $0x0  }
0x50: {  	v60 =	vld [tilespmem:s17+$0x0];
	s29 =	sshrl.u32 s24, $0x5;
	s20 =	simm.s32 @p1 $0x0;
	p1 =	sgt.s32 s6, $0xF20  }
0x51: {  	v61 =	vld [tilespmem:s17+$0x10];
	[tilespmem:s19+$0x3870 ss:$0x81] =	vst.msk $0xffff, v1;
	s24 =	smin.u32 s9, s30;
	s28 =	sshrl.u32 s9, $0x3;
	s22 =	simm.s32 @!p1 $0xF20  }
0x52: {  	v62 =	vld [tilespmem:s17+$0x20];
	[tilespmem:s19+$0x810 ss:$0x81] =	vst.msk $0xffff, v5;
	p1 =	sgt.s32 s24, $0x7F;
	s24 =	ssub.s32 $0x80, s24;
	s18 =	ssub.s32 s22, s18  }
0x53: {  	v63 =	vld [tilespmem:s17+$0xFFFFFFC0];
	[tilespmem:s19+$0x1020 ss:$0x81] =	vst.msk $0xffff, v58;
	s23 =	smul.u32 $0xFA0, s29;
	s24 =	simm.s32 @p1 $0x0;
	s26 =	sadd.s32 $0xFFFFF0E0, s18  }
0x54: {  	[tilespmem:s19+$0x1830 ss:$0x81] =	vst.msk $0xffff, v59;
	s25 =	smul.u32 s24, s20;
	s18 =	ssub.s32 $0xFA0, s18;
	p1 =	sgt.s32 s26, $0x7F  }
.Ltmp4:
0x55: {  	[tilespmem:s19+$0x2040 ss:$0x81] =	vst.msk $0xffff, v60;
	s29 =	sand.u32 $0xF, s28;
	s18 =	simm.s32 @p1 $0x0;
	(pc) =	sbr.rel .LBB1_5-.Ltmp4, $4  }
0x56: {  	[tilespmem:s19+$0x2850 ss:$0x81] =	vst.msk $0xffff, v61;
	s21 =	ssub.s32 s21, s23;
	s20 =	sadd.s32 s2, s27;
	s17 =	smul.u32 s18, s25  }
0x57: {  	[tilespmem:s19+$0x3060 ss:$0x81] =	vst.msk $0xffff, v62;
	s30 =	sshll.u32 s21, $0x4;
	s18 =	sadd.s32 s29, s20  }
0x58: {  	s31 =	sand.u32 $0x7, s9;
	[tilespmem:s19+$0x0 ss:$0x81] =	vst.msk $0xffff, v63;
	s18 =	sadd.s32 s30, s18;
	s17 =	sand.u32 $0x3FFFFFFF, s17  }
0x59: {  	[hbm4b:s18+s31] =	stream.linear.scatter [tilespmem:s16], [sflag:$0x2], s17, $0x20;
	[tilespmem:$0x10100] =	vst v63  }
.LBB1_6:
0x5a: {  	_ =	sfence.sel $0x180000  }
0x5b: {  	s2 =	simm.s32 $0x1;
	[bflag:$0x0] =	sbarrier.arrive $0xFFFF  }
0x5c: {  	s31 =	simm.s32 $0x2;
	[sflag:s2] =	ssyncpa.u1 $0x1  }
0x5d: {  	[sflag:s31] =	ssyncpa.u1 $0x1  }
0x5e: {  	p0 =	sne.s32 s1, $0x0;
	_ =	strace $0x9000004A  }
0x5f: {  	s0 =	sadd.s32 @!p0 $0x100000, s0;
	[bflag:$0x2] =	sbarrier.arrive $0xFFFF  }
0x60: {  	[sflag:s0] =	ssyncadd.tile.s32 @!p0 $0x1;
	_ =	shalt  }
.Lfunc_end1:
_tile_overlayer_lowered:
.L_overlay_start_2:
0x61: {  	(tag) =	ssettag $0x2  }
0x62: {  	s0 =	rddreg [dreg:$0x0];
	s2 =	stileid.u32  }
0x63: {  	s1 =	rddreg [dreg:$0x1];
	p0 =	sne.s32 s2, $0x0  }
0x64: {  	s3 =	rddreg [dreg:$0x2];
	[bflag:$0x3] =	sbarrier.arrive $0xFFFF;
	s2 =	simm.s32 @!p0 $0x1C01  }
0x65: {  	[timem:s3], [sflag:s2] =	dma.local @!p0 [hbm:s0], s1  }
0x66: {  	s0 =	simm.s32 @!p0 $0x1  }
0x67: {  	_ =	swait.ge @!p0 [sflag:s0], s1  }
0x68: {  	s1 =	ssub.s32 @!p0 $0x0, s1;
	[sflag:s0] =	ssyncset.done @!p0 $0x0  }
0x69: {  	[sflag:s0] =	ssyncadd.s32 @!p0 s1  }
0x6a: {  	[bflag:$0x3] =	sbarrier.arrive $0xFFFF  }
0x6b: {  	_ =	shalt  }

</sc_bundles>
